<compile_context>
chip_gen: v7x
topology: tpu7x:2x2x1
jax: 0.10.2.dev20260603
libtpu: 0.0.44.dev20260713+nightly
codegen_flags: <defaults>
</compile_context>

<pallas_src>
import jax
import jax.numpy as jnp
from jax import lax
from jax.experimental import pallas as pl
from jax.experimental.pallas import tpu as pltpu
from jax.experimental.pallas import tpu_sc as plsc

NC = 2
NS = 16
NW = NC * NS
LANES = 16

CBE = 2
RING = 4


@jax.jit
def kernel(node_feats, node_lens, table):
    del node_lens
    B, H = node_feats.shape
    V, D = table.shape
    assert B % NW == 0 and D % LANES == 0
    BPW = B // NW
    assert BPW % CBE == 0
    NCHUNK = BPW // CBE
    assert NCHUNK % RING == 0
    ROWS = CBE * H
    assert ROWS <= 128
    ND = D // LANES

    feats3 = node_feats.reshape(NW, NCHUNK, ROWS)

    mesh = plsc.VectorSubcoreMesh(core_axis_name="c", subcore_axis_name="s")

    def body(feats_hbm, table_hbm, out_hbm, idx_v, buf_v, outb_v, *sems):
        cid = lax.axis_index("c")
        sid = lax.axis_index("s")
        wid = sid * NC + cid

        pltpu.sync_copy(feats_hbm.at[wid], idx_v)

        def gather(chunk, slot):
            pltpu.async_copy(
                table_hbm.at[idx_v.at[chunk]], buf_v.at[slot], sems[slot]
            )

        def drain(chunk, slot):
            pltpu.make_async_copy(
                table_hbm.at[idx_v.at[chunk]], buf_v.at[slot], sems[slot]
            ).wait()

        for b in range(RING):
            gather(b, b)

        inv = jnp.float32(1.0 / H)

        @pl.loop(0, NCHUNK, step=RING)
        def _(c0):
            for b in range(RING):
                c = c0 + b
                drain(jnp.minimum(c, NCHUNK - 1), b)
                bb = buf_v.at[b]
                for e in range(CBE):
                    row0 = e * H
                    accs = tuple(
                        bb[row0, pl.ds(LANES * k, LANES)] for k in range(ND)
                    )

                    def red(l, a, _row0=row0, _bb=bb):
                        return tuple(
                            a[k] + _bb[_row0 + l, pl.ds(LANES * k, LANES)]
                            for k in range(ND)
                        )

                    accs = lax.fori_loop(1, H, red, accs, unroll=7)
                    orow = c * CBE + e
                    for k in range(ND):
                        outb_v[orow, pl.ds(LANES * k, LANES)] = accs[k] * inv
                cn = c + RING

                @pl.when(cn < NCHUNK)
                def _():
                    gather(jnp.minimum(cn, NCHUNK - 1), b)

        pltpu.sync_copy(outb_v, out_hbm.at[pl.ds(wid * BPW, BPW)])

    run = pl.kernel(
        body,
        out_type=jax.ShapeDtypeStruct((B, D), jnp.float32),
        mesh=mesh,
        compiler_params=pltpu.CompilerParams(use_tc_tiling_on_sc=False),
        scratch_types=[
            pltpu.VMEM((NCHUNK, ROWS), jnp.int32),
            pltpu.VMEM((RING, ROWS, D), jnp.float32),
            pltpu.VMEM((BPW, D), jnp.float32),
        ]
        + [pltpu.SemaphoreType.DMA] * RING,
    )
    return run(feats3, table)

# --- scband reference (transcript-rebuilt; emitter-appended) ---
"""Pipeline reference for scband-average-embed-node-37469294691129 (READ-ONLY COPY).

The authoritative reference and input builder live on the scoring server;
editing this copy changes nothing except your own understanding.
"""

import jax, jax.numpy as jnp
import numpy as np

VOCAB = 1000000
EMB = 64
BATCH = 16384
HIST = 50
PAD_IDX = 3

def setup_inputs(seed: int = 0) -> dict:
    key = jax.random.key(seed)
    k1, k2, k3 = jax.random.split(key, 3)
    node_feats = jax.random.randint(k1, (BATCH, HIST), 0, VOCAB, dtype=jnp.int32)
    node_lens = jax.random.randint(k2, (BATCH,), 1, HIST, dtype=jnp.int32)
    table = jax.random.normal(k3, (VOCAB, EMB), dtype=jnp.float32)
    # nn.Embedding(padding_idx=3) initializes the padding row to zeros
    table = table.at[PAD_IDX].set(0.0)
    return {"node_feats": node_feats, "node_lens": node_lens, "table": table}

def reference(node_feats, node_lens, table):
    # embed_feats = self.embedding(node_feats)
    embed_feats = jnp.take(table, node_feats, axis=0)  # [B, L, D]
    # embed_feats = torch.mean(embed_feats, dim=1)
    embed_feats = jnp.mean(embed_feats, axis=1)  # [B, D]
    return embed_feats

if __name__ == "__main__":
    import jax
    _d = setup_inputs()
    print(jax.jit(kernel)(*tuple(_d.values())))

</pallas_src>

<mosaic_0001>
#map = affine_map<(d0, d1) -> (0, 0, 0)>
#map1 = affine_map<(d0, d1) -> (0, 0)>
module attributes {stable_mosaic.version = 14 : i64} {
  func.func @body(%arg0: i32, %arg1: i32, %arg2: memref<32x256x100xi32, #tpu.memory_space<hbm>>, %arg3: memref<1000000x64xf32, #tpu.memory_space<hbm>>, %arg4: memref<16384x64xf32, #tpu.memory_space<hbm>>, %arg5: memref<256x100xi32, #tpu.memory_space<vmem>>, %arg6: memref<4x100x64xf32, #tpu.memory_space<vmem>>, %arg7: memref<512x64xf32, #tpu.memory_space<vmem>>, %arg8: memref<!tpu.dma_semaphore, #tpu.memory_space<semaphore_mem>>, %arg9: memref<!tpu.dma_semaphore, #tpu.memory_space<semaphore_mem>>, %arg10: memref<!tpu.dma_semaphore, #tpu.memory_space<semaphore_mem>>, %arg11: memref<!tpu.dma_semaphore, #tpu.memory_space<semaphore_mem>>) attributes {dimension_semantics = [#tpu.dimension_semantics<core_parallel>, #tpu.dimension_semantics<subcore_parallel>], iteration_bounds = array<i64: 2, 16>, scalar_prefetch = 0 : i64, scratch_operands = 7 : i64, tpu.core_type = #tpu.core_type<sc_vector_subcore>, window_params = [{transform_indices = #map}, {transform_indices = #map1}, {transform_indices = #map1}]} {
    %mul3A = arith.constant 2 : i32
    %mul3A_0 = arith.muli %arg1, %mul3A : i32
    %add3A = arith.addi %mul3A_0, %arg0 : i32
    "tpu.region"() ({
      %run_scoped3A = tpu.sem_alloc : memref<!tpu.dma_semaphore, #tpu.memory_space<semaphore_mem>>
      %dma_start3A_55 = arith.constant 0 : i32
      %dma_start3A_56 = arith.constant 0 : i32
      %dma_start3A_57 = tpu.memref_slice %arg2[%add3A, %dma_start3A_55, %dma_start3A_56] : memref<32x256x100xi32, #tpu.memory_space<hbm>> -> memref<1x256x100xi32, #tpu.memory_space<hbm>>
      %dma_start3A_58 = tpu.memref_squeeze %dma_start3A_57 : memref<1x256x100xi32, #tpu.memory_space<hbm>> -> memref<256x100xi32, #tpu.memory_space<hbm>>
      %dma_start3A_59 = arith.constant 0 : i32
      %dma_start3A_60 = arith.constant 0 : i32
      %dma_start3A_61 = tpu.memref_slice %arg2[%add3A, %dma_start3A_59, %dma_start3A_60] : memref<32x256x100xi32, #tpu.memory_space<hbm>> -> memref<1x256x100xi32, #tpu.memory_space<hbm>>
      %dma_start3A_62 = tpu.memref_squeeze %dma_start3A_61 : memref<1x256x100xi32, #tpu.memory_space<hbm>> -> memref<256x100xi32, #tpu.memory_space<hbm>>
      tpu.enqueue_dma source(%dma_start3A_62 : memref<256x100xi32, #tpu.memory_space<hbm>>) target(%arg5 : memref<256x100xi32, #tpu.memory_space<vmem>>) target_semaphore(%run_scoped3A : memref<!tpu.dma_semaphore, #tpu.memory_space<semaphore_mem>>)
      %dma_wait3A = arith.constant 0 : i32
      %dma_wait3A_63 = arith.constant 0 : i32
      %dma_wait3A_64 = tpu.memref_slice %arg2[%add3A, %dma_wait3A, %dma_wait3A_63] : memref<32x256x100xi32, #tpu.memory_space<hbm>> -> memref<1x256x100xi32, #tpu.memory_space<hbm>>
      %dma_wait3A_65 = tpu.memref_squeeze %dma_wait3A_64 : memref<1x256x100xi32, #tpu.memory_space<hbm>> -> memref<256x100xi32, #tpu.memory_space<hbm>>
      %dma_wait3A_66 = arith.constant 0 : i32
      %dma_wait3A_67 = arith.constant 0 : i32
      %dma_wait3A_68 = tpu.memref_slice %arg2[%add3A, %dma_wait3A_66, %dma_wait3A_67] : memref<32x256x100xi32, #tpu.memory_space<hbm>> -> memref<1x256x100xi32, #tpu.memory_space<hbm>>
      %dma_wait3A_69 = tpu.memref_squeeze %dma_wait3A_68 : memref<1x256x100xi32, #tpu.memory_space<hbm>> -> memref<256x100xi32, #tpu.memory_space<hbm>>
      tpu.wait_dma2 semaphore(%run_scoped3A : memref<!tpu.dma_semaphore, #tpu.memory_space<semaphore_mem>>) src(%dma_wait3A_69 : memref<256x100xi32, #tpu.memory_space<hbm>>) dst(%arg5 : memref<256x100xi32, #tpu.memory_space<vmem>>)
      tpu.yield
    }) : () -> ()
    %dma_start3A = arith.constant 0 : i32
    %dma_start3A_1 = arith.constant 0 : i32
    %dma_start3A_2 = arith.constant 0 : i32
    %dma_start3A_3 = arith.constant 0 : i32
    %dma_start3A_4 = tpu.memref_slice %arg6[%dma_start3A_1, %dma_start3A_2, %dma_start3A_3] : memref<4x100x64xf32, #tpu.memory_space<vmem>> -> memref<1x100x64xf32, #tpu.memory_space<vmem>>
    %dma_start3A_5 = tpu.memref_squeeze %dma_start3A_4 : memref<1x100x64xf32, #tpu.memory_space<vmem>> -> memref<100x64xf32, #tpu.memory_space<vmem>>
    %dma_start3A_6 = arith.constant 0 : i32
    %dma_start3A_7 = tpu.memref_slice %arg5[%dma_start3A, %dma_start3A_6] : memref<256x100xi32, #tpu.memory_space<vmem>> -> memref<1x100xi32, #tpu.memory_space<vmem>>
    %dma_start3A_8 = tpu.memref_squeeze %dma_start3A_7 : memref<1x100xi32, #tpu.memory_space<vmem>> -> memref<100xi32, #tpu.memory_space<vmem>>
    %dma_start3A_9 = arith.constant 0 : i32
    %dma_start3A_10 = arith.constant 0 : i32
    %dma_start3A_11 = tpu.memref_slice %arg3[%dma_start3A_9, %dma_start3A_10] : memref<1000000x64xf32, #tpu.memory_space<hbm>> -> memref<1000000x64xf32, #tpu.memory_space<hbm>>
    tpu.enqueue_indirect_dma source(%dma_start3A_11 : memref<1000000x64xf32, #tpu.memory_space<hbm>>) target(%dma_start3A_5 : memref<100x64xf32, #tpu.memory_space<vmem>>) offsets(%dma_start3A_8 : memref<100xi32, #tpu.memory_space<vmem>>) semaphore(%arg8 : memref<!tpu.dma_semaphore, #tpu.memory_space<semaphore_mem>>)
    %dma_start3A_12 = arith.constant 1 : i32
    %dma_start3A_13 = arith.constant 1 : i32
    %dma_start3A_14 = arith.constant 0 : i32
    %dma_start3A_15 = arith.constant 0 : i32
    %dma_start3A_16 = tpu.memref_slice %arg6[%dma_start3A_13, %dma_start3A_14, %dma_start3A_15] : memref<4x100x64xf32, #tpu.memory_space<vmem>> -> memref<1x100x64xf32, #tpu.memory_space<vmem>>
    %dma_start3A_17 = tpu.memref_squeeze %dma_start3A_16 : memref<1x100x64xf32, #tpu.memory_space<vmem>> -> memref<100x64xf32, #tpu.memory_space<vmem>>
    %dma_start3A_18 = arith.constant 0 : i32
    %dma_start3A_19 = tpu.memref_slice %arg5[%dma_start3A_12, %dma_start3A_18] : memref<256x100xi32, #tpu.memory_space<vmem>> -> memref<1x100xi32, #tpu.memory_space<vmem>>
    %dma_start3A_20 = tpu.memref_squeeze %dma_start3A_19 : memref<1x100xi32, #tpu.memory_space<vmem>> -> memref<100xi32, #tpu.memory_space<vmem>>
    %dma_start3A_21 = arith.constant 0 : i32
    %dma_start3A_22 = arith.constant 0 : i32
    %dma_start3A_23 = tpu.memref_slice %arg3[%dma_start3A_21, %dma_start3A_22] : memref<1000000x64xf32, #tpu.memory_space<hbm>> -> memref<1000000x64xf32, #tpu.memory_space<hbm>>
    tpu.enqueue_indirect_dma source(%dma_start3A_23 : memref<1000000x64xf32, #tpu.memory_space<hbm>>) target(%dma_start3A_17 : memref<100x64xf32, #tpu.memory_space<vmem>>) offsets(%dma_start3A_20 : memref<100xi32, #tpu.memory_space<vmem>>) semaphore(%arg9 : memref<!tpu.dma_semaphore, #tpu.memory_space<semaphore_mem>>)
    %dma_start3A_24 = arith.constant 2 : i32
    %dma_start3A_25 = arith.constant 2 : i32
    %dma_start3A_26 = arith.constant 0 : i32
    %dma_start3A_27 = arith.constant 0 : i32
    %dma_start3A_28 = tpu.memref_slice %arg6[%dma_start3A_25, %dma_start3A_26, %dma_start3A_27] : memref<4x100x64xf32, #tpu.memory_space<vmem>> -> memref<1x100x64xf32, #tpu.memory_space<vmem>>
    %dma_start3A_29 = tpu.memref_squeeze %dma_start3A_28 : memref<1x100x64xf32, #tpu.memory_space<vmem>> -> memref<100x64xf32, #tpu.memory_space<vmem>>
    %dma_start3A_30 = arith.constant 0 : i32
    %dma_start3A_31 = tpu.memref_slice %arg5[%dma_start3A_24, %dma_start3A_30] : memref<256x100xi32, #tpu.memory_space<vmem>> -> memref<1x100xi32, #tpu.memory_space<vmem>>
    %dma_start3A_32 = tpu.memref_squeeze %dma_start3A_31 : memref<1x100xi32, #tpu.memory_space<vmem>> -> memref<100xi32, #tpu.memory_space<vmem>>
    %dma_start3A_33 = arith.constant 0 : i32
    %dma_start3A_34 = arith.constant 0 : i32
    %dma_start3A_35 = tpu.memref_slice %arg3[%dma_start3A_33, %dma_start3A_34] : memref<1000000x64xf32, #tpu.memory_space<hbm>> -> memref<1000000x64xf32, #tpu.memory_space<hbm>>
    tpu.enqueue_indirect_dma source(%dma_start3A_35 : memref<1000000x64xf32, #tpu.memory_space<hbm>>) target(%dma_start3A_29 : memref<100x64xf32, #tpu.memory_space<vmem>>) offsets(%dma_start3A_32 : memref<100xi32, #tpu.memory_space<vmem>>) semaphore(%arg10 : memref<!tpu.dma_semaphore, #tpu.memory_space<semaphore_mem>>)
    %dma_start3A_36 = arith.constant 3 : i32
    %dma_start3A_37 = arith.constant 3 : i32
    %dma_start3A_38 = arith.constant 0 : i32
    %dma_start3A_39 = arith.constant 0 : i32
    %dma_start3A_40 = tpu.memref_slice %arg6[%dma_start3A_37, %dma_start3A_38, %dma_start3A_39] : memref<4x100x64xf32, #tpu.memory_space<vmem>> -> memref<1x100x64xf32, #tpu.memory_space<vmem>>
    %dma_start3A_41 = tpu.memref_squeeze %dma_start3A_40 : memref<1x100x64xf32, #tpu.memory_space<vmem>> -> memref<100x64xf32, #tpu.memory_space<vmem>>
    %dma_start3A_42 = arith.constant 0 : i32
    %dma_start3A_43 = tpu.memref_slice %arg5[%dma_start3A_36, %dma_start3A_42] : memref<256x100xi32, #tpu.memory_space<vmem>> -> memref<1x100xi32, #tpu.memory_space<vmem>>
    %dma_start3A_44 = tpu.memref_squeeze %dma_start3A_43 : memref<1x100xi32, #tpu.memory_space<vmem>> -> memref<100xi32, #tpu.memory_space<vmem>>
    %dma_start3A_45 = arith.constant 0 : i32
    %dma_start3A_46 = arith.constant 0 : i32
    %dma_start3A_47 = tpu.memref_slice %arg3[%dma_start3A_45, %dma_start3A_46] : memref<1000000x64xf32, #tpu.memory_space<hbm>> -> memref<1000000x64xf32, #tpu.memory_space<hbm>>
    tpu.enqueue_indirect_dma source(%dma_start3A_47 : memref<1000000x64xf32, #tpu.memory_space<hbm>>) target(%dma_start3A_41 : memref<100x64xf32, #tpu.memory_space<vmem>>) offsets(%dma_start3A_44 : memref<100xi32, #tpu.memory_space<vmem>>) semaphore(%arg11 : memref<!tpu.dma_semaphore, #tpu.memory_space<semaphore_mem>>)
    %scan3A = arith.constant 2.000000e-02 : f32
    %scan3A_48 = arith.constant 0 : i32
    %scan3A_49 = arith.constant 64 : i32
    %scan3A_50 = arith.addi %scan3A_48, %scan3A_49 : i32
    %scan3A_51 = arith.constant 1 : i32
    scf.for %scan3A_55 = %scan3A_48 to %scan3A_50 step %scan3A_51  : i32 {
      %mul3A_56 = arith.constant 4 : i32
      %mul3A_57 = arith.muli %scan3A_55, %mul3A_56 : i32
      %add3A_58 = arith.constant 0 : i32
      %add3A_59 = arith.addi %add3A_58, %mul3A_57 : i32
      %add3A_60 = arith.constant 0 : i32
      %add3A_61 = arith.addi %add3A_59, %add3A_60 : i32
      %min3A = arith.constant 255 : i32
      %min3A_62 = arith.minsi %add3A_61, %min3A : i32
      %dma_wait3A = arith.constant 0 : i32
      %dma_wait3A_63 = arith.constant 0 : i32
      %dma_wait3A_64 = arith.constant 0 : i32
      %dma_wait3A_65 = tpu.memref_slice %arg6[%dma_wait3A, %dma_wait3A_63, %dma_wait3A_64] : memref<4x100x64xf32, #tpu.memory_space<vmem>> -> memref<1x100x64xf32, #tpu.memory_space<vmem>>
      %dma_wait3A_66 = tpu.memref_squeeze %dma_wait3A_65 : memref<1x100x64xf32, #tpu.memory_space<vmem>> -> memref<100x64xf32, #tpu.memory_space<vmem>>
      %dma_wait3A_67 = arith.constant 0 : i32
      %dma_wait3A_68 = tpu.memref_slice %arg5[%min3A_62, %dma_wait3A_67] : memref<256x100xi32, #tpu.memory_space<vmem>> -> memref<1x100xi32, #tpu.memory_space<vmem>>
      %dma_wait3A_69 = tpu.memref_squeeze %dma_wait3A_68 : memref<1x100xi32, #tpu.memory_space<vmem>> -> memref<100xi32, #tpu.memory_space<vmem>>
      %dma_wait3A_70 = arith.constant 0 : i32
      %dma_wait3A_71 = arith.constant 0 : i32
      %dma_wait3A_72 = tpu.memref_slice %arg3[%dma_wait3A_70, %dma_wait3A_71] : memref<1000000x64xf32, #tpu.memory_space<hbm>> -> memref<1000000x64xf32, #tpu.memory_space<hbm>>
      tpu.wait_indirect_dma semaphore(%arg8 : memref<!tpu.dma_semaphore, #tpu.memory_space<semaphore_mem>>) src(%dma_wait3A_72 : memref<1000000x64xf32, #tpu.memory_space<hbm>>) dst(%dma_wait3A_66 : memref<100x64xf32, #tpu.memory_space<vmem>>)
      %get3A = arith.constant 0 : i32
      %get3A_73 = arith.constant 0 : i32
      %get3A_74 = arith.constant 0 : i32
      %get3A_75 = arith.constant 0 : i32
      %get3A_76 = tpu.memref_slice %arg6[%get3A, %get3A_74, %get3A_75] : memref<4x100x64xf32, #tpu.memory_space<vmem>> -> memref<1x100x64xf32, #tpu.memory_space<vmem>>
      %get3A_77 = tpu.memref_squeeze %get3A_76 : memref<1x100x64xf32, #tpu.memory_space<vmem>> -> memref<100x64xf32, #tpu.memory_space<vmem>>
      %get3A_78 = arith.index_cast %get3A_73 : i32 to index
      %get3A_79 = arith.constant 0 : index
      %get3A_80 = tpu.vector_load %get3A_77[%get3A_78, %get3A_79] {strides = array<i32>} : memref<100x64xf32, #tpu.memory_space<vmem>>, vector<1x16xf32>,
      %get3A_81 = vector.shape_cast %get3A_80 : vector<1x16xf32> to vector<16xf32>
      %get3A_82 = arith.constant 0 : i32
      %get3A_83 = arith.constant 0 : i32
      %get3A_84 = arith.constant 0 : i32
      %get3A_85 = arith.constant 0 : i32
      %get3A_86 = tpu.memref_slice %arg6[%get3A_82, %get3A_84, %get3A_85] : memref<4x100x64xf32, #tpu.memory_space<vmem>> -> memref<1x100x64xf32, #tpu.memory_space<vmem>>
      %get3A_87 = tpu.memref_squeeze %get3A_86 : memref<1x100x64xf32, #tpu.memory_space<vmem>> -> memref<100x64xf32, #tpu.memory_space<vmem>>
      %get3A_88 = arith.index_cast %get3A_83 : i32 to index
      %get3A_89 = arith.constant 16 : index
      %get3A_90 = tpu.vector_load %get3A_87[%get3A_88, %get3A_89] {strides = array<i32>} : memref<100x64xf32, #tpu.memory_space<vmem>>, vector<1x16xf32>,
      %get3A_91 = vector.shape_cast %get3A_90 : vector<1x16xf32> to vector<16xf32>
      %get3A_92 = arith.constant 0 : i32
      %get3A_93 = arith.constant 0 : i32
      %get3A_94 = arith.constant 0 : i32
      %get3A_95 = arith.constant 0 : i32
      %get3A_96 = tpu.memref_slice %arg6[%get3A_92, %get3A_94, %get3A_95] : memref<4x100x64xf32, #tpu.memory_space<vmem>> -> memref<1x100x64xf32, #tpu.memory_space<vmem>>
      %get3A_97 = tpu.memref_squeeze %get3A_96 : memref<1x100x64xf32, #tpu.memory_space<vmem>> -> memref<100x64xf32, #tpu.memory_space<vmem>>
      %get3A_98 = arith.index_cast %get3A_93 : i32 to index
      %get3A_99 = arith.constant 32 : index
      %get3A_100 = tpu.vector_load %get3A_97[%get3A_98, %get3A_99] {strides = array<i32>} : memref<100x64xf32, #tpu.memory_space<vmem>>, vector<1x16xf32>,
      %get3A_101 = vector.shape_cast %get3A_100 : vector<1x16xf32> to vector<16xf32>
      %get3A_102 = arith.constant 0 : i32
      %get3A_103 = arith.constant 0 : i32
      %get3A_104 = arith.constant 0 : i32
      %get3A_105 = arith.constant 0 : i32
      %get3A_106 = tpu.memref_slice %arg6[%get3A_102, %get3A_104, %get3A_105] : memref<4x100x64xf32, #tpu.memory_space<vmem>> -> memref<1x100x64xf32, #tpu.memory_space<vmem>>
      %get3A_107 = tpu.memref_squeeze %get3A_106 : memref<1x100x64xf32, #tpu.memory_space<vmem>> -> memref<100x64xf32, #tpu.memory_space<vmem>>
      %get3A_108 = arith.index_cast %get3A_103 : i32 to index
      %get3A_109 = arith.constant 48 : index
      %get3A_110 = tpu.vector_load %get3A_107[%get3A_108, %get3A_109] {strides = array<i32>} : memref<100x64xf32, #tpu.memory_space<vmem>>, vector<1x16xf32>,
      %get3A_111 = vector.shape_cast %get3A_110 : vector<1x16xf32> to vector<16xf32>
      %scan3A_112 = arith.constant 0 : i32
      %scan3A_113 = arith.constant 1 : i32
      %scan3A_114 = arith.constant 49 : i32
      %scan3A_115 = arith.addi %scan3A_113, %scan3A_114 : i32
      %scan3A_116 = arith.constant 7 : i32
      %scan3A_117:4 = scf.for %scan3A_773 = %scan3A_113 to %scan3A_115 step %scan3A_116 iter_args(%scan3A_774 = %get3A_81, %scan3A_775 = %get3A_91, %scan3A_776 = %get3A_101, %scan3A_777 = %get3A_111) -> (vector<16xf32>, vector<16xf32>, vector<16xf32>, vector<16xf32>)  : i32 {
        %add3A_778 = arith.constant 0 : i32
        %add3A_779 = arith.addi %add3A_778, %scan3A_773 : i32
        %get3A_780 = arith.constant 0 : i32
        %get3A_781 = arith.constant 0 : i32
        %get3A_782 = tpu.memref_slice %arg6[%scan3A_112, %get3A_780, %get3A_781] : memref<4x100x64xf32, #tpu.memory_space<vmem>> -> memref<1x100x64xf32, #tpu.memory_space<vmem>>
        %get3A_783 = tpu.memref_squeeze %get3A_782 : memref<1x100x64xf32, #tpu.memory_space<vmem>> -> memref<100x64xf32, #tpu.memory_space<vmem>>
        %get3A_784 = arith.index_cast %add3A_779 : i32 to index
        %get3A_785 = arith.constant 0 : index
        %get3A_786 = tpu.vector_load %get3A_783[%get3A_784, %get3A_785] {strides = array<i32>} : memref<100x64xf32, #tpu.memory_space<vmem>>, vector<1x16xf32>,
        %get3A_787 = vector.shape_cast %get3A_786 : vector<1x16xf32> to vector<16xf32>
        %add3A_788 = arith.addf %scan3A_774, %get3A_787 : vector<16xf32>
        %add3A_789 = arith.constant 0 : i32
        %add3A_790 = arith.addi %add3A_789, %scan3A_773 : i32
        %get3A_791 = arith.constant 0 : i32
        %get3A_792 = arith.constant 0 : i32
        %get3A_793 = tpu.memref_slice %arg6[%scan3A_112, %get3A_791, %get3A_792] : memref<4x100x64xf32, #tpu.memory_space<vmem>> -> memref<1x100x64xf32, #tpu.memory_space<vmem>>
        %get3A_794 = tpu.memref_squeeze %get3A_793 : memref<1x100x64xf32, #tpu.memory_space<vmem>> -> memref<100x64xf32, #tpu.memory_space<vmem>>
        %get3A_795 = arith.index_cast %add3A_790 : i32 to index
        %get3A_796 = arith.constant 16 : index
        %get3A_797 = tpu.vector_load %get3A_794[%get3A_795, %get3A_796] {strides = array<i32>} : memref<100x64xf32, #tpu.memory_space<vmem>>, vector<1x16xf32>,
        %get3A_798 = vector.shape_cast %get3A_797 : vector<1x16xf32> to vector<16xf32>
        %add3A_799 = arith.addf %scan3A_775, %get3A_798 : vector<16xf32>
        %add3A_800 = arith.constant 0 : i32
        %add3A_801 = arith.addi %add3A_800, %scan3A_773 : i32
        %get3A_802 = arith.constant 0 : i32
        %get3A_803 = arith.constant 0 : i32
        %get3A_804 = tpu.memref_slice %arg6[%scan3A_112, %get3A_802, %get3A_803] : memref<4x100x64xf32, #tpu.memory_space<vmem>> -> memref<1x100x64xf32, #tpu.memory_space<vmem>>
        %get3A_805 = tpu.memref_squeeze %get3A_804 : memref<1x100x64xf32, #tpu.memory_space<vmem>> -> memref<100x64xf32, #tpu.memory_space<vmem>>
        %get3A_806 = arith.index_cast %add3A_801 : i32 to index
        %get3A_807 = arith.constant 32 : index
        %get3A_808 = tpu.vector_load %get3A_805[%get3A_806, %get3A_807] {strides = array<i32>} : memref<100x64xf32, #tpu.memory_space<vmem>>, vector<1x16xf32>,
        %get3A_809 = vector.shape_cast %get3A_808 : vector<1x16xf32> to vector<16xf32>
        %add3A_810 = arith.addf %scan3A_776, %get3A_809 : vector<16xf32>
        %add3A_811 = arith.constant 0 : i32
        %add3A_812 = arith.addi %add3A_811, %scan3A_773 : i32
        %get3A_813 = arith.constant 0 : i32
        %get3A_814 = arith.constant 0 : i32
        %get3A_815 = tpu.memref_slice %arg6[%scan3A_112, %get3A_813, %get3A_814] : memref<4x100x64xf32, #tpu.memory_space<vmem>> -> memref<1x100x64xf32, #tpu.memory_space<vmem>>
        %get3A_816 = tpu.memref_squeeze %get3A_815 : memref<1x100x64xf32, #tpu.memory_space<vmem>> -> memref<100x64xf32, #tpu.memory_space<vmem>>
        %get3A_817 = arith.index_cast %add3A_812 : i32 to index
        %get3A_818 = arith.constant 48 : index
        %get3A_819 = tpu.vector_load %get3A_816[%get3A_817, %get3A_818] {strides = array<i32>} : memref<100x64xf32, #tpu.memory_space<vmem>>, vector<1x16xf32>,
        %get3A_820 = vector.shape_cast %get3A_819 : vector<1x16xf32> to vector<16xf32>
        %add3A_821 = arith.addf %scan3A_777, %get3A_820 : vector<16xf32>
        %scan3A_822 = arith.constant 1 : i32
        %scan3A_823 = arith.addi %scan3A_773, %scan3A_822 : i32
        %add3A_824 = arith.constant 0 : i32
        %add3A_825 = arith.addi %add3A_824, %scan3A_823 : i32
        %get3A_826 = arith.constant 0 : i32
        %get3A_827 = arith.constant 0 : i32
        %get3A_828 = tpu.memref_slice %arg6[%scan3A_112, %get3A_826, %get3A_827] : memref<4x100x64xf32, #tpu.memory_space<vmem>> -> memref<1x100x64xf32, #tpu.memory_space<vmem>>
        %get3A_829 = tpu.memref_squeeze %get3A_828 : memref<1x100x64xf32, #tpu.memory_space<vmem>> -> memref<100x64xf32, #tpu.memory_space<vmem>>
        %get3A_830 = arith.index_cast %add3A_825 : i32 to index
        %get3A_831 = arith.constant 0 : index
        %get3A_832 = tpu.vector_load %get3A_829[%get3A_830, %get3A_831] {strides = array<i32>} : memref<100x64xf32, #tpu.memory_space<vmem>>, vector<1x16xf32>,
        %get3A_833 = vector.shape_cast %get3A_832 : vector<1x16xf32> to vector<16xf32>
        %add3A_834 = arith.addf %add3A_788, %get3A_833 : vector<16xf32>
        %add3A_835 = arith.constant 0 : i32
        %add3A_836 = arith.addi %add3A_835, %scan3A_823 : i32
        %get3A_837 = arith.constant 0 : i32
        %get3A_838 = arith.constant 0 : i32
        %get3A_839 = tpu.memref_slice %arg6[%scan3A_112, %get3A_837, %get3A_838] : memref<4x100x64xf32, #tpu.memory_space<vmem>> -> memref<1x100x64xf32, #tpu.memory_space<vmem>>
        %get3A_840 = tpu.memref_squeeze %get3A_839 : memref<1x100x64xf32, #tpu.memory_space<vmem>> -> memref<100x64xf32, #tpu.memory_space<vmem>>
        %get3A_841 = arith.index_cast %add3A_836 : i32 to index
        %get3A_842 = arith.constant 16 : index
        %get3A_843 = tpu.vector_load %get3A_840[%get3A_841, %get3A_842] {strides = array<i32>} : memref<100x64xf32, #tpu.memory_space<vmem>>, vector<1x16xf32>,
        %get3A_844 = vector.shape_cast %get3A_843 : vector<1x16xf32> to vector<16xf32>
        %add3A_845 = arith.addf %add3A_799, %get3A_844 : vector<16xf32>
        %add3A_846 = arith.constant 0 : i32
        %add3A_847 = arith.addi %add3A_846, %scan3A_823 : i32
        %get3A_848 = arith.constant 0 : i32
        %get3A_849 = arith.constant 0 : i32
        %get3A_850 = tpu.memref_slice %arg6[%scan3A_112, %get3A_848, %get3A_849] : memref<4x100x64xf32, #tpu.memory_space<vmem>> -> memref<1x100x64xf32, #tpu.memory_space<vmem>>
        %get3A_851 = tpu.memref_squeeze %get3A_850 : memref<1x100x64xf32, #tpu.memory_space<vmem>> -> memref<100x64xf32, #tpu.memory_space<vmem>>
        %get3A_852 = arith.index_cast %add3A_847 : i32 to index
        %get3A_853 = arith.constant 32 : index
        %get3A_854 = tpu.vector_load %get3A_851[%get3A_852, %get3A_853] {strides = array<i32>} : memref<100x64xf32, #tpu.memory_space<vmem>>, vector<1x16xf32>,
        %get3A_855 = vector.shape_cast %get3A_854 : vector<1x16xf32> to vector<16xf32>
        %add3A_856 = arith.addf %add3A_810, %get3A_855 : vector<16xf32>
        %add3A_857 = arith.constant 0 : i32
        %add3A_858 = arith.addi %add3A_857, %scan3A_823 : i32
        %get3A_859 = arith.constant 0 : i32
        %get3A_860 = arith.constant 0 : i32
        %get3A_861 = tpu.memref_slice %arg6[%scan3A_112, %get3A_859, %get3A_860] : memref<4x100x64xf32, #tpu.memory_space<vmem>> -> memref<1x100x64xf32, #tpu.memory_space<vmem>>
        %get3A_862 = tpu.memref_squeeze %get3A_861 : memref<1x100x64xf32, #tpu.memory_space<vmem>> -> memref<100x64xf32, #tpu.memory_space<vmem>>
        %get3A_863 = arith.index_cast %add3A_858 : i32 to index
        %get3A_864 = arith.constant 48 : index
        %get3A_865 = tpu.vector_load %get3A_862[%get3A_863, %get3A_864] {strides = array<i32>} : memref<100x64xf32, #tpu.memory_space<vmem>>, vector<1x16xf32>,
        %get3A_866 = vector.shape_cast %get3A_865 : vector<1x16xf32> to vector<16xf32>
        %add3A_867 = arith.addf %add3A_821, %get3A_866 : vector<16xf32>
        %scan3A_868 = arith.constant 2 : i32
        %scan3A_869 = arith.addi %scan3A_773, %scan3A_868 : i32
        %add3A_870 = arith.constant 0 : i32
        %add3A_871 = arith.addi %add3A_870, %scan3A_869 : i32
        %get3A_872 = arith.constant 0 : i32
        %get3A_873 = arith.constant 0 : i32
        %get3A_874 = tpu.memref_slice %arg6[%scan3A_112, %get3A_872, %get3A_873] : memref<4x100x64xf32, #tpu.memory_space<vmem>> -> memref<1x100x64xf32, #tpu.memory_space<vmem>>
        %get3A_875 = tpu.memref_squeeze %get3A_874 : memref<1x100x64xf32, #tpu.memory_space<vmem>> -> memref<100x64xf32, #tpu.memory_space<vmem>>
        %get3A_876 = arith.index_cast %add3A_871 : i32 to index
        %get3A_877 = arith.constant 0 : index
        %get3A_878 = tpu.vector_load %get3A_875[%get3A_876, %get3A_877] {strides = array<i32>} : memref<100x64xf32, #tpu.memory_space<vmem>>, vector<1x16xf32>,
        %get3A_879 = vector.shape_cast %get3A_878 : vector<1x16xf32> to vector<16xf32>
        %add3A_880 = arith.addf %add3A_834, %get3A_879 : vector<16xf32>
        %add3A_881 = arith.constant 0 : i32
        %add3A_882 = arith.addi %add3A_881, %scan3A_869 : i32
        %get3A_883 = arith.constant 0 : i32
        %get3A_884 = arith.constant 0 : i32
        %get3A_885 = tpu.memref_slice %arg6[%scan3A_112, %get3A_883, %get3A_884] : memref<4x100x64xf32, #tpu.memory_space<vmem>> -> memref<1x100x64xf32, #tpu.memory_space<vmem>>
        %get3A_886 = tpu.memref_squeeze %get3A_885 : memref<1x100x64xf32, #tpu.memory_space<vmem>> -> memref<100x64xf32, #tpu.memory_space<vmem>>
        %get3A_887 = arith.index_cast %add3A_882 : i32 to index
        %get3A_888 = arith.constant 16 : index
        %get3A_889 = tpu.vector_load %get3A_886[%get3A_887, %get3A_888] {strides = array<i32>} : memref<100x64xf32, #tpu.memory_space<vmem>>, vector<1x16xf32>,
        %get3A_890 = vector.shape_cast %get3A_889 : vector<1x16xf32> to vector<16xf32>
        %add3A_891 = arith.addf %add3A_845, %get3A_890 : vector<16xf32>
        %add3A_892 = arith.constant 0 : i32
        %add3A_893 = arith.addi %add3A_892, %scan3A_869 : i32
        %get3A_894 = arith.constant 0 : i32
        %get3A_895 = arith.constant 0 : i32
        %get3A_896 = tpu.memref_slice %arg6[%scan3A_112, %get3A_894, %get3A_895] : memref<4x100x64xf32, #tpu.memory_space<vmem>> -> memref<1x100x64xf32, #tpu.memory_space<vmem>>
        %get3A_897 = tpu.memref_squeeze %get3A_896 : memref<1x100x64xf32, #tpu.memory_space<vmem>> -> memref<100x64xf32, #tpu.memory_space<vmem>>
        %get3A_898 = arith.index_cast %add3A_893 : i32 to index
        %get3A_899 = arith.constant 32 : index
        %get3A_900 = tpu.vector_load %get3A_897[%get3A_898, %get3A_899] {strides = array<i32>} : memref<100x64xf32, #tpu.memory_space<vmem>>, vector<1x16xf32>,
        %get3A_901 = vector.shape_cast %get3A_900 : vector<1x16xf32> to vector<16xf32>
        %add3A_902 = arith.addf %add3A_856, %get3A_901 : vector<16xf32>
        %add3A_903 = arith.constant 0 : i32
        %add3A_904 = arith.addi %add3A_903, %scan3A_869 : i32
        %get3A_905 = arith.constant 0 : i32
        %get3A_906 = arith.constant 0 : i32
        %get3A_907 = tpu.memref_slice %arg6[%scan3A_112, %get3A_905, %get3A_906] : memref<4x100x64xf32, #tpu.memory_space<vmem>> -> memref<1x100x64xf32, #tpu.memory_space<vmem>>
        %get3A_908 = tpu.memref_squeeze %get3A_907 : memref<1x100x64xf32, #tpu.memory_space<vmem>> -> memref<100x64xf32, #tpu.memory_space<vmem>>
        %get3A_909 = arith.index_cast %add3A_904 : i32 to index
        %get3A_910 = arith.constant 48 : index
        %get3A_911 = tpu.vector_load %get3A_908[%get3A_909, %get3A_910] {strides = array<i32>} : memref<100x64xf32, #tpu.memory_space<vmem>>, vector<1x16xf32>,
        %get3A_912 = vector.shape_cast %get3A_911 : vector<1x16xf32> to vector<16xf32>
        %add3A_913 = arith.addf %add3A_867, %get3A_912 : vector<16xf32>
        %scan3A_914 = arith.constant 3 : i32
        %scan3A_915 = arith.addi %scan3A_773, %scan3A_914 : i32
        %add3A_916 = arith.constant 0 : i32
        %add3A_917 = arith.addi %add3A_916, %scan3A_915 : i32
        %get3A_918 = arith.constant 0 : i32
        %get3A_919 = arith.constant 0 : i32
        %get3A_920 = tpu.memref_slice %arg6[%scan3A_112, %get3A_918, %get3A_919] : memref<4x100x64xf32, #tpu.memory_space<vmem>> -> memref<1x100x64xf32, #tpu.memory_space<vmem>>
        %get3A_921 = tpu.memref_squeeze %get3A_920 : memref<1x100x64xf32, #tpu.memory_space<vmem>> -> memref<100x64xf32, #tpu.memory_space<vmem>>
        %get3A_922 = arith.index_cast %add3A_917 : i32 to index
        %get3A_923 = arith.constant 0 : index
        %get3A_924 = tpu.vector_load %get3A_921[%get3A_922, %get3A_923] {strides = array<i32>} : memref<100x64xf32, #tpu.memory_space<vmem>>, vector<1x16xf32>,
        %get3A_925 = vector.shape_cast %get3A_924 : vector<1x16xf32> to vector<16xf32>
        %add3A_926 = arith.addf %add3A_880, %get3A_925 : vector<16xf32>
        %add3A_927 = arith.constant 0 : i32
        %add3A_928 = arith.addi %add3A_927, %scan3A_915 : i32
        %get3A_929 = arith.constant 0 : i32
        %get3A_930 = arith.constant 0 : i32
        %get3A_931 = tpu.memref_slice %arg6[%scan3A_112, %get3A_929, %get3A_930] : memref<4x100x64xf32, #tpu.memory_space<vmem>> -> memref<1x100x64xf32, #tpu.memory_space<vmem>>
        %get3A_932 = tpu.memref_squeeze %get3A_931 : memref<1x100x64xf32, #tpu.memory_space<vmem>> -> memref<100x64xf32, #tpu.memory_space<vmem>>
        %get3A_933 = arith.index_cast %add3A_928 : i32 to index
        %get3A_934 = arith.constant 16 : index
        %get3A_935 = tpu.vector_load %get3A_932[%get3A_933, %get3A_934] {strides = array<i32>} : memref<100x64xf32, #tpu.memory_space<vmem>>, vector<1x16xf32>,
        %get3A_936 = vector.shape_cast %get3A_935 : vector<1x16xf32> to vector<16xf32>
        %add3A_937 = arith.addf %add3A_891, %get3A_936 : vector<16xf32>
        %add3A_938 = arith.constant 0 : i32
        %add3A_939 = arith.addi %add3A_938, %scan3A_915 : i32
        %get3A_940 = arith.constant 0 : i32
        %get3A_941 = arith.constant 0 : i32
        %get3A_942 = tpu.memref_slice %arg6[%scan3A_112, %get3A_940, %get3A_941] : memref<4x100x64xf32, #tpu.memory_space<vmem>> -> memref<1x100x64xf32, #tpu.memory_space<vmem>>
        %get3A_943 = tpu.memref_squeeze %get3A_942 : memref<1x100x64xf32, #tpu.memory_space<vmem>> -> memref<100x64xf32, #tpu.memory_space<vmem>>
        %get3A_944 = arith.index_cast %add3A_939 : i32 to index
        %get3A_945 = arith.constant 32 : index
        %get3A_946 = tpu.vector_load %get3A_943[%get3A_944, %get3A_945] {strides = array<i32>} : memref<100x64xf32, #tpu.memory_space<vmem>>, vector<1x16xf32>,
        %get3A_947 = vector.shape_cast %get3A_946 : vector<1x16xf32> to vector<16xf32>
        %add3A_948 = arith.addf %add3A_902, %get3A_947 : vector<16xf32>
        %add3A_949 = arith.constant 0 : i32
        %add3A_950 = arith.addi %add3A_949, %scan3A_915 : i32
        %get3A_951 = arith.constant 0 : i32
        %get3A_952 = arith.constant 0 : i32
        %get3A_953 = tpu.memref_slice %arg6[%scan3A_112, %get3A_951, %get3A_952] : memref<4x100x64xf32, #tpu.memory_space<vmem>> -> memref<1x100x64xf32, #tpu.memory_space<vmem>>
        %get3A_954 = tpu.memref_squeeze %get3A_953 : memref<1x100x64xf32, #tpu.memory_space<vmem>> -> memref<100x64xf32, #tpu.memory_space<vmem>>
        %get3A_955 = arith.index_cast %add3A_950 : i32 to index
        %get3A_956 = arith.constant 48 : index
        %get3A_957 = tpu.vector_load %get3A_954[%get3A_955, %get3A_956] {strides = array<i32>} : memref<100x64xf32, #tpu.memory_space<vmem>>, vector<1x16xf32>,
        %get3A_958 = vector.shape_cast %get3A_957 : vector<1x16xf32> to vector<16xf32>
        %add3A_959 = arith.addf %add3A_913, %get3A_958 : vector<16xf32>
        %scan3A_960 = arith.constant 4 : i32
        %scan3A_961 = arith.addi %scan3A_773, %scan3A_960 : i32
        %add3A_962 = arith.constant 0 : i32
        %add3A_963 = arith.addi %add3A_962, %scan3A_961 : i32
        %get3A_964 = arith.constant 0 : i32
        %get3A_965 = arith.constant 0 : i32
        %get3A_966 = tpu.memref_slice %arg6[%scan3A_112, %get3A_964, %get3A_965] : memref<4x100x64xf32, #tpu.memory_space<vmem>> -> memref<1x100x64xf32, #tpu.memory_space<vmem>>
        %get3A_967 = tpu.memref_squeeze %get3A_966 : memref<1x100x64xf32, #tpu.memory_space<vmem>> -> memref<100x64xf32, #tpu.memory_space<vmem>>
        %get3A_968 = arith.index_cast %add3A_963 : i32 to index
        %get3A_969 = arith.constant 0 : index
        %get3A_970 = tpu.vector_load %get3A_967[%get3A_968, %get3A_969] {strides = array<i32>} : memref<100x64xf32, #tpu.memory_space<vmem>>, vector<1x16xf32>,
        %get3A_971 = vector.shape_cast %get3A_970 : vector<1x16xf32> to vector<16xf32>
        %add3A_972 = arith.addf %add3A_926, %get3A_971 : vector<16xf32>
        %add3A_973 = arith.constant 0 : i32
        %add3A_974 = arith.addi %add3A_973, %scan3A_961 : i32
        %get3A_975 = arith.constant 0 : i32
        %get3A_976 = arith.constant 0 : i32
        %get3A_977 = tpu.memref_slice %arg6[%scan3A_112, %get3A_975, %get3A_976] : memref<4x100x64xf32, #tpu.memory_space<vmem>> -> memref<1x100x64xf32, #tpu.memory_space<vmem>>
        %get3A_978 = tpu.memref_squeeze %get3A_977 : memref<1x100x64xf32, #tpu.memory_space<vmem>> -> memref<100x64xf32, #tpu.memory_space<vmem>>
        %get3A_979 = arith.index_cast %add3A_974 : i32 to index
        %get3A_980 = arith.constant 16 : index
        %get3A_981 = tpu.vector_load %get3A_978[%get3A_979, %get3A_980] {strides = array<i32>} : memref<100x64xf32, #tpu.memory_space<vmem>>, vector<1x16xf32>,
        %get3A_982 = vector.shape_cast %get3A_981 : vector<1x16xf32> to vector<16xf32>
        %add3A_983 = arith.addf %add3A_937, %get3A_982 : vector<16xf32>
        %add3A_984 = arith.constant 0 : i32
        %add3A_985 = arith.addi %add3A_984, %scan3A_961 : i32
        %get3A_986 = arith.constant 0 : i32
        %get3A_987 = arith.constant 0 : i32
        %get3A_988 = tpu.memref_slice %arg6[%scan3A_112, %get3A_986, %get3A_987] : memref<4x100x64xf32, #tpu.memory_space<vmem>> -> memref<1x100x64xf32, #tpu.memory_space<vmem>>
        %get3A_989 = tpu.memref_squeeze %get3A_988 : memref<1x100x64xf32, #tpu.memory_space<vmem>> -> memref<100x64xf32, #tpu.memory_space<vmem>>
        %get3A_990 = arith.index_cast %add3A_985 : i32 to index
        %get3A_991 = arith.constant 32 : index
        %get3A_992 = tpu.vector_load %get3A_989[%get3A_990, %get3A_991] {strides = array<i32>} : memref<100x64xf32, #tpu.memory_space<vmem>>, vector<1x16xf32>,
        %get3A_993 = vector.shape_cast %get3A_992 : vector<1x16xf32> to vector<16xf32>
        %add3A_994 = arith.addf %add3A_948, %get3A_993 : vector<16xf32>
        %add3A_995 = arith.constant 0 : i32
        %add3A_996 = arith.addi %add3A_995, %scan3A_961 : i32
        %get3A_997 = arith.constant 0 : i32
        %get3A_998 = arith.constant 0 : i32
        %get3A_999 = tpu.memref_slice %arg6[%scan3A_112, %get3A_997, %get3A_998] : memref<4x100x64xf32, #tpu.memory_space<vmem>> -> memref<1x100x64xf32, #tpu.memory_space<vmem>>
        %get3A_1000 = tpu.memref_squeeze %get3A_999 : memref<1x100x64xf32, #tpu.memory_space<vmem>> -> memref<100x64xf32, #tpu.memory_space<vmem>>
        %get3A_1001 = arith.index_cast %add3A_996 : i32 to index
        %get3A_1002 = arith.constant 48 : index
        %get3A_1003 = tpu.vector_load %get3A_1000[%get3A_1001, %get3A_1002] {strides = array<i32>} : memref<100x64xf32, #tpu.memory_space<vmem>>, vector<1x16xf32>,
        %get3A_1004 = vector.shape_cast %get3A_1003 : vector<1x16xf32> to vector<16xf32>
        %add3A_1005 = arith.addf %add3A_959, %get3A_1004 : vector<16xf32>
        %scan3A_1006 = arith.constant 5 : i32
        %scan3A_1007 = arith.addi %scan3A_773, %scan3A_1006 : i32
        %add3A_1008 = arith.constant 0 : i32
        %add3A_1009 = arith.addi %add3A_1008, %scan3A_1007 : i32
        %get3A_1010 = arith.constant 0 : i32
        %get3A_1011 = arith.constant 0 : i32
        %get3A_1012 = tpu.memref_slice %arg6[%scan3A_112, %get3A_1010, %get3A_1011] : memref<4x100x64xf32, #tpu.memory_space<vmem>> -> memref<1x100x64xf32, #tpu.memory_space<vmem>>
        %get3A_1013 = tpu.memref_squeeze %get3A_1012 : memref<1x100x64xf32, #tpu.memory_space<vmem>> -> memref<100x64xf32, #tpu.memory_space<vmem>>
        %get3A_1014 = arith.index_cast %add3A_1009 : i32 to index
        %get3A_1015 = arith.constant 0 : index
        %get3A_1016 = tpu.vector_load %get3A_1013[%get3A_1014, %get3A_1015] {strides = array<i32>} : memref<100x64xf32, #tpu.memory_space<vmem>>, vector<1x16xf32>,
        %get3A_1017 = vector.shape_cast %get3A_1016 : vector<1x16xf32> to vector<16xf32>
        %add3A_1018 = arith.addf %add3A_972, %get3A_1017 : vector<16xf32>
        %add3A_1019 = arith.constant 0 : i32
        %add3A_1020 = arith.addi %add3A_1019, %scan3A_1007 : i32
        %get3A_1021 = arith.constant 0 : i32
        %get3A_1022 = arith.constant 0 : i32
        %get3A_1023 = tpu.memref_slice %arg6[%scan3A_112, %get3A_1021, %get3A_1022] : memref<4x100x64xf32, #tpu.memory_space<vmem>> -> memref<1x100x64xf32, #tpu.memory_space<vmem>>
        %get3A_1024 = tpu.memref_squeeze %get3A_1023 : memref<1x100x64xf32, #tpu.memory_space<vmem>> -> memref<100x64xf32, #tpu.memory_space<vmem>>
        %get3A_1025 = arith.index_cast %add3A_1020 : i32 to index
        %get3A_1026 = arith.constant 16 : index
        %get3A_1027 = tpu.vector_load %get3A_1024[%get3A_1025, %get3A_1026] {strides = array<i32>} : memref<100x64xf32, #tpu.memory_space<vmem>>, vector<1x16xf32>,
        %get3A_1028 = vector.shape_cast %get3A_1027 : vector<1x16xf32> to vector<16xf32>
        %add3A_1029 = arith.addf %add3A_983, %get3A_1028 : vector<16xf32>
        %add3A_1030 = arith.constant 0 : i32
        %add3A_1031 = arith.addi %add3A_1030, %scan3A_1007 : i32
        %get3A_1032 = arith.constant 0 : i32
        %get3A_1033 = arith.constant 0 : i32
        %get3A_1034 = tpu.memref_slice %arg6[%scan3A_112, %get3A_1032, %get3A_1033] : memref<4x100x64xf32, #tpu.memory_space<vmem>> -> memref<1x100x64xf32, #tpu.memory_space<vmem>>
        %get3A_1035 = tpu.memref_squeeze %get3A_1034 : memref<1x100x64xf32, #tpu.memory_space<vmem>> -> memref<100x64xf32, #tpu.memory_space<vmem>>
        %get3A_1036 = arith.index_cast %add3A_1031 : i32 to index
        %get3A_1037 = arith.constant 32 : index
        %get3A_1038 = tpu.vector_load %get3A_1035[%get3A_1036, %get3A_1037] {strides = array<i32>} : memref<100x64xf32, #tpu.memory_space<vmem>>, vector<1x16xf32>,
        %get3A_1039 = vector.shape_cast %get3A_1038 : vector<1x16xf32> to vector<16xf32>
        %add3A_1040 = arith.addf %add3A_994, %get3A_1039 : vector<16xf32>
        %add3A_1041 = arith.constant 0 : i32
        %add3A_1042 = arith.addi %add3A_1041, %scan3A_1007 : i32
        %get3A_1043 = arith.constant 0 : i32
        %get3A_1044 = arith.constant 0 : i32
        %get3A_1045 = tpu.memref_slice %arg6[%scan3A_112, %get3A_1043, %get3A_1044] : memref<4x100x64xf32, #tpu.memory_space<vmem>> -> memref<1x100x64xf32, #tpu.memory_space<vmem>>
        %get3A_1046 = tpu.memref_squeeze %get3A_1045 : memref<1x100x64xf32, #tpu.memory_space<vmem>> -> memref<100x64xf32, #tpu.memory_space<vmem>>
        %get3A_1047 = arith.index_cast %add3A_1042 : i32 to index
        %get3A_1048 = arith.constant 48 : index
        %get3A_1049 = tpu.vector_load %get3A_1046[%get3A_1047, %get3A_1048] {strides = array<i32>} : memref<100x64xf32, #tpu.memory_space<vmem>>, vector<1x16xf32>,
        %get3A_1050 = vector.shape_cast %get3A_1049 : vector<1x16xf32> to vector<16xf32>
        %add3A_1051 = arith.addf %add3A_1005, %get3A_1050 : vector<16xf32>
        %scan3A_1052 = arith.constant 6 : i32
        %scan3A_1053 = arith.addi %scan3A_773, %scan3A_1052 : i32
        %add3A_1054 = arith.constant 0 : i32
        %add3A_1055 = arith.addi %add3A_1054, %scan3A_1053 : i32
        %get3A_1056 = arith.constant 0 : i32
        %get3A_1057 = arith.constant 0 : i32
        %get3A_1058 = tpu.memref_slice %arg6[%scan3A_112, %get3A_1056, %get3A_1057] : memref<4x100x64xf32, #tpu.memory_space<vmem>> -> memref<1x100x64xf32, #tpu.memory_space<vmem>>
        %get3A_1059 = tpu.memref_squeeze %get3A_1058 : memref<1x100x64xf32, #tpu.memory_space<vmem>> -> memref<100x64xf32, #tpu.memory_space<vmem>>
        %get3A_1060 = arith.index_cast %add3A_1055 : i32 to index
        %get3A_1061 = arith.constant 0 : index
        %get3A_1062 = tpu.vector_load %get3A_1059[%get3A_1060, %get3A_1061] {strides = array<i32>} : memref<100x64xf32, #tpu.memory_space<vmem>>, vector<1x16xf32>,
        %get3A_1063 = vector.shape_cast %get3A_1062 : vector<1x16xf32> to vector<16xf32>
        %add3A_1064 = arith.addf %add3A_1018, %get3A_1063 : vector<16xf32>
        %add3A_1065 = arith.constant 0 : i32
        %add3A_1066 = arith.addi %add3A_1065, %scan3A_1053 : i32
        %get3A_1067 = arith.constant 0 : i32
        %get3A_1068 = arith.constant 0 : i32
        %get3A_1069 = tpu.memref_slice %arg6[%scan3A_112, %get3A_1067, %get3A_1068] : memref<4x100x64xf32, #tpu.memory_space<vmem>> -> memref<1x100x64xf32, #tpu.memory_space<vmem>>
        %get3A_1070 = tpu.memref_squeeze %get3A_1069 : memref<1x100x64xf32, #tpu.memory_space<vmem>> -> memref<100x64xf32, #tpu.memory_space<vmem>>
        %get3A_1071 = arith.index_cast %add3A_1066 : i32 to index
        %get3A_1072 = arith.constant 16 : index
        %get3A_1073 = tpu.vector_load %get3A_1070[%get3A_1071, %get3A_1072] {strides = array<i32>} : memref<100x64xf32, #tpu.memory_space<vmem>>, vector<1x16xf32>,
        %get3A_1074 = vector.shape_cast %get3A_1073 : vector<1x16xf32> to vector<16xf32>
        %add3A_1075 = arith.addf %add3A_1029, %get3A_1074 : vector<16xf32>
        %add3A_1076 = arith.constant 0 : i32
        %add3A_1077 = arith.addi %add3A_1076, %scan3A_1053 : i32
        %get3A_1078 = arith.constant 0 : i32
        %get3A_1079 = arith.constant 0 : i32
        %get3A_1080 = tpu.memref_slice %arg6[%scan3A_112, %get3A_1078, %get3A_1079] : memref<4x100x64xf32, #tpu.memory_space<vmem>> -> memref<1x100x64xf32, #tpu.memory_space<vmem>>
        %get3A_1081 = tpu.memref_squeeze %get3A_1080 : memref<1x100x64xf32, #tpu.memory_space<vmem>> -> memref<100x64xf32, #tpu.memory_space<vmem>>
        %get3A_1082 = arith.index_cast %add3A_1077 : i32 to index
        %get3A_1083 = arith.constant 32 : index
        %get3A_1084 = tpu.vector_load %get3A_1081[%get3A_1082, %get3A_1083] {strides = array<i32>} : memref<100x64xf32, #tpu.memory_space<vmem>>, vector<1x16xf32>,
        %get3A_1085 = vector.shape_cast %get3A_1084 : vector<1x16xf32> to vector<16xf32>
        %add3A_1086 = arith.addf %add3A_1040, %get3A_1085 : vector<16xf32>
        %add3A_1087 = arith.constant 0 : i32
        %add3A_1088 = arith.addi %add3A_1087, %scan3A_1053 : i32
        %get3A_1089 = arith.constant 0 : i32
        %get3A_1090 = arith.constant 0 : i32
        %get3A_1091 = tpu.memref_slice %arg6[%scan3A_112, %get3A_1089, %get3A_1090] : memref<4x100x64xf32, #tpu.memory_space<vmem>> -> memref<1x100x64xf32, #tpu.memory_space<vmem>>
        %get3A_1092 = tpu.memref_squeeze %get3A_1091 : memref<1x100x64xf32, #tpu.memory_space<vmem>> -> memref<100x64xf32, #tpu.memory_space<vmem>>
        %get3A_1093 = arith.index_cast %add3A_1088 : i32 to index
        %get3A_1094 = arith.constant 48 : index
        %get3A_1095 = tpu.vector_load %get3A_1092[%get3A_1093, %get3A_1094] {strides = array<i32>} : memref<100x64xf32, #tpu.memory_space<vmem>>, vector<1x16xf32>,
        %get3A_1096 = vector.shape_cast %get3A_1095 : vector<1x16xf32> to vector<16xf32>
        %add3A_1097 = arith.addf %add3A_1051, %get3A_1096 : vector<16xf32>
        scf.yield %add3A_1064, %add3A_1075, %add3A_1086, %add3A_1097 : vector<16xf32>, vector<16xf32>, vector<16xf32>, vector<16xf32>
      }
      %scan3A_118 = arith.constant 49 : i32
      %mul3A_119 = arith.constant 2 : i32
      %mul3A_120 = arith.muli %add3A_61, %mul3A_119 : i32
      %add3A_121 = arith.constant 0 : i32
      %add3A_122 = arith.addi %mul3A_120, %add3A_121 : i32
      %mul3A_123 = vector.broadcast %scan3A : f32 to vector<16xf32>
      %mul3A_124 = arith.mulf %scan3A_117#0, %mul3A_123 : vector<16xf32>
      %swap3A = arith.index_cast %add3A_122 : i32 to index
      %swap3A_125 = arith.constant 0 : index
      %swap3A_126 = tpu.vector_load %arg7[%swap3A, %swap3A_125] {strides = array<i32>} : memref<512x64xf32, #tpu.memory_space<vmem>>, vector<1x16xf32>,
      %swap3A_127 = vector.shape_cast %swap3A_126 : vector<1x16xf32> to vector<16xf32>
      %swap3A_128 = vector.shape_cast %mul3A_124 : vector<16xf32> to vector<1x16xf32>
      tpu.vector_store %arg7[%swap3A, %swap3A_125], %swap3A_128 {strides = array<i32>} : memref<512x64xf32, #tpu.memory_space<vmem>>, vector<1x16xf32>,
      %mul3A_129 = vector.broadcast %scan3A : f32 to vector<16xf32>
      %mul3A_130 = arith.mulf %scan3A_117#1, %mul3A_129 : vector<16xf32>
      %swap3A_131 = arith.index_cast %add3A_122 : i32 to index
      %swap3A_132 = arith.constant 16 : index
      %swap3A_133 = tpu.vector_load %arg7[%swap3A_131, %swap3A_132] {strides = array<i32>} : memref<512x64xf32, #tpu.memory_space<vmem>>, vector<1x16xf32>,
      %swap3A_134 = vector.shape_cast %swap3A_133 : vector<1x16xf32> to vector<16xf32>
      %swap3A_135 = vector.shape_cast %mul3A_130 : vector<16xf32> to vector<1x16xf32>
      tpu.vector_store %arg7[%swap3A_131, %swap3A_132], %swap3A_135 {strides = array<i32>} : memref<512x64xf32, #tpu.memory_space<vmem>>, vector<1x16xf32>,
      %mul3A_136 = vector.broadcast %scan3A : f32 to vector<16xf32>
      %mul3A_137 = arith.mulf %scan3A_117#2, %mul3A_136 : vector<16xf32>
      %swap3A_138 = arith.index_cast %add3A_122 : i32 to index
      %swap3A_139 = arith.constant 32 : index
      %swap3A_140 = tpu.vector_load %arg7[%swap3A_138, %swap3A_139] {strides = array<i32>} : memref<512x64xf32, #tpu.memory_space<vmem>>, vector<1x16xf32>,
      %swap3A_141 = vector.shape_cast %swap3A_140 : vector<1x16xf32> to vector<16xf32>
      %swap3A_142 = vector.shape_cast %mul3A_137 : vector<16xf32> to vector<1x16xf32>
      tpu.vector_store %arg7[%swap3A_138, %swap3A_139], %swap3A_142 {strides = array<i32>} : memref<512x64xf32, #tpu.memory_space<vmem>>, vector<1x16xf32>,
      %mul3A_143 = vector.broadcast %scan3A : f32 to vector<16xf32>
      %mul3A_144 = arith.mulf %scan3A_117#3, %mul3A_143 : vector<16xf32>
      %swap3A_145 = arith.index_cast %add3A_122 : i32 to index
      %swap3A_146 = arith.constant 48 : index
      %swap3A_147 = tpu.vector_load %arg7[%swap3A_145, %swap3A_146] {strides = array<i32>} : memref<512x64xf32, #tpu.memory_space<vmem>>, vector<1x16xf32>,
      %swap3A_148 = vector.shape_cast %swap3A_147 : vector<1x16xf32> to vector<16xf32>
      %swap3A_149 = vector.shape_cast %mul3A_144 : vector<16xf32> to vector<1x16xf32>
      tpu.vector_store %arg7[%swap3A_145, %swap3A_146], %swap3A_149 {strides = array<i32>} : memref<512x64xf32, #tpu.memory_space<vmem>>, vector<1x16xf32>,
      %get3A_150 = arith.constant 0 : i32
      %get3A_151 = arith.constant 50 : i32
      %get3A_152 = arith.constant 0 : i32
      %get3A_153 = arith.constant 0 : i32
      %get3A_154 = tpu.memref_slice %arg6[%get3A_150, %get3A_152, %get3A_153] : memref<4x100x64xf32, #tpu.memory_space<vmem>> -> memref<1x100x64xf32, #tpu.memory_space<vmem>>
      %get3A_155 = tpu.memref_squeeze %get3A_154 : memref<1x100x64xf32, #tpu.memory_space<vmem>> -> memref<100x64xf32, #tpu.memory_space<vmem>>
      %get3A_156 = arith.index_cast %get3A_151 : i32 to index
      %get3A_157 = arith.constant 0 : index
      %get3A_158 = tpu.vector_load %get3A_155[%get3A_156, %get3A_157] {strides = array<i32>} : memref<100x64xf32, #tpu.memory_space<vmem>>, vector<1x16xf32>,
      %get3A_159 = vector.shape_cast %get3A_158 : vector<1x16xf32> to vector<16xf32>
      %get3A_160 = arith.constant 0 : i32
      %get3A_161 = arith.constant 50 : i32
      %get3A_162 = arith.constant 0 : i32
      %get3A_163 = arith.constant 0 : i32
      %get3A_164 = tpu.memref_slice %arg6[%get3A_160, %get3A_162, %get3A_163] : memref<4x100x64xf32, #tpu.memory_space<vmem>> -> memref<1x100x64xf32, #tpu.memory_space<vmem>>
      %get3A_165 = tpu.memref_squeeze %get3A_164 : memref<1x100x64xf32, #tpu.memory_space<vmem>> -> memref<100x64xf32, #tpu.memory_space<vmem>>
      %get3A_166 = arith.index_cast %get3A_161 : i32 to index
      %get3A_167 = arith.constant 16 : index
      %get3A_168 = tpu.vector_load %get3A_165[%get3A_166, %get3A_167] {strides = array<i32>} : memref<100x64xf32, #tpu.memory_space<vmem>>, vector<1x16xf32>,
      %get3A_169 = vector.shape_cast %get3A_168 : vector<1x16xf32> to vector<16xf32>
      %get3A_170 = arith.constant 0 : i32
      %get3A_171 = arith.constant 50 : i32
      %get3A_172 = arith.constant 0 : i32
      %get3A_173 = arith.constant 0 : i32
      %get3A_174 = tpu.memref_slice %arg6[%get3A_170, %get3A_172, %get3A_173] : memref<4x100x64xf32, #tpu.memory_space<vmem>> -> memref<1x100x64xf32, #tpu.memory_space<vmem>>
      %get3A_175 = tpu.memref_squeeze %get3A_174 : memref<1x100x64xf32, #tpu.memory_space<vmem>> -> memref<100x64xf32, #tpu.memory_space<vmem>>
      %get3A_176 = arith.index_cast %get3A_171 : i32 to index
      %get3A_177 = arith.constant 32 : index
      %get3A_178 = tpu.vector_load %get3A_175[%get3A_176, %get3A_177] {strides = array<i32>} : memref<100x64xf32, #tpu.memory_space<vmem>>, vector<1x16xf32>,
      %get3A_179 = vector.shape_cast %get3A_178 : vector<1x16xf32> to vector<16xf32>
      %get3A_180 = arith.constant 0 : i32
      %get3A_181 = arith.constant 50 : i32
      %get3A_182 = arith.constant 0 : i32
      %get3A_183 = arith.constant 0 : i32
      %get3A_184 = tpu.memref_slice %arg6[%get3A_180, %get3A_182, %get3A_183] : memref<4x100x64xf32, #tpu.memory_space<vmem>> -> memref<1x100x64xf32, #tpu.memory_space<vmem>>
      %get3A_185 = tpu.memref_squeeze %get3A_184 : memref<1x100x64xf32, #tpu.memory_space<vmem>> -> memref<100x64xf32, #tpu.memory_space<vmem>>
      %get3A_186 = arith.index_cast %get3A_181 : i32 to index
      %get3A_187 = arith.constant 48 : index
      %get3A_188 = tpu.vector_load %get3A_185[%get3A_186, %get3A_187] {strides = array<i32>} : memref<100x64xf32, #tpu.memory_space<vmem>>, vector<1x16xf32>,
      %get3A_189 = vector.shape_cast %get3A_188 : vector<1x16xf32> to vector<16xf32>
      %scan3A_190 = arith.constant 0 : i32
      %scan3A_191 = arith.constant 1 : i32
      %scan3A_192 = arith.constant 49 : i32
      %scan3A_193 = arith.addi %scan3A_191, %scan3A_192 : i32
      %scan3A_194 = arith.constant 7 : i32
      %scan3A_195:4 = scf.for %scan3A_773 = %scan3A_191 to %scan3A_193 step %scan3A_194 iter_args(%scan3A_774 = %get3A_159, %scan3A_775 = %get3A_169, %scan3A_776 = %get3A_179, %scan3A_777 = %get3A_189) -> (vector<16xf32>, vector<16xf32>, vector<16xf32>, vector<16xf32>)  : i32 {
        %add3A_778 = arith.constant 50 : i32
        %add3A_779 = arith.addi %add3A_778, %scan3A_773 : i32
        %get3A_780 = arith.constant 0 : i32
        %get3A_781 = arith.constant 0 : i32
        %get3A_782 = tpu.memref_slice %arg6[%scan3A_190, %get3A_780, %get3A_781] : memref<4x100x64xf32, #tpu.memory_space<vmem>> -> memref<1x100x64xf32, #tpu.memory_space<vmem>>
        %get3A_783 = tpu.memref_squeeze %get3A_782 : memref<1x100x64xf32, #tpu.memory_space<vmem>> -> memref<100x64xf32, #tpu.memory_space<vmem>>
        %get3A_784 = arith.index_cast %add3A_779 : i32 to index
        %get3A_785 = arith.constant 0 : index
        %get3A_786 = tpu.vector_load %get3A_783[%get3A_784, %get3A_785] {strides = array<i32>} : memref<100x64xf32, #tpu.memory_space<vmem>>, vector<1x16xf32>,
        %get3A_787 = vector.shape_cast %get3A_786 : vector<1x16xf32> to vector<16xf32>
        %add3A_788 = arith.addf %scan3A_774, %get3A_787 : vector<16xf32>
        %add3A_789 = arith.constant 50 : i32
        %add3A_790 = arith.addi %add3A_789, %scan3A_773 : i32
        %get3A_791 = arith.constant 0 : i32
        %get3A_792 = arith.constant 0 : i32
        %get3A_793 = tpu.memref_slice %arg6[%scan3A_190, %get3A_791, %get3A_792] : memref<4x100x64xf32, #tpu.memory_space<vmem>> -> memref<1x100x64xf32, #tpu.memory_space<vmem>>
        %get3A_794 = tpu.memref_squeeze %get3A_793 : memref<1x100x64xf32, #tpu.memory_space<vmem>> -> memref<100x64xf32, #tpu.memory_space<vmem>>
        %get3A_795 = arith.index_cast %add3A_790 : i32 to index
        %get3A_796 = arith.constant 16 : index
        %get3A_797 = tpu.vector_load %get3A_794[%get3A_795, %get3A_796] {strides = array<i32>} : memref<100x64xf32, #tpu.memory_space<vmem>>, vector<1x16xf32>,
        %get3A_798 = vector.shape_cast %get3A_797 : vector<1x16xf32> to vector<16xf32>
        %add3A_799 = arith.addf %scan3A_775, %get3A_798 : vector<16xf32>
        %add3A_800 = arith.constant 50 : i32
        %add3A_801 = arith.addi %add3A_800, %scan3A_773 : i32
        %get3A_802 = arith.constant 0 : i32
        %get3A_803 = arith.constant 0 : i32
        %get3A_804 = tpu.memref_slice %arg6[%scan3A_190, %get3A_802, %get3A_803] : memref<4x100x64xf32, #tpu.memory_space<vmem>> -> memref<1x100x64xf32, #tpu.memory_space<vmem>>
        %get3A_805 = tpu.memref_squeeze %get3A_804 : memref<1x100x64xf32, #tpu.memory_space<vmem>> -> memref<100x64xf32, #tpu.memory_space<vmem>>
        %get3A_806 = arith.index_cast %add3A_801 : i32 to index
        %get3A_807 = arith.constant 32 : index
        %get3A_808 = tpu.vector_load %get3A_805[%get3A_806, %get3A_807] {strides = array<i32>} : memref<100x64xf32, #tpu.memory_space<vmem>>, vector<1x16xf32>,
        %get3A_809 = vector.shape_cast %get3A_808 : vector<1x16xf32> to vector<16xf32>
        %add3A_810 = arith.addf %scan3A_776, %get3A_809 : vector<16xf32>
        %add3A_811 = arith.constant 50 : i32
        %add3A_812 = arith.addi %add3A_811, %scan3A_773 : i32
        %get3A_813 = arith.constant 0 : i32
        %get3A_814 = arith.constant 0 : i32
        %get3A_815 = tpu.memref_slice %arg6[%scan3A_190, %get3A_813, %get3A_814] : memref<4x100x64xf32, #tpu.memory_space<vmem>> -> memref<1x100x64xf32, #tpu.memory_space<vmem>>
        %get3A_816 = tpu.memref_squeeze %get3A_815 : memref<1x100x64xf32, #tpu.memory_space<vmem>> -> memref<100x64xf32, #tpu.memory_space<vmem>>
        %get3A_817 = arith.index_cast %add3A_812 : i32 to index
        %get3A_818 = arith.constant 48 : index
        %get3A_819 = tpu.vector_load %get3A_816[%get3A_817, %get3A_818] {strides = array<i32>} : memref<100x64xf32, #tpu.memory_space<vmem>>, vector<1x16xf32>,
        %get3A_820 = vector.shape_cast %get3A_819 : vector<1x16xf32> to vector<16xf32>
        %add3A_821 = arith.addf %scan3A_777, %get3A_820 : vector<16xf32>
        %scan3A_822 = arith.constant 1 : i32
        %scan3A_823 = arith.addi %scan3A_773, %scan3A_822 : i32
        %add3A_824 = arith.constant 50 : i32
        %add3A_825 = arith.addi %add3A_824, %scan3A_823 : i32
        %get3A_826 = arith.constant 0 : i32
        %get3A_827 = arith.constant 0 : i32
        %get3A_828 = tpu.memref_slice %arg6[%scan3A_190, %get3A_826, %get3A_827] : memref<4x100x64xf32, #tpu.memory_space<vmem>> -> memref<1x100x64xf32, #tpu.memory_space<vmem>>
        %get3A_829 = tpu.memref_squeeze %get3A_828 : memref<1x100x64xf32, #tpu.memory_space<vmem>> -> memref<100x64xf32, #tpu.memory_space<vmem>>
        %get3A_830 = arith.index_cast %add3A_825 : i32 to index
        %get3A_831 = arith.constant 0 : index
        %get3A_832 = tpu.vector_load %get3A_829[%get3A_830, %get3A_831] {strides = array<i32>} : memref<100x64xf32, #tpu.memory_space<vmem>>, vector<1x16xf32>,
        %get3A_833 = vector.shape_cast %get3A_832 : vector<1x16xf32> to vector<16xf32>
        %add3A_834 = arith.addf %add3A_788, %get3A_833 : vector<16xf32>
        %add3A_835 = arith.constant 50 : i32
        %add3A_836 = arith.addi %add3A_835, %scan3A_823 : i32
        %get3A_837 = arith.constant 0 : i32
        %get3A_838 = arith.constant 0 : i32
        %get3A_839 = tpu.memref_slice %arg6[%scan3A_190, %get3A_837, %get3A_838] : memref<4x100x64xf32, #tpu.memory_space<vmem>> -> memref<1x100x64xf32, #tpu.memory_space<vmem>>
        %get3A_840 = tpu.memref_squeeze %get3A_839 : memref<1x100x64xf32, #tpu.memory_space<vmem>> -> memref<100x64xf32, #tpu.memory_space<vmem>>
        %get3A_841 = arith.index_cast %add3A_836 : i32 to index
        %get3A_842 = arith.constant 16 : index
        %get3A_843 = tpu.vector_load %get3A_840[%get3A_841, %get3A_842] {strides = array<i32>} : memref<100x64xf32, #tpu.memory_space<vmem>>, vector<1x16xf32>,
        %get3A_844 = vector.shape_cast %get3A_843 : vector<1x16xf32> to vector<16xf32>
        %add3A_845 = arith.addf %add3A_799, %get3A_844 : vector<16xf32>
        %add3A_846 = arith.constant 50 : i32
        %add3A_847 = arith.addi %add3A_846, %scan3A_823 : i32
        %get3A_848 = arith.constant 0 : i32
        %get3A_849 = arith.constant 0 : i32
        %get3A_850 = tpu.memref_slice %arg6[%scan3A_190, %get3A_848, %get3A_849] : memref<4x100x64xf32, #tpu.memory_space<vmem>> -> memref<1x100x64xf32, #tpu.memory_space<vmem>>
        %get3A_851 = tpu.memref_squeeze %get3A_850 : memref<1x100x64xf32, #tpu.memory_space<vmem>> -> memref<100x64xf32, #tpu.memory_space<vmem>>
        %get3A_852 = arith.index_cast %add3A_847 : i32 to index
        %get3A_853 = arith.constant 32 : index
        %get3A_854 = tpu.vector_load %get3A_851[%get3A_852, %get3A_853] {strides = array<i32>} : memref<100x64xf32, #tpu.memory_space<vmem>>, vector<1x16xf32>,
        %get3A_855 = vector.shape_cast %get3A_854 : vector<1x16xf32> to vector<16xf32>
        %add3A_856 = arith.addf %add3A_810, %get3A_855 : vector<16xf32>
        %add3A_857 = arith.constant 50 : i32
        %add3A_858 = arith.addi %add3A_857, %scan3A_823 : i32
        %get3A_859 = arith.constant 0 : i32
        %get3A_860 = arith.constant 0 : i32
        %get3A_861 = tpu.memref_slice %arg6[%scan3A_190, %get3A_859, %get3A_860] : memref<4x100x64xf32, #tpu.memory_space<vmem>> -> memref<1x100x64xf32, #tpu.memory_space<vmem>>
        %get3A_862 = tpu.memref_squeeze %get3A_861 : memref<1x100x64xf32, #tpu.memory_space<vmem>> -> memref<100x64xf32, #tpu.memory_space<vmem>>
        %get3A_863 = arith.index_cast %add3A_858 : i32 to index
        %get3A_864 = arith.constant 48 : index
        %get3A_865 = tpu.vector_load %get3A_862[%get3A_863, %get3A_864] {strides = array<i32>} : memref<100x64xf32, #tpu.memory_space<vmem>>, vector<1x16xf32>,
        %get3A_866 = vector.shape_cast %get3A_865 : vector<1x16xf32> to vector<16xf32>
        %add3A_867 = arith.addf %add3A_821, %get3A_866 : vector<16xf32>
        %scan3A_868 = arith.constant 2 : i32
        %scan3A_869 = arith.addi %scan3A_773, %scan3A_868 : i32
        %add3A_870 = arith.constant 50 : i32
        %add3A_871 = arith.addi %add3A_870, %scan3A_869 : i32
        %get3A_872 = arith.constant 0 : i32
        %get3A_873 = arith.constant 0 : i32
        %get3A_874 = tpu.memref_slice %arg6[%scan3A_190, %get3A_872, %get3A_873] : memref<4x100x64xf32, #tpu.memory_space<vmem>> -> memref<1x100x64xf32, #tpu.memory_space<vmem>>
        %get3A_875 = tpu.memref_squeeze %get3A_874 : memref<1x100x64xf32, #tpu.memory_space<vmem>> -> memref<100x64xf32, #tpu.memory_space<vmem>>
        %get3A_876 = arith.index_cast %add3A_871 : i32 to index
        %get3A_877 = arith.constant 0 : index
        %get3A_878 = tpu.vector_load %get3A_875[%get3A_876, %get3A_877] {strides = array<i32>} : memref<100x64xf32, #tpu.memory_space<vmem>>, vector<1x16xf32>,
        %get3A_879 = vector.shape_cast %get3A_878 : vector<1x16xf32> to vector<16xf32>
        %add3A_880 = arith.addf %add3A_834, %get3A_879 : vector<16xf32>
        %add3A_881 = arith.constant 50 : i32
        %add3A_882 = arith.addi %add3A_881, %scan3A_869 : i32
        %get3A_883 = arith.constant 0 : i32
        %get3A_884 = arith.constant 0 : i32
        %get3A_885 = tpu.memref_slice %arg6[%scan3A_190, %get3A_883, %get3A_884] : memref<4x100x64xf32, #tpu.memory_space<vmem>> -> memref<1x100x64xf32, #tpu.memory_space<vmem>>
        %get3A_886 = tpu.memref_squeeze %get3A_885 : memref<1x100x64xf32, #tpu.memory_space<vmem>> -> memref<100x64xf32, #tpu.memory_space<vmem>>
        %get3A_887 = arith.index_cast %add3A_882 : i32 to index
        %get3A_888 = arith.constant 16 : index
        %get3A_889 = tpu.vector_load %get3A_886[%get3A_887, %get3A_888] {strides = array<i32>} : memref<100x64xf32, #tpu.memory_space<vmem>>, vector<1x16xf32>,
        %get3A_890 = vector.shape_cast %get3A_889 : vector<1x16xf32> to vector<16xf32>
        %add3A_891 = arith.addf %add3A_845, %get3A_890 : vector<16xf32>
        %add3A_892 = arith.constant 50 : i32
        %add3A_893 = arith.addi %add3A_892, %scan3A_869 : i32
        %get3A_894 = arith.constant 0 : i32
        %get3A_895 = arith.constant 0 : i32
        %get3A_896 = tpu.memref_slice %arg6[%scan3A_190, %get3A_894, %get3A_895] : memref<4x100x64xf32, #tpu.memory_space<vmem>> -> memref<1x100x64xf32, #tpu.memory_space<vmem>>
        %get3A_897 = tpu.memref_squeeze %get3A_896 : memref<1x100x64xf32, #tpu.memory_space<vmem>> -> memref<100x64xf32, #tpu.memory_space<vmem>>
        %get3A_898 = arith.index_cast %add3A_893 : i32 to index
        %get3A_899 = arith.constant 32 : index
        %get3A_900 = tpu.vector_load %get3A_897[%get3A_898, %get3A_899] {strides = array<i32>} : memref<100x64xf32, #tpu.memory_space<vmem>>, vector<1x16xf32>,
        %get3A_901 = vector.shape_cast %get3A_900 : vector<1x16xf32> to vector<16xf32>
        %add3A_902 = arith.addf %add3A_856, %get3A_901 : vector<16xf32>
        %add3A_903 = arith.constant 50 : i32
        %add3A_904 = arith.addi %add3A_903, %scan3A_869 : i32
        %get3A_905 = arith.constant 0 : i32
        %get3A_906 = arith.constant 0 : i32
        %get3A_907 = tpu.memref_slice %arg6[%scan3A_190, %get3A_905, %get3A_906] : memref<4x100x64xf32, #tpu.memory_space<vmem>> -> memref<1x100x64xf32, #tpu.memory_space<vmem>>
        %get3A_908 = tpu.memref_squeeze %get3A_907 : memref<1x100x64xf32, #tpu.memory_space<vmem>> -> memref<100x64xf32, #tpu.memory_space<vmem>>
        %get3A_909 = arith.index_cast %add3A_904 : i32 to index
        %get3A_910 = arith.constant 48 : index
        %get3A_911 = tpu.vector_load %get3A_908[%get3A_909, %get3A_910] {strides = array<i32>} : memref<100x64xf32, #tpu.memory_space<vmem>>, vector<1x16xf32>,
        %get3A_912 = vector.shape_cast %get3A_911 : vector<1x16xf32> to vector<16xf32>
        %add3A_913 = arith.addf %add3A_867, %get3A_912 : vector<16xf32>
        %scan3A_914 = arith.constant 3 : i32
        %scan3A_915 = arith.addi %scan3A_773, %scan3A_914 : i32
        %add3A_916 = arith.constant 50 : i32
        %add3A_917 = arith.addi %add3A_916, %scan3A_915 : i32
        %get3A_918 = arith.constant 0 : i32
        %get3A_919 = arith.constant 0 : i32
        %get3A_920 = tpu.memref_slice %arg6[%scan3A_190, %get3A_918, %get3A_919] : memref<4x100x64xf32, #tpu.memory_space<vmem>> -> memref<1x100x64xf32, #tpu.memory_space<vmem>>
        %get3A_921 = tpu.memref_squeeze %get3A_920 : memref<1x100x64xf32, #tpu.memory_space<vmem>> -> memref<100x64xf32, #tpu.memory_space<vmem>>
        %get3A_922 = arith.index_cast %add3A_917 : i32 to index
        %get3A_923 = arith.constant 0 : index
        %get3A_924 = tpu.vector_load %get3A_921[%get3A_922, %get3A_923] {strides = array<i32>} : memref<100x64xf32, #tpu.memory_space<vmem>>, vector<1x16xf32>,
        %get3A_925 = vector.shape_cast %get3A_924 : vector<1x16xf32> to vector<16xf32>
        %add3A_926 = arith.addf %add3A_880, %get3A_925 : vector<16xf32>
        %add3A_927 = arith.constant 50 : i32
        %add3A_928 = arith.addi %add3A_927, %scan3A_915 : i32
        %get3A_929 = arith.constant 0 : i32
        %get3A_930 = arith.constant 0 : i32
        %get3A_931 = tpu.memref_slice %arg6[%scan3A_190, %get3A_929, %get3A_930] : memref<4x100x64xf32, #tpu.memory_space<vmem>> -> memref<1x100x64xf32, #tpu.memory_space<vmem>>
        %get3A_932 = tpu.memref_squeeze %get3A_931 : memref<1x100x64xf32, #tpu.memory_space<vmem>> -> memref<100x64xf32, #tpu.memory_space<vmem>>
        %get3A_933 = arith.index_cast %add3A_928 : i32 to index
        %get3A_934 = arith.constant 16 : index
        %get3A_935 = tpu.vector_load %get3A_932[%get3A_933, %get3A_934] {strides = array<i32>} : memref<100x64xf32, #tpu.memory_space<vmem>>, vector<1x16xf32>,
        %get3A_936 = vector.shape_cast %get3A_935 : vector<1x16xf32> to vector<16xf32>
        %add3A_937 = arith.addf %add3A_891, %get3A_936 : vector<16xf32>
        %add3A_938 = arith.constant 50 : i32
        %add3A_939 = arith.addi %add3A_938, %scan3A_915 : i32
        %get3A_940 = arith.constant 0 : i32
        %get3A_941 = arith.constant 0 : i32
        %get3A_942 = tpu.memref_slice %arg6[%scan3A_190, %get3A_940, %get3A_941] : memref<4x100x64xf32, #tpu.memory_space<vmem>> -> memref<1x100x64xf32, #tpu.memory_space<vmem>>
        %get3A_943 = tpu.memref_squeeze %get3A_942 : memref<1x100x64xf32, #tpu.memory_space<vmem>> -> memref<100x64xf32, #tpu.memory_space<vmem>>
        %get3A_944 = arith.index_cast %add3A_939 : i32 to index
        %get3A_945 = arith.constant 32 : index
        %get3A_946 = tpu.vector_load %get3A_943[%get3A_944, %get3A_945] {strides = array<i32>} : memref<100x64xf32, #tpu.memory_space<vmem>>, vector<1x16xf32>,
        %get3A_947 = vector.shape_cast %get3A_946 : vector<1x16xf32> to vector<16xf32>
        %add3A_948 = arith.addf %add3A_902, %get3A_947 : vector<16xf32>
        %add3A_949 = arith.constant 50 : i32
        %add3A_950 = arith.addi %add3A_949, %scan3A_915 : i32
        %get3A_951 = arith.constant 0 : i32
        %get3A_952 = arith.constant 0 : i32
        %get3A_953 = tpu.memref_slice %arg6[%scan3A_190, %get3A_951, %get3A_952] : memref<4x100x64xf32, #tpu.memory_space<vmem>> -> memref<1x100x64xf32, #tpu.memory_space<vmem>>
        %get3A_954 = tpu.memref_squeeze %get3A_953 : memref<1x100x64xf32, #tpu.memory_space<vmem>> -> memref<100x64xf32, #tpu.memory_space<vmem>>
        %get3A_955 = arith.index_cast %add3A_950 : i32 to index
        %get3A_956 = arith.constant 48 : index
        %get3A_957 = tpu.vector_load %get3A_954[%get3A_955, %get3A_956] {strides = array<i32>} : memref<100x64xf32, #tpu.memory_space<vmem>>, vector<1x16xf32>,
        %get3A_958 = vector.shape_cast %get3A_957 : vector<1x16xf32> to vector<16xf32>
        %add3A_959 = arith.addf %add3A_913, %get3A_958 : vector<16xf32>
        %scan3A_960 = arith.constant 4 : i32
        %scan3A_961 = arith.addi %scan3A_773, %scan3A_960 : i32
        %add3A_962 = arith.constant 50 : i32
        %add3A_963 = arith.addi %add3A_962, %scan3A_961 : i32
        %get3A_964 = arith.constant 0 : i32
        %get3A_965 = arith.constant 0 : i32
        %get3A_966 = tpu.memref_slice %arg6[%scan3A_190, %get3A_964, %get3A_965] : memref<4x100x64xf32, #tpu.memory_space<vmem>> -> memref<1x100x64xf32, #tpu.memory_space<vmem>>
        %get3A_967 = tpu.memref_squeeze %get3A_966 : memref<1x100x64xf32, #tpu.memory_space<vmem>> -> memref<100x64xf32, #tpu.memory_space<vmem>>
        %get3A_968 = arith.index_cast %add3A_963 : i32 to index
        %get3A_969 = arith.constant 0 : index
        %get3A_970 = tpu.vector_load %get3A_967[%get3A_968, %get3A_969] {strides = array<i32>} : memref<100x64xf32, #tpu.memory_space<vmem>>, vector<1x16xf32>,
        %get3A_971 = vector.shape_cast %get3A_970 : vector<1x16xf32> to vector<16xf32>
        %add3A_972 = arith.addf %add3A_926, %get3A_971 : vector<16xf32>
        %add3A_973 = arith.constant 50 : i32
        %add3A_974 = arith.addi %add3A_973, %scan3A_961 : i32
        %get3A_975 = arith.constant 0 : i32
        %get3A_976 = arith.constant 0 : i32
        %get3A_977 = tpu.memref_slice %arg6[%scan3A_190, %get3A_975, %get3A_976] : memref<4x100x64xf32, #tpu.memory_space<vmem>> -> memref<1x100x64xf32, #tpu.memory_space<vmem>>
        %get3A_978 = tpu.memref_squeeze %get3A_977 : memref<1x100x64xf32, #tpu.memory_space<vmem>> -> memref<100x64xf32, #tpu.memory_space<vmem>>
        %get3A_979 = arith.index_cast %add3A_974 : i32 to index
        %get3A_980 = arith.constant 16 : index
        %get3A_981 = tpu.vector_load %get3A_978[%get3A_979, %get3A_980] {strides = array<i32>} : memref<100x64xf32, #tpu.memory_space<vmem>>, vector<1x16xf32>,
        %get3A_982 = vector.shape_cast %get3A_981 : vector<1x16xf32> to vector<16xf32>
        %add3A_983 = arith.addf %add3A_937, %get3A_982 : vector<16xf32>
        %add3A_984 = arith.constant 50 : i32
        %add3A_985 = arith.addi %add3A_984, %scan3A_961 : i32
        %get3A_986 = arith.constant 0 : i32
        %get3A_987 = arith.constant 0 : i32
        %get3A_988 = tpu.memref_slice %arg6[%scan3A_190, %get3A_986, %get3A_987] : memref<4x100x64xf32, #tpu.memory_space<vmem>> -> memref<1x100x64xf32, #tpu.memory_space<vmem>>
        %get3A_989 = tpu.memref_squeeze %get3A_988 : memref<1x100x64xf32, #tpu.memory_space<vmem>> -> memref<100x64xf32, #tpu.memory_space<vmem>>
        %get3A_990 = arith.index_cast %add3A_985 : i32 to index
        %get3A_991 = arith.constant 32 : index
        %get3A_992 = tpu.vector_load %get3A_989[%get3A_990, %get3A_991] {strides = array<i32>} : memref<100x64xf32, #tpu.memory_space<vmem>>, vector<1x16xf32>,
        %get3A_993 = vector.shape_cast %get3A_992 : vector<1x16xf32> to vector<16xf32>
        %add3A_994 = arith.addf %add3A_948, %get3A_993 : vector<16xf32>
        %add3A_995 = arith.constant 50 : i32
        %add3A_996 = arith.addi %add3A_995, %scan3A_961 : i32
        %get3A_997 = arith.constant 0 : i32
        %get3A_998 = arith.constant 0 : i32
        %get3A_999 = tpu.memref_slice %arg6[%scan3A_190, %get3A_997, %get3A_998] : memref<4x100x64xf32, #tpu.memory_space<vmem>> -> memref<1x100x64xf32, #tpu.memory_space<vmem>>
        %get3A_1000 = tpu.memref_squeeze %get3A_999 : memref<1x100x64xf32, #tpu.memory_space<vmem>> -> memref<100x64xf32, #tpu.memory_space<vmem>>
        %get3A_1001 = arith.index_cast %add3A_996 : i32 to index
        %get3A_1002 = arith.constant 48 : index
        %get3A_1003 = tpu.vector_load %get3A_1000[%get3A_1001, %get3A_1002] {strides = array<i32>} : memref<100x64xf32, #tpu.memory_space<vmem>>, vector<1x16xf32>,
        %get3A_1004 = vector.shape_cast %get3A_1003 : vector<1x16xf32> to vector<16xf32>
        %add3A_1005 = arith.addf %add3A_959, %get3A_1004 : vector<16xf32>
        %scan3A_1006 = arith.constant 5 : i32
        %scan3A_1007 = arith.addi %scan3A_773, %scan3A_1006 : i32
        %add3A_1008 = arith.constant 50 : i32
        %add3A_1009 = arith.addi %add3A_1008, %scan3A_1007 : i32
        %get3A_1010 = arith.constant 0 : i32
        %get3A_1011 = arith.constant 0 : i32
        %get3A_1012 = tpu.memref_slice %arg6[%scan3A_190, %get3A_1010, %get3A_1011] : memref<4x100x64xf32, #tpu.memory_space<vmem>> -> memref<1x100x64xf32, #tpu.memory_space<vmem>>
        %get3A_1013 = tpu.memref_squeeze %get3A_1012 : memref<1x100x64xf32, #tpu.memory_space<vmem>> -> memref<100x64xf32, #tpu.memory_space<vmem>>
        %get3A_1014 = arith.index_cast %add3A_1009 : i32 to index
        %get3A_1015 = arith.constant 0 : index
        %get3A_1016 = tpu.vector_load %get3A_1013[%get3A_1014, %get3A_1015] {strides = array<i32>} : memref<100x64xf32, #tpu.memory_space<vmem>>, vector<1x16xf32>,
        %get3A_1017 = vector.shape_cast %get3A_1016 : vector<1x16xf32> to vector<16xf32>
        %add3A_1018 = arith.addf %add3A_972, %get3A_1017 : vector<16xf32>
        %add3A_1019 = arith.constant 50 : i32
        %add3A_1020 = arith.addi %add3A_1019, %scan3A_1007 : i32
        %get3A_1021 = arith.constant 0 : i32
        %get3A_1022 = arith.constant 0 : i32
        %get3A_1023 = tpu.memref_slice %arg6[%scan3A_190, %get3A_1021, %get3A_1022] : memref<4x100x64xf32, #tpu.memory_space<vmem>> -> memref<1x100x64xf32, #tpu.memory_space<vmem>>
        %get3A_1024 = tpu.memref_squeeze %get3A_1023 : memref<1x100x64xf32, #tpu.memory_space<vmem>> -> memref<100x64xf32, #tpu.memory_space<vmem>>
        %get3A_1025 = arith.index_cast %add3A_1020 : i32 to index
        %get3A_1026 = arith.constant 16 : index
        %get3A_1027 = tpu.vector_load %get3A_1024[%get3A_1025, %get3A_1026] {strides = array<i32>} : memref<100x64xf32, #tpu.memory_space<vmem>>, vector<1x16xf32>,
        %get3A_1028 = vector.shape_cast %get3A_1027 : vector<1x16xf32> to vector<16xf32>
        %add3A_1029 = arith.addf %add3A_983, %get3A_1028 : vector<16xf32>
        %add3A_1030 = arith.constant 50 : i32
        %add3A_1031 = arith.addi %add3A_1030, %scan3A_1007 : i32
        %get3A_1032 = arith.constant 0 : i32
        %get3A_1033 = arith.constant 0 : i32
        %get3A_1034 = tpu.memref_slice %arg6[%scan3A_190, %get3A_1032, %get3A_1033] : memref<4x100x64xf32, #tpu.memory_space<vmem>> -> memref<1x100x64xf32, #tpu.memory_space<vmem>>
        %get3A_1035 = tpu.memref_squeeze %get3A_1034 : memref<1x100x64xf32, #tpu.memory_space<vmem>> -> memref<100x64xf32, #tpu.memory_space<vmem>>
        %get3A_1036 = arith.index_cast %add3A_1031 : i32 to index
        %get3A_1037 = arith.constant 32 : index
        %get3A_1038 = tpu.vector_load %get3A_1035[%get3A_1036, %get3A_1037] {strides = array<i32>} : memref<100x64xf32, #tpu.memory_space<vmem>>, vector<1x16xf32>,
        %get3A_1039 = vector.shape_cast %get3A_1038 : vector<1x16xf32> to vector<16xf32>
        %add3A_1040 = arith.addf %add3A_994, %get3A_1039 : vector<16xf32>
        %add3A_1041 = arith.constant 50 : i32
        %add3A_1042 = arith.addi %add3A_1041, %scan3A_1007 : i32
        %get3A_1043 = arith.constant 0 : i32
        %get3A_1044 = arith.constant 0 : i32
        %get3A_1045 = tpu.memref_slice %arg6[%scan3A_190, %get3A_1043, %get3A_1044] : memref<4x100x64xf32, #tpu.memory_space<vmem>> -> memref<1x100x64xf32, #tpu.memory_space<vmem>>
        %get3A_1046 = tpu.memref_squeeze %get3A_1045 : memref<1x100x64xf32, #tpu.memory_space<vmem>> -> memref<100x64xf32, #tpu.memory_space<vmem>>
        %get3A_1047 = arith.index_cast %add3A_1042 : i32 to index
        %get3A_1048 = arith.constant 48 : index
        %get3A_1049 = tpu.vector_load %get3A_1046[%get3A_1047, %get3A_1048] {strides = array<i32>} : memref<100x64xf32, #tpu.memory_space<vmem>>, vector<1x16xf32>,
        %get3A_1050 = vector.shape_cast %get3A_1049 : vector<1x16xf32> to vector<16xf32>
        %add3A_1051 = arith.addf %add3A_1005, %get3A_1050 : vector<16xf32>
        %scan3A_1052 = arith.constant 6 : i32
        %scan3A_1053 = arith.addi %scan3A_773, %scan3A_1052 : i32
        %add3A_1054 = arith.constant 50 : i32
        %add3A_1055 = arith.addi %add3A_1054, %scan3A_1053 : i32
        %get3A_1056 = arith.constant 0 : i32
        %get3A_1057 = arith.constant 0 : i32
        %get3A_1058 = tpu.memref_slice %arg6[%scan3A_190, %get3A_1056, %get3A_1057] : memref<4x100x64xf32, #tpu.memory_space<vmem>> -> memref<1x100x64xf32, #tpu.memory_space<vmem>>
        %get3A_1059 = tpu.memref_squeeze %get3A_1058 : memref<1x100x64xf32, #tpu.memory_space<vmem>> -> memref<100x64xf32, #tpu.memory_space<vmem>>
        %get3A_1060 = arith.index_cast %add3A_1055 : i32 to index
        %get3A_1061 = arith.constant 0 : index
        %get3A_1062 = tpu.vector_load %get3A_1059[%get3A_1060, %get3A_1061] {strides = array<i32>} : memref<100x64xf32, #tpu.memory_space<vmem>>, vector<1x16xf32>,
        %get3A_1063 = vector.shape_cast %get3A_1062 : vector<1x16xf32> to vector<16xf32>
        %add3A_1064 = arith.addf %add3A_1018, %get3A_1063 : vector<16xf32>
        %add3A_1065 = arith.constant 50 : i32
        %add3A_1066 = arith.addi %add3A_1065, %scan3A_1053 : i32
        %get3A_1067 = arith.constant 0 : i32
        %get3A_1068 = arith.constant 0 : i32
        %get3A_1069 = tpu.memref_slice %arg6[%scan3A_190, %get3A_1067, %get3A_1068] : memref<4x100x64xf32, #tpu.memory_space<vmem>> -> memref<1x100x64xf32, #tpu.memory_space<vmem>>
        %get3A_1070 = tpu.memref_squeeze %get3A_1069 : memref<1x100x64xf32, #tpu.memory_space<vmem>> -> memref<100x64xf32, #tpu.memory_space<vmem>>
        %get3A_1071 = arith.index_cast %add3A_1066 : i32 to index
        %get3A_1072 = arith.constant 16 : index
        %get3A_1073 = tpu.vector_load %get3A_1070[%get3A_1071, %get3A_1072] {strides = array<i32>} : memref<100x64xf32, #tpu.memory_space<vmem>>, vector<1x16xf32>,
        %get3A_1074 = vector.shape_cast %get3A_1073 : vector<1x16xf32> to vector<16xf32>
        %add3A_1075 = arith.addf %add3A_1029, %get3A_1074 : vector<16xf32>
        %add3A_1076 = arith.constant 50 : i32
        %add3A_1077 = arith.addi %add3A_1076, %scan3A_1053 : i32
        %get3A_1078 = arith.constant 0 : i32
        %get3A_1079 = arith.constant 0 : i32
        %get3A_1080 = tpu.memref_slice %arg6[%scan3A_190, %get3A_1078, %get3A_1079] : memref<4x100x64xf32, #tpu.memory_space<vmem>> -> memref<1x100x64xf32, #tpu.memory_space<vmem>>
        %get3A_1081 = tpu.memref_squeeze %get3A_1080 : memref<1x100x64xf32, #tpu.memory_space<vmem>> -> memref<100x64xf32, #tpu.memory_space<vmem>>
        %get3A_1082 = arith.index_cast %add3A_1077 : i32 to index
        %get3A_1083 = arith.constant 32 : index
        %get3A_1084 = tpu.vector_load %get3A_1081[%get3A_1082, %get3A_1083] {strides = array<i32>} : memref<100x64xf32, #tpu.memory_space<vmem>>, vector<1x16xf32>,
        %get3A_1085 = vector.shape_cast %get3A_1084 : vector<1x16xf32> to vector<16xf32>
        %add3A_1086 = arith.addf %add3A_1040, %get3A_1085 : vector<16xf32>
        %add3A_1087 = arith.constant 50 : i32
        %add3A_1088 = arith.addi %add3A_1087, %scan3A_1053 : i32
        %get3A_1089 = arith.constant 0 : i32
        %get3A_1090 = arith.constant 0 : i32
        %get3A_1091 = tpu.memref_slice %arg6[%scan3A_190, %get3A_1089, %get3A_1090] : memref<4x100x64xf32, #tpu.memory_space<vmem>> -> memref<1x100x64xf32, #tpu.memory_space<vmem>>
        %get3A_1092 = tpu.memref_squeeze %get3A_1091 : memref<1x100x64xf32, #tpu.memory_space<vmem>> -> memref<100x64xf32, #tpu.memory_space<vmem>>
        %get3A_1093 = arith.index_cast %add3A_1088 : i32 to index
        %get3A_1094 = arith.constant 48 : index
        %get3A_1095 = tpu.vector_load %get3A_1092[%get3A_1093, %get3A_1094] {strides = array<i32>} : memref<100x64xf32, #tpu.memory_space<vmem>>, vector<1x16xf32>,
        %get3A_1096 = vector.shape_cast %get3A_1095 : vector<1x16xf32> to vector<16xf32>
        %add3A_1097 = arith.addf %add3A_1051, %get3A_1096 : vector<16xf32>
        scf.yield %add3A_1064, %add3A_1075, %add3A_1086, %add3A_1097 : vector<16xf32>, vector<16xf32>, vector<16xf32>, vector<16xf32>
      }
      %scan3A_196 = arith.constant 49 : i32
      %mul3A_197 = arith.constant 2 : i32
      %mul3A_198 = arith.muli %add3A_61, %mul3A_197 : i32
      %add3A_199 = arith.constant 1 : i32
      %add3A_200 = arith.addi %mul3A_198, %add3A_199 : i32
      %mul3A_201 = vector.broadcast %scan3A : f32 to vector<16xf32>
      %mul3A_202 = arith.mulf %scan3A_195#0, %mul3A_201 : vector<16xf32>
      %swap3A_203 = arith.index_cast %add3A_200 : i32 to index
      %swap3A_204 = arith.constant 0 : index
      %swap3A_205 = tpu.vector_load %arg7[%swap3A_203, %swap3A_204] {strides = array<i32>} : memref<512x64xf32, #tpu.memory_space<vmem>>, vector<1x16xf32>,
      %swap3A_206 = vector.shape_cast %swap3A_205 : vector<1x16xf32> to vector<16xf32>
      %swap3A_207 = vector.shape_cast %mul3A_202 : vector<16xf32> to vector<1x16xf32>
      tpu.vector_store %arg7[%swap3A_203, %swap3A_204], %swap3A_207 {strides = array<i32>} : memref<512x64xf32, #tpu.memory_space<vmem>>, vector<1x16xf32>,
      %mul3A_208 = vector.broadcast %scan3A : f32 to vector<16xf32>
      %mul3A_209 = arith.mulf %scan3A_195#1, %mul3A_208 : vector<16xf32>
      %swap3A_210 = arith.index_cast %add3A_200 : i32 to index
      %swap3A_211 = arith.constant 16 : index
      %swap3A_212 = tpu.vector_load %arg7[%swap3A_210, %swap3A_211] {strides = array<i32>} : memref<512x64xf32, #tpu.memory_space<vmem>>, vector<1x16xf32>,
      %swap3A_213 = vector.shape_cast %swap3A_212 : vector<1x16xf32> to vector<16xf32>
      %swap3A_214 = vector.shape_cast %mul3A_209 : vector<16xf32> to vector<1x16xf32>
      tpu.vector_store %arg7[%swap3A_210, %swap3A_211], %swap3A_214 {strides = array<i32>} : memref<512x64xf32, #tpu.memory_space<vmem>>, vector<1x16xf32>,
      %mul3A_215 = vector.broadcast %scan3A : f32 to vector<16xf32>
      %mul3A_216 = arith.mulf %scan3A_195#2, %mul3A_215 : vector<16xf32>
      %swap3A_217 = arith.index_cast %add3A_200 : i32 to index
      %swap3A_218 = arith.constant 32 : index
      %swap3A_219 = tpu.vector_load %arg7[%swap3A_217, %swap3A_218] {strides = array<i32>} : memref<512x64xf32, #tpu.memory_space<vmem>>, vector<1x16xf32>,
      %swap3A_220 = vector.shape_cast %swap3A_219 : vector<1x16xf32> to vector<16xf32>
      %swap3A_221 = vector.shape_cast %mul3A_216 : vector<16xf32> to vector<1x16xf32>
      tpu.vector_store %arg7[%swap3A_217, %swap3A_218], %swap3A_221 {strides = array<i32>} : memref<512x64xf32, #tpu.memory_space<vmem>>, vector<1x16xf32>,
      %mul3A_222 = vector.broadcast %scan3A : f32 to vector<16xf32>
      %mul3A_223 = arith.mulf %scan3A_195#3, %mul3A_222 : vector<16xf32>
      %swap3A_224 = arith.index_cast %add3A_200 : i32 to index
      %swap3A_225 = arith.constant 48 : index
      %swap3A_226 = tpu.vector_load %arg7[%swap3A_224, %swap3A_225] {strides = array<i32>} : memref<512x64xf32, #tpu.memory_space<vmem>>, vector<1x16xf32>,
      %swap3A_227 = vector.shape_cast %swap3A_226 : vector<1x16xf32> to vector<16xf32>
      %swap3A_228 = vector.shape_cast %mul3A_223 : vector<16xf32> to vector<1x16xf32>
      tpu.vector_store %arg7[%swap3A_224, %swap3A_225], %swap3A_228 {strides = array<i32>} : memref<512x64xf32, #tpu.memory_space<vmem>>, vector<1x16xf32>,
      %add3A_229 = arith.constant 4 : i32
      %add3A_230 = arith.addi %add3A_61, %add3A_229 : i32
      %lt3A = arith.constant 256 : i32
      %lt3A_231 = arith.cmpi slt, %add3A_230, %lt3A : i32
      %convert_element_type3A = arith.extui %lt3A_231 : i1 to i32
      %cond3A = arith.constant 0 : i32
      %cond3A_232 = arith.cmpi ne, %convert_element_type3A, %cond3A : i32
      scf.if %cond3A_232 {
        %min3A_773 = arith.constant 255 : i32
        %min3A_774 = arith.minsi %add3A_230, %min3A_773 : i32
        %dma_start3A_775 = arith.constant 0 : i32
        %dma_start3A_776 = arith.constant 0 : i32
        %dma_start3A_777 = arith.constant 0 : i32
        %dma_start3A_778 = tpu.memref_slice %arg6[%dma_start3A_775, %dma_start3A_776, %dma_start3A_777] : memref<4x100x64xf32, #tpu.memory_space<vmem>> -> memref<1x100x64xf32, #tpu.memory_space<vmem>>
        %dma_start3A_779 = tpu.memref_squeeze %dma_start3A_778 : memref<1x100x64xf32, #tpu.memory_space<vmem>> -> memref<100x64xf32, #tpu.memory_space<vmem>>
        %dma_start3A_780 = arith.constant 0 : i32
        %dma_start3A_781 = tpu.memref_slice %arg5[%min3A_774, %dma_start3A_780] : memref<256x100xi32, #tpu.memory_space<vmem>> -> memref<1x100xi32, #tpu.memory_space<vmem>>
        %dma_start3A_782 = tpu.memref_squeeze %dma_start3A_781 : memref<1x100xi32, #tpu.memory_space<vmem>> -> memref<100xi32, #tpu.memory_space<vmem>>
        %dma_start3A_783 = arith.constant 0 : i32
        %dma_start3A_784 = arith.constant 0 : i32
        %dma_start3A_785 = tpu.memref_slice %arg3[%dma_start3A_783, %dma_start3A_784] : memref<1000000x64xf32, #tpu.memory_space<hbm>> -> memref<1000000x64xf32, #tpu.memory_space<hbm>>
        tpu.enqueue_indirect_dma source(%dma_start3A_785 : memref<1000000x64xf32, #tpu.memory_space<hbm>>) target(%dma_start3A_779 : memref<100x64xf32, #tpu.memory_space<vmem>>) offsets(%dma_start3A_782 : memref<100xi32, #tpu.memory_space<vmem>>) semaphore(%arg8 : memref<!tpu.dma_semaphore, #tpu.memory_space<semaphore_mem>>)
      } else {
      }
      %add3A_233 = arith.constant 1 : i32
      %add3A_234 = arith.addi %add3A_59, %add3A_233 : i32
      %min3A_235 = arith.constant 255 : i32
      %min3A_236 = arith.minsi %add3A_234, %min3A_235 : i32
      %dma_wait3A_237 = arith.constant 1 : i32
      %dma_wait3A_238 = arith.constant 0 : i32
      %dma_wait3A_239 = arith.constant 0 : i32
      %dma_wait3A_240 = tpu.memref_slice %arg6[%dma_wait3A_237, %dma_wait3A_238, %dma_wait3A_239] : memref<4x100x64xf32, #tpu.memory_space<vmem>> -> memref<1x100x64xf32, #tpu.memory_space<vmem>>
      %dma_wait3A_241 = tpu.memref_squeeze %dma_wait3A_240 : memref<1x100x64xf32, #tpu.memory_space<vmem>> -> memref<100x64xf32, #tpu.memory_space<vmem>>
      %dma_wait3A_242 = arith.constant 0 : i32
      %dma_wait3A_243 = tpu.memref_slice %arg5[%min3A_236, %dma_wait3A_242] : memref<256x100xi32, #tpu.memory_space<vmem>> -> memref<1x100xi32, #tpu.memory_space<vmem>>
      %dma_wait3A_244 = tpu.memref_squeeze %dma_wait3A_243 : memref<1x100xi32, #tpu.memory_space<vmem>> -> memref<100xi32, #tpu.memory_space<vmem>>
      %dma_wait3A_245 = arith.constant 0 : i32
      %dma_wait3A_246 = arith.constant 0 : i32
      %dma_wait3A_247 = tpu.memref_slice %arg3[%dma_wait3A_245, %dma_wait3A_246] : memref<1000000x64xf32, #tpu.memory_space<hbm>> -> memref<1000000x64xf32, #tpu.memory_space<hbm>>
      tpu.wait_indirect_dma semaphore(%arg9 : memref<!tpu.dma_semaphore, #tpu.memory_space<semaphore_mem>>) src(%dma_wait3A_247 : memref<1000000x64xf32, #tpu.memory_space<hbm>>) dst(%dma_wait3A_241 : memref<100x64xf32, #tpu.memory_space<vmem>>)
      %get3A_248 = arith.constant 1 : i32
      %get3A_249 = arith.constant 0 : i32
      %get3A_250 = arith.constant 0 : i32
      %get3A_251 = arith.constant 0 : i32
      %get3A_252 = tpu.memref_slice %arg6[%get3A_248, %get3A_250, %get3A_251] : memref<4x100x64xf32, #tpu.memory_space<vmem>> -> memref<1x100x64xf32, #tpu.memory_space<vmem>>
      %get3A_253 = tpu.memref_squeeze %get3A_252 : memref<1x100x64xf32, #tpu.memory_space<vmem>> -> memref<100x64xf32, #tpu.memory_space<vmem>>
      %get3A_254 = arith.index_cast %get3A_249 : i32 to index
      %get3A_255 = arith.constant 0 : index
      %get3A_256 = tpu.vector_load %get3A_253[%get3A_254, %get3A_255] {strides = array<i32>} : memref<100x64xf32, #tpu.memory_space<vmem>>, vector<1x16xf32>,
      %get3A_257 = vector.shape_cast %get3A_256 : vector<1x16xf32> to vector<16xf32>
      %get3A_258 = arith.constant 1 : i32
      %get3A_259 = arith.constant 0 : i32
      %get3A_260 = arith.constant 0 : i32
      %get3A_261 = arith.constant 0 : i32
      %get3A_262 = tpu.memref_slice %arg6[%get3A_258, %get3A_260, %get3A_261] : memref<4x100x64xf32, #tpu.memory_space<vmem>> -> memref<1x100x64xf32, #tpu.memory_space<vmem>>
      %get3A_263 = tpu.memref_squeeze %get3A_262 : memref<1x100x64xf32, #tpu.memory_space<vmem>> -> memref<100x64xf32, #tpu.memory_space<vmem>>
      %get3A_264 = arith.index_cast %get3A_259 : i32 to index
      %get3A_265 = arith.constant 16 : index
      %get3A_266 = tpu.vector_load %get3A_263[%get3A_264, %get3A_265] {strides = array<i32>} : memref<100x64xf32, #tpu.memory_space<vmem>>, vector<1x16xf32>,
      %get3A_267 = vector.shape_cast %get3A_266 : vector<1x16xf32> to vector<16xf32>
      %get3A_268 = arith.constant 1 : i32
      %get3A_269 = arith.constant 0 : i32
      %get3A_270 = arith.constant 0 : i32
      %get3A_271 = arith.constant 0 : i32
      %get3A_272 = tpu.memref_slice %arg6[%get3A_268, %get3A_270, %get3A_271] : memref<4x100x64xf32, #tpu.memory_space<vmem>> -> memref<1x100x64xf32, #tpu.memory_space<vmem>>
      %get3A_273 = tpu.memref_squeeze %get3A_272 : memref<1x100x64xf32, #tpu.memory_space<vmem>> -> memref<100x64xf32, #tpu.memory_space<vmem>>
      %get3A_274 = arith.index_cast %get3A_269 : i32 to index
      %get3A_275 = arith.constant 32 : index
      %get3A_276 = tpu.vector_load %get3A_273[%get3A_274, %get3A_275] {strides = array<i32>} : memref<100x64xf32, #tpu.memory_space<vmem>>, vector<1x16xf32>,
      %get3A_277 = vector.shape_cast %get3A_276 : vector<1x16xf32> to vector<16xf32>
      %get3A_278 = arith.constant 1 : i32
      %get3A_279 = arith.constant 0 : i32
      %get3A_280 = arith.constant 0 : i32
      %get3A_281 = arith.constant 0 : i32
      %get3A_282 = tpu.memref_slice %arg6[%get3A_278, %get3A_280, %get3A_281] : memref<4x100x64xf32, #tpu.memory_space<vmem>> -> memref<1x100x64xf32, #tpu.memory_space<vmem>>
      %get3A_283 = tpu.memref_squeeze %get3A_282 : memref<1x100x64xf32, #tpu.memory_space<vmem>> -> memref<100x64xf32, #tpu.memory_space<vmem>>
      %get3A_284 = arith.index_cast %get3A_279 : i32 to index
      %get3A_285 = arith.constant 48 : index
      %get3A_286 = tpu.vector_load %get3A_283[%get3A_284, %get3A_285] {strides = array<i32>} : memref<100x64xf32, #tpu.memory_space<vmem>>, vector<1x16xf32>,
      %get3A_287 = vector.shape_cast %get3A_286 : vector<1x16xf32> to vector<16xf32>
      %scan3A_288 = arith.constant 1 : i32
      %scan3A_289 = arith.constant 1 : i32
      %scan3A_290 = arith.constant 49 : i32
      %scan3A_291 = arith.addi %scan3A_289, %scan3A_290 : i32
      %scan3A_292 = arith.constant 7 : i32
      %scan3A_293:4 = scf.for %scan3A_773 = %scan3A_289 to %scan3A_291 step %scan3A_292 iter_args(%scan3A_774 = %get3A_257, %scan3A_775 = %get3A_267, %scan3A_776 = %get3A_277, %scan3A_777 = %get3A_287) -> (vector<16xf32>, vector<16xf32>, vector<16xf32>, vector<16xf32>)  : i32 {
        %add3A_778 = arith.constant 0 : i32
        %add3A_779 = arith.addi %add3A_778, %scan3A_773 : i32
        %get3A_780 = arith.constant 0 : i32
        %get3A_781 = arith.constant 0 : i32
        %get3A_782 = tpu.memref_slice %arg6[%scan3A_288, %get3A_780, %get3A_781] : memref<4x100x64xf32, #tpu.memory_space<vmem>> -> memref<1x100x64xf32, #tpu.memory_space<vmem>>
        %get3A_783 = tpu.memref_squeeze %get3A_782 : memref<1x100x64xf32, #tpu.memory_space<vmem>> -> memref<100x64xf32, #tpu.memory_space<vmem>>
        %get3A_784 = arith.index_cast %add3A_779 : i32 to index
        %get3A_785 = arith.constant 0 : index
        %get3A_786 = tpu.vector_load %get3A_783[%get3A_784, %get3A_785] {strides = array<i32>} : memref<100x64xf32, #tpu.memory_space<vmem>>, vector<1x16xf32>,
        %get3A_787 = vector.shape_cast %get3A_786 : vector<1x16xf32> to vector<16xf32>
        %add3A_788 = arith.addf %scan3A_774, %get3A_787 : vector<16xf32>
        %add3A_789 = arith.constant 0 : i32
        %add3A_790 = arith.addi %add3A_789, %scan3A_773 : i32
        %get3A_791 = arith.constant 0 : i32
        %get3A_792 = arith.constant 0 : i32
        %get3A_793 = tpu.memref_slice %arg6[%scan3A_288, %get3A_791, %get3A_792] : memref<4x100x64xf32, #tpu.memory_space<vmem>> -> memref<1x100x64xf32, #tpu.memory_space<vmem>>
        %get3A_794 = tpu.memref_squeeze %get3A_793 : memref<1x100x64xf32, #tpu.memory_space<vmem>> -> memref<100x64xf32, #tpu.memory_space<vmem>>
        %get3A_795 = arith.index_cast %add3A_790 : i32 to index
        %get3A_796 = arith.constant 16 : index
        %get3A_797 = tpu.vector_load %get3A_794[%get3A_795, %get3A_796] {strides = array<i32>} : memref<100x64xf32, #tpu.memory_space<vmem>>, vector<1x16xf32>,
        %get3A_798 = vector.shape_cast %get3A_797 : vector<1x16xf32> to vector<16xf32>
        %add3A_799 = arith.addf %scan3A_775, %get3A_798 : vector<16xf32>
        %add3A_800 = arith.constant 0 : i32
        %add3A_801 = arith.addi %add3A_800, %scan3A_773 : i32
        %get3A_802 = arith.constant 0 : i32
        %get3A_803 = arith.constant 0 : i32
        %get3A_804 = tpu.memref_slice %arg6[%scan3A_288, %get3A_802, %get3A_803] : memref<4x100x64xf32, #tpu.memory_space<vmem>> -> memref<1x100x64xf32, #tpu.memory_space<vmem>>
        %get3A_805 = tpu.memref_squeeze %get3A_804 : memref<1x100x64xf32, #tpu.memory_space<vmem>> -> memref<100x64xf32, #tpu.memory_space<vmem>>
        %get3A_806 = arith.index_cast %add3A_801 : i32 to index
        %get3A_807 = arith.constant 32 : index
        %get3A_808 = tpu.vector_load %get3A_805[%get3A_806, %get3A_807] {strides = array<i32>} : memref<100x64xf32, #tpu.memory_space<vmem>>, vector<1x16xf32>,
        %get3A_809 = vector.shape_cast %get3A_808 : vector<1x16xf32> to vector<16xf32>
        %add3A_810 = arith.addf %scan3A_776, %get3A_809 : vector<16xf32>
        %add3A_811 = arith.constant 0 : i32
        %add3A_812 = arith.addi %add3A_811, %scan3A_773 : i32
        %get3A_813 = arith.constant 0 : i32
        %get3A_814 = arith.constant 0 : i32
        %get3A_815 = tpu.memref_slice %arg6[%scan3A_288, %get3A_813, %get3A_814] : memref<4x100x64xf32, #tpu.memory_space<vmem>> -> memref<1x100x64xf32, #tpu.memory_space<vmem>>
        %get3A_816 = tpu.memref_squeeze %get3A_815 : memref<1x100x64xf32, #tpu.memory_space<vmem>> -> memref<100x64xf32, #tpu.memory_space<vmem>>
        %get3A_817 = arith.index_cast %add3A_812 : i32 to index
        %get3A_818 = arith.constant 48 : index
        %get3A_819 = tpu.vector_load %get3A_816[%get3A_817, %get3A_818] {strides = array<i32>} : memref<100x64xf32, #tpu.memory_space<vmem>>, vector<1x16xf32>,
        %get3A_820 = vector.shape_cast %get3A_819 : vector<1x16xf32> to vector<16xf32>
        %add3A_821 = arith.addf %scan3A_777, %get3A_820 : vector<16xf32>
        %scan3A_822 = arith.constant 1 : i32
        %scan3A_823 = arith.addi %scan3A_773, %scan3A_822 : i32
        %add3A_824 = arith.constant 0 : i32
        %add3A_825 = arith.addi %add3A_824, %scan3A_823 : i32
        %get3A_826 = arith.constant 0 : i32
        %get3A_827 = arith.constant 0 : i32
        %get3A_828 = tpu.memref_slice %arg6[%scan3A_288, %get3A_826, %get3A_827] : memref<4x100x64xf32, #tpu.memory_space<vmem>> -> memref<1x100x64xf32, #tpu.memory_space<vmem>>
        %get3A_829 = tpu.memref_squeeze %get3A_828 : memref<1x100x64xf32, #tpu.memory_space<vmem>> -> memref<100x64xf32, #tpu.memory_space<vmem>>
        %get3A_830 = arith.index_cast %add3A_825 : i32 to index
        %get3A_831 = arith.constant 0 : index
        %get3A_832 = tpu.vector_load %get3A_829[%get3A_830, %get3A_831] {strides = array<i32>} : memref<100x64xf32, #tpu.memory_space<vmem>>, vector<1x16xf32>,
        %get3A_833 = vector.shape_cast %get3A_832 : vector<1x16xf32> to vector<16xf32>
        %add3A_834 = arith.addf %add3A_788, %get3A_833 : vector<16xf32>
        %add3A_835 = arith.constant 0 : i32
        %add3A_836 = arith.addi %add3A_835, %scan3A_823 : i32
        %get3A_837 = arith.constant 0 : i32
        %get3A_838 = arith.constant 0 : i32
        %get3A_839 = tpu.memref_slice %arg6[%scan3A_288, %get3A_837, %get3A_838] : memref<4x100x64xf32, #tpu.memory_space<vmem>> -> memref<1x100x64xf32, #tpu.memory_space<vmem>>
        %get3A_840 = tpu.memref_squeeze %get3A_839 : memref<1x100x64xf32, #tpu.memory_space<vmem>> -> memref<100x64xf32, #tpu.memory_space<vmem>>
        %get3A_841 = arith.index_cast %add3A_836 : i32 to index
        %get3A_842 = arith.constant 16 : index
        %get3A_843 = tpu.vector_load %get3A_840[%get3A_841, %get3A_842] {strides = array<i32>} : memref<100x64xf32, #tpu.memory_space<vmem>>, vector<1x16xf32>,
        %get3A_844 = vector.shape_cast %get3A_843 : vector<1x16xf32> to vector<16xf32>
        %add3A_845 = arith.addf %add3A_799, %get3A_844 : vector<16xf32>
        %add3A_846 = arith.constant 0 : i32
        %add3A_847 = arith.addi %add3A_846, %scan3A_823 : i32
        %get3A_848 = arith.constant 0 : i32
        %get3A_849 = arith.constant 0 : i32
        %get3A_850 = tpu.memref_slice %arg6[%scan3A_288, %get3A_848, %get3A_849] : memref<4x100x64xf32, #tpu.memory_space<vmem>> -> memref<1x100x64xf32, #tpu.memory_space<vmem>>
        %get3A_851 = tpu.memref_squeeze %get3A_850 : memref<1x100x64xf32, #tpu.memory_space<vmem>> -> memref<100x64xf32, #tpu.memory_space<vmem>>
        %get3A_852 = arith.index_cast %add3A_847 : i32 to index
        %get3A_853 = arith.constant 32 : index
        %get3A_854 = tpu.vector_load %get3A_851[%get3A_852, %get3A_853] {strides = array<i32>} : memref<100x64xf32, #tpu.memory_space<vmem>>, vector<1x16xf32>,
        %get3A_855 = vector.shape_cast %get3A_854 : vector<1x16xf32> to vector<16xf32>
        %add3A_856 = arith.addf %add3A_810, %get3A_855 : vector<16xf32>
        %add3A_857 = arith.constant 0 : i32
        %add3A_858 = arith.addi %add3A_857, %scan3A_823 : i32
        %get3A_859 = arith.constant 0 : i32
        %get3A_860 = arith.constant 0 : i32
        %get3A_861 = tpu.memref_slice %arg6[%scan3A_288, %get3A_859, %get3A_860] : memref<4x100x64xf32, #tpu.memory_space<vmem>> -> memref<1x100x64xf32, #tpu.memory_space<vmem>>
        %get3A_862 = tpu.memref_squeeze %get3A_861 : memref<1x100x64xf32, #tpu.memory_space<vmem>> -> memref<100x64xf32, #tpu.memory_space<vmem>>
        %get3A_863 = arith.index_cast %add3A_858 : i32 to index
        %get3A_864 = arith.constant 48 : index
        %get3A_865 = tpu.vector_load %get3A_862[%get3A_863, %get3A_864] {strides = array<i32>} : memref<100x64xf32, #tpu.memory_space<vmem>>, vector<1x16xf32>,
        %get3A_866 = vector.shape_cast %get3A_865 : vector<1x16xf32> to vector<16xf32>
        %add3A_867 = arith.addf %add3A_821, %get3A_866 : vector<16xf32>
        %scan3A_868 = arith.constant 2 : i32
        %scan3A_869 = arith.addi %scan3A_773, %scan3A_868 : i32
        %add3A_870 = arith.constant 0 : i32
        %add3A_871 = arith.addi %add3A_870, %scan3A_869 : i32
        %get3A_872 = arith.constant 0 : i32
        %get3A_873 = arith.constant 0 : i32
        %get3A_874 = tpu.memref_slice %arg6[%scan3A_288, %get3A_872, %get3A_873] : memref<4x100x64xf32, #tpu.memory_space<vmem>> -> memref<1x100x64xf32, #tpu.memory_space<vmem>>
        %get3A_875 = tpu.memref_squeeze %get3A_874 : memref<1x100x64xf32, #tpu.memory_space<vmem>> -> memref<100x64xf32, #tpu.memory_space<vmem>>
        %get3A_876 = arith.index_cast %add3A_871 : i32 to index
        %get3A_877 = arith.constant 0 : index
        %get3A_878 = tpu.vector_load %get3A_875[%get3A_876, %get3A_877] {strides = array<i32>} : memref<100x64xf32, #tpu.memory_space<vmem>>, vector<1x16xf32>,
        %get3A_879 = vector.shape_cast %get3A_878 : vector<1x16xf32> to vector<16xf32>
        %add3A_880 = arith.addf %add3A_834, %get3A_879 : vector<16xf32>
        %add3A_881 = arith.constant 0 : i32
        %add3A_882 = arith.addi %add3A_881, %scan3A_869 : i32
        %get3A_883 = arith.constant 0 : i32
        %get3A_884 = arith.constant 0 : i32
        %get3A_885 = tpu.memref_slice %arg6[%scan3A_288, %get3A_883, %get3A_884] : memref<4x100x64xf32, #tpu.memory_space<vmem>> -> memref<1x100x64xf32, #tpu.memory_space<vmem>>
        %get3A_886 = tpu.memref_squeeze %get3A_885 : memref<1x100x64xf32, #tpu.memory_space<vmem>> -> memref<100x64xf32, #tpu.memory_space<vmem>>
        %get3A_887 = arith.index_cast %add3A_882 : i32 to index
        %get3A_888 = arith.constant 16 : index
        %get3A_889 = tpu.vector_load %get3A_886[%get3A_887, %get3A_888] {strides = array<i32>} : memref<100x64xf32, #tpu.memory_space<vmem>>, vector<1x16xf32>,
        %get3A_890 = vector.shape_cast %get3A_889 : vector<1x16xf32> to vector<16xf32>
        %add3A_891 = arith.addf %add3A_845, %get3A_890 : vector<16xf32>
        %add3A_892 = arith.constant 0 : i32
        %add3A_893 = arith.addi %add3A_892, %scan3A_869 : i32
        %get3A_894 = arith.constant 0 : i32
        %get3A_895 = arith.constant 0 : i32
        %get3A_896 = tpu.memref_slice %arg6[%scan3A_288, %get3A_894, %get3A_895] : memref<4x100x64xf32, #tpu.memory_space<vmem>> -> memref<1x100x64xf32, #tpu.memory_space<vmem>>
        %get3A_897 = tpu.memref_squeeze %get3A_896 : memref<1x100x64xf32, #tpu.memory_space<vmem>> -> memref<100x64xf32, #tpu.memory_space<vmem>>
        %get3A_898 = arith.index_cast %add3A_893 : i32 to index
        %get3A_899 = arith.constant 32 : index
        %get3A_900 = tpu.vector_load %get3A_897[%get3A_898, %get3A_899] {strides = array<i32>} : memref<100x64xf32, #tpu.memory_space<vmem>>, vector<1x16xf32>,
        %get3A_901 = vector.shape_cast %get3A_900 : vector<1x16xf32> to vector<16xf32>
        %add3A_902 = arith.addf %add3A_856, %get3A_901 : vector<16xf32>
        %add3A_903 = arith.constant 0 : i32
        %add3A_904 = arith.addi %add3A_903, %scan3A_869 : i32
        %get3A_905 = arith.constant 0 : i32
        %get3A_906 = arith.constant 0 : i32
        %get3A_907 = tpu.memref_slice %arg6[%scan3A_288, %get3A_905, %get3A_906] : memref<4x100x64xf32, #tpu.memory_space<vmem>> -> memref<1x100x64xf32, #tpu.memory_space<vmem>>
        %get3A_908 = tpu.memref_squeeze %get3A_907 : memref<1x100x64xf32, #tpu.memory_space<vmem>> -> memref<100x64xf32, #tpu.memory_space<vmem>>
        %get3A_909 = arith.index_cast %add3A_904 : i32 to index
        %get3A_910 = arith.constant 48 : index
        %get3A_911 = tpu.vector_load %get3A_908[%get3A_909, %get3A_910] {strides = array<i32>} : memref<100x64xf32, #tpu.memory_space<vmem>>, vector<1x16xf32>,
        %get3A_912 = vector.shape_cast %get3A_911 : vector<1x16xf32> to vector<16xf32>
        %add3A_913 = arith.addf %add3A_867, %get3A_912 : vector<16xf32>
        %scan3A_914 = arith.constant 3 : i32
        %scan3A_915 = arith.addi %scan3A_773, %scan3A_914 : i32
        %add3A_916 = arith.constant 0 : i32
        %add3A_917 = arith.addi %add3A_916, %scan3A_915 : i32
        %get3A_918 = arith.constant 0 : i32
        %get3A_919 = arith.constant 0 : i32
        %get3A_920 = tpu.memref_slice %arg6[%scan3A_288, %get3A_918, %get3A_919] : memref<4x100x64xf32, #tpu.memory_space<vmem>> -> memref<1x100x64xf32, #tpu.memory_space<vmem>>
        %get3A_921 = tpu.memref_squeeze %get3A_920 : memref<1x100x64xf32, #tpu.memory_space<vmem>> -> memref<100x64xf32, #tpu.memory_space<vmem>>
        %get3A_922 = arith.index_cast %add3A_917 : i32 to index
        %get3A_923 = arith.constant 0 : index
        %get3A_924 = tpu.vector_load %get3A_921[%get3A_922, %get3A_923] {strides = array<i32>} : memref<100x64xf32, #tpu.memory_space<vmem>>, vector<1x16xf32>,
        %get3A_925 = vector.shape_cast %get3A_924 : vector<1x16xf32> to vector<16xf32>
        %add3A_926 = arith.addf %add3A_880, %get3A_925 : vector<16xf32>
        %add3A_927 = arith.constant 0 : i32
        %add3A_928 = arith.addi %add3A_927, %scan3A_915 : i32
        %get3A_929 = arith.constant 0 : i32
        %get3A_930 = arith.constant 0 : i32
        %get3A_931 = tpu.memref_slice %arg6[%scan3A_288, %get3A_929, %get3A_930] : memref<4x100x64xf32, #tpu.memory_space<vmem>> -> memref<1x100x64xf32, #tpu.memory_space<vmem>>
        %get3A_932 = tpu.memref_squeeze %get3A_931 : memref<1x100x64xf32, #tpu.memory_space<vmem>> -> memref<100x64xf32, #tpu.memory_space<vmem>>
        %get3A_933 = arith.index_cast %add3A_928 : i32 to index
        %get3A_934 = arith.constant 16 : index
        %get3A_935 = tpu.vector_load %get3A_932[%get3A_933, %get3A_934] {strides = array<i32>} : memref<100x64xf32, #tpu.memory_space<vmem>>, vector<1x16xf32>,
        %get3A_936 = vector.shape_cast %get3A_935 : vector<1x16xf32> to vector<16xf32>
        %add3A_937 = arith.addf %add3A_891, %get3A_936 : vector<16xf32>
        %add3A_938 = arith.constant 0 : i32
        %add3A_939 = arith.addi %add3A_938, %scan3A_915 : i32
        %get3A_940 = arith.constant 0 : i32
        %get3A_941 = arith.constant 0 : i32
        %get3A_942 = tpu.memref_slice %arg6[%scan3A_288, %get3A_940, %get3A_941] : memref<4x100x64xf32, #tpu.memory_space<vmem>> -> memref<1x100x64xf32, #tpu.memory_space<vmem>>
        %get3A_943 = tpu.memref_squeeze %get3A_942 : memref<1x100x64xf32, #tpu.memory_space<vmem>> -> memref<100x64xf32, #tpu.memory_space<vmem>>
        %get3A_944 = arith.index_cast %add3A_939 : i32 to index
        %get3A_945 = arith.constant 32 : index
        %get3A_946 = tpu.vector_load %get3A_943[%get3A_944, %get3A_945] {strides = array<i32>} : memref<100x64xf32, #tpu.memory_space<vmem>>, vector<1x16xf32>,
        %get3A_947 = vector.shape_cast %get3A_946 : vector<1x16xf32> to vector<16xf32>
        %add3A_948 = arith.addf %add3A_902, %get3A_947 : vector<16xf32>
        %add3A_949 = arith.constant 0 : i32
        %add3A_950 = arith.addi %add3A_949, %scan3A_915 : i32
        %get3A_951 = arith.constant 0 : i32
        %get3A_952 = arith.constant 0 : i32
        %get3A_953 = tpu.memref_slice %arg6[%scan3A_288, %get3A_951, %get3A_952] : memref<4x100x64xf32, #tpu.memory_space<vmem>> -> memref<1x100x64xf32, #tpu.memory_space<vmem>>
        %get3A_954 = tpu.memref_squeeze %get3A_953 : memref<1x100x64xf32, #tpu.memory_space<vmem>> -> memref<100x64xf32, #tpu.memory_space<vmem>>
        %get3A_955 = arith.index_cast %add3A_950 : i32 to index
        %get3A_956 = arith.constant 48 : index
        %get3A_957 = tpu.vector_load %get3A_954[%get3A_955, %get3A_956] {strides = array<i32>} : memref<100x64xf32, #tpu.memory_space<vmem>>, vector<1x16xf32>,
        %get3A_958 = vector.shape_cast %get3A_957 : vector<1x16xf32> to vector<16xf32>
        %add3A_959 = arith.addf %add3A_913, %get3A_958 : vector<16xf32>
        %scan3A_960 = arith.constant 4 : i32
        %scan3A_961 = arith.addi %scan3A_773, %scan3A_960 : i32
        %add3A_962 = arith.constant 0 : i32
        %add3A_963 = arith.addi %add3A_962, %scan3A_961 : i32
        %get3A_964 = arith.constant 0 : i32
        %get3A_965 = arith.constant 0 : i32
        %get3A_966 = tpu.memref_slice %arg6[%scan3A_288, %get3A_964, %get3A_965] : memref<4x100x64xf32, #tpu.memory_space<vmem>> -> memref<1x100x64xf32, #tpu.memory_space<vmem>>
        %get3A_967 = tpu.memref_squeeze %get3A_966 : memref<1x100x64xf32, #tpu.memory_space<vmem>> -> memref<100x64xf32, #tpu.memory_space<vmem>>
        %get3A_968 = arith.index_cast %add3A_963 : i32 to index
        %get3A_969 = arith.constant 0 : index
        %get3A_970 = tpu.vector_load %get3A_967[%get3A_968, %get3A_969] {strides = array<i32>} : memref<100x64xf32, #tpu.memory_space<vmem>>, vector<1x16xf32>,
        %get3A_971 = vector.shape_cast %get3A_970 : vector<1x16xf32> to vector<16xf32>
        %add3A_972 = arith.addf %add3A_926, %get3A_971 : vector<16xf32>
        %add3A_973 = arith.constant 0 : i32
        %add3A_974 = arith.addi %add3A_973, %scan3A_961 : i32
        %get3A_975 = arith.constant 0 : i32
        %get3A_976 = arith.constant 0 : i32
        %get3A_977 = tpu.memref_slice %arg6[%scan3A_288, %get3A_975, %get3A_976] : memref<4x100x64xf32, #tpu.memory_space<vmem>> -> memref<1x100x64xf32, #tpu.memory_space<vmem>>
        %get3A_978 = tpu.memref_squeeze %get3A_977 : memref<1x100x64xf32, #tpu.memory_space<vmem>> -> memref<100x64xf32, #tpu.memory_space<vmem>>
        %get3A_979 = arith.index_cast %add3A_974 : i32 to index
        %get3A_980 = arith.constant 16 : index
        %get3A_981 = tpu.vector_load %get3A_978[%get3A_979, %get3A_980] {strides = array<i32>} : memref<100x64xf32, #tpu.memory_space<vmem>>, vector<1x16xf32>,
        %get3A_982 = vector.shape_cast %get3A_981 : vector<1x16xf32> to vector<16xf32>
        %add3A_983 = arith.addf %add3A_937, %get3A_982 : vector<16xf32>
        %add3A_984 = arith.constant 0 : i32
        %add3A_985 = arith.addi %add3A_984, %scan3A_961 : i32
        %get3A_986 = arith.constant 0 : i32
        %get3A_987 = arith.constant 0 : i32
        %get3A_988 = tpu.memref_slice %arg6[%scan3A_288, %get3A_986, %get3A_987] : memref<4x100x64xf32, #tpu.memory_space<vmem>> -> memref<1x100x64xf32, #tpu.memory_space<vmem>>
        %get3A_989 = tpu.memref_squeeze %get3A_988 : memref<1x100x64xf32, #tpu.memory_space<vmem>> -> memref<100x64xf32, #tpu.memory_space<vmem>>
        %get3A_990 = arith.index_cast %add3A_985 : i32 to index
        %get3A_991 = arith.constant 32 : index
        %get3A_992 = tpu.vector_load %get3A_989[%get3A_990, %get3A_991] {strides = array<i32>} : memref<100x64xf32, #tpu.memory_space<vmem>>, vector<1x16xf32>,
        %get3A_993 = vector.shape_cast %get3A_992 : vector<1x16xf32> to vector<16xf32>
        %add3A_994 = arith.addf %add3A_948, %get3A_993 : vector<16xf32>
        %add3A_995 = arith.constant 0 : i32
        %add3A_996 = arith.addi %add3A_995, %scan3A_961 : i32
        %get3A_997 = arith.constant 0 : i32
        %get3A_998 = arith.constant 0 : i32
        %get3A_999 = tpu.memref_slice %arg6[%scan3A_288, %get3A_997, %get3A_998] : memref<4x100x64xf32, #tpu.memory_space<vmem>> -> memref<1x100x64xf32, #tpu.memory_space<vmem>>
        %get3A_1000 = tpu.memref_squeeze %get3A_999 : memref<1x100x64xf32, #tpu.memory_space<vmem>> -> memref<100x64xf32, #tpu.memory_space<vmem>>
        %get3A_1001 = arith.index_cast %add3A_996 : i32 to index
        %get3A_1002 = arith.constant 48 : index
        %get3A_1003 = tpu.vector_load %get3A_1000[%get3A_1001, %get3A_1002] {strides = array<i32>} : memref<100x64xf32, #tpu.memory_space<vmem>>, vector<1x16xf32>,
        %get3A_1004 = vector.shape_cast %get3A_1003 : vector<1x16xf32> to vector<16xf32>
        %add3A_1005 = arith.addf %add3A_959, %get3A_1004 : vector<16xf32>
        %scan3A_1006 = arith.constant 5 : i32
        %scan3A_1007 = arith.addi %scan3A_773, %scan3A_1006 : i32
        %add3A_1008 = arith.constant 0 : i32
        %add3A_1009 = arith.addi %add3A_1008, %scan3A_1007 : i32
        %get3A_1010 = arith.constant 0 : i32
        %get3A_1011 = arith.constant 0 : i32
        %get3A_1012 = tpu.memref_slice %arg6[%scan3A_288, %get3A_1010, %get3A_1011] : memref<4x100x64xf32, #tpu.memory_space<vmem>> -> memref<1x100x64xf32, #tpu.memory_space<vmem>>
        %get3A_1013 = tpu.memref_squeeze %get3A_1012 : memref<1x100x64xf32, #tpu.memory_space<vmem>> -> memref<100x64xf32, #tpu.memory_space<vmem>>
        %get3A_1014 = arith.index_cast %add3A_1009 : i32 to index
        %get3A_1015 = arith.constant 0 : index
        %get3A_1016 = tpu.vector_load %get3A_1013[%get3A_1014, %get3A_1015] {strides = array<i32>} : memref<100x64xf32, #tpu.memory_space<vmem>>, vector<1x16xf32>,
        %get3A_1017 = vector.shape_cast %get3A_1016 : vector<1x16xf32> to vector<16xf32>
        %add3A_1018 = arith.addf %add3A_972, %get3A_1017 : vector<16xf32>
        %add3A_1019 = arith.constant 0 : i32
        %add3A_1020 = arith.addi %add3A_1019, %scan3A_1007 : i32
        %get3A_1021 = arith.constant 0 : i32
        %get3A_1022 = arith.constant 0 : i32
        %get3A_1023 = tpu.memref_slice %arg6[%scan3A_288, %get3A_1021, %get3A_1022] : memref<4x100x64xf32, #tpu.memory_space<vmem>> -> memref<1x100x64xf32, #tpu.memory_space<vmem>>
        %get3A_1024 = tpu.memref_squeeze %get3A_1023 : memref<1x100x64xf32, #tpu.memory_space<vmem>> -> memref<100x64xf32, #tpu.memory_space<vmem>>
        %get3A_1025 = arith.index_cast %add3A_1020 : i32 to index
        %get3A_1026 = arith.constant 16 : index
        %get3A_1027 = tpu.vector_load %get3A_1024[%get3A_1025, %get3A_1026] {strides = array<i32>} : memref<100x64xf32, #tpu.memory_space<vmem>>, vector<1x16xf32>,
        %get3A_1028 = vector.shape_cast %get3A_1027 : vector<1x16xf32> to vector<16xf32>
        %add3A_1029 = arith.addf %add3A_983, %get3A_1028 : vector<16xf32>
        %add3A_1030 = arith.constant 0 : i32
        %add3A_1031 = arith.addi %add3A_1030, %scan3A_1007 : i32
        %get3A_1032 = arith.constant 0 : i32
        %get3A_1033 = arith.constant 0 : i32
        %get3A_1034 = tpu.memref_slice %arg6[%scan3A_288, %get3A_1032, %get3A_1033] : memref<4x100x64xf32, #tpu.memory_space<vmem>> -> memref<1x100x64xf32, #tpu.memory_space<vmem>>
        %get3A_1035 = tpu.memref_squeeze %get3A_1034 : memref<1x100x64xf32, #tpu.memory_space<vmem>> -> memref<100x64xf32, #tpu.memory_space<vmem>>
        %get3A_1036 = arith.index_cast %add3A_1031 : i32 to index
        %get3A_1037 = arith.constant 32 : index
        %get3A_1038 = tpu.vector_load %get3A_1035[%get3A_1036, %get3A_1037] {strides = array<i32>} : memref<100x64xf32, #tpu.memory_space<vmem>>, vector<1x16xf32>,
        %get3A_1039 = vector.shape_cast %get3A_1038 : vector<1x16xf32> to vector<16xf32>
        %add3A_1040 = arith.addf %add3A_994, %get3A_1039 : vector<16xf32>
        %add3A_1041 = arith.constant 0 : i32
        %add3A_1042 = arith.addi %add3A_1041, %scan3A_1007 : i32
        %get3A_1043 = arith.constant 0 : i32
        %get3A_1044 = arith.constant 0 : i32
        %get3A_1045 = tpu.memref_slice %arg6[%scan3A_288, %get3A_1043, %get3A_1044] : memref<4x100x64xf32, #tpu.memory_space<vmem>> -> memref<1x100x64xf32, #tpu.memory_space<vmem>>
        %get3A_1046 = tpu.memref_squeeze %get3A_1045 : memref<1x100x64xf32, #tpu.memory_space<vmem>> -> memref<100x64xf32, #tpu.memory_space<vmem>>
        %get3A_1047 = arith.index_cast %add3A_1042 : i32 to index
        %get3A_1048 = arith.constant 48 : index
        %get3A_1049 = tpu.vector_load %get3A_1046[%get3A_1047, %get3A_1048] {strides = array<i32>} : memref<100x64xf32, #tpu.memory_space<vmem>>, vector<1x16xf32>,
        %get3A_1050 = vector.shape_cast %get3A_1049 : vector<1x16xf32> to vector<16xf32>
        %add3A_1051 = arith.addf %add3A_1005, %get3A_1050 : vector<16xf32>
        %scan3A_1052 = arith.constant 6 : i32
        %scan3A_1053 = arith.addi %scan3A_773, %scan3A_1052 : i32
        %add3A_1054 = arith.constant 0 : i32
        %add3A_1055 = arith.addi %add3A_1054, %scan3A_1053 : i32
        %get3A_1056 = arith.constant 0 : i32
        %get3A_1057 = arith.constant 0 : i32
        %get3A_1058 = tpu.memref_slice %arg6[%scan3A_288, %get3A_1056, %get3A_1057] : memref<4x100x64xf32, #tpu.memory_space<vmem>> -> memref<1x100x64xf32, #tpu.memory_space<vmem>>
        %get3A_1059 = tpu.memref_squeeze %get3A_1058 : memref<1x100x64xf32, #tpu.memory_space<vmem>> -> memref<100x64xf32, #tpu.memory_space<vmem>>
        %get3A_1060 = arith.index_cast %add3A_1055 : i32 to index
        %get3A_1061 = arith.constant 0 : index
        %get3A_1062 = tpu.vector_load %get3A_1059[%get3A_1060, %get3A_1061] {strides = array<i32>} : memref<100x64xf32, #tpu.memory_space<vmem>>, vector<1x16xf32>,
        %get3A_1063 = vector.shape_cast %get3A_1062 : vector<1x16xf32> to vector<16xf32>
        %add3A_1064 = arith.addf %add3A_1018, %get3A_1063 : vector<16xf32>
        %add3A_1065 = arith.constant 0 : i32
        %add3A_1066 = arith.addi %add3A_1065, %scan3A_1053 : i32
        %get3A_1067 = arith.constant 0 : i32
        %get3A_1068 = arith.constant 0 : i32
        %get3A_1069 = tpu.memref_slice %arg6[%scan3A_288, %get3A_1067, %get3A_1068] : memref<4x100x64xf32, #tpu.memory_space<vmem>> -> memref<1x100x64xf32, #tpu.memory_space<vmem>>
        %get3A_1070 = tpu.memref_squeeze %get3A_1069 : memref<1x100x64xf32, #tpu.memory_space<vmem>> -> memref<100x64xf32, #tpu.memory_space<vmem>>
        %get3A_1071 = arith.index_cast %add3A_1066 : i32 to index
        %get3A_1072 = arith.constant 16 : index
        %get3A_1073 = tpu.vector_load %get3A_1070[%get3A_1071, %get3A_1072] {strides = array<i32>} : memref<100x64xf32, #tpu.memory_space<vmem>>, vector<1x16xf32>,
        %get3A_1074 = vector.shape_cast %get3A_1073 : vector<1x16xf32> to vector<16xf32>
        %add3A_1075 = arith.addf %add3A_1029, %get3A_1074 : vector<16xf32>
        %add3A_1076 = arith.constant 0 : i32
        %add3A_1077 = arith.addi %add3A_1076, %scan3A_1053 : i32
        %get3A_1078 = arith.constant 0 : i32
        %get3A_1079 = arith.constant 0 : i32
        %get3A_1080 = tpu.memref_slice %arg6[%scan3A_288, %get3A_1078, %get3A_1079] : memref<4x100x64xf32, #tpu.memory_space<vmem>> -> memref<1x100x64xf32, #tpu.memory_space<vmem>>
        %get3A_1081 = tpu.memref_squeeze %get3A_1080 : memref<1x100x64xf32, #tpu.memory_space<vmem>> -> memref<100x64xf32, #tpu.memory_space<vmem>>
        %get3A_1082 = arith.index_cast %add3A_1077 : i32 to index
        %get3A_1083 = arith.constant 32 : index
        %get3A_1084 = tpu.vector_load %get3A_1081[%get3A_1082, %get3A_1083] {strides = array<i32>} : memref<100x64xf32, #tpu.memory_space<vmem>>, vector<1x16xf32>,
        %get3A_1085 = vector.shape_cast %get3A_1084 : vector<1x16xf32> to vector<16xf32>
        %add3A_1086 = arith.addf %add3A_1040, %get3A_1085 : vector<16xf32>
        %add3A_1087 = arith.constant 0 : i32
        %add3A_1088 = arith.addi %add3A_1087, %scan3A_1053 : i32
        %get3A_1089 = arith.constant 0 : i32
        %get3A_1090 = arith.constant 0 : i32
        %get3A_1091 = tpu.memref_slice %arg6[%scan3A_288, %get3A_1089, %get3A_1090] : memref<4x100x64xf32, #tpu.memory_space<vmem>> -> memref<1x100x64xf32, #tpu.memory_space<vmem>>
        %get3A_1092 = tpu.memref_squeeze %get3A_1091 : memref<1x100x64xf32, #tpu.memory_space<vmem>> -> memref<100x64xf32, #tpu.memory_space<vmem>>
        %get3A_1093 = arith.index_cast %add3A_1088 : i32 to index
        %get3A_1094 = arith.constant 48 : index
        %get3A_1095 = tpu.vector_load %get3A_1092[%get3A_1093, %get3A_1094] {strides = array<i32>} : memref<100x64xf32, #tpu.memory_space<vmem>>, vector<1x16xf32>,
        %get3A_1096 = vector.shape_cast %get3A_1095 : vector<1x16xf32> to vector<16xf32>
        %add3A_1097 = arith.addf %add3A_1051, %get3A_1096 : vector<16xf32>
        scf.yield %add3A_1064, %add3A_1075, %add3A_1086, %add3A_1097 : vector<16xf32>, vector<16xf32>, vector<16xf32>, vector<16xf32>
      }
      %scan3A_294 = arith.constant 49 : i32
      %mul3A_295 = arith.constant 2 : i32
      %mul3A_296 = arith.muli %add3A_234, %mul3A_295 : i32
      %add3A_297 = arith.constant 0 : i32
      %add3A_298 = arith.addi %mul3A_296, %add3A_297 : i32
      %mul3A_299 = vector.broadcast %scan3A : f32 to vector<16xf32>
      %mul3A_300 = arith.mulf %scan3A_293#0, %mul3A_299 : vector<16xf32>
      %swap3A_301 = arith.index_cast %add3A_298 : i32 to index
      %swap3A_302 = arith.constant 0 : index
      %swap3A_303 = tpu.vector_load %arg7[%swap3A_301, %swap3A_302] {strides = array<i32>} : memref<512x64xf32, #tpu.memory_space<vmem>>, vector<1x16xf32>,
      %swap3A_304 = vector.shape_cast %swap3A_303 : vector<1x16xf32> to vector<16xf32>
      %swap3A_305 = vector.shape_cast %mul3A_300 : vector<16xf32> to vector<1x16xf32>
      tpu.vector_store %arg7[%swap3A_301, %swap3A_302], %swap3A_305 {strides = array<i32>} : memref<512x64xf32, #tpu.memory_space<vmem>>, vector<1x16xf32>,
      %mul3A_306 = vector.broadcast %scan3A : f32 to vector<16xf32>
      %mul3A_307 = arith.mulf %scan3A_293#1, %mul3A_306 : vector<16xf32>
      %swap3A_308 = arith.index_cast %add3A_298 : i32 to index
      %swap3A_309 = arith.constant 16 : index
      %swap3A_310 = tpu.vector_load %arg7[%swap3A_308, %swap3A_309] {strides = array<i32>} : memref<512x64xf32, #tpu.memory_space<vmem>>, vector<1x16xf32>,
      %swap3A_311 = vector.shape_cast %swap3A_310 : vector<1x16xf32> to vector<16xf32>
      %swap3A_312 = vector.shape_cast %mul3A_307 : vector<16xf32> to vector<1x16xf32>
      tpu.vector_store %arg7[%swap3A_308, %swap3A_309], %swap3A_312 {strides = array<i32>} : memref<512x64xf32, #tpu.memory_space<vmem>>, vector<1x16xf32>,
      %mul3A_313 = vector.broadcast %scan3A : f32 to vector<16xf32>
      %mul3A_314 = arith.mulf %scan3A_293#2, %mul3A_313 : vector<16xf32>
      %swap3A_315 = arith.index_cast %add3A_298 : i32 to index
      %swap3A_316 = arith.constant 32 : index
      %swap3A_317 = tpu.vector_load %arg7[%swap3A_315, %swap3A_316] {strides = array<i32>} : memref<512x64xf32, #tpu.memory_space<vmem>>, vector<1x16xf32>,
      %swap3A_318 = vector.shape_cast %swap3A_317 : vector<1x16xf32> to vector<16xf32>
      %swap3A_319 = vector.shape_cast %mul3A_314 : vector<16xf32> to vector<1x16xf32>
      tpu.vector_store %arg7[%swap3A_315, %swap3A_316], %swap3A_319 {strides = array<i32>} : memref<512x64xf32, #tpu.memory_space<vmem>>, vector<1x16xf32>,
      %mul3A_320 = vector.broadcast %scan3A : f32 to vector<16xf32>
      %mul3A_321 = arith.mulf %scan3A_293#3, %mul3A_320 : vector<16xf32>
      %swap3A_322 = arith.index_cast %add3A_298 : i32 to index
      %swap3A_323 = arith.constant 48 : index
      %swap3A_324 = tpu.vector_load %arg7[%swap3A_322, %swap3A_323] {strides = array<i32>} : memref<512x64xf32, #tpu.memory_space<vmem>>, vector<1x16xf32>,
      %swap3A_325 = vector.shape_cast %swap3A_324 : vector<1x16xf32> to vector<16xf32>
      %swap3A_326 = vector.shape_cast %mul3A_321 : vector<16xf32> to vector<1x16xf32>
      tpu.vector_store %arg7[%swap3A_322, %swap3A_323], %swap3A_326 {strides = array<i32>} : memref<512x64xf32, #tpu.memory_space<vmem>>, vector<1x16xf32>,
      %get3A_327 = arith.constant 1 : i32
      %get3A_328 = arith.constant 50 : i32
      %get3A_329 = arith.constant 0 : i32
      %get3A_330 = arith.constant 0 : i32
      %get3A_331 = tpu.memref_slice %arg6[%get3A_327, %get3A_329, %get3A_330] : memref<4x100x64xf32, #tpu.memory_space<vmem>> -> memref<1x100x64xf32, #tpu.memory_space<vmem>>
      %get3A_332 = tpu.memref_squeeze %get3A_331 : memref<1x100x64xf32, #tpu.memory_space<vmem>> -> memref<100x64xf32, #tpu.memory_space<vmem>>
      %get3A_333 = arith.index_cast %get3A_328 : i32 to index
      %get3A_334 = arith.constant 0 : index
      %get3A_335 = tpu.vector_load %get3A_332[%get3A_333, %get3A_334] {strides = array<i32>} : memref<100x64xf32, #tpu.memory_space<vmem>>, vector<1x16xf32>,
      %get3A_336 = vector.shape_cast %get3A_335 : vector<1x16xf32> to vector<16xf32>
      %get3A_337 = arith.constant 1 : i32
      %get3A_338 = arith.constant 50 : i32
      %get3A_339 = arith.constant 0 : i32
      %get3A_340 = arith.constant 0 : i32
      %get3A_341 = tpu.memref_slice %arg6[%get3A_337, %get3A_339, %get3A_340] : memref<4x100x64xf32, #tpu.memory_space<vmem>> -> memref<1x100x64xf32, #tpu.memory_space<vmem>>
      %get3A_342 = tpu.memref_squeeze %get3A_341 : memref<1x100x64xf32, #tpu.memory_space<vmem>> -> memref<100x64xf32, #tpu.memory_space<vmem>>
      %get3A_343 = arith.index_cast %get3A_338 : i32 to index
      %get3A_344 = arith.constant 16 : index
      %get3A_345 = tpu.vector_load %get3A_342[%get3A_343, %get3A_344] {strides = array<i32>} : memref<100x64xf32, #tpu.memory_space<vmem>>, vector<1x16xf32>,
      %get3A_346 = vector.shape_cast %get3A_345 : vector<1x16xf32> to vector<16xf32>
      %get3A_347 = arith.constant 1 : i32
      %get3A_348 = arith.constant 50 : i32
      %get3A_349 = arith.constant 0 : i32
      %get3A_350 = arith.constant 0 : i32
      %get3A_351 = tpu.memref_slice %arg6[%get3A_347, %get3A_349, %get3A_350] : memref<4x100x64xf32, #tpu.memory_space<vmem>> -> memref<1x100x64xf32, #tpu.memory_space<vmem>>
      %get3A_352 = tpu.memref_squeeze %get3A_351 : memref<1x100x64xf32, #tpu.memory_space<vmem>> -> memref<100x64xf32, #tpu.memory_space<vmem>>
      %get3A_353 = arith.index_cast %get3A_348 : i32 to index
      %get3A_354 = arith.constant 32 : index
      %get3A_355 = tpu.vector_load %get3A_352[%get3A_353, %get3A_354] {strides = array<i32>} : memref<100x64xf32, #tpu.memory_space<vmem>>, vector<1x16xf32>,
      %get3A_356 = vector.shape_cast %get3A_355 : vector<1x16xf32> to vector<16xf32>
      %get3A_357 = arith.constant 1 : i32
      %get3A_358 = arith.constant 50 : i32
      %get3A_359 = arith.constant 0 : i32
      %get3A_360 = arith.constant 0 : i32
      %get3A_361 = tpu.memref_slice %arg6[%get3A_357, %get3A_359, %get3A_360] : memref<4x100x64xf32, #tpu.memory_space<vmem>> -> memref<1x100x64xf32, #tpu.memory_space<vmem>>
      %get3A_362 = tpu.memref_squeeze %get3A_361 : memref<1x100x64xf32, #tpu.memory_space<vmem>> -> memref<100x64xf32, #tpu.memory_space<vmem>>
      %get3A_363 = arith.index_cast %get3A_358 : i32 to index
      %get3A_364 = arith.constant 48 : index
      %get3A_365 = tpu.vector_load %get3A_362[%get3A_363, %get3A_364] {strides = array<i32>} : memref<100x64xf32, #tpu.memory_space<vmem>>, vector<1x16xf32>,
      %get3A_366 = vector.shape_cast %get3A_365 : vector<1x16xf32> to vector<16xf32>
      %scan3A_367 = arith.constant 1 : i32
      %scan3A_368 = arith.constant 1 : i32
      %scan3A_369 = arith.constant 49 : i32
      %scan3A_370 = arith.addi %scan3A_368, %scan3A_369 : i32
      %scan3A_371 = arith.constant 7 : i32
      %scan3A_372:4 = scf.for %scan3A_773 = %scan3A_368 to %scan3A_370 step %scan3A_371 iter_args(%scan3A_774 = %get3A_336, %scan3A_775 = %get3A_346, %scan3A_776 = %get3A_356, %scan3A_777 = %get3A_366) -> (vector<16xf32>, vector<16xf32>, vector<16xf32>, vector<16xf32>)  : i32 {
        %add3A_778 = arith.constant 50 : i32
        %add3A_779 = arith.addi %add3A_778, %scan3A_773 : i32
        %get3A_780 = arith.constant 0 : i32
        %get3A_781 = arith.constant 0 : i32
        %get3A_782 = tpu.memref_slice %arg6[%scan3A_367, %get3A_780, %get3A_781] : memref<4x100x64xf32, #tpu.memory_space<vmem>> -> memref<1x100x64xf32, #tpu.memory_space<vmem>>
        %get3A_783 = tpu.memref_squeeze %get3A_782 : memref<1x100x64xf32, #tpu.memory_space<vmem>> -> memref<100x64xf32, #tpu.memory_space<vmem>>
        %get3A_784 = arith.index_cast %add3A_779 : i32 to index
        %get3A_785 = arith.constant 0 : index
        %get3A_786 = tpu.vector_load %get3A_783[%get3A_784, %get3A_785] {strides = array<i32>} : memref<100x64xf32, #tpu.memory_space<vmem>>, vector<1x16xf32>,
        %get3A_787 = vector.shape_cast %get3A_786 : vector<1x16xf32> to vector<16xf32>
        %add3A_788 = arith.addf %scan3A_774, %get3A_787 : vector<16xf32>
        %add3A_789 = arith.constant 50 : i32
        %add3A_790 = arith.addi %add3A_789, %scan3A_773 : i32
        %get3A_791 = arith.constant 0 : i32
        %get3A_792 = arith.constant 0 : i32
        %get3A_793 = tpu.memref_slice %arg6[%scan3A_367, %get3A_791, %get3A_792] : memref<4x100x64xf32, #tpu.memory_space<vmem>> -> memref<1x100x64xf32, #tpu.memory_space<vmem>>
        %get3A_794 = tpu.memref_squeeze %get3A_793 : memref<1x100x64xf32, #tpu.memory_space<vmem>> -> memref<100x64xf32, #tpu.memory_space<vmem>>
        %get3A_795 = arith.index_cast %add3A_790 : i32 to index
        %get3A_796 = arith.constant 16 : index
        %get3A_797 = tpu.vector_load %get3A_794[%get3A_795, %get3A_796] {strides = array<i32>} : memref<100x64xf32, #tpu.memory_space<vmem>>, vector<1x16xf32>,
        %get3A_798 = vector.shape_cast %get3A_797 : vector<1x16xf32> to vector<16xf32>
        %add3A_799 = arith.addf %scan3A_775, %get3A_798 : vector<16xf32>
        %add3A_800 = arith.constant 50 : i32
        %add3A_801 = arith.addi %add3A_800, %scan3A_773 : i32
        %get3A_802 = arith.constant 0 : i32
        %get3A_803 = arith.constant 0 : i32
        %get3A_804 = tpu.memref_slice %arg6[%scan3A_367, %get3A_802, %get3A_803] : memref<4x100x64xf32, #tpu.memory_space<vmem>> -> memref<1x100x64xf32, #tpu.memory_space<vmem>>
        %get3A_805 = tpu.memref_squeeze %get3A_804 : memref<1x100x64xf32, #tpu.memory_space<vmem>> -> memref<100x64xf32, #tpu.memory_space<vmem>>
        %get3A_806 = arith.index_cast %add3A_801 : i32 to index
        %get3A_807 = arith.constant 32 : index
        %get3A_808 = tpu.vector_load %get3A_805[%get3A_806, %get3A_807] {strides = array<i32>} : memref<100x64xf32, #tpu.memory_space<vmem>>, vector<1x16xf32>,
        %get3A_809 = vector.shape_cast %get3A_808 : vector<1x16xf32> to vector<16xf32>
        %add3A_810 = arith.addf %scan3A_776, %get3A_809 : vector<16xf32>
        %add3A_811 = arith.constant 50 : i32
        %add3A_812 = arith.addi %add3A_811, %scan3A_773 : i32
        %get3A_813 = arith.constant 0 : i32
        %get3A_814 = arith.constant 0 : i32
        %get3A_815 = tpu.memref_slice %arg6[%scan3A_367, %get3A_813, %get3A_814] : memref<4x100x64xf32, #tpu.memory_space<vmem>> -> memref<1x100x64xf32, #tpu.memory_space<vmem>>
        %get3A_816 = tpu.memref_squeeze %get3A_815 : memref<1x100x64xf32, #tpu.memory_space<vmem>> -> memref<100x64xf32, #tpu.memory_space<vmem>>
        %get3A_817 = arith.index_cast %add3A_812 : i32 to index
        %get3A_818 = arith.constant 48 : index
        %get3A_819 = tpu.vector_load %get3A_816[%get3A_817, %get3A_818] {strides = array<i32>} : memref<100x64xf32, #tpu.memory_space<vmem>>, vector<1x16xf32>,
        %get3A_820 = vector.shape_cast %get3A_819 : vector<1x16xf32> to vector<16xf32>
        %add3A_821 = arith.addf %scan3A_777, %get3A_820 : vector<16xf32>
        %scan3A_822 = arith.constant 1 : i32
        %scan3A_823 = arith.addi %scan3A_773, %scan3A_822 : i32
        %add3A_824 = arith.constant 50 : i32
        %add3A_825 = arith.addi %add3A_824, %scan3A_823 : i32
        %get3A_826 = arith.constant 0 : i32
        %get3A_827 = arith.constant 0 : i32
        %get3A_828 = tpu.memref_slice %arg6[%scan3A_367, %get3A_826, %get3A_827] : memref<4x100x64xf32, #tpu.memory_space<vmem>> -> memref<1x100x64xf32, #tpu.memory_space<vmem>>
        %get3A_829 = tpu.memref_squeeze %get3A_828 : memref<1x100x64xf32, #tpu.memory_space<vmem>> -> memref<100x64xf32, #tpu.memory_space<vmem>>
        %get3A_830 = arith.index_cast %add3A_825 : i32 to index
        %get3A_831 = arith.constant 0 : index
        %get3A_832 = tpu.vector_load %get3A_829[%get3A_830, %get3A_831] {strides = array<i32>} : memref<100x64xf32, #tpu.memory_space<vmem>>, vector<1x16xf32>,
        %get3A_833 = vector.shape_cast %get3A_832 : vector<1x16xf32> to vector<16xf32>
        %add3A_834 = arith.addf %add3A_788, %get3A_833 : vector<16xf32>
        %add3A_835 = arith.constant 50 : i32
        %add3A_836 = arith.addi %add3A_835, %scan3A_823 : i32
        %get3A_837 = arith.constant 0 : i32
        %get3A_838 = arith.constant 0 : i32
        %get3A_839 = tpu.memref_slice %arg6[%scan3A_367, %get3A_837, %get3A_838] : memref<4x100x64xf32, #tpu.memory_space<vmem>> -> memref<1x100x64xf32, #tpu.memory_space<vmem>>
        %get3A_840 = tpu.memref_squeeze %get3A_839 : memref<1x100x64xf32, #tpu.memory_space<vmem>> -> memref<100x64xf32, #tpu.memory_space<vmem>>
        %get3A_841 = arith.index_cast %add3A_836 : i32 to index
        %get3A_842 = arith.constant 16 : index
        %get3A_843 = tpu.vector_load %get3A_840[%get3A_841, %get3A_842] {strides = array<i32>} : memref<100x64xf32, #tpu.memory_space<vmem>>, vector<1x16xf32>,
        %get3A_844 = vector.shape_cast %get3A_843 : vector<1x16xf32> to vector<16xf32>
        %add3A_845 = arith.addf %add3A_799, %get3A_844 : vector<16xf32>
        %add3A_846 = arith.constant 50 : i32
        %add3A_847 = arith.addi %add3A_846, %scan3A_823 : i32
        %get3A_848 = arith.constant 0 : i32
        %get3A_849 = arith.constant 0 : i32
        %get3A_850 = tpu.memref_slice %arg6[%scan3A_367, %get3A_848, %get3A_849] : memref<4x100x64xf32, #tpu.memory_space<vmem>> -> memref<1x100x64xf32, #tpu.memory_space<vmem>>
        %get3A_851 = tpu.memref_squeeze %get3A_850 : memref<1x100x64xf32, #tpu.memory_space<vmem>> -> memref<100x64xf32, #tpu.memory_space<vmem>>
        %get3A_852 = arith.index_cast %add3A_847 : i32 to index
        %get3A_853 = arith.constant 32 : index
        %get3A_854 = tpu.vector_load %get3A_851[%get3A_852, %get3A_853] {strides = array<i32>} : memref<100x64xf32, #tpu.memory_space<vmem>>, vector<1x16xf32>,
        %get3A_855 = vector.shape_cast %get3A_854 : vector<1x16xf32> to vector<16xf32>
        %add3A_856 = arith.addf %add3A_810, %get3A_855 : vector<16xf32>
        %add3A_857 = arith.constant 50 : i32
        %add3A_858 = arith.addi %add3A_857, %scan3A_823 : i32
        %get3A_859 = arith.constant 0 : i32
        %get3A_860 = arith.constant 0 : i32
        %get3A_861 = tpu.memref_slice %arg6[%scan3A_367, %get3A_859, %get3A_860] : memref<4x100x64xf32, #tpu.memory_space<vmem>> -> memref<1x100x64xf32, #tpu.memory_space<vmem>>
        %get3A_862 = tpu.memref_squeeze %get3A_861 : memref<1x100x64xf32, #tpu.memory_space<vmem>> -> memref<100x64xf32, #tpu.memory_space<vmem>>
        %get3A_863 = arith.index_cast %add3A_858 : i32 to index
        %get3A_864 = arith.constant 48 : index
        %get3A_865 = tpu.vector_load %get3A_862[%get3A_863, %get3A_864] {strides = array<i32>} : memref<100x64xf32, #tpu.memory_space<vmem>>, vector<1x16xf32>,
        %get3A_866 = vector.shape_cast %get3A_865 : vector<1x16xf32> to vector<16xf32>
        %add3A_867 = arith.addf %add3A_821, %get3A_866 : vector<16xf32>
        %scan3A_868 = arith.constant 2 : i32
        %scan3A_869 = arith.addi %scan3A_773, %scan3A_868 : i32
        %add3A_870 = arith.constant 50 : i32
        %add3A_871 = arith.addi %add3A_870, %scan3A_869 : i32
        %get3A_872 = arith.constant 0 : i32
        %get3A_873 = arith.constant 0 : i32
        %get3A_874 = tpu.memref_slice %arg6[%scan3A_367, %get3A_872, %get3A_873] : memref<4x100x64xf32, #tpu.memory_space<vmem>> -> memref<1x100x64xf32, #tpu.memory_space<vmem>>
        %get3A_875 = tpu.memref_squeeze %get3A_874 : memref<1x100x64xf32, #tpu.memory_space<vmem>> -> memref<100x64xf32, #tpu.memory_space<vmem>>
        %get3A_876 = arith.index_cast %add3A_871 : i32 to index
        %get3A_877 = arith.constant 0 : index
        %get3A_878 = tpu.vector_load %get3A_875[%get3A_876, %get3A_877] {strides = array<i32>} : memref<100x64xf32, #tpu.memory_space<vmem>>, vector<1x16xf32>,
        %get3A_879 = vector.shape_cast %get3A_878 : vector<1x16xf32> to vector<16xf32>
        %add3A_880 = arith.addf %add3A_834, %get3A_879 : vector<16xf32>
        %add3A_881 = arith.constant 50 : i32
        %add3A_882 = arith.addi %add3A_881, %scan3A_869 : i32
        %get3A_883 = arith.constant 0 : i32
        %get3A_884 = arith.constant 0 : i32
        %get3A_885 = tpu.memref_slice %arg6[%scan3A_367, %get3A_883, %get3A_884] : memref<4x100x64xf32, #tpu.memory_space<vmem>> -> memref<1x100x64xf32, #tpu.memory_space<vmem>>
        %get3A_886 = tpu.memref_squeeze %get3A_885 : memref<1x100x64xf32, #tpu.memory_space<vmem>> -> memref<100x64xf32, #tpu.memory_space<vmem>>
        %get3A_887 = arith.index_cast %add3A_882 : i32 to index
        %get3A_888 = arith.constant 16 : index
        %get3A_889 = tpu.vector_load %get3A_886[%get3A_887, %get3A_888] {strides = array<i32>} : memref<100x64xf32, #tpu.memory_space<vmem>>, vector<1x16xf32>,
        %get3A_890 = vector.shape_cast %get3A_889 : vector<1x16xf32> to vector<16xf32>
        %add3A_891 = arith.addf %add3A_845, %get3A_890 : vector<16xf32>
        %add3A_892 = arith.constant 50 : i32
        %add3A_893 = arith.addi %add3A_892, %scan3A_869 : i32
        %get3A_894 = arith.constant 0 : i32
        %get3A_895 = arith.constant 0 : i32
        %get3A_896 = tpu.memref_slice %arg6[%scan3A_367, %get3A_894, %get3A_895] : memref<4x100x64xf32, #tpu.memory_space<vmem>> -> memref<1x100x64xf32, #tpu.memory_space<vmem>>
        %get3A_897 = tpu.memref_squeeze %get3A_896 : memref<1x100x64xf32, #tpu.memory_space<vmem>> -> memref<100x64xf32, #tpu.memory_space<vmem>>
        %get3A_898 = arith.index_cast %add3A_893 : i32 to index
        %get3A_899 = arith.constant 32 : index
        %get3A_900 = tpu.vector_load %get3A_897[%get3A_898, %get3A_899] {strides = array<i32>} : memref<100x64xf32, #tpu.memory_space<vmem>>, vector<1x16xf32>,
        %get3A_901 = vector.shape_cast %get3A_900 : vector<1x16xf32> to vector<16xf32>
        %add3A_902 = arith.addf %add3A_856, %get3A_901 : vector<16xf32>
        %add3A_903 = arith.constant 50 : i32
        %add3A_904 = arith.addi %add3A_903, %scan3A_869 : i32
        %get3A_905 = arith.constant 0 : i32
        %get3A_906 = arith.constant 0 : i32
        %get3A_907 = tpu.memref_slice %arg6[%scan3A_367, %get3A_905, %get3A_906] : memref<4x100x64xf32, #tpu.memory_space<vmem>> -> memref<1x100x64xf32, #tpu.memory_space<vmem>>
        %get3A_908 = tpu.memref_squeeze %get3A_907 : memref<1x100x64xf32, #tpu.memory_space<vmem>> -> memref<100x64xf32, #tpu.memory_space<vmem>>
        %get3A_909 = arith.index_cast %add3A_904 : i32 to index
        %get3A_910 = arith.constant 48 : index
        %get3A_911 = tpu.vector_load %get3A_908[%get3A_909, %get3A_910] {strides = array<i32>} : memref<100x64xf32, #tpu.memory_space<vmem>>, vector<1x16xf32>,
        %get3A_912 = vector.shape_cast %get3A_911 : vector<1x16xf32> to vector<16xf32>
        %add3A_913 = arith.addf %add3A_867, %get3A_912 : vector<16xf32>
        %scan3A_914 = arith.constant 3 : i32
        %scan3A_915 = arith.addi %scan3A_773, %scan3A_914 : i32
        %add3A_916 = arith.constant 50 : i32
        %add3A_917 = arith.addi %add3A_916, %scan3A_915 : i32
        %get3A_918 = arith.constant 0 : i32
        %get3A_919 = arith.constant 0 : i32
        %get3A_920 = tpu.memref_slice %arg6[%scan3A_367, %get3A_918, %get3A_919] : memref<4x100x64xf32, #tpu.memory_space<vmem>> -> memref<1x100x64xf32, #tpu.memory_space<vmem>>
        %get3A_921 = tpu.memref_squeeze %get3A_920 : memref<1x100x64xf32, #tpu.memory_space<vmem>> -> memref<100x64xf32, #tpu.memory_space<vmem>>
        %get3A_922 = arith.index_cast %add3A_917 : i32 to index
        %get3A_923 = arith.constant 0 : index
        %get3A_924 = tpu.vector_load %get3A_921[%get3A_922, %get3A_923] {strides = array<i32>} : memref<100x64xf32, #tpu.memory_space<vmem>>, vector<1x16xf32>,
        %get3A_925 = vector.shape_cast %get3A_924 : vector<1x16xf32> to vector<16xf32>
        %add3A_926 = arith.addf %add3A_880, %get3A_925 : vector<16xf32>
        %add3A_927 = arith.constant 50 : i32
        %add3A_928 = arith.addi %add3A_927, %scan3A_915 : i32
        %get3A_929 = arith.constant 0 : i32
        %get3A_930 = arith.constant 0 : i32
        %get3A_931 = tpu.memref_slice %arg6[%scan3A_367, %get3A_929, %get3A_930] : memref<4x100x64xf32, #tpu.memory_space<vmem>> -> memref<1x100x64xf32, #tpu.memory_space<vmem>>
        %get3A_932 = tpu.memref_squeeze %get3A_931 : memref<1x100x64xf32, #tpu.memory_space<vmem>> -> memref<100x64xf32, #tpu.memory_space<vmem>>
        %get3A_933 = arith.index_cast %add3A_928 : i32 to index
        %get3A_934 = arith.constant 16 : index
        %get3A_935 = tpu.vector_load %get3A_932[%get3A_933, %get3A_934] {strides = array<i32>} : memref<100x64xf32, #tpu.memory_space<vmem>>, vector<1x16xf32>,
        %get3A_936 = vector.shape_cast %get3A_935 : vector<1x16xf32> to vector<16xf32>
        %add3A_937 = arith.addf %add3A_891, %get3A_936 : vector<16xf32>
        %add3A_938 = arith.constant 50 : i32
        %add3A_939 = arith.addi %add3A_938, %scan3A_915 : i32
        %get3A_940 = arith.constant 0 : i32
        %get3A_941 = arith.constant 0 : i32
        %get3A_942 = tpu.memref_slice %arg6[%scan3A_367, %get3A_940, %get3A_941] : memref<4x100x64xf32, #tpu.memory_space<vmem>> -> memref<1x100x64xf32, #tpu.memory_space<vmem>>
        %get3A_943 = tpu.memref_squeeze %get3A_942 : memref<1x100x64xf32, #tpu.memory_space<vmem>> -> memref<100x64xf32, #tpu.memory_space<vmem>>
        %get3A_944 = arith.index_cast %add3A_939 : i32 to index
        %get3A_945 = arith.constant 32 : index
        %get3A_946 = tpu.vector_load %get3A_943[%get3A_944, %get3A_945] {strides = array<i32>} : memref<100x64xf32, #tpu.memory_space<vmem>>, vector<1x16xf32>,
        %get3A_947 = vector.shape_cast %get3A_946 : vector<1x16xf32> to vector<16xf32>
        %add3A_948 = arith.addf %add3A_902, %get3A_947 : vector<16xf32>
        %add3A_949 = arith.constant 50 : i32
        %add3A_950 = arith.addi %add3A_949, %scan3A_915 : i32
        %get3A_951 = arith.constant 0 : i32
        %get3A_952 = arith.constant 0 : i32
        %get3A_953 = tpu.memref_slice %arg6[%scan3A_367, %get3A_951, %get3A_952] : memref<4x100x64xf32, #tpu.memory_space<vmem>> -> memref<1x100x64xf32, #tpu.memory_space<vmem>>
        %get3A_954 = tpu.memref_squeeze %get3A_953 : memref<1x100x64xf32, #tpu.memory_space<vmem>> -> memref<100x64xf32, #tpu.memory_space<vmem>>
        %get3A_955 = arith.index_cast %add3A_950 : i32 to index
        %get3A_956 = arith.constant 48 : index
        %get3A_957 = tpu.vector_load %get3A_954[%get3A_955, %get3A_956] {strides = array<i32>} : memref<100x64xf32, #tpu.memory_space<vmem>>, vector<1x16xf32>,
        %get3A_958 = vector.shape_cast %get3A_957 : vector<1x16xf32> to vector<16xf32>
        %add3A_959 = arith.addf %add3A_913, %get3A_958 : vector<16xf32>
        %scan3A_960 = arith.constant 4 : i32
        %scan3A_961 = arith.addi %scan3A_773, %scan3A_960 : i32
        %add3A_962 = arith.constant 50 : i32
        %add3A_963 = arith.addi %add3A_962, %scan3A_961 : i32
        %get3A_964 = arith.constant 0 : i32
        %get3A_965 = arith.constant 0 : i32
        %get3A_966 = tpu.memref_slice %arg6[%scan3A_367, %get3A_964, %get3A_965] : memref<4x100x64xf32, #tpu.memory_space<vmem>> -> memref<1x100x64xf32, #tpu.memory_space<vmem>>
        %get3A_967 = tpu.memref_squeeze %get3A_966 : memref<1x100x64xf32, #tpu.memory_space<vmem>> -> memref<100x64xf32, #tpu.memory_space<vmem>>
        %get3A_968 = arith.index_cast %add3A_963 : i32 to index
        %get3A_969 = arith.constant 0 : index
        %get3A_970 = tpu.vector_load %get3A_967[%get3A_968, %get3A_969] {strides = array<i32>} : memref<100x64xf32, #tpu.memory_space<vmem>>, vector<1x16xf32>,
        %get3A_971 = vector.shape_cast %get3A_970 : vector<1x16xf32> to vector<16xf32>
        %add3A_972 = arith.addf %add3A_926, %get3A_971 : vector<16xf32>
        %add3A_973 = arith.constant 50 : i32
        %add3A_974 = arith.addi %add3A_973, %scan3A_961 : i32
        %get3A_975 = arith.constant 0 : i32
        %get3A_976 = arith.constant 0 : i32
        %get3A_977 = tpu.memref_slice %arg6[%scan3A_367, %get3A_975, %get3A_976] : memref<4x100x64xf32, #tpu.memory_space<vmem>> -> memref<1x100x64xf32, #tpu.memory_space<vmem>>
        %get3A_978 = tpu.memref_squeeze %get3A_977 : memref<1x100x64xf32, #tpu.memory_space<vmem>> -> memref<100x64xf32, #tpu.memory_space<vmem>>
        %get3A_979 = arith.index_cast %add3A_974 : i32 to index
        %get3A_980 = arith.constant 16 : index
        %get3A_981 = tpu.vector_load %get3A_978[%get3A_979, %get3A_980] {strides = array<i32>} : memref<100x64xf32, #tpu.memory_space<vmem>>, vector<1x16xf32>,
        %get3A_982 = vector.shape_cast %get3A_981 : vector<1x16xf32> to vector<16xf32>
        %add3A_983 = arith.addf %add3A_937, %get3A_982 : vector<16xf32>
        %add3A_984 = arith.constant 50 : i32
        %add3A_985 = arith.addi %add3A_984, %scan3A_961 : i32
        %get3A_986 = arith.constant 0 : i32
        %get3A_987 = arith.constant 0 : i32
        %get3A_988 = tpu.memref_slice %arg6[%scan3A_367, %get3A_986, %get3A_987] : memref<4x100x64xf32, #tpu.memory_space<vmem>> -> memref<1x100x64xf32, #tpu.memory_space<vmem>>
        %get3A_989 = tpu.memref_squeeze %get3A_988 : memref<1x100x64xf32, #tpu.memory_space<vmem>> -> memref<100x64xf32, #tpu.memory_space<vmem>>
        %get3A_990 = arith.index_cast %add3A_985 : i32 to index
        %get3A_991 = arith.constant 32 : index
        %get3A_992 = tpu.vector_load %get3A_989[%get3A_990, %get3A_991] {strides = array<i32>} : memref<100x64xf32, #tpu.memory_space<vmem>>, vector<1x16xf32>,
        %get3A_993 = vector.shape_cast %get3A_992 : vector<1x16xf32> to vector<16xf32>
        %add3A_994 = arith.addf %add3A_948, %get3A_993 : vector<16xf32>
        %add3A_995 = arith.constant 50 : i32
        %add3A_996 = arith.addi %add3A_995, %scan3A_961 : i32
        %get3A_997 = arith.constant 0 : i32
        %get3A_998 = arith.constant 0 : i32
        %get3A_999 = tpu.memref_slice %arg6[%scan3A_367, %get3A_997, %get3A_998] : memref<4x100x64xf32, #tpu.memory_space<vmem>> -> memref<1x100x64xf32, #tpu.memory_space<vmem>>
        %get3A_1000 = tpu.memref_squeeze %get3A_999 : memref<1x100x64xf32, #tpu.memory_space<vmem>> -> memref<100x64xf32, #tpu.memory_space<vmem>>
        %get3A_1001 = arith.index_cast %add3A_996 : i32 to index
        %get3A_1002 = arith.constant 48 : index
        %get3A_1003 = tpu.vector_load %get3A_1000[%get3A_1001, %get3A_1002] {strides = array<i32>} : memref<100x64xf32, #tpu.memory_space<vmem>>, vector<1x16xf32>,
        %get3A_1004 = vector.shape_cast %get3A_1003 : vector<1x16xf32> to vector<16xf32>
        %add3A_1005 = arith.addf %add3A_959, %get3A_1004 : vector<16xf32>
        %scan3A_1006 = arith.constant 5 : i32
        %scan3A_1007 = arith.addi %scan3A_773, %scan3A_1006 : i32
        %add3A_1008 = arith.constant 50 : i32
        %add3A_1009 = arith.addi %add3A_1008, %scan3A_1007 : i32
        %get3A_1010 = arith.constant 0 : i32
        %get3A_1011 = arith.constant 0 : i32
        %get3A_1012 = tpu.memref_slice %arg6[%scan3A_367, %get3A_1010, %get3A_1011] : memref<4x100x64xf32, #tpu.memory_space<vmem>> -> memref<1x100x64xf32, #tpu.memory_space<vmem>>
        %get3A_1013 = tpu.memref_squeeze %get3A_1012 : memref<1x100x64xf32, #tpu.memory_space<vmem>> -> memref<100x64xf32, #tpu.memory_space<vmem>>
        %get3A_1014 = arith.index_cast %add3A_1009 : i32 to index
        %get3A_1015 = arith.constant 0 : index
        %get3A_1016 = tpu.vector_load %get3A_1013[%get3A_1014, %get3A_1015] {strides = array<i32>} : memref<100x64xf32, #tpu.memory_space<vmem>>, vector<1x16xf32>,
        %get3A_1017 = vector.shape_cast %get3A_1016 : vector<1x16xf32> to vector<16xf32>
        %add3A_1018 = arith.addf %add3A_972, %get3A_1017 : vector<16xf32>
        %add3A_1019 = arith.constant 50 : i32
        %add3A_1020 = arith.addi %add3A_1019, %scan3A_1007 : i32
        %get3A_1021 = arith.constant 0 : i32
        %get3A_1022 = arith.constant 0 : i32
        %get3A_1023 = tpu.memref_slice %arg6[%scan3A_367, %get3A_1021, %get3A_1022] : memref<4x100x64xf32, #tpu.memory_space<vmem>> -> memref<1x100x64xf32, #tpu.memory_space<vmem>>
        %get3A_1024 = tpu.memref_squeeze %get3A_1023 : memref<1x100x64xf32, #tpu.memory_space<vmem>> -> memref<100x64xf32, #tpu.memory_space<vmem>>
        %get3A_1025 = arith.index_cast %add3A_1020 : i32 to index
        %get3A_1026 = arith.constant 16 : index
        %get3A_1027 = tpu.vector_load %get3A_1024[%get3A_1025, %get3A_1026] {strides = array<i32>} : memref<100x64xf32, #tpu.memory_space<vmem>>, vector<1x16xf32>,
        %get3A_1028 = vector.shape_cast %get3A_1027 : vector<1x16xf32> to vector<16xf32>
        %add3A_1029 = arith.addf %add3A_983, %get3A_1028 : vector<16xf32>
        %add3A_1030 = arith.constant 50 : i32
        %add3A_1031 = arith.addi %add3A_1030, %scan3A_1007 : i32
        %get3A_1032 = arith.constant 0 : i32
        %get3A_1033 = arith.constant 0 : i32
        %get3A_1034 = tpu.memref_slice %arg6[%scan3A_367, %get3A_1032, %get3A_1033] : memref<4x100x64xf32, #tpu.memory_space<vmem>> -> memref<1x100x64xf32, #tpu.memory_space<vmem>>
        %get3A_1035 = tpu.memref_squeeze %get3A_1034 : memref<1x100x64xf32, #tpu.memory_space<vmem>> -> memref<100x64xf32, #tpu.memory_space<vmem>>
        %get3A_1036 = arith.index_cast %add3A_1031 : i32 to index
        %get3A_1037 = arith.constant 32 : index
        %get3A_1038 = tpu.vector_load %get3A_1035[%get3A_1036, %get3A_1037] {strides = array<i32>} : memref<100x64xf32, #tpu.memory_space<vmem>>, vector<1x16xf32>,
        %get3A_1039 = vector.shape_cast %get3A_1038 : vector<1x16xf32> to vector<16xf32>
        %add3A_1040 = arith.addf %add3A_994, %get3A_1039 : vector<16xf32>
        %add3A_1041 = arith.constant 50 : i32
        %add3A_1042 = arith.addi %add3A_1041, %scan3A_1007 : i32
        %get3A_1043 = arith.constant 0 : i32
        %get3A_1044 = arith.constant 0 : i32
        %get3A_1045 = tpu.memref_slice %arg6[%scan3A_367, %get3A_1043, %get3A_1044] : memref<4x100x64xf32, #tpu.memory_space<vmem>> -> memref<1x100x64xf32, #tpu.memory_space<vmem>>
        %get3A_1046 = tpu.memref_squeeze %get3A_1045 : memref<1x100x64xf32, #tpu.memory_space<vmem>> -> memref<100x64xf32, #tpu.memory_space<vmem>>
        %get3A_1047 = arith.index_cast %add3A_1042 : i32 to index
        %get3A_1048 = arith.constant 48 : index
        %get3A_1049 = tpu.vector_load %get3A_1046[%get3A_1047, %get3A_1048] {strides = array<i32>} : memref<100x64xf32, #tpu.memory_space<vmem>>, vector<1x16xf32>,
        %get3A_1050 = vector.shape_cast %get3A_1049 : vector<1x16xf32> to vector<16xf32>
        %add3A_1051 = arith.addf %add3A_1005, %get3A_1050 : vector<16xf32>
        %scan3A_1052 = arith.constant 6 : i32
        %scan3A_1053 = arith.addi %scan3A_773, %scan3A_1052 : i32
        %add3A_1054 = arith.constant 50 : i32
        %add3A_1055 = arith.addi %add3A_1054, %scan3A_1053 : i32
        %get3A_1056 = arith.constant 0 : i32
        %get3A_1057 = arith.constant 0 : i32
        %get3A_1058 = tpu.memref_slice %arg6[%scan3A_367, %get3A_1056, %get3A_1057] : memref<4x100x64xf32, #tpu.memory_space<vmem>> -> memref<1x100x64xf32, #tpu.memory_space<vmem>>
        %get3A_1059 = tpu.memref_squeeze %get3A_1058 : memref<1x100x64xf32, #tpu.memory_space<vmem>> -> memref<100x64xf32, #tpu.memory_space<vmem>>
        %get3A_1060 = arith.index_cast %add3A_1055 : i32 to index
        %get3A_1061 = arith.constant 0 : index
        %get3A_1062 = tpu.vector_load %get3A_1059[%get3A_1060, %get3A_1061] {strides = array<i32>} : memref<100x64xf32, #tpu.memory_space<vmem>>, vector<1x16xf32>,
        %get3A_1063 = vector.shape_cast %get3A_1062 : vector<1x16xf32> to vector<16xf32>
        %add3A_1064 = arith.addf %add3A_1018, %get3A_1063 : vector<16xf32>
        %add3A_1065 = arith.constant 50 : i32
        %add3A_1066 = arith.addi %add3A_1065, %scan3A_1053 : i32
        %get3A_1067 = arith.constant 0 : i32
        %get3A_1068 = arith.constant 0 : i32
        %get3A_1069 = tpu.memref_slice %arg6[%scan3A_367, %get3A_1067, %get3A_1068] : memref<4x100x64xf32, #tpu.memory_space<vmem>> -> memref<1x100x64xf32, #tpu.memory_space<vmem>>
        %get3A_1070 = tpu.memref_squeeze %get3A_1069 : memref<1x100x64xf32, #tpu.memory_space<vmem>> -> memref<100x64xf32, #tpu.memory_space<vmem>>
        %get3A_1071 = arith.index_cast %add3A_1066 : i32 to index
        %get3A_1072 = arith.constant 16 : index
        %get3A_1073 = tpu.vector_load %get3A_1070[%get3A_1071, %get3A_1072] {strides = array<i32>} : memref<100x64xf32, #tpu.memory_space<vmem>>, vector<1x16xf32>,
        %get3A_1074 = vector.shape_cast %get3A_1073 : vector<1x16xf32> to vector<16xf32>
        %add3A_1075 = arith.addf %add3A_1029, %get3A_1074 : vector<16xf32>
        %add3A_1076 = arith.constant 50 : i32
        %add3A_1077 = arith.addi %add3A_1076, %scan3A_1053 : i32
        %get3A_1078 = arith.constant 0 : i32
        %get3A_1079 = arith.constant 0 : i32
        %get3A_1080 = tpu.memref_slice %arg6[%scan3A_367, %get3A_1078, %get3A_1079] : memref<4x100x64xf32, #tpu.memory_space<vmem>> -> memref<1x100x64xf32, #tpu.memory_space<vmem>>
        %get3A_1081 = tpu.memref_squeeze %get3A_1080 : memref<1x100x64xf32, #tpu.memory_space<vmem>> -> memref<100x64xf32, #tpu.memory_space<vmem>>
        %get3A_1082 = arith.index_cast %add3A_1077 : i32 to index
        %get3A_1083 = arith.constant 32 : index
        %get3A_1084 = tpu.vector_load %get3A_1081[%get3A_1082, %get3A_1083] {strides = array<i32>} : memref<100x64xf32, #tpu.memory_space<vmem>>, vector<1x16xf32>,
        %get3A_1085 = vector.shape_cast %get3A_1084 : vector<1x16xf32> to vector<16xf32>
        %add3A_1086 = arith.addf %add3A_1040, %get3A_1085 : vector<16xf32>
        %add3A_1087 = arith.constant 50 : i32
        %add3A_1088 = arith.addi %add3A_1087, %scan3A_1053 : i32
        %get3A_1089 = arith.constant 0 : i32
        %get3A_1090 = arith.constant 0 : i32
        %get3A_1091 = tpu.memref_slice %arg6[%scan3A_367, %get3A_1089, %get3A_1090] : memref<4x100x64xf32, #tpu.memory_space<vmem>> -> memref<1x100x64xf32, #tpu.memory_space<vmem>>
        %get3A_1092 = tpu.memref_squeeze %get3A_1091 : memref<1x100x64xf32, #tpu.memory_space<vmem>> -> memref<100x64xf32, #tpu.memory_space<vmem>>
        %get3A_1093 = arith.index_cast %add3A_1088 : i32 to index
        %get3A_1094 = arith.constant 48 : index
        %get3A_1095 = tpu.vector_load %get3A_1092[%get3A_1093, %get3A_1094] {strides = array<i32>} : memref<100x64xf32, #tpu.memory_space<vmem>>, vector<1x16xf32>,
        %get3A_1096 = vector.shape_cast %get3A_1095 : vector<1x16xf32> to vector<16xf32>
        %add3A_1097 = arith.addf %add3A_1051, %get3A_1096 : vector<16xf32>
        scf.yield %add3A_1064, %add3A_1075, %add3A_1086, %add3A_1097 : vector<16xf32>, vector<16xf32>, vector<16xf32>, vector<16xf32>
      }
      %scan3A_373 = arith.constant 49 : i32
      %mul3A_374 = arith.constant 2 : i32
      %mul3A_375 = arith.muli %add3A_234, %mul3A_374 : i32
      %add3A_376 = arith.constant 1 : i32
      %add3A_377 = arith.addi %mul3A_375, %add3A_376 : i32
      %mul3A_378 = vector.broadcast %scan3A : f32 to vector<16xf32>
      %mul3A_379 = arith.mulf %scan3A_372#0, %mul3A_378 : vector<16xf32>
      %swap3A_380 = arith.index_cast %add3A_377 : i32 to index
      %swap3A_381 = arith.constant 0 : index
      %swap3A_382 = tpu.vector_load %arg7[%swap3A_380, %swap3A_381] {strides = array<i32>} : memref<512x64xf32, #tpu.memory_space<vmem>>, vector<1x16xf32>,
      %swap3A_383 = vector.shape_cast %swap3A_382 : vector<1x16xf32> to vector<16xf32>
      %swap3A_384 = vector.shape_cast %mul3A_379 : vector<16xf32> to vector<1x16xf32>
      tpu.vector_store %arg7[%swap3A_380, %swap3A_381], %swap3A_384 {strides = array<i32>} : memref<512x64xf32, #tpu.memory_space<vmem>>, vector<1x16xf32>,
      %mul3A_385 = vector.broadcast %scan3A : f32 to vector<16xf32>
      %mul3A_386 = arith.mulf %scan3A_372#1, %mul3A_385 : vector<16xf32>
      %swap3A_387 = arith.index_cast %add3A_377 : i32 to index
      %swap3A_388 = arith.constant 16 : index
      %swap3A_389 = tpu.vector_load %arg7[%swap3A_387, %swap3A_388] {strides = array<i32>} : memref<512x64xf32, #tpu.memory_space<vmem>>, vector<1x16xf32>,
      %swap3A_390 = vector.shape_cast %swap3A_389 : vector<1x16xf32> to vector<16xf32>
      %swap3A_391 = vector.shape_cast %mul3A_386 : vector<16xf32> to vector<1x16xf32>
      tpu.vector_store %arg7[%swap3A_387, %swap3A_388], %swap3A_391 {strides = array<i32>} : memref<512x64xf32, #tpu.memory_space<vmem>>, vector<1x16xf32>,
      %mul3A_392 = vector.broadcast %scan3A : f32 to vector<16xf32>
      %mul3A_393 = arith.mulf %scan3A_372#2, %mul3A_392 : vector<16xf32>
      %swap3A_394 = arith.index_cast %add3A_377 : i32 to index
      %swap3A_395 = arith.constant 32 : index
      %swap3A_396 = tpu.vector_load %arg7[%swap3A_394, %swap3A_395] {strides = array<i32>} : memref<512x64xf32, #tpu.memory_space<vmem>>, vector<1x16xf32>,
      %swap3A_397 = vector.shape_cast %swap3A_396 : vector<1x16xf32> to vector<16xf32>
      %swap3A_398 = vector.shape_cast %mul3A_393 : vector<16xf32> to vector<1x16xf32>
      tpu.vector_store %arg7[%swap3A_394, %swap3A_395], %swap3A_398 {strides = array<i32>} : memref<512x64xf32, #tpu.memory_space<vmem>>, vector<1x16xf32>,
      %mul3A_399 = vector.broadcast %scan3A : f32 to vector<16xf32>
      %mul3A_400 = arith.mulf %scan3A_372#3, %mul3A_399 : vector<16xf32>
      %swap3A_401 = arith.index_cast %add3A_377 : i32 to index
      %swap3A_402 = arith.constant 48 : index
      %swap3A_403 = tpu.vector_load %arg7[%swap3A_401, %swap3A_402] {strides = array<i32>} : memref<512x64xf32, #tpu.memory_space<vmem>>, vector<1x16xf32>,
      %swap3A_404 = vector.shape_cast %swap3A_403 : vector<1x16xf32> to vector<16xf32>
      %swap3A_405 = vector.shape_cast %mul3A_400 : vector<16xf32> to vector<1x16xf32>
      tpu.vector_store %arg7[%swap3A_401, %swap3A_402], %swap3A_405 {strides = array<i32>} : memref<512x64xf32, #tpu.memory_space<vmem>>, vector<1x16xf32>,
      %add3A_406 = arith.constant 4 : i32
      %add3A_407 = arith.addi %add3A_234, %add3A_406 : i32
      %lt3A_408 = arith.constant 256 : i32
      %lt3A_409 = arith.cmpi slt, %add3A_407, %lt3A_408 : i32
      %convert_element_type3A_410 = arith.extui %lt3A_409 : i1 to i32
      %cond3A_411 = arith.constant 0 : i32
      %cond3A_412 = arith.cmpi ne, %convert_element_type3A_410, %cond3A_411 : i32
      scf.if %cond3A_412 {
        %min3A_773 = arith.constant 255 : i32
        %min3A_774 = arith.minsi %add3A_407, %min3A_773 : i32
        %dma_start3A_775 = arith.constant 1 : i32
        %dma_start3A_776 = arith.constant 0 : i32
        %dma_start3A_777 = arith.constant 0 : i32
        %dma_start3A_778 = tpu.memref_slice %arg6[%dma_start3A_775, %dma_start3A_776, %dma_start3A_777] : memref<4x100x64xf32, #tpu.memory_space<vmem>> -> memref<1x100x64xf32, #tpu.memory_space<vmem>>
        %dma_start3A_779 = tpu.memref_squeeze %dma_start3A_778 : memref<1x100x64xf32, #tpu.memory_space<vmem>> -> memref<100x64xf32, #tpu.memory_space<vmem>>
        %dma_start3A_780 = arith.constant 0 : i32
        %dma_start3A_781 = tpu.memref_slice %arg5[%min3A_774, %dma_start3A_780] : memref<256x100xi32, #tpu.memory_space<vmem>> -> memref<1x100xi32, #tpu.memory_space<vmem>>
        %dma_start3A_782 = tpu.memref_squeeze %dma_start3A_781 : memref<1x100xi32, #tpu.memory_space<vmem>> -> memref<100xi32, #tpu.memory_space<vmem>>
        %dma_start3A_783 = arith.constant 0 : i32
        %dma_start3A_784 = arith.constant 0 : i32
        %dma_start3A_785 = tpu.memref_slice %arg3[%dma_start3A_783, %dma_start3A_784] : memref<1000000x64xf32, #tpu.memory_space<hbm>> -> memref<1000000x64xf32, #tpu.memory_space<hbm>>
        tpu.enqueue_indirect_dma source(%dma_start3A_785 : memref<1000000x64xf32, #tpu.memory_space<hbm>>) target(%dma_start3A_779 : memref<100x64xf32, #tpu.memory_space<vmem>>) offsets(%dma_start3A_782 : memref<100xi32, #tpu.memory_space<vmem>>) semaphore(%arg9 : memref<!tpu.dma_semaphore, #tpu.memory_space<semaphore_mem>>)
      } else {
      }
      %add3A_413 = arith.constant 2 : i32
      %add3A_414 = arith.addi %add3A_59, %add3A_413 : i32
      %min3A_415 = arith.constant 255 : i32
      %min3A_416 = arith.minsi %add3A_414, %min3A_415 : i32
      %dma_wait3A_417 = arith.constant 2 : i32
      %dma_wait3A_418 = arith.constant 0 : i32
      %dma_wait3A_419 = arith.constant 0 : i32
      %dma_wait3A_420 = tpu.memref_slice %arg6[%dma_wait3A_417, %dma_wait3A_418, %dma_wait3A_419] : memref<4x100x64xf32, #tpu.memory_space<vmem>> -> memref<1x100x64xf32, #tpu.memory_space<vmem>>
      %dma_wait3A_421 = tpu.memref_squeeze %dma_wait3A_420 : memref<1x100x64xf32, #tpu.memory_space<vmem>> -> memref<100x64xf32, #tpu.memory_space<vmem>>
      %dma_wait3A_422 = arith.constant 0 : i32
      %dma_wait3A_423 = tpu.memref_slice %arg5[%min3A_416, %dma_wait3A_422] : memref<256x100xi32, #tpu.memory_space<vmem>> -> memref<1x100xi32, #tpu.memory_space<vmem>>
      %dma_wait3A_424 = tpu.memref_squeeze %dma_wait3A_423 : memref<1x100xi32, #tpu.memory_space<vmem>> -> memref<100xi32, #tpu.memory_space<vmem>>
      %dma_wait3A_425 = arith.constant 0 : i32
      %dma_wait3A_426 = arith.constant 0 : i32
      %dma_wait3A_427 = tpu.memref_slice %arg3[%dma_wait3A_425, %dma_wait3A_426] : memref<1000000x64xf32, #tpu.memory_space<hbm>> -> memref<1000000x64xf32, #tpu.memory_space<hbm>>
      tpu.wait_indirect_dma semaphore(%arg10 : memref<!tpu.dma_semaphore, #tpu.memory_space<semaphore_mem>>) src(%dma_wait3A_427 : memref<1000000x64xf32, #tpu.memory_space<hbm>>) dst(%dma_wait3A_421 : memref<100x64xf32, #tpu.memory_space<vmem>>)
      %get3A_428 = arith.constant 2 : i32
      %get3A_429 = arith.constant 0 : i32
      %get3A_430 = arith.constant 0 : i32
      %get3A_431 = arith.constant 0 : i32
      %get3A_432 = tpu.memref_slice %arg6[%get3A_428, %get3A_430, %get3A_431] : memref<4x100x64xf32, #tpu.memory_space<vmem>> -> memref<1x100x64xf32, #tpu.memory_space<vmem>>
      %get3A_433 = tpu.memref_squeeze %get3A_432 : memref<1x100x64xf32, #tpu.memory_space<vmem>> -> memref<100x64xf32, #tpu.memory_space<vmem>>
      %get3A_434 = arith.index_cast %get3A_429 : i32 to index
      %get3A_435 = arith.constant 0 : index
      %get3A_436 = tpu.vector_load %get3A_433[%get3A_434, %get3A_435] {strides = array<i32>} : memref<100x64xf32, #tpu.memory_space<vmem>>, vector<1x16xf32>,
      %get3A_437 = vector.shape_cast %get3A_436 : vector<1x16xf32> to vector<16xf32>
      %get3A_438 = arith.constant 2 : i32
      %get3A_439 = arith.constant 0 : i32
      %get3A_440 = arith.constant 0 : i32
      %get3A_441 = arith.constant 0 : i32
      %get3A_442 = tpu.memref_slice %arg6[%get3A_438, %get3A_440, %get3A_441] : memref<4x100x64xf32, #tpu.memory_space<vmem>> -> memref<1x100x64xf32, #tpu.memory_space<vmem>>
      %get3A_443 = tpu.memref_squeeze %get3A_442 : memref<1x100x64xf32, #tpu.memory_space<vmem>> -> memref<100x64xf32, #tpu.memory_space<vmem>>
      %get3A_444 = arith.index_cast %get3A_439 : i32 to index
      %get3A_445 = arith.constant 16 : index
      %get3A_446 = tpu.vector_load %get3A_443[%get3A_444, %get3A_445] {strides = array<i32>} : memref<100x64xf32, #tpu.memory_space<vmem>>, vector<1x16xf32>,
      %get3A_447 = vector.shape_cast %get3A_446 : vector<1x16xf32> to vector<16xf32>
      %get3A_448 = arith.constant 2 : i32
      %get3A_449 = arith.constant 0 : i32
      %get3A_450 = arith.constant 0 : i32
      %get3A_451 = arith.constant 0 : i32
      %get3A_452 = tpu.memref_slice %arg6[%get3A_448, %get3A_450, %get3A_451] : memref<4x100x64xf32, #tpu.memory_space<vmem>> -> memref<1x100x64xf32, #tpu.memory_space<vmem>>
      %get3A_453 = tpu.memref_squeeze %get3A_452 : memref<1x100x64xf32, #tpu.memory_space<vmem>> -> memref<100x64xf32, #tpu.memory_space<vmem>>
      %get3A_454 = arith.index_cast %get3A_449 : i32 to index
      %get3A_455 = arith.constant 32 : index
      %get3A_456 = tpu.vector_load %get3A_453[%get3A_454, %get3A_455] {strides = array<i32>} : memref<100x64xf32, #tpu.memory_space<vmem>>, vector<1x16xf32>,
      %get3A_457 = vector.shape_cast %get3A_456 : vector<1x16xf32> to vector<16xf32>
      %get3A_458 = arith.constant 2 : i32
      %get3A_459 = arith.constant 0 : i32
      %get3A_460 = arith.constant 0 : i32
      %get3A_461 = arith.constant 0 : i32
      %get3A_462 = tpu.memref_slice %arg6[%get3A_458, %get3A_460, %get3A_461] : memref<4x100x64xf32, #tpu.memory_space<vmem>> -> memref<1x100x64xf32, #tpu.memory_space<vmem>>
      %get3A_463 = tpu.memref_squeeze %get3A_462 : memref<1x100x64xf32, #tpu.memory_space<vmem>> -> memref<100x64xf32, #tpu.memory_space<vmem>>
      %get3A_464 = arith.index_cast %get3A_459 : i32 to index
      %get3A_465 = arith.constant 48 : index
      %get3A_466 = tpu.vector_load %get3A_463[%get3A_464, %get3A_465] {strides = array<i32>} : memref<100x64xf32, #tpu.memory_space<vmem>>, vector<1x16xf32>,
      %get3A_467 = vector.shape_cast %get3A_466 : vector<1x16xf32> to vector<16xf32>
      %scan3A_468 = arith.constant 2 : i32
      %scan3A_469 = arith.constant 1 : i32
      %scan3A_470 = arith.constant 49 : i32
      %scan3A_471 = arith.addi %scan3A_469, %scan3A_470 : i32
      %scan3A_472 = arith.constant 7 : i32
      %scan3A_473:4 = scf.for %scan3A_773 = %scan3A_469 to %scan3A_471 step %scan3A_472 iter_args(%scan3A_774 = %get3A_437, %scan3A_775 = %get3A_447, %scan3A_776 = %get3A_457, %scan3A_777 = %get3A_467) -> (vector<16xf32>, vector<16xf32>, vector<16xf32>, vector<16xf32>)  : i32 {
        %add3A_778 = arith.constant 0 : i32
        %add3A_779 = arith.addi %add3A_778, %scan3A_773 : i32
        %get3A_780 = arith.constant 0 : i32
        %get3A_781 = arith.constant 0 : i32
        %get3A_782 = tpu.memref_slice %arg6[%scan3A_468, %get3A_780, %get3A_781] : memref<4x100x64xf32, #tpu.memory_space<vmem>> -> memref<1x100x64xf32, #tpu.memory_space<vmem>>
        %get3A_783 = tpu.memref_squeeze %get3A_782 : memref<1x100x64xf32, #tpu.memory_space<vmem>> -> memref<100x64xf32, #tpu.memory_space<vmem>>
        %get3A_784 = arith.index_cast %add3A_779 : i32 to index
        %get3A_785 = arith.constant 0 : index
        %get3A_786 = tpu.vector_load %get3A_783[%get3A_784, %get3A_785] {strides = array<i32>} : memref<100x64xf32, #tpu.memory_space<vmem>>, vector<1x16xf32>,
        %get3A_787 = vector.shape_cast %get3A_786 : vector<1x16xf32> to vector<16xf32>
        %add3A_788 = arith.addf %scan3A_774, %get3A_787 : vector<16xf32>
        %add3A_789 = arith.constant 0 : i32
        %add3A_790 = arith.addi %add3A_789, %scan3A_773 : i32
        %get3A_791 = arith.constant 0 : i32
        %get3A_792 = arith.constant 0 : i32
        %get3A_793 = tpu.memref_slice %arg6[%scan3A_468, %get3A_791, %get3A_792] : memref<4x100x64xf32, #tpu.memory_space<vmem>> -> memref<1x100x64xf32, #tpu.memory_space<vmem>>
        %get3A_794 = tpu.memref_squeeze %get3A_793 : memref<1x100x64xf32, #tpu.memory_space<vmem>> -> memref<100x64xf32, #tpu.memory_space<vmem>>
        %get3A_795 = arith.index_cast %add3A_790 : i32 to index
        %get3A_796 = arith.constant 16 : index
        %get3A_797 = tpu.vector_load %get3A_794[%get3A_795, %get3A_796] {strides = array<i32>} : memref<100x64xf32, #tpu.memory_space<vmem>>, vector<1x16xf32>,
        %get3A_798 = vector.shape_cast %get3A_797 : vector<1x16xf32> to vector<16xf32>
        %add3A_799 = arith.addf %scan3A_775, %get3A_798 : vector<16xf32>
        %add3A_800 = arith.constant 0 : i32
        %add3A_801 = arith.addi %add3A_800, %scan3A_773 : i32
        %get3A_802 = arith.constant 0 : i32
        %get3A_803 = arith.constant 0 : i32
        %get3A_804 = tpu.memref_slice %arg6[%scan3A_468, %get3A_802, %get3A_803] : memref<4x100x64xf32, #tpu.memory_space<vmem>> -> memref<1x100x64xf32, #tpu.memory_space<vmem>>
        %get3A_805 = tpu.memref_squeeze %get3A_804 : memref<1x100x64xf32, #tpu.memory_space<vmem>> -> memref<100x64xf32, #tpu.memory_space<vmem>>
        %get3A_806 = arith.index_cast %add3A_801 : i32 to index
        %get3A_807 = arith.constant 32 : index
        %get3A_808 = tpu.vector_load %get3A_805[%get3A_806, %get3A_807] {strides = array<i32>} : memref<100x64xf32, #tpu.memory_space<vmem>>, vector<1x16xf32>,
        %get3A_809 = vector.shape_cast %get3A_808 : vector<1x16xf32> to vector<16xf32>
        %add3A_810 = arith.addf %scan3A_776, %get3A_809 : vector<16xf32>
        %add3A_811 = arith.constant 0 : i32
        %add3A_812 = arith.addi %add3A_811, %scan3A_773 : i32
        %get3A_813 = arith.constant 0 : i32
        %get3A_814 = arith.constant 0 : i32
        %get3A_815 = tpu.memref_slice %arg6[%scan3A_468, %get3A_813, %get3A_814] : memref<4x100x64xf32, #tpu.memory_space<vmem>> -> memref<1x100x64xf32, #tpu.memory_space<vmem>>
        %get3A_816 = tpu.memref_squeeze %get3A_815 : memref<1x100x64xf32, #tpu.memory_space<vmem>> -> memref<100x64xf32, #tpu.memory_space<vmem>>
        %get3A_817 = arith.index_cast %add3A_812 : i32 to index
        %get3A_818 = arith.constant 48 : index
        %get3A_819 = tpu.vector_load %get3A_816[%get3A_817, %get3A_818] {strides = array<i32>} : memref<100x64xf32, #tpu.memory_space<vmem>>, vector<1x16xf32>,
        %get3A_820 = vector.shape_cast %get3A_819 : vector<1x16xf32> to vector<16xf32>
        %add3A_821 = arith.addf %scan3A_777, %get3A_820 : vector<16xf32>
        %scan3A_822 = arith.constant 1 : i32
        %scan3A_823 = arith.addi %scan3A_773, %scan3A_822 : i32
        %add3A_824 = arith.constant 0 : i32
        %add3A_825 = arith.addi %add3A_824, %scan3A_823 : i32
        %get3A_826 = arith.constant 0 : i32
        %get3A_827 = arith.constant 0 : i32
        %get3A_828 = tpu.memref_slice %arg6[%scan3A_468, %get3A_826, %get3A_827] : memref<4x100x64xf32, #tpu.memory_space<vmem>> -> memref<1x100x64xf32, #tpu.memory_space<vmem>>
        %get3A_829 = tpu.memref_squeeze %get3A_828 : memref<1x100x64xf32, #tpu.memory_space<vmem>> -> memref<100x64xf32, #tpu.memory_space<vmem>>
        %get3A_830 = arith.index_cast %add3A_825 : i32 to index
        %get3A_831 = arith.constant 0 : index
        %get3A_832 = tpu.vector_load %get3A_829[%get3A_830, %get3A_831] {strides = array<i32>} : memref<100x64xf32, #tpu.memory_space<vmem>>, vector<1x16xf32>,
        %get3A_833 = vector.shape_cast %get3A_832 : vector<1x16xf32> to vector<16xf32>
        %add3A_834 = arith.addf %add3A_788, %get3A_833 : vector<16xf32>
        %add3A_835 = arith.constant 0 : i32
        %add3A_836 = arith.addi %add3A_835, %scan3A_823 : i32
        %get3A_837 = arith.constant 0 : i32
        %get3A_838 = arith.constant 0 : i32
        %get3A_839 = tpu.memref_slice %arg6[%scan3A_468, %get3A_837, %get3A_838] : memref<4x100x64xf32, #tpu.memory_space<vmem>> -> memref<1x100x64xf32, #tpu.memory_space<vmem>>
        %get3A_840 = tpu.memref_squeeze %get3A_839 : memref<1x100x64xf32, #tpu.memory_space<vmem>> -> memref<100x64xf32, #tpu.memory_space<vmem>>
        %get3A_841 = arith.index_cast %add3A_836 : i32 to index
        %get3A_842 = arith.constant 16 : index
        %get3A_843 = tpu.vector_load %get3A_840[%get3A_841, %get3A_842] {strides = array<i32>} : memref<100x64xf32, #tpu.memory_space<vmem>>, vector<1x16xf32>,
        %get3A_844 = vector.shape_cast %get3A_843 : vector<1x16xf32> to vector<16xf32>
        %add3A_845 = arith.addf %add3A_799, %get3A_844 : vector<16xf32>
        %add3A_846 = arith.constant 0 : i32
        %add3A_847 = arith.addi %add3A_846, %scan3A_823 : i32
        %get3A_848 = arith.constant 0 : i32
        %get3A_849 = arith.constant 0 : i32
        %get3A_850 = tpu.memref_slice %arg6[%scan3A_468, %get3A_848, %get3A_849] : memref<4x100x64xf32, #tpu.memory_space<vmem>> -> memref<1x100x64xf32, #tpu.memory_space<vmem>>
        %get3A_851 = tpu.memref_squeeze %get3A_850 : memref<1x100x64xf32, #tpu.memory_space<vmem>> -> memref<100x64xf32, #tpu.memory_space<vmem>>
        %get3A_852 = arith.index_cast %add3A_847 : i32 to index
        %get3A_853 = arith.constant 32 : index
        %get3A_854 = tpu.vector_load %get3A_851[%get3A_852, %get3A_853] {strides = array<i32>} : memref<100x64xf32, #tpu.memory_space<vmem>>, vector<1x16xf32>,
        %get3A_855 = vector.shape_cast %get3A_854 : vector<1x16xf32> to vector<16xf32>
        %add3A_856 = arith.addf %add3A_810, %get3A_855 : vector<16xf32>
        %add3A_857 = arith.constant 0 : i32
        %add3A_858 = arith.addi %add3A_857, %scan3A_823 : i32
        %get3A_859 = arith.constant 0 : i32
        %get3A_860 = arith.constant 0 : i32
        %get3A_861 = tpu.memref_slice %arg6[%scan3A_468, %get3A_859, %get3A_860] : memref<4x100x64xf32, #tpu.memory_space<vmem>> -> memref<1x100x64xf32, #tpu.memory_space<vmem>>
        %get3A_862 = tpu.memref_squeeze %get3A_861 : memref<1x100x64xf32, #tpu.memory_space<vmem>> -> memref<100x64xf32, #tpu.memory_space<vmem>>
        %get3A_863 = arith.index_cast %add3A_858 : i32 to index
        %get3A_864 = arith.constant 48 : index
        %get3A_865 = tpu.vector_load %get3A_862[%get3A_863, %get3A_864] {strides = array<i32>} : memref<100x64xf32, #tpu.memory_space<vmem>>, vector<1x16xf32>,
        %get3A_866 = vector.shape_cast %get3A_865 : vector<1x16xf32> to vector<16xf32>
        %add3A_867 = arith.addf %add3A_821, %get3A_866 : vector<16xf32>
        %scan3A_868 = arith.constant 2 : i32
        %scan3A_869 = arith.addi %scan3A_773, %scan3A_868 : i32
        %add3A_870 = arith.constant 0 : i32
        %add3A_871 = arith.addi %add3A_870, %scan3A_869 : i32
        %get3A_872 = arith.constant 0 : i32
        %get3A_873 = arith.constant 0 : i32
        %get3A_874 = tpu.memref_slice %arg6[%scan3A_468, %get3A_872, %get3A_873] : memref<4x100x64xf32, #tpu.memory_space<vmem>> -> memref<1x100x64xf32, #tpu.memory_space<vmem>>
        %get3A_875 = tpu.memref_squeeze %get3A_874 : memref<1x100x64xf32, #tpu.memory_space<vmem>> -> memref<100x64xf32, #tpu.memory_space<vmem>>
        %get3A_876 = arith.index_cast %add3A_871 : i32 to index
        %get3A_877 = arith.constant 0 : index
        %get3A_878 = tpu.vector_load %get3A_875[%get3A_876, %get3A_877] {strides = array<i32>} : memref<100x64xf32, #tpu.memory_space<vmem>>, vector<1x16xf32>,
        %get3A_879 = vector.shape_cast %get3A_878 : vector<1x16xf32> to vector<16xf32>
        %add3A_880 = arith.addf %add3A_834, %get3A_879 : vector<16xf32>
        %add3A_881 = arith.constant 0 : i32
        %add3A_882 = arith.addi %add3A_881, %scan3A_869 : i32
        %get3A_883 = arith.constant 0 : i32
        %get3A_884 = arith.constant 0 : i32
        %get3A_885 = tpu.memref_slice %arg6[%scan3A_468, %get3A_883, %get3A_884] : memref<4x100x64xf32, #tpu.memory_space<vmem>> -> memref<1x100x64xf32, #tpu.memory_space<vmem>>
        %get3A_886 = tpu.memref_squeeze %get3A_885 : memref<1x100x64xf32, #tpu.memory_space<vmem>> -> memref<100x64xf32, #tpu.memory_space<vmem>>
        %get3A_887 = arith.index_cast %add3A_882 : i32 to index
        %get3A_888 = arith.constant 16 : index
        %get3A_889 = tpu.vector_load %get3A_886[%get3A_887, %get3A_888] {strides = array<i32>} : memref<100x64xf32, #tpu.memory_space<vmem>>, vector<1x16xf32>,
        %get3A_890 = vector.shape_cast %get3A_889 : vector<1x16xf32> to vector<16xf32>
        %add3A_891 = arith.addf %add3A_845, %get3A_890 : vector<16xf32>
        %add3A_892 = arith.constant 0 : i32
        %add3A_893 = arith.addi %add3A_892, %scan3A_869 : i32
        %get3A_894 = arith.constant 0 : i32
        %get3A_895 = arith.constant 0 : i32
        %get3A_896 = tpu.memref_slice %arg6[%scan3A_468, %get3A_894, %get3A_895] : memref<4x100x64xf32, #tpu.memory_space<vmem>> -> memref<1x100x64xf32, #tpu.memory_space<vmem>>
        %get3A_897 = tpu.memref_squeeze %get3A_896 : memref<1x100x64xf32, #tpu.memory_space<vmem>> -> memref<100x64xf32, #tpu.memory_space<vmem>>
        %get3A_898 = arith.index_cast %add3A_893 : i32 to index
        %get3A_899 = arith.constant 32 : index
        %get3A_900 = tpu.vector_load %get3A_897[%get3A_898, %get3A_899] {strides = array<i32>} : memref<100x64xf32, #tpu.memory_space<vmem>>, vector<1x16xf32>,
        %get3A_901 = vector.shape_cast %get3A_900 : vector<1x16xf32> to vector<16xf32>
        %add3A_902 = arith.addf %add3A_856, %get3A_901 : vector<16xf32>
        %add3A_903 = arith.constant 0 : i32
        %add3A_904 = arith.addi %add3A_903, %scan3A_869 : i32
        %get3A_905 = arith.constant 0 : i32
        %get3A_906 = arith.constant 0 : i32
        %get3A_907 = tpu.memref_slice %arg6[%scan3A_468, %get3A_905, %get3A_906] : memref<4x100x64xf32, #tpu.memory_space<vmem>> -> memref<1x100x64xf32, #tpu.memory_space<vmem>>
        %get3A_908 = tpu.memref_squeeze %get3A_907 : memref<1x100x64xf32, #tpu.memory_space<vmem>> -> memref<100x64xf32, #tpu.memory_space<vmem>>
        %get3A_909 = arith.index_cast %add3A_904 : i32 to index
        %get3A_910 = arith.constant 48 : index
        %get3A_911 = tpu.vector_load %get3A_908[%get3A_909, %get3A_910] {strides = array<i32>} : memref<100x64xf32, #tpu.memory_space<vmem>>, vector<1x16xf32>,
        %get3A_912 = vector.shape_cast %get3A_911 : vector<1x16xf32> to vector<16xf32>
        %add3A_913 = arith.addf %add3A_867, %get3A_912 : vector<16xf32>
        %scan3A_914 = arith.constant 3 : i32
        %scan3A_915 = arith.addi %scan3A_773, %scan3A_914 : i32
        %add3A_916 = arith.constant 0 : i32
        %add3A_917 = arith.addi %add3A_916, %scan3A_915 : i32
        %get3A_918 = arith.constant 0 : i32
        %get3A_919 = arith.constant 0 : i32
        %get3A_920 = tpu.memref_slice %arg6[%scan3A_468, %get3A_918, %get3A_919] : memref<4x100x64xf32, #tpu.memory_space<vmem>> -> memref<1x100x64xf32, #tpu.memory_space<vmem>>
        %get3A_921 = tpu.memref_squeeze %get3A_920 : memref<1x100x64xf32, #tpu.memory_space<vmem>> -> memref<100x64xf32, #tpu.memory_space<vmem>>
        %get3A_922 = arith.index_cast %add3A_917 : i32 to index
        %get3A_923 = arith.constant 0 : index
        %get3A_924 = tpu.vector_load %get3A_921[%get3A_922, %get3A_923] {strides = array<i32>} : memref<100x64xf32, #tpu.memory_space<vmem>>, vector<1x16xf32>,
        %get3A_925 = vector.shape_cast %get3A_924 : vector<1x16xf32> to vector<16xf32>
        %add3A_926 = arith.addf %add3A_880, %get3A_925 : vector<16xf32>
        %add3A_927 = arith.constant 0 : i32
        %add3A_928 = arith.addi %add3A_927, %scan3A_915 : i32
        %get3A_929 = arith.constant 0 : i32
        %get3A_930 = arith.constant 0 : i32
        %get3A_931 = tpu.memref_slice %arg6[%scan3A_468, %get3A_929, %get3A_930] : memref<4x100x64xf32, #tpu.memory_space<vmem>> -> memref<1x100x64xf32, #tpu.memory_space<vmem>>
        %get3A_932 = tpu.memref_squeeze %get3A_931 : memref<1x100x64xf32, #tpu.memory_space<vmem>> -> memref<100x64xf32, #tpu.memory_space<vmem>>
        %get3A_933 = arith.index_cast %add3A_928 : i32 to index
        %get3A_934 = arith.constant 16 : index
        %get3A_935 = tpu.vector_load %get3A_932[%get3A_933, %get3A_934] {strides = array<i32>} : memref<100x64xf32, #tpu.memory_space<vmem>>, vector<1x16xf32>,
        %get3A_936 = vector.shape_cast %get3A_935 : vector<1x16xf32> to vector<16xf32>
        %add3A_937 = arith.addf %add3A_891, %get3A_936 : vector<16xf32>
        %add3A_938 = arith.constant 0 : i32
        %add3A_939 = arith.addi %add3A_938, %scan3A_915 : i32
        %get3A_940 = arith.constant 0 : i32
        %get3A_941 = arith.constant 0 : i32
        %get3A_942 = tpu.memref_slice %arg6[%scan3A_468, %get3A_940, %get3A_941] : memref<4x100x64xf32, #tpu.memory_space<vmem>> -> memref<1x100x64xf32, #tpu.memory_space<vmem>>
        %get3A_943 = tpu.memref_squeeze %get3A_942 : memref<1x100x64xf32, #tpu.memory_space<vmem>> -> memref<100x64xf32, #tpu.memory_space<vmem>>
        %get3A_944 = arith.index_cast %add3A_939 : i32 to index
        %get3A_945 = arith.constant 32 : index
        %get3A_946 = tpu.vector_load %get3A_943[%get3A_944, %get3A_945] {strides = array<i32>} : memref<100x64xf32, #tpu.memory_space<vmem>>, vector<1x16xf32>,
        %get3A_947 = vector.shape_cast %get3A_946 : vector<1x16xf32> to vector<16xf32>
        %add3A_948 = arith.addf %add3A_902, %get3A_947 : vector<16xf32>
        %add3A_949 = arith.constant 0 : i32
        %add3A_950 = arith.addi %add3A_949, %scan3A_915 : i32
        %get3A_951 = arith.constant 0 : i32
        %get3A_952 = arith.constant 0 : i32
        %get3A_953 = tpu.memref_slice %arg6[%scan3A_468, %get3A_951, %get3A_952] : memref<4x100x64xf32, #tpu.memory_space<vmem>> -> memref<1x100x64xf32, #tpu.memory_space<vmem>>
        %get3A_954 = tpu.memref_squeeze %get3A_953 : memref<1x100x64xf32, #tpu.memory_space<vmem>> -> memref<100x64xf32, #tpu.memory_space<vmem>>
        %get3A_955 = arith.index_cast %add3A_950 : i32 to index
        %get3A_956 = arith.constant 48 : index
        %get3A_957 = tpu.vector_load %get3A_954[%get3A_955, %get3A_956] {strides = array<i32>} : memref<100x64xf32, #tpu.memory_space<vmem>>, vector<1x16xf32>,
        %get3A_958 = vector.shape_cast %get3A_957 : vector<1x16xf32> to vector<16xf32>
        %add3A_959 = arith.addf %add3A_913, %get3A_958 : vector<16xf32>
        %scan3A_960 = arith.constant 4 : i32
        %scan3A_961 = arith.addi %scan3A_773, %scan3A_960 : i32
        %add3A_962 = arith.constant 0 : i32
        %add3A_963 = arith.addi %add3A_962, %scan3A_961 : i32
        %get3A_964 = arith.constant 0 : i32
        %get3A_965 = arith.constant 0 : i32
        %get3A_966 = tpu.memref_slice %arg6[%scan3A_468, %get3A_964, %get3A_965] : memref<4x100x64xf32, #tpu.memory_space<vmem>> -> memref<1x100x64xf32, #tpu.memory_space<vmem>>
        %get3A_967 = tpu.memref_squeeze %get3A_966 : memref<1x100x64xf32, #tpu.memory_space<vmem>> -> memref<100x64xf32, #tpu.memory_space<vmem>>
        %get3A_968 = arith.index_cast %add3A_963 : i32 to index
        %get3A_969 = arith.constant 0 : index
        %get3A_970 = tpu.vector_load %get3A_967[%get3A_968, %get3A_969] {strides = array<i32>} : memref<100x64xf32, #tpu.memory_space<vmem>>, vector<1x16xf32>,
        %get3A_971 = vector.shape_cast %get3A_970 : vector<1x16xf32> to vector<16xf32>
        %add3A_972 = arith.addf %add3A_926, %get3A_971 : vector<16xf32>
        %add3A_973 = arith.constant 0 : i32
        %add3A_974 = arith.addi %add3A_973, %scan3A_961 : i32
        %get3A_975 = arith.constant 0 : i32
        %get3A_976 = arith.constant 0 : i32
        %get3A_977 = tpu.memref_slice %arg6[%scan3A_468, %get3A_975, %get3A_976] : memref<4x100x64xf32, #tpu.memory_space<vmem>> -> memref<1x100x64xf32, #tpu.memory_space<vmem>>
        %get3A_978 = tpu.memref_squeeze %get3A_977 : memref<1x100x64xf32, #tpu.memory_space<vmem>> -> memref<100x64xf32, #tpu.memory_space<vmem>>
        %get3A_979 = arith.index_cast %add3A_974 : i32 to index
        %get3A_980 = arith.constant 16 : index
        %get3A_981 = tpu.vector_load %get3A_978[%get3A_979, %get3A_980] {strides = array<i32>} : memref<100x64xf32, #tpu.memory_space<vmem>>, vector<1x16xf32>,
        %get3A_982 = vector.shape_cast %get3A_981 : vector<1x16xf32> to vector<16xf32>
        %add3A_983 = arith.addf %add3A_937, %get3A_982 : vector<16xf32>
        %add3A_984 = arith.constant 0 : i32
        %add3A_985 = arith.addi %add3A_984, %scan3A_961 : i32
        %get3A_986 = arith.constant 0 : i32
        %get3A_987 = arith.constant 0 : i32
        %get3A_988 = tpu.memref_slice %arg6[%scan3A_468, %get3A_986, %get3A_987] : memref<4x100x64xf32, #tpu.memory_space<vmem>> -> memref<1x100x64xf32, #tpu.memory_space<vmem>>
        %get3A_989 = tpu.memref_squeeze %get3A_988 : memref<1x100x64xf32, #tpu.memory_space<vmem>> -> memref<100x64xf32, #tpu.memory_space<vmem>>
        %get3A_990 = arith.index_cast %add3A_985 : i32 to index
        %get3A_991 = arith.constant 32 : index
        %get3A_992 = tpu.vector_load %get3A_989[%get3A_990, %get3A_991] {strides = array<i32>} : memref<100x64xf32, #tpu.memory_space<vmem>>, vector<1x16xf32>,
        %get3A_993 = vector.shape_cast %get3A_992 : vector<1x16xf32> to vector<16xf32>
        %add3A_994 = arith.addf %add3A_948, %get3A_993 : vector<16xf32>
        %add3A_995 = arith.constant 0 : i32
        %add3A_996 = arith.addi %add3A_995, %scan3A_961 : i32
        %get3A_997 = arith.constant 0 : i32
        %get3A_998 = arith.constant 0 : i32
        %get3A_999 = tpu.memref_slice %arg6[%scan3A_468, %get3A_997, %get3A_998] : memref<4x100x64xf32, #tpu.memory_space<vmem>> -> memref<1x100x64xf32, #tpu.memory_space<vmem>>
        %get3A_1000 = tpu.memref_squeeze %get3A_999 : memref<1x100x64xf32, #tpu.memory_space<vmem>> -> memref<100x64xf32, #tpu.memory_space<vmem>>
        %get3A_1001 = arith.index_cast %add3A_996 : i32 to index
        %get3A_1002 = arith.constant 48 : index
        %get3A_1003 = tpu.vector_load %get3A_1000[%get3A_1001, %get3A_1002] {strides = array<i32>} : memref<100x64xf32, #tpu.memory_space<vmem>>, vector<1x16xf32>,
        %get3A_1004 = vector.shape_cast %get3A_1003 : vector<1x16xf32> to vector<16xf32>
        %add3A_1005 = arith.addf %add3A_959, %get3A_1004 : vector<16xf32>
        %scan3A_1006 = arith.constant 5 : i32
        %scan3A_1007 = arith.addi %scan3A_773, %scan3A_1006 : i32
        %add3A_1008 = arith.constant 0 : i32
        %add3A_1009 = arith.addi %add3A_1008, %scan3A_1007 : i32
        %get3A_1010 = arith.constant 0 : i32
        %get3A_1011 = arith.constant 0 : i32
        %get3A_1012 = tpu.memref_slice %arg6[%scan3A_468, %get3A_1010, %get3A_1011] : memref<4x100x64xf32, #tpu.memory_space<vmem>> -> memref<1x100x64xf32, #tpu.memory_space<vmem>>
        %get3A_1013 = tpu.memref_squeeze %get3A_1012 : memref<1x100x64xf32, #tpu.memory_space<vmem>> -> memref<100x64xf32, #tpu.memory_space<vmem>>
        %get3A_1014 = arith.index_cast %add3A_1009 : i32 to index
        %get3A_1015 = arith.constant 0 : index
        %get3A_1016 = tpu.vector_load %get3A_1013[%get3A_1014, %get3A_1015] {strides = array<i32>} : memref<100x64xf32, #tpu.memory_space<vmem>>, vector<1x16xf32>,
        %get3A_1017 = vector.shape_cast %get3A_1016 : vector<1x16xf32> to vector<16xf32>
        %add3A_1018 = arith.addf %add3A_972, %get3A_1017 : vector<16xf32>
        %add3A_1019 = arith.constant 0 : i32
        %add3A_1020 = arith.addi %add3A_1019, %scan3A_1007 : i32
        %get3A_1021 = arith.constant 0 : i32
        %get3A_1022 = arith.constant 0 : i32
        %get3A_1023 = tpu.memref_slice %arg6[%scan3A_468, %get3A_1021, %get3A_1022] : memref<4x100x64xf32, #tpu.memory_space<vmem>> -> memref<1x100x64xf32, #tpu.memory_space<vmem>>
        %get3A_1024 = tpu.memref_squeeze %get3A_1023 : memref<1x100x64xf32, #tpu.memory_space<vmem>> -> memref<100x64xf32, #tpu.memory_space<vmem>>
        %get3A_1025 = arith.index_cast %add3A_1020 : i32 to index
        %get3A_1026 = arith.constant 16 : index
        %get3A_1027 = tpu.vector_load %get3A_1024[%get3A_1025, %get3A_1026] {strides = array<i32>} : memref<100x64xf32, #tpu.memory_space<vmem>>, vector<1x16xf32>,
        %get3A_1028 = vector.shape_cast %get3A_1027 : vector<1x16xf32> to vector<16xf32>
        %add3A_1029 = arith.addf %add3A_983, %get3A_1028 : vector<16xf32>
        %add3A_1030 = arith.constant 0 : i32
        %add3A_1031 = arith.addi %add3A_1030, %scan3A_1007 : i32
        %get3A_1032 = arith.constant 0 : i32
        %get3A_1033 = arith.constant 0 : i32
        %get3A_1034 = tpu.memref_slice %arg6[%scan3A_468, %get3A_1032, %get3A_1033] : memref<4x100x64xf32, #tpu.memory_space<vmem>> -> memref<1x100x64xf32, #tpu.memory_space<vmem>>
        %get3A_1035 = tpu.memref_squeeze %get3A_1034 : memref<1x100x64xf32, #tpu.memory_space<vmem>> -> memref<100x64xf32, #tpu.memory_space<vmem>>
        %get3A_1036 = arith.index_cast %add3A_1031 : i32 to index
        %get3A_1037 = arith.constant 32 : index
        %get3A_1038 = tpu.vector_load %get3A_1035[%get3A_1036, %get3A_1037] {strides = array<i32>} : memref<100x64xf32, #tpu.memory_space<vmem>>, vector<1x16xf32>,
        %get3A_1039 = vector.shape_cast %get3A_1038 : vector<1x16xf32> to vector<16xf32>
        %add3A_1040 = arith.addf %add3A_994, %get3A_1039 : vector<16xf32>
        %add3A_1041 = arith.constant 0 : i32
        %add3A_1042 = arith.addi %add3A_1041, %scan3A_1007 : i32
        %get3A_1043 = arith.constant 0 : i32
        %get3A_1044 = arith.constant 0 : i32
        %get3A_1045 = tpu.memref_slice %arg6[%scan3A_468, %get3A_1043, %get3A_1044] : memref<4x100x64xf32, #tpu.memory_space<vmem>> -> memref<1x100x64xf32, #tpu.memory_space<vmem>>
        %get3A_1046 = tpu.memref_squeeze %get3A_1045 : memref<1x100x64xf32, #tpu.memory_space<vmem>> -> memref<100x64xf32, #tpu.memory_space<vmem>>
        %get3A_1047 = arith.index_cast %add3A_1042 : i32 to index
        %get3A_1048 = arith.constant 48 : index
        %get3A_1049 = tpu.vector_load %get3A_1046[%get3A_1047, %get3A_1048] {strides = array<i32>} : memref<100x64xf32, #tpu.memory_space<vmem>>, vector<1x16xf32>,
        %get3A_1050 = vector.shape_cast %get3A_1049 : vector<1x16xf32> to vector<16xf32>
        %add3A_1051 = arith.addf %add3A_1005, %get3A_1050 : vector<16xf32>
        %scan3A_1052 = arith.constant 6 : i32
        %scan3A_1053 = arith.addi %scan3A_773, %scan3A_1052 : i32
        %add3A_1054 = arith.constant 0 : i32
        %add3A_1055 = arith.addi %add3A_1054, %scan3A_1053 : i32
        %get3A_1056 = arith.constant 0 : i32
        %get3A_1057 = arith.constant 0 : i32
        %get3A_1058 = tpu.memref_slice %arg6[%scan3A_468, %get3A_1056, %get3A_1057] : memref<4x100x64xf32, #tpu.memory_space<vmem>> -> memref<1x100x64xf32, #tpu.memory_space<vmem>>
        %get3A_1059 = tpu.memref_squeeze %get3A_1058 : memref<1x100x64xf32, #tpu.memory_space<vmem>> -> memref<100x64xf32, #tpu.memory_space<vmem>>
        %get3A_1060 = arith.index_cast %add3A_1055 : i32 to index
        %get3A_1061 = arith.constant 0 : index
        %get3A_1062 = tpu.vector_load %get3A_1059[%get3A_1060, %get3A_1061] {strides = array<i32>} : memref<100x64xf32, #tpu.memory_space<vmem>>, vector<1x16xf32>,
        %get3A_1063 = vector.shape_cast %get3A_1062 : vector<1x16xf32> to vector<16xf32>
        %add3A_1064 = arith.addf %add3A_1018, %get3A_1063 : vector<16xf32>
        %add3A_1065 = arith.constant 0 : i32
        %add3A_1066 = arith.addi %add3A_1065, %scan3A_1053 : i32
        %get3A_1067 = arith.constant 0 : i32
        %get3A_1068 = arith.constant 0 : i32
        %get3A_1069 = tpu.memref_slice %arg6[%scan3A_468, %get3A_1067, %get3A_1068] : memref<4x100x64xf32, #tpu.memory_space<vmem>> -> memref<1x100x64xf32, #tpu.memory_space<vmem>>
        %get3A_1070 = tpu.memref_squeeze %get3A_1069 : memref<1x100x64xf32, #tpu.memory_space<vmem>> -> memref<100x64xf32, #tpu.memory_space<vmem>>
        %get3A_1071 = arith.index_cast %add3A_1066 : i32 to index
        %get3A_1072 = arith.constant 16 : index
        %get3A_1073 = tpu.vector_load %get3A_1070[%get3A_1071, %get3A_1072] {strides = array<i32>} : memref<100x64xf32, #tpu.memory_space<vmem>>, vector<1x16xf32>,
        %get3A_1074 = vector.shape_cast %get3A_1073 : vector<1x16xf32> to vector<16xf32>
        %add3A_1075 = arith.addf %add3A_1029, %get3A_1074 : vector<16xf32>
        %add3A_1076 = arith.constant 0 : i32
        %add3A_1077 = arith.addi %add3A_1076, %scan3A_1053 : i32
        %get3A_1078 = arith.constant 0 : i32
        %get3A_1079 = arith.constant 0 : i32
        %get3A_1080 = tpu.memref_slice %arg6[%scan3A_468, %get3A_1078, %get3A_1079] : memref<4x100x64xf32, #tpu.memory_space<vmem>> -> memref<1x100x64xf32, #tpu.memory_space<vmem>>
        %get3A_1081 = tpu.memref_squeeze %get3A_1080 : memref<1x100x64xf32, #tpu.memory_space<vmem>> -> memref<100x64xf32, #tpu.memory_space<vmem>>
        %get3A_1082 = arith.index_cast %add3A_1077 : i32 to index
        %get3A_1083 = arith.constant 32 : index
        %get3A_1084 = tpu.vector_load %get3A_1081[%get3A_1082, %get3A_1083] {strides = array<i32>} : memref<100x64xf32, #tpu.memory_space<vmem>>, vector<1x16xf32>,
        %get3A_1085 = vector.shape_cast %get3A_1084 : vector<1x16xf32> to vector<16xf32>
        %add3A_1086 = arith.addf %add3A_1040, %get3A_1085 : vector<16xf32>
        %add3A_1087 = arith.constant 0 : i32
        %add3A_1088 = arith.addi %add3A_1087, %scan3A_1053 : i32
        %get3A_1089 = arith.constant 0 : i32
        %get3A_1090 = arith.constant 0 : i32
        %get3A_1091 = tpu.memref_slice %arg6[%scan3A_468, %get3A_1089, %get3A_1090] : memref<4x100x64xf32, #tpu.memory_space<vmem>> -> memref<1x100x64xf32, #tpu.memory_space<vmem>>
        %get3A_1092 = tpu.memref_squeeze %get3A_1091 : memref<1x100x64xf32, #tpu.memory_space<vmem>> -> memref<100x64xf32, #tpu.memory_space<vmem>>
        %get3A_1093 = arith.index_cast %add3A_1088 : i32 to index
        %get3A_1094 = arith.constant 48 : index
        %get3A_1095 = tpu.vector_load %get3A_1092[%get3A_1093, %get3A_1094] {strides = array<i32>} : memref<100x64xf32, #tpu.memory_space<vmem>>, vector<1x16xf32>,
        %get3A_1096 = vector.shape_cast %get3A_1095 : vector<1x16xf32> to vector<16xf32>
        %add3A_1097 = arith.addf %add3A_1051, %get3A_1096 : vector<16xf32>
        scf.yield %add3A_1064, %add3A_1075, %add3A_1086, %add3A_1097 : vector<16xf32>, vector<16xf32>, vector<16xf32>, vector<16xf32>
      }
      %scan3A_474 = arith.constant 49 : i32
      %mul3A_475 = arith.constant 2 : i32
      %mul3A_476 = arith.muli %add3A_414, %mul3A_475 : i32
      %add3A_477 = arith.constant 0 : i32
      %add3A_478 = arith.addi %mul3A_476, %add3A_477 : i32
      %mul3A_479 = vector.broadcast %scan3A : f32 to vector<16xf32>
      %mul3A_480 = arith.mulf %scan3A_473#0, %mul3A_479 : vector<16xf32>
      %swap3A_481 = arith.index_cast %add3A_478 : i32 to index
      %swap3A_482 = arith.constant 0 : index
      %swap3A_483 = tpu.vector_load %arg7[%swap3A_481, %swap3A_482] {strides = array<i32>} : memref<512x64xf32, #tpu.memory_space<vmem>>, vector<1x16xf32>,
      %swap3A_484 = vector.shape_cast %swap3A_483 : vector<1x16xf32> to vector<16xf32>
      %swap3A_485 = vector.shape_cast %mul3A_480 : vector<16xf32> to vector<1x16xf32>
      tpu.vector_store %arg7[%swap3A_481, %swap3A_482], %swap3A_485 {strides = array<i32>} : memref<512x64xf32, #tpu.memory_space<vmem>>, vector<1x16xf32>,
      %mul3A_486 = vector.broadcast %scan3A : f32 to vector<16xf32>
      %mul3A_487 = arith.mulf %scan3A_473#1, %mul3A_486 : vector<16xf32>
      %swap3A_488 = arith.index_cast %add3A_478 : i32 to index
      %swap3A_489 = arith.constant 16 : index
      %swap3A_490 = tpu.vector_load %arg7[%swap3A_488, %swap3A_489] {strides = array<i32>} : memref<512x64xf32, #tpu.memory_space<vmem>>, vector<1x16xf32>,
      %swap3A_491 = vector.shape_cast %swap3A_490 : vector<1x16xf32> to vector<16xf32>
      %swap3A_492 = vector.shape_cast %mul3A_487 : vector<16xf32> to vector<1x16xf32>
      tpu.vector_store %arg7[%swap3A_488, %swap3A_489], %swap3A_492 {strides = array<i32>} : memref<512x64xf32, #tpu.memory_space<vmem>>, vector<1x16xf32>,
      %mul3A_493 = vector.broadcast %scan3A : f32 to vector<16xf32>
      %mul3A_494 = arith.mulf %scan3A_473#2, %mul3A_493 : vector<16xf32>
      %swap3A_495 = arith.index_cast %add3A_478 : i32 to index
      %swap3A_496 = arith.constant 32 : index
      %swap3A_497 = tpu.vector_load %arg7[%swap3A_495, %swap3A_496] {strides = array<i32>} : memref<512x64xf32, #tpu.memory_space<vmem>>, vector<1x16xf32>,
      %swap3A_498 = vector.shape_cast %swap3A_497 : vector<1x16xf32> to vector<16xf32>
      %swap3A_499 = vector.shape_cast %mul3A_494 : vector<16xf32> to vector<1x16xf32>
      tpu.vector_store %arg7[%swap3A_495, %swap3A_496], %swap3A_499 {strides = array<i32>} : memref<512x64xf32, #tpu.memory_space<vmem>>, vector<1x16xf32>,
      %mul3A_500 = vector.broadcast %scan3A : f32 to vector<16xf32>
      %mul3A_501 = arith.mulf %scan3A_473#3, %mul3A_500 : vector<16xf32>
      %swap3A_502 = arith.index_cast %add3A_478 : i32 to index
      %swap3A_503 = arith.constant 48 : index
      %swap3A_504 = tpu.vector_load %arg7[%swap3A_502, %swap3A_503] {strides = array<i32>} : memref<512x64xf32, #tpu.memory_space<vmem>>, vector<1x16xf32>,
      %swap3A_505 = vector.shape_cast %swap3A_504 : vector<1x16xf32> to vector<16xf32>
      %swap3A_506 = vector.shape_cast %mul3A_501 : vector<16xf32> to vector<1x16xf32>
      tpu.vector_store %arg7[%swap3A_502, %swap3A_503], %swap3A_506 {strides = array<i32>} : memref<512x64xf32, #tpu.memory_space<vmem>>, vector<1x16xf32>,
      %get3A_507 = arith.constant 2 : i32
      %get3A_508 = arith.constant 50 : i32
      %get3A_509 = arith.constant 0 : i32
      %get3A_510 = arith.constant 0 : i32
      %get3A_511 = tpu.memref_slice %arg6[%get3A_507, %get3A_509, %get3A_510] : memref<4x100x64xf32, #tpu.memory_space<vmem>> -> memref<1x100x64xf32, #tpu.memory_space<vmem>>
      %get3A_512 = tpu.memref_squeeze %get3A_511 : memref<1x100x64xf32, #tpu.memory_space<vmem>> -> memref<100x64xf32, #tpu.memory_space<vmem>>
      %get3A_513 = arith.index_cast %get3A_508 : i32 to index
      %get3A_514 = arith.constant 0 : index
      %get3A_515 = tpu.vector_load %get3A_512[%get3A_513, %get3A_514] {strides = array<i32>} : memref<100x64xf32, #tpu.memory_space<vmem>>, vector<1x16xf32>,
      %get3A_516 = vector.shape_cast %get3A_515 : vector<1x16xf32> to vector<16xf32>
      %get3A_517 = arith.constant 2 : i32
      %get3A_518 = arith.constant 50 : i32
      %get3A_519 = arith.constant 0 : i32
      %get3A_520 = arith.constant 0 : i32
      %get3A_521 = tpu.memref_slice %arg6[%get3A_517, %get3A_519, %get3A_520] : memref<4x100x64xf32, #tpu.memory_space<vmem>> -> memref<1x100x64xf32, #tpu.memory_space<vmem>>
      %get3A_522 = tpu.memref_squeeze %get3A_521 : memref<1x100x64xf32, #tpu.memory_space<vmem>> -> memref<100x64xf32, #tpu.memory_space<vmem>>
      %get3A_523 = arith.index_cast %get3A_518 : i32 to index
      %get3A_524 = arith.constant 16 : index
      %get3A_525 = tpu.vector_load %get3A_522[%get3A_523, %get3A_524] {strides = array<i32>} : memref<100x64xf32, #tpu.memory_space<vmem>>, vector<1x16xf32>,
      %get3A_526 = vector.shape_cast %get3A_525 : vector<1x16xf32> to vector<16xf32>
      %get3A_527 = arith.constant 2 : i32
      %get3A_528 = arith.constant 50 : i32
      %get3A_529 = arith.constant 0 : i32
      %get3A_530 = arith.constant 0 : i32
      %get3A_531 = tpu.memref_slice %arg6[%get3A_527, %get3A_529, %get3A_530] : memref<4x100x64xf32, #tpu.memory_space<vmem>> -> memref<1x100x64xf32, #tpu.memory_space<vmem>>
      %get3A_532 = tpu.memref_squeeze %get3A_531 : memref<1x100x64xf32, #tpu.memory_space<vmem>> -> memref<100x64xf32, #tpu.memory_space<vmem>>
      %get3A_533 = arith.index_cast %get3A_528 : i32 to index
      %get3A_534 = arith.constant 32 : index
      %get3A_535 = tpu.vector_load %get3A_532[%get3A_533, %get3A_534] {strides = array<i32>} : memref<100x64xf32, #tpu.memory_space<vmem>>, vector<1x16xf32>,
      %get3A_536 = vector.shape_cast %get3A_535 : vector<1x16xf32> to vector<16xf32>
      %get3A_537 = arith.constant 2 : i32
      %get3A_538 = arith.constant 50 : i32
      %get3A_539 = arith.constant 0 : i32
      %get3A_540 = arith.constant 0 : i32
      %get3A_541 = tpu.memref_slice %arg6[%get3A_537, %get3A_539, %get3A_540] : memref<4x100x64xf32, #tpu.memory_space<vmem>> -> memref<1x100x64xf32, #tpu.memory_space<vmem>>
      %get3A_542 = tpu.memref_squeeze %get3A_541 : memref<1x100x64xf32, #tpu.memory_space<vmem>> -> memref<100x64xf32, #tpu.memory_space<vmem>>
      %get3A_543 = arith.index_cast %get3A_538 : i32 to index
      %get3A_544 = arith.constant 48 : index
      %get3A_545 = tpu.vector_load %get3A_542[%get3A_543, %get3A_544] {strides = array<i32>} : memref<100x64xf32, #tpu.memory_space<vmem>>, vector<1x16xf32>,
      %get3A_546 = vector.shape_cast %get3A_545 : vector<1x16xf32> to vector<16xf32>
      %scan3A_547 = arith.constant 2 : i32
      %scan3A_548 = arith.constant 1 : i32
      %scan3A_549 = arith.constant 49 : i32
      %scan3A_550 = arith.addi %scan3A_548, %scan3A_549 : i32
      %scan3A_551 = arith.constant 7 : i32
      %scan3A_552:4 = scf.for %scan3A_773 = %scan3A_548 to %scan3A_550 step %scan3A_551 iter_args(%scan3A_774 = %get3A_516, %scan3A_775 = %get3A_526, %scan3A_776 = %get3A_536, %scan3A_777 = %get3A_546) -> (vector<16xf32>, vector<16xf32>, vector<16xf32>, vector<16xf32>)  : i32 {
        %add3A_778 = arith.constant 50 : i32
        %add3A_779 = arith.addi %add3A_778, %scan3A_773 : i32
        %get3A_780 = arith.constant 0 : i32
        %get3A_781 = arith.constant 0 : i32
        %get3A_782 = tpu.memref_slice %arg6[%scan3A_547, %get3A_780, %get3A_781] : memref<4x100x64xf32, #tpu.memory_space<vmem>> -> memref<1x100x64xf32, #tpu.memory_space<vmem>>
        %get3A_783 = tpu.memref_squeeze %get3A_782 : memref<1x100x64xf32, #tpu.memory_space<vmem>> -> memref<100x64xf32, #tpu.memory_space<vmem>>
        %get3A_784 = arith.index_cast %add3A_779 : i32 to index
        %get3A_785 = arith.constant 0 : index
        %get3A_786 = tpu.vector_load %get3A_783[%get3A_784, %get3A_785] {strides = array<i32>} : memref<100x64xf32, #tpu.memory_space<vmem>>, vector<1x16xf32>,
        %get3A_787 = vector.shape_cast %get3A_786 : vector<1x16xf32> to vector<16xf32>
        %add3A_788 = arith.addf %scan3A_774, %get3A_787 : vector<16xf32>
        %add3A_789 = arith.constant 50 : i32
        %add3A_790 = arith.addi %add3A_789, %scan3A_773 : i32
        %get3A_791 = arith.constant 0 : i32
        %get3A_792 = arith.constant 0 : i32
        %get3A_793 = tpu.memref_slice %arg6[%scan3A_547, %get3A_791, %get3A_792] : memref<4x100x64xf32, #tpu.memory_space<vmem>> -> memref<1x100x64xf32, #tpu.memory_space<vmem>>
        %get3A_794 = tpu.memref_squeeze %get3A_793 : memref<1x100x64xf32, #tpu.memory_space<vmem>> -> memref<100x64xf32, #tpu.memory_space<vmem>>
        %get3A_795 = arith.index_cast %add3A_790 : i32 to index
        %get3A_796 = arith.constant 16 : index
        %get3A_797 = tpu.vector_load %get3A_794[%get3A_795, %get3A_796] {strides = array<i32>} : memref<100x64xf32, #tpu.memory_space<vmem>>, vector<1x16xf32>,
        %get3A_798 = vector.shape_cast %get3A_797 : vector<1x16xf32> to vector<16xf32>
        %add3A_799 = arith.addf %scan3A_775, %get3A_798 : vector<16xf32>
        %add3A_800 = arith.constant 50 : i32
        %add3A_801 = arith.addi %add3A_800, %scan3A_773 : i32
        %get3A_802 = arith.constant 0 : i32
        %get3A_803 = arith.constant 0 : i32
        %get3A_804 = tpu.memref_slice %arg6[%scan3A_547, %get3A_802, %get3A_803] : memref<4x100x64xf32, #tpu.memory_space<vmem>> -> memref<1x100x64xf32, #tpu.memory_space<vmem>>
        %get3A_805 = tpu.memref_squeeze %get3A_804 : memref<1x100x64xf32, #tpu.memory_space<vmem>> -> memref<100x64xf32, #tpu.memory_space<vmem>>
        %get3A_806 = arith.index_cast %add3A_801 : i32 to index
        %get3A_807 = arith.constant 32 : index
        %get3A_808 = tpu.vector_load %get3A_805[%get3A_806, %get3A_807] {strides = array<i32>} : memref<100x64xf32, #tpu.memory_space<vmem>>, vector<1x16xf32>,
        %get3A_809 = vector.shape_cast %get3A_808 : vector<1x16xf32> to vector<16xf32>
        %add3A_810 = arith.addf %scan3A_776, %get3A_809 : vector<16xf32>
        %add3A_811 = arith.constant 50 : i32
        %add3A_812 = arith.addi %add3A_811, %scan3A_773 : i32
        %get3A_813 = arith.constant 0 : i32
        %get3A_814 = arith.constant 0 : i32
        %get3A_815 = tpu.memref_slice %arg6[%scan3A_547, %get3A_813, %get3A_814] : memref<4x100x64xf32, #tpu.memory_space<vmem>> -> memref<1x100x64xf32, #tpu.memory_space<vmem>>
        %get3A_816 = tpu.memref_squeeze %get3A_815 : memref<1x100x64xf32, #tpu.memory_space<vmem>> -> memref<100x64xf32, #tpu.memory_space<vmem>>
        %get3A_817 = arith.index_cast %add3A_812 : i32 to index
        %get3A_818 = arith.constant 48 : index
        %get3A_819 = tpu.vector_load %get3A_816[%get3A_817, %get3A_818] {strides = array<i32>} : memref<100x64xf32, #tpu.memory_space<vmem>>, vector<1x16xf32>,
        %get3A_820 = vector.shape_cast %get3A_819 : vector<1x16xf32> to vector<16xf32>
        %add3A_821 = arith.addf %scan3A_777, %get3A_820 : vector<16xf32>
        %scan3A_822 = arith.constant 1 : i32
        %scan3A_823 = arith.addi %scan3A_773, %scan3A_822 : i32
        %add3A_824 = arith.constant 50 : i32
        %add3A_825 = arith.addi %add3A_824, %scan3A_823 : i32
        %get3A_826 = arith.constant 0 : i32
        %get3A_827 = arith.constant 0 : i32
        %get3A_828 = tpu.memref_slice %arg6[%scan3A_547, %get3A_826, %get3A_827] : memref<4x100x64xf32, #tpu.memory_space<vmem>> -> memref<1x100x64xf32, #tpu.memory_space<vmem>>
        %get3A_829 = tpu.memref_squeeze %get3A_828 : memref<1x100x64xf32, #tpu.memory_space<vmem>> -> memref<100x64xf32, #tpu.memory_space<vmem>>
        %get3A_830 = arith.index_cast %add3A_825 : i32 to index
        %get3A_831 = arith.constant 0 : index
        %get3A_832 = tpu.vector_load %get3A_829[%get3A_830, %get3A_831] {strides = array<i32>} : memref<100x64xf32, #tpu.memory_space<vmem>>, vector<1x16xf32>,
        %get3A_833 = vector.shape_cast %get3A_832 : vector<1x16xf32> to vector<16xf32>
        %add3A_834 = arith.addf %add3A_788, %get3A_833 : vector<16xf32>
        %add3A_835 = arith.constant 50 : i32
        %add3A_836 = arith.addi %add3A_835, %scan3A_823 : i32
        %get3A_837 = arith.constant 0 : i32
        %get3A_838 = arith.constant 0 : i32
        %get3A_839 = tpu.memref_slice %arg6[%scan3A_547, %get3A_837, %get3A_838] : memref<4x100x64xf32, #tpu.memory_space<vmem>> -> memref<1x100x64xf32, #tpu.memory_space<vmem>>
        %get3A_840 = tpu.memref_squeeze %get3A_839 : memref<1x100x64xf32, #tpu.memory_space<vmem>> -> memref<100x64xf32, #tpu.memory_space<vmem>>
        %get3A_841 = arith.index_cast %add3A_836 : i32 to index
        %get3A_842 = arith.constant 16 : index
        %get3A_843 = tpu.vector_load %get3A_840[%get3A_841, %get3A_842] {strides = array<i32>} : memref<100x64xf32, #tpu.memory_space<vmem>>, vector<1x16xf32>,
        %get3A_844 = vector.shape_cast %get3A_843 : vector<1x16xf32> to vector<16xf32>
        %add3A_845 = arith.addf %add3A_799, %get3A_844 : vector<16xf32>
        %add3A_846 = arith.constant 50 : i32
        %add3A_847 = arith.addi %add3A_846, %scan3A_823 : i32
        %get3A_848 = arith.constant 0 : i32
        %get3A_849 = arith.constant 0 : i32
        %get3A_850 = tpu.memref_slice %arg6[%scan3A_547, %get3A_848, %get3A_849] : memref<4x100x64xf32, #tpu.memory_space<vmem>> -> memref<1x100x64xf32, #tpu.memory_space<vmem>>
        %get3A_851 = tpu.memref_squeeze %get3A_850 : memref<1x100x64xf32, #tpu.memory_space<vmem>> -> memref<100x64xf32, #tpu.memory_space<vmem>>
        %get3A_852 = arith.index_cast %add3A_847 : i32 to index
        %get3A_853 = arith.constant 32 : index
        %get3A_854 = tpu.vector_load %get3A_851[%get3A_852, %get3A_853] {strides = array<i32>} : memref<100x64xf32, #tpu.memory_space<vmem>>, vector<1x16xf32>,
        %get3A_855 = vector.shape_cast %get3A_854 : vector<1x16xf32> to vector<16xf32>
        %add3A_856 = arith.addf %add3A_810, %get3A_855 : vector<16xf32>
        %add3A_857 = arith.constant 50 : i32
        %add3A_858 = arith.addi %add3A_857, %scan3A_823 : i32
        %get3A_859 = arith.constant 0 : i32
        %get3A_860 = arith.constant 0 : i32
        %get3A_861 = tpu.memref_slice %arg6[%scan3A_547, %get3A_859, %get3A_860] : memref<4x100x64xf32, #tpu.memory_space<vmem>> -> memref<1x100x64xf32, #tpu.memory_space<vmem>>
        %get3A_862 = tpu.memref_squeeze %get3A_861 : memref<1x100x64xf32, #tpu.memory_space<vmem>> -> memref<100x64xf32, #tpu.memory_space<vmem>>
        %get3A_863 = arith.index_cast %add3A_858 : i32 to index
        %get3A_864 = arith.constant 48 : index
        %get3A_865 = tpu.vector_load %get3A_862[%get3A_863, %get3A_864] {strides = array<i32>} : memref<100x64xf32, #tpu.memory_space<vmem>>, vector<1x16xf32>,
        %get3A_866 = vector.shape_cast %get3A_865 : vector<1x16xf32> to vector<16xf32>
        %add3A_867 = arith.addf %add3A_821, %get3A_866 : vector<16xf32>
        %scan3A_868 = arith.constant 2 : i32
        %scan3A_869 = arith.addi %scan3A_773, %scan3A_868 : i32
        %add3A_870 = arith.constant 50 : i32
        %add3A_871 = arith.addi %add3A_870, %scan3A_869 : i32
        %get3A_872 = arith.constant 0 : i32
        %get3A_873 = arith.constant 0 : i32
        %get3A_874 = tpu.memref_slice %arg6[%scan3A_547, %get3A_872, %get3A_873] : memref<4x100x64xf32, #tpu.memory_space<vmem>> -> memref<1x100x64xf32, #tpu.memory_space<vmem>>
        %get3A_875 = tpu.memref_squeeze %get3A_874 : memref<1x100x64xf32, #tpu.memory_space<vmem>> -> memref<100x64xf32, #tpu.memory_space<vmem>>
        %get3A_876 = arith.index_cast %add3A_871 : i32 to index
        %get3A_877 = arith.constant 0 : index
        %get3A_878 = tpu.vector_load %get3A_875[%get3A_876, %get3A_877] {strides = array<i32>} : memref<100x64xf32, #tpu.memory_space<vmem>>, vector<1x16xf32>,
        %get3A_879 = vector.shape_cast %get3A_878 : vector<1x16xf32> to vector<16xf32>
        %add3A_880 = arith.addf %add3A_834, %get3A_879 : vector<16xf32>
        %add3A_881 = arith.constant 50 : i32
        %add3A_882 = arith.addi %add3A_881, %scan3A_869 : i32
        %get3A_883 = arith.constant 0 : i32
        %get3A_884 = arith.constant 0 : i32
        %get3A_885 = tpu.memref_slice %arg6[%scan3A_547, %get3A_883, %get3A_884] : memref<4x100x64xf32, #tpu.memory_space<vmem>> -> memref<1x100x64xf32, #tpu.memory_space<vmem>>
        %get3A_886 = tpu.memref_squeeze %get3A_885 : memref<1x100x64xf32, #tpu.memory_space<vmem>> -> memref<100x64xf32, #tpu.memory_space<vmem>>
        %get3A_887 = arith.index_cast %add3A_882 : i32 to index
        %get3A_888 = arith.constant 16 : index
        %get3A_889 = tpu.vector_load %get3A_886[%get3A_887, %get3A_888] {strides = array<i32>} : memref<100x64xf32, #tpu.memory_space<vmem>>, vector<1x16xf32>,
        %get3A_890 = vector.shape_cast %get3A_889 : vector<1x16xf32> to vector<16xf32>
        %add3A_891 = arith.addf %add3A_845, %get3A_890 : vector<16xf32>
        %add3A_892 = arith.constant 50 : i32
        %add3A_893 = arith.addi %add3A_892, %scan3A_869 : i32
        %get3A_894 = arith.constant 0 : i32
        %get3A_895 = arith.constant 0 : i32
        %get3A_896 = tpu.memref_slice %arg6[%scan3A_547, %get3A_894, %get3A_895] : memref<4x100x64xf32, #tpu.memory_space<vmem>> -> memref<1x100x64xf32, #tpu.memory_space<vmem>>
        %get3A_897 = tpu.memref_squeeze %get3A_896 : memref<1x100x64xf32, #tpu.memory_space<vmem>> -> memref<100x64xf32, #tpu.memory_space<vmem>>
        %get3A_898 = arith.index_cast %add3A_893 : i32 to index
        %get3A_899 = arith.constant 32 : index
        %get3A_900 = tpu.vector_load %get3A_897[%get3A_898, %get3A_899] {strides = array<i32>} : memref<100x64xf32, #tpu.memory_space<vmem>>, vector<1x16xf32>,
        %get3A_901 = vector.shape_cast %get3A_900 : vector<1x16xf32> to vector<16xf32>
        %add3A_902 = arith.addf %add3A_856, %get3A_901 : vector<16xf32>
        %add3A_903 = arith.constant 50 : i32
        %add3A_904 = arith.addi %add3A_903, %scan3A_869 : i32
        %get3A_905 = arith.constant 0 : i32
        %get3A_906 = arith.constant 0 : i32
        %get3A_907 = tpu.memref_slice %arg6[%scan3A_547, %get3A_905, %get3A_906] : memref<4x100x64xf32, #tpu.memory_space<vmem>> -> memref<1x100x64xf32, #tpu.memory_space<vmem>>
        %get3A_908 = tpu.memref_squeeze %get3A_907 : memref<1x100x64xf32, #tpu.memory_space<vmem>> -> memref<100x64xf32, #tpu.memory_space<vmem>>
        %get3A_909 = arith.index_cast %add3A_904 : i32 to index
        %get3A_910 = arith.constant 48 : index
        %get3A_911 = tpu.vector_load %get3A_908[%get3A_909, %get3A_910] {strides = array<i32>} : memref<100x64xf32, #tpu.memory_space<vmem>>, vector<1x16xf32>,
        %get3A_912 = vector.shape_cast %get3A_911 : vector<1x16xf32> to vector<16xf32>
        %add3A_913 = arith.addf %add3A_867, %get3A_912 : vector<16xf32>
        %scan3A_914 = arith.constant 3 : i32
        %scan3A_915 = arith.addi %scan3A_773, %scan3A_914 : i32
        %add3A_916 = arith.constant 50 : i32
        %add3A_917 = arith.addi %add3A_916, %scan3A_915 : i32
        %get3A_918 = arith.constant 0 : i32
        %get3A_919 = arith.constant 0 : i32
        %get3A_920 = tpu.memref_slice %arg6[%scan3A_547, %get3A_918, %get3A_919] : memref<4x100x64xf32, #tpu.memory_space<vmem>> -> memref<1x100x64xf32, #tpu.memory_space<vmem>>
        %get3A_921 = tpu.memref_squeeze %get3A_920 : memref<1x100x64xf32, #tpu.memory_space<vmem>> -> memref<100x64xf32, #tpu.memory_space<vmem>>
        %get3A_922 = arith.index_cast %add3A_917 : i32 to index
        %get3A_923 = arith.constant 0 : index
        %get3A_924 = tpu.vector_load %get3A_921[%get3A_922, %get3A_923] {strides = array<i32>} : memref<100x64xf32, #tpu.memory_space<vmem>>, vector<1x16xf32>,
        %get3A_925 = vector.shape_cast %get3A_924 : vector<1x16xf32> to vector<16xf32>
        %add3A_926 = arith.addf %add3A_880, %get3A_925 : vector<16xf32>
        %add3A_927 = arith.constant 50 : i32
        %add3A_928 = arith.addi %add3A_927, %scan3A_915 : i32
        %get3A_929 = arith.constant 0 : i32
        %get3A_930 = arith.constant 0 : i32
        %get3A_931 = tpu.memref_slice %arg6[%scan3A_547, %get3A_929, %get3A_930] : memref<4x100x64xf32, #tpu.memory_space<vmem>> -> memref<1x100x64xf32, #tpu.memory_space<vmem>>
        %get3A_932 = tpu.memref_squeeze %get3A_931 : memref<1x100x64xf32, #tpu.memory_space<vmem>> -> memref<100x64xf32, #tpu.memory_space<vmem>>
        %get3A_933 = arith.index_cast %add3A_928 : i32 to index
        %get3A_934 = arith.constant 16 : index
        %get3A_935 = tpu.vector_load %get3A_932[%get3A_933, %get3A_934] {strides = array<i32>} : memref<100x64xf32, #tpu.memory_space<vmem>>, vector<1x16xf32>,
        %get3A_936 = vector.shape_cast %get3A_935 : vector<1x16xf32> to vector<16xf32>
        %add3A_937 = arith.addf %add3A_891, %get3A_936 : vector<16xf32>
        %add3A_938 = arith.constant 50 : i32
        %add3A_939 = arith.addi %add3A_938, %scan3A_915 : i32
        %get3A_940 = arith.constant 0 : i32
        %get3A_941 = arith.constant 0 : i32
        %get3A_942 = tpu.memref_slice %arg6[%scan3A_547, %get3A_940, %get3A_941] : memref<4x100x64xf32, #tpu.memory_space<vmem>> -> memref<1x100x64xf32, #tpu.memory_space<vmem>>
        %get3A_943 = tpu.memref_squeeze %get3A_942 : memref<1x100x64xf32, #tpu.memory_space<vmem>> -> memref<100x64xf32, #tpu.memory_space<vmem>>
        %get3A_944 = arith.index_cast %add3A_939 : i32 to index
        %get3A_945 = arith.constant 32 : index
        %get3A_946 = tpu.vector_load %get3A_943[%get3A_944, %get3A_945] {strides = array<i32>} : memref<100x64xf32, #tpu.memory_space<vmem>>, vector<1x16xf32>,
        %get3A_947 = vector.shape_cast %get3A_946 : vector<1x16xf32> to vector<16xf32>
        %add3A_948 = arith.addf %add3A_902, %get3A_947 : vector<16xf32>
        %add3A_949 = arith.constant 50 : i32
        %add3A_950 = arith.addi %add3A_949, %scan3A_915 : i32
        %get3A_951 = arith.constant 0 : i32
        %get3A_952 = arith.constant 0 : i32
        %get3A_953 = tpu.memref_slice %arg6[%scan3A_547, %get3A_951, %get3A_952] : memref<4x100x64xf32, #tpu.memory_space<vmem>> -> memref<1x100x64xf32, #tpu.memory_space<vmem>>
        %get3A_954 = tpu.memref_squeeze %get3A_953 : memref<1x100x64xf32, #tpu.memory_space<vmem>> -> memref<100x64xf32, #tpu.memory_space<vmem>>
        %get3A_955 = arith.index_cast %add3A_950 : i32 to index
        %get3A_956 = arith.constant 48 : index
        %get3A_957 = tpu.vector_load %get3A_954[%get3A_955, %get3A_956] {strides = array<i32>} : memref<100x64xf32, #tpu.memory_space<vmem>>, vector<1x16xf32>,
        %get3A_958 = vector.shape_cast %get3A_957 : vector<1x16xf32> to vector<16xf32>
        %add3A_959 = arith.addf %add3A_913, %get3A_958 : vector<16xf32>
        %scan3A_960 = arith.constant 4 : i32
        %scan3A_961 = arith.addi %scan3A_773, %scan3A_960 : i32
        %add3A_962 = arith.constant 50 : i32
        %add3A_963 = arith.addi %add3A_962, %scan3A_961 : i32
        %get3A_964 = arith.constant 0 : i32
        %get3A_965 = arith.constant 0 : i32
        %get3A_966 = tpu.memref_slice %arg6[%scan3A_547, %get3A_964, %get3A_965] : memref<4x100x64xf32, #tpu.memory_space<vmem>> -> memref<1x100x64xf32, #tpu.memory_space<vmem>>
        %get3A_967 = tpu.memref_squeeze %get3A_966 : memref<1x100x64xf32, #tpu.memory_space<vmem>> -> memref<100x64xf32, #tpu.memory_space<vmem>>
        %get3A_968 = arith.index_cast %add3A_963 : i32 to index
        %get3A_969 = arith.constant 0 : index
        %get3A_970 = tpu.vector_load %get3A_967[%get3A_968, %get3A_969] {strides = array<i32>} : memref<100x64xf32, #tpu.memory_space<vmem>>, vector<1x16xf32>,
        %get3A_971 = vector.shape_cast %get3A_970 : vector<1x16xf32> to vector<16xf32>
        %add3A_972 = arith.addf %add3A_926, %get3A_971 : vector<16xf32>
        %add3A_973 = arith.constant 50 : i32
        %add3A_974 = arith.addi %add3A_973, %scan3A_961 : i32
        %get3A_975 = arith.constant 0 : i32
        %get3A_976 = arith.constant 0 : i32
        %get3A_977 = tpu.memref_slice %arg6[%scan3A_547, %get3A_975, %get3A_976] : memref<4x100x64xf32, #tpu.memory_space<vmem>> -> memref<1x100x64xf32, #tpu.memory_space<vmem>>
        %get3A_978 = tpu.memref_squeeze %get3A_977 : memref<1x100x64xf32, #tpu.memory_space<vmem>> -> memref<100x64xf32, #tpu.memory_space<vmem>>
        %get3A_979 = arith.index_cast %add3A_974 : i32 to index
        %get3A_980 = arith.constant 16 : index
        %get3A_981 = tpu.vector_load %get3A_978[%get3A_979, %get3A_980] {strides = array<i32>} : memref<100x64xf32, #tpu.memory_space<vmem>>, vector<1x16xf32>,
        %get3A_982 = vector.shape_cast %get3A_981 : vector<1x16xf32> to vector<16xf32>
        %add3A_983 = arith.addf %add3A_937, %get3A_982 : vector<16xf32>
        %add3A_984 = arith.constant 50 : i32
        %add3A_985 = arith.addi %add3A_984, %scan3A_961 : i32
        %get3A_986 = arith.constant 0 : i32
        %get3A_987 = arith.constant 0 : i32
        %get3A_988 = tpu.memref_slice %arg6[%scan3A_547, %get3A_986, %get3A_987] : memref<4x100x64xf32, #tpu.memory_space<vmem>> -> memref<1x100x64xf32, #tpu.memory_space<vmem>>
        %get3A_989 = tpu.memref_squeeze %get3A_988 : memref<1x100x64xf32, #tpu.memory_space<vmem>> -> memref<100x64xf32, #tpu.memory_space<vmem>>
        %get3A_990 = arith.index_cast %add3A_985 : i32 to index
        %get3A_991 = arith.constant 32 : index
        %get3A_992 = tpu.vector_load %get3A_989[%get3A_990, %get3A_991] {strides = array<i32>} : memref<100x64xf32, #tpu.memory_space<vmem>>, vector<1x16xf32>,
        %get3A_993 = vector.shape_cast %get3A_992 : vector<1x16xf32> to vector<16xf32>
        %add3A_994 = arith.addf %add3A_948, %get3A_993 : vector<16xf32>
        %add3A_995 = arith.constant 50 : i32
        %add3A_996 = arith.addi %add3A_995, %scan3A_961 : i32
        %get3A_997 = arith.constant 0 : i32
        %get3A_998 = arith.constant 0 : i32
        %get3A_999 = tpu.memref_slice %arg6[%scan3A_547, %get3A_997, %get3A_998] : memref<4x100x64xf32, #tpu.memory_space<vmem>> -> memref<1x100x64xf32, #tpu.memory_space<vmem>>
        %get3A_1000 = tpu.memref_squeeze %get3A_999 : memref<1x100x64xf32, #tpu.memory_space<vmem>> -> memref<100x64xf32, #tpu.memory_space<vmem>>
        %get3A_1001 = arith.index_cast %add3A_996 : i32 to index
        %get3A_1002 = arith.constant 48 : index
        %get3A_1003 = tpu.vector_load %get3A_1000[%get3A_1001, %get3A_1002] {strides = array<i32>} : memref<100x64xf32, #tpu.memory_space<vmem>>, vector<1x16xf32>,
        %get3A_1004 = vector.shape_cast %get3A_1003 : vector<1x16xf32> to vector<16xf32>
        %add3A_1005 = arith.addf %add3A_959, %get3A_1004 : vector<16xf32>
        %scan3A_1006 = arith.constant 5 : i32
        %scan3A_1007 = arith.addi %scan3A_773, %scan3A_1006 : i32
        %add3A_1008 = arith.constant 50 : i32
        %add3A_1009 = arith.addi %add3A_1008, %scan3A_1007 : i32
        %get3A_1010 = arith.constant 0 : i32
        %get3A_1011 = arith.constant 0 : i32
        %get3A_1012 = tpu.memref_slice %arg6[%scan3A_547, %get3A_1010, %get3A_1011] : memref<4x100x64xf32, #tpu.memory_space<vmem>> -> memref<1x100x64xf32, #tpu.memory_space<vmem>>
        %get3A_1013 = tpu.memref_squeeze %get3A_1012 : memref<1x100x64xf32, #tpu.memory_space<vmem>> -> memref<100x64xf32, #tpu.memory_space<vmem>>
        %get3A_1014 = arith.index_cast %add3A_1009 : i32 to index
        %get3A_1015 = arith.constant 0 : index
        %get3A_1016 = tpu.vector_load %get3A_1013[%get3A_1014, %get3A_1015] {strides = array<i32>} : memref<100x64xf32, #tpu.memory_space<vmem>>, vector<1x16xf32>,
        %get3A_1017 = vector.shape_cast %get3A_1016 : vector<1x16xf32> to vector<16xf32>
        %add3A_1018 = arith.addf %add3A_972, %get3A_1017 : vector<16xf32>
        %add3A_1019 = arith.constant 50 : i32
        %add3A_1020 = arith.addi %add3A_1019, %scan3A_1007 : i32
        %get3A_1021 = arith.constant 0 : i32
        %get3A_1022 = arith.constant 0 : i32
        %get3A_1023 = tpu.memref_slice %arg6[%scan3A_547, %get3A_1021, %get3A_1022] : memref<4x100x64xf32, #tpu.memory_space<vmem>> -> memref<1x100x64xf32, #tpu.memory_space<vmem>>
        %get3A_1024 = tpu.memref_squeeze %get3A_1023 : memref<1x100x64xf32, #tpu.memory_space<vmem>> -> memref<100x64xf32, #tpu.memory_space<vmem>>
        %get3A_1025 = arith.index_cast %add3A_1020 : i32 to index
        %get3A_1026 = arith.constant 16 : index
        %get3A_1027 = tpu.vector_load %get3A_1024[%get3A_1025, %get3A_1026] {strides = array<i32>} : memref<100x64xf32, #tpu.memory_space<vmem>>, vector<1x16xf32>,
        %get3A_1028 = vector.shape_cast %get3A_1027 : vector<1x16xf32> to vector<16xf32>
        %add3A_1029 = arith.addf %add3A_983, %get3A_1028 : vector<16xf32>
        %add3A_1030 = arith.constant 50 : i32
        %add3A_1031 = arith.addi %add3A_1030, %scan3A_1007 : i32
        %get3A_1032 = arith.constant 0 : i32
        %get3A_1033 = arith.constant 0 : i32
        %get3A_1034 = tpu.memref_slice %arg6[%scan3A_547, %get3A_1032, %get3A_1033] : memref<4x100x64xf32, #tpu.memory_space<vmem>> -> memref<1x100x64xf32, #tpu.memory_space<vmem>>
        %get3A_1035 = tpu.memref_squeeze %get3A_1034 : memref<1x100x64xf32, #tpu.memory_space<vmem>> -> memref<100x64xf32, #tpu.memory_space<vmem>>
        %get3A_1036 = arith.index_cast %add3A_1031 : i32 to index
        %get3A_1037 = arith.constant 32 : index
        %get3A_1038 = tpu.vector_load %get3A_1035[%get3A_1036, %get3A_1037] {strides = array<i32>} : memref<100x64xf32, #tpu.memory_space<vmem>>, vector<1x16xf32>,
        %get3A_1039 = vector.shape_cast %get3A_1038 : vector<1x16xf32> to vector<16xf32>
        %add3A_1040 = arith.addf %add3A_994, %get3A_1039 : vector<16xf32>
        %add3A_1041 = arith.constant 50 : i32
        %add3A_1042 = arith.addi %add3A_1041, %scan3A_1007 : i32
        %get3A_1043 = arith.constant 0 : i32
        %get3A_1044 = arith.constant 0 : i32
        %get3A_1045 = tpu.memref_slice %arg6[%scan3A_547, %get3A_1043, %get3A_1044] : memref<4x100x64xf32, #tpu.memory_space<vmem>> -> memref<1x100x64xf32, #tpu.memory_space<vmem>>
        %get3A_1046 = tpu.memref_squeeze %get3A_1045 : memref<1x100x64xf32, #tpu.memory_space<vmem>> -> memref<100x64xf32, #tpu.memory_space<vmem>>
        %get3A_1047 = arith.index_cast %add3A_1042 : i32 to index
        %get3A_1048 = arith.constant 48 : index
        %get3A_1049 = tpu.vector_load %get3A_1046[%get3A_1047, %get3A_1048] {strides = array<i32>} : memref<100x64xf32, #tpu.memory_space<vmem>>, vector<1x16xf32>,
        %get3A_1050 = vector.shape_cast %get3A_1049 : vector<1x16xf32> to vector<16xf32>
        %add3A_1051 = arith.addf %add3A_1005, %get3A_1050 : vector<16xf32>
        %scan3A_1052 = arith.constant 6 : i32
        %scan3A_1053 = arith.addi %scan3A_773, %scan3A_1052 : i32
        %add3A_1054 = arith.constant 50 : i32
        %add3A_1055 = arith.addi %add3A_1054, %scan3A_1053 : i32
        %get3A_1056 = arith.constant 0 : i32
        %get3A_1057 = arith.constant 0 : i32
        %get3A_1058 = tpu.memref_slice %arg6[%scan3A_547, %get3A_1056, %get3A_1057] : memref<4x100x64xf32, #tpu.memory_space<vmem>> -> memref<1x100x64xf32, #tpu.memory_space<vmem>>
        %get3A_1059 = tpu.memref_squeeze %get3A_1058 : memref<1x100x64xf32, #tpu.memory_space<vmem>> -> memref<100x64xf32, #tpu.memory_space<vmem>>
        %get3A_1060 = arith.index_cast %add3A_1055 : i32 to index
        %get3A_1061 = arith.constant 0 : index
        %get3A_1062 = tpu.vector_load %get3A_1059[%get3A_1060, %get3A_1061] {strides = array<i32>} : memref<100x64xf32, #tpu.memory_space<vmem>>, vector<1x16xf32>,
        %get3A_1063 = vector.shape_cast %get3A_1062 : vector<1x16xf32> to vector<16xf32>
        %add3A_1064 = arith.addf %add3A_1018, %get3A_1063 : vector<16xf32>
        %add3A_1065 = arith.constant 50 : i32
        %add3A_1066 = arith.addi %add3A_1065, %scan3A_1053 : i32
        %get3A_1067 = arith.constant 0 : i32
        %get3A_1068 = arith.constant 0 : i32
        %get3A_1069 = tpu.memref_slice %arg6[%scan3A_547, %get3A_1067, %get3A_1068] : memref<4x100x64xf32, #tpu.memory_space<vmem>> -> memref<1x100x64xf32, #tpu.memory_space<vmem>>
        %get3A_1070 = tpu.memref_squeeze %get3A_1069 : memref<1x100x64xf32, #tpu.memory_space<vmem>> -> memref<100x64xf32, #tpu.memory_space<vmem>>
        %get3A_1071 = arith.index_cast %add3A_1066 : i32 to index
        %get3A_1072 = arith.constant 16 : index
        %get3A_1073 = tpu.vector_load %get3A_1070[%get3A_1071, %get3A_1072] {strides = array<i32>} : memref<100x64xf32, #tpu.memory_space<vmem>>, vector<1x16xf32>,
        %get3A_1074 = vector.shape_cast %get3A_1073 : vector<1x16xf32> to vector<16xf32>
        %add3A_1075 = arith.addf %add3A_1029, %get3A_1074 : vector<16xf32>
        %add3A_1076 = arith.constant 50 : i32
        %add3A_1077 = arith.addi %add3A_1076, %scan3A_1053 : i32
        %get3A_1078 = arith.constant 0 : i32
        %get3A_1079 = arith.constant 0 : i32
        %get3A_1080 = tpu.memref_slice %arg6[%scan3A_547, %get3A_1078, %get3A_1079] : memref<4x100x64xf32, #tpu.memory_space<vmem>> -> memref<1x100x64xf32, #tpu.memory_space<vmem>>
        %get3A_1081 = tpu.memref_squeeze %get3A_1080 : memref<1x100x64xf32, #tpu.memory_space<vmem>> -> memref<100x64xf32, #tpu.memory_space<vmem>>
        %get3A_1082 = arith.index_cast %add3A_1077 : i32 to index
        %get3A_1083 = arith.constant 32 : index
        %get3A_1084 = tpu.vector_load %get3A_1081[%get3A_1082, %get3A_1083] {strides = array<i32>} : memref<100x64xf32, #tpu.memory_space<vmem>>, vector<1x16xf32>,
        %get3A_1085 = vector.shape_cast %get3A_1084 : vector<1x16xf32> to vector<16xf32>
        %add3A_1086 = arith.addf %add3A_1040, %get3A_1085 : vector<16xf32>
        %add3A_1087 = arith.constant 50 : i32
        %add3A_1088 = arith.addi %add3A_1087, %scan3A_1053 : i32
        %get3A_1089 = arith.constant 0 : i32
        %get3A_1090 = arith.constant 0 : i32
        %get3A_1091 = tpu.memref_slice %arg6[%scan3A_547, %get3A_1089, %get3A_1090] : memref<4x100x64xf32, #tpu.memory_space<vmem>> -> memref<1x100x64xf32, #tpu.memory_space<vmem>>
        %get3A_1092 = tpu.memref_squeeze %get3A_1091 : memref<1x100x64xf32, #tpu.memory_space<vmem>> -> memref<100x64xf32, #tpu.memory_space<vmem>>
        %get3A_1093 = arith.index_cast %add3A_1088 : i32 to index
        %get3A_1094 = arith.constant 48 : index
        %get3A_1095 = tpu.vector_load %get3A_1092[%get3A_1093, %get3A_1094] {strides = array<i32>} : memref<100x64xf32, #tpu.memory_space<vmem>>, vector<1x16xf32>,
        %get3A_1096 = vector.shape_cast %get3A_1095 : vector<1x16xf32> to vector<16xf32>
        %add3A_1097 = arith.addf %add3A_1051, %get3A_1096 : vector<16xf32>
        scf.yield %add3A_1064, %add3A_1075, %add3A_1086, %add3A_1097 : vector<16xf32>, vector<16xf32>, vector<16xf32>, vector<16xf32>
      }
      %scan3A_553 = arith.constant 49 : i32
      %mul3A_554 = arith.constant 2 : i32
      %mul3A_555 = arith.muli %add3A_414, %mul3A_554 : i32
      %add3A_556 = arith.constant 1 : i32
      %add3A_557 = arith.addi %mul3A_555, %add3A_556 : i32
      %mul3A_558 = vector.broadcast %scan3A : f32 to vector<16xf32>
      %mul3A_559 = arith.mulf %scan3A_552#0, %mul3A_558 : vector<16xf32>
      %swap3A_560 = arith.index_cast %add3A_557 : i32 to index
      %swap3A_561 = arith.constant 0 : index
      %swap3A_562 = tpu.vector_load %arg7[%swap3A_560, %swap3A_561] {strides = array<i32>} : memref<512x64xf32, #tpu.memory_space<vmem>>, vector<1x16xf32>,
      %swap3A_563 = vector.shape_cast %swap3A_562 : vector<1x16xf32> to vector<16xf32>
      %swap3A_564 = vector.shape_cast %mul3A_559 : vector<16xf32> to vector<1x16xf32>
      tpu.vector_store %arg7[%swap3A_560, %swap3A_561], %swap3A_564 {strides = array<i32>} : memref<512x64xf32, #tpu.memory_space<vmem>>, vector<1x16xf32>,
      %mul3A_565 = vector.broadcast %scan3A : f32 to vector<16xf32>
      %mul3A_566 = arith.mulf %scan3A_552#1, %mul3A_565 : vector<16xf32>
      %swap3A_567 = arith.index_cast %add3A_557 : i32 to index
      %swap3A_568 = arith.constant 16 : index
      %swap3A_569 = tpu.vector_load %arg7[%swap3A_567, %swap3A_568] {strides = array<i32>} : memref<512x64xf32, #tpu.memory_space<vmem>>, vector<1x16xf32>,
      %swap3A_570 = vector.shape_cast %swap3A_569 : vector<1x16xf32> to vector<16xf32>
      %swap3A_571 = vector.shape_cast %mul3A_566 : vector<16xf32> to vector<1x16xf32>
      tpu.vector_store %arg7[%swap3A_567, %swap3A_568], %swap3A_571 {strides = array<i32>} : memref<512x64xf32, #tpu.memory_space<vmem>>, vector<1x16xf32>,
      %mul3A_572 = vector.broadcast %scan3A : f32 to vector<16xf32>
      %mul3A_573 = arith.mulf %scan3A_552#2, %mul3A_572 : vector<16xf32>
      %swap3A_574 = arith.index_cast %add3A_557 : i32 to index
      %swap3A_575 = arith.constant 32 : index
      %swap3A_576 = tpu.vector_load %arg7[%swap3A_574, %swap3A_575] {strides = array<i32>} : memref<512x64xf32, #tpu.memory_space<vmem>>, vector<1x16xf32>,
      %swap3A_577 = vector.shape_cast %swap3A_576 : vector<1x16xf32> to vector<16xf32>
      %swap3A_578 = vector.shape_cast %mul3A_573 : vector<16xf32> to vector<1x16xf32>
      tpu.vector_store %arg7[%swap3A_574, %swap3A_575], %swap3A_578 {strides = array<i32>} : memref<512x64xf32, #tpu.memory_space<vmem>>, vector<1x16xf32>,
      %mul3A_579 = vector.broadcast %scan3A : f32 to vector<16xf32>
      %mul3A_580 = arith.mulf %scan3A_552#3, %mul3A_579 : vector<16xf32>
      %swap3A_581 = arith.index_cast %add3A_557 : i32 to index
      %swap3A_582 = arith.constant 48 : index
      %swap3A_583 = tpu.vector_load %arg7[%swap3A_581, %swap3A_582] {strides = array<i32>} : memref<512x64xf32, #tpu.memory_space<vmem>>, vector<1x16xf32>,
      %swap3A_584 = vector.shape_cast %swap3A_583 : vector<1x16xf32> to vector<16xf32>
      %swap3A_585 = vector.shape_cast %mul3A_580 : vector<16xf32> to vector<1x16xf32>
      tpu.vector_store %arg7[%swap3A_581, %swap3A_582], %swap3A_585 {strides = array<i32>} : memref<512x64xf32, #tpu.memory_space<vmem>>, vector<1x16xf32>,
      %add3A_586 = arith.constant 4 : i32
      %add3A_587 = arith.addi %add3A_414, %add3A_586 : i32
      %lt3A_588 = arith.constant 256 : i32
      %lt3A_589 = arith.cmpi slt, %add3A_587, %lt3A_588 : i32
      %convert_element_type3A_590 = arith.extui %lt3A_589 : i1 to i32
      %cond3A_591 = arith.constant 0 : i32
      %cond3A_592 = arith.cmpi ne, %convert_element_type3A_590, %cond3A_591 : i32
      scf.if %cond3A_592 {
        %min3A_773 = arith.constant 255 : i32
        %min3A_774 = arith.minsi %add3A_587, %min3A_773 : i32
        %dma_start3A_775 = arith.constant 2 : i32
        %dma_start3A_776 = arith.constant 0 : i32
        %dma_start3A_777 = arith.constant 0 : i32
        %dma_start3A_778 = tpu.memref_slice %arg6[%dma_start3A_775, %dma_start3A_776, %dma_start3A_777] : memref<4x100x64xf32, #tpu.memory_space<vmem>> -> memref<1x100x64xf32, #tpu.memory_space<vmem>>
        %dma_start3A_779 = tpu.memref_squeeze %dma_start3A_778 : memref<1x100x64xf32, #tpu.memory_space<vmem>> -> memref<100x64xf32, #tpu.memory_space<vmem>>
        %dma_start3A_780 = arith.constant 0 : i32
        %dma_start3A_781 = tpu.memref_slice %arg5[%min3A_774, %dma_start3A_780] : memref<256x100xi32, #tpu.memory_space<vmem>> -> memref<1x100xi32, #tpu.memory_space<vmem>>
        %dma_start3A_782 = tpu.memref_squeeze %dma_start3A_781 : memref<1x100xi32, #tpu.memory_space<vmem>> -> memref<100xi32, #tpu.memory_space<vmem>>
        %dma_start3A_783 = arith.constant 0 : i32
        %dma_start3A_784 = arith.constant 0 : i32
        %dma_start3A_785 = tpu.memref_slice %arg3[%dma_start3A_783, %dma_start3A_784] : memref<1000000x64xf32, #tpu.memory_space<hbm>> -> memref<1000000x64xf32, #tpu.memory_space<hbm>>
        tpu.enqueue_indirect_dma source(%dma_start3A_785 : memref<1000000x64xf32, #tpu.memory_space<hbm>>) target(%dma_start3A_779 : memref<100x64xf32, #tpu.memory_space<vmem>>) offsets(%dma_start3A_782 : memref<100xi32, #tpu.memory_space<vmem>>) semaphore(%arg10 : memref<!tpu.dma_semaphore, #tpu.memory_space<semaphore_mem>>)
      } else {
      }
      %add3A_593 = arith.constant 3 : i32
      %add3A_594 = arith.addi %add3A_59, %add3A_593 : i32
      %min3A_595 = arith.constant 255 : i32
      %min3A_596 = arith.minsi %add3A_594, %min3A_595 : i32
      %dma_wait3A_597 = arith.constant 3 : i32
      %dma_wait3A_598 = arith.constant 0 : i32
      %dma_wait3A_599 = arith.constant 0 : i32
      %dma_wait3A_600 = tpu.memref_slice %arg6[%dma_wait3A_597, %dma_wait3A_598, %dma_wait3A_599] : memref<4x100x64xf32, #tpu.memory_space<vmem>> -> memref<1x100x64xf32, #tpu.memory_space<vmem>>
      %dma_wait3A_601 = tpu.memref_squeeze %dma_wait3A_600 : memref<1x100x64xf32, #tpu.memory_space<vmem>> -> memref<100x64xf32, #tpu.memory_space<vmem>>
      %dma_wait3A_602 = arith.constant 0 : i32
      %dma_wait3A_603 = tpu.memref_slice %arg5[%min3A_596, %dma_wait3A_602] : memref<256x100xi32, #tpu.memory_space<vmem>> -> memref<1x100xi32, #tpu.memory_space<vmem>>
      %dma_wait3A_604 = tpu.memref_squeeze %dma_wait3A_603 : memref<1x100xi32, #tpu.memory_space<vmem>> -> memref<100xi32, #tpu.memory_space<vmem>>
      %dma_wait3A_605 = arith.constant 0 : i32
      %dma_wait3A_606 = arith.constant 0 : i32
      %dma_wait3A_607 = tpu.memref_slice %arg3[%dma_wait3A_605, %dma_wait3A_606] : memref<1000000x64xf32, #tpu.memory_space<hbm>> -> memref<1000000x64xf32, #tpu.memory_space<hbm>>
      tpu.wait_indirect_dma semaphore(%arg11 : memref<!tpu.dma_semaphore, #tpu.memory_space<semaphore_mem>>) src(%dma_wait3A_607 : memref<1000000x64xf32, #tpu.memory_space<hbm>>) dst(%dma_wait3A_601 : memref<100x64xf32, #tpu.memory_space<vmem>>)
      %get3A_608 = arith.constant 3 : i32
      %get3A_609 = arith.constant 0 : i32
      %get3A_610 = arith.constant 0 : i32
      %get3A_611 = arith.constant 0 : i32
      %get3A_612 = tpu.memref_slice %arg6[%get3A_608, %get3A_610, %get3A_611] : memref<4x100x64xf32, #tpu.memory_space<vmem>> -> memref<1x100x64xf32, #tpu.memory_space<vmem>>
      %get3A_613 = tpu.memref_squeeze %get3A_612 : memref<1x100x64xf32, #tpu.memory_space<vmem>> -> memref<100x64xf32, #tpu.memory_space<vmem>>
      %get3A_614 = arith.index_cast %get3A_609 : i32 to index
      %get3A_615 = arith.constant 0 : index
      %get3A_616 = tpu.vector_load %get3A_613[%get3A_614, %get3A_615] {strides = array<i32>} : memref<100x64xf32, #tpu.memory_space<vmem>>, vector<1x16xf32>,
      %get3A_617 = vector.shape_cast %get3A_616 : vector<1x16xf32> to vector<16xf32>
      %get3A_618 = arith.constant 3 : i32
      %get3A_619 = arith.constant 0 : i32
      %get3A_620 = arith.constant 0 : i32
      %get3A_621 = arith.constant 0 : i32
      %get3A_622 = tpu.memref_slice %arg6[%get3A_618, %get3A_620, %get3A_621] : memref<4x100x64xf32, #tpu.memory_space<vmem>> -> memref<1x100x64xf32, #tpu.memory_space<vmem>>
      %get3A_623 = tpu.memref_squeeze %get3A_622 : memref<1x100x64xf32, #tpu.memory_space<vmem>> -> memref<100x64xf32, #tpu.memory_space<vmem>>
      %get3A_624 = arith.index_cast %get3A_619 : i32 to index
      %get3A_625 = arith.constant 16 : index
      %get3A_626 = tpu.vector_load %get3A_623[%get3A_624, %get3A_625] {strides = array<i32>} : memref<100x64xf32, #tpu.memory_space<vmem>>, vector<1x16xf32>,
      %get3A_627 = vector.shape_cast %get3A_626 : vector<1x16xf32> to vector<16xf32>
      %get3A_628 = arith.constant 3 : i32
      %get3A_629 = arith.constant 0 : i32
      %get3A_630 = arith.constant 0 : i32
      %get3A_631 = arith.constant 0 : i32
      %get3A_632 = tpu.memref_slice %arg6[%get3A_628, %get3A_630, %get3A_631] : memref<4x100x64xf32, #tpu.memory_space<vmem>> -> memref<1x100x64xf32, #tpu.memory_space<vmem>>
      %get3A_633 = tpu.memref_squeeze %get3A_632 : memref<1x100x64xf32, #tpu.memory_space<vmem>> -> memref<100x64xf32, #tpu.memory_space<vmem>>
      %get3A_634 = arith.index_cast %get3A_629 : i32 to index
      %get3A_635 = arith.constant 32 : index
      %get3A_636 = tpu.vector_load %get3A_633[%get3A_634, %get3A_635] {strides = array<i32>} : memref<100x64xf32, #tpu.memory_space<vmem>>, vector<1x16xf32>,
      %get3A_637 = vector.shape_cast %get3A_636 : vector<1x16xf32> to vector<16xf32>
      %get3A_638 = arith.constant 3 : i32
      %get3A_639 = arith.constant 0 : i32
      %get3A_640 = arith.constant 0 : i32
      %get3A_641 = arith.constant 0 : i32
      %get3A_642 = tpu.memref_slice %arg6[%get3A_638, %get3A_640, %get3A_641] : memref<4x100x64xf32, #tpu.memory_space<vmem>> -> memref<1x100x64xf32, #tpu.memory_space<vmem>>
      %get3A_643 = tpu.memref_squeeze %get3A_642 : memref<1x100x64xf32, #tpu.memory_space<vmem>> -> memref<100x64xf32, #tpu.memory_space<vmem>>
      %get3A_644 = arith.index_cast %get3A_639 : i32 to index
      %get3A_645 = arith.constant 48 : index
      %get3A_646 = tpu.vector_load %get3A_643[%get3A_644, %get3A_645] {strides = array<i32>} : memref<100x64xf32, #tpu.memory_space<vmem>>, vector<1x16xf32>,
      %get3A_647 = vector.shape_cast %get3A_646 : vector<1x16xf32> to vector<16xf32>
      %scan3A_648 = arith.constant 3 : i32
      %scan3A_649 = arith.constant 1 : i32
      %scan3A_650 = arith.constant 49 : i32
      %scan3A_651 = arith.addi %scan3A_649, %scan3A_650 : i32
      %scan3A_652 = arith.constant 7 : i32
      %scan3A_653:4 = scf.for %scan3A_773 = %scan3A_649 to %scan3A_651 step %scan3A_652 iter_args(%scan3A_774 = %get3A_617, %scan3A_775 = %get3A_627, %scan3A_776 = %get3A_637, %scan3A_777 = %get3A_647) -> (vector<16xf32>, vector<16xf32>, vector<16xf32>, vector<16xf32>)  : i32 {
        %add3A_778 = arith.constant 0 : i32
        %add3A_779 = arith.addi %add3A_778, %scan3A_773 : i32
        %get3A_780 = arith.constant 0 : i32
        %get3A_781 = arith.constant 0 : i32
        %get3A_782 = tpu.memref_slice %arg6[%scan3A_648, %get3A_780, %get3A_781] : memref<4x100x64xf32, #tpu.memory_space<vmem>> -> memref<1x100x64xf32, #tpu.memory_space<vmem>>
        %get3A_783 = tpu.memref_squeeze %get3A_782 : memref<1x100x64xf32, #tpu.memory_space<vmem>> -> memref<100x64xf32, #tpu.memory_space<vmem>>
        %get3A_784 = arith.index_cast %add3A_779 : i32 to index
        %get3A_785 = arith.constant 0 : index
        %get3A_786 = tpu.vector_load %get3A_783[%get3A_784, %get3A_785] {strides = array<i32>} : memref<100x64xf32, #tpu.memory_space<vmem>>, vector<1x16xf32>,
        %get3A_787 = vector.shape_cast %get3A_786 : vector<1x16xf32> to vector<16xf32>
        %add3A_788 = arith.addf %scan3A_774, %get3A_787 : vector<16xf32>
        %add3A_789 = arith.constant 0 : i32
        %add3A_790 = arith.addi %add3A_789, %scan3A_773 : i32
        %get3A_791 = arith.constant 0 : i32
        %get3A_792 = arith.constant 0 : i32
        %get3A_793 = tpu.memref_slice %arg6[%scan3A_648, %get3A_791, %get3A_792] : memref<4x100x64xf32, #tpu.memory_space<vmem>> -> memref<1x100x64xf32, #tpu.memory_space<vmem>>
        %get3A_794 = tpu.memref_squeeze %get3A_793 : memref<1x100x64xf32, #tpu.memory_space<vmem>> -> memref<100x64xf32, #tpu.memory_space<vmem>>
        %get3A_795 = arith.index_cast %add3A_790 : i32 to index
        %get3A_796 = arith.constant 16 : index
        %get3A_797 = tpu.vector_load %get3A_794[%get3A_795, %get3A_796] {strides = array<i32>} : memref<100x64xf32, #tpu.memory_space<vmem>>, vector<1x16xf32>,
        %get3A_798 = vector.shape_cast %get3A_797 : vector<1x16xf32> to vector<16xf32>
        %add3A_799 = arith.addf %scan3A_775, %get3A_798 : vector<16xf32>
        %add3A_800 = arith.constant 0 : i32
        %add3A_801 = arith.addi %add3A_800, %scan3A_773 : i32
        %get3A_802 = arith.constant 0 : i32
        %get3A_803 = arith.constant 0 : i32
        %get3A_804 = tpu.memref_slice %arg6[%scan3A_648, %get3A_802, %get3A_803] : memref<4x100x64xf32, #tpu.memory_space<vmem>> -> memref<1x100x64xf32, #tpu.memory_space<vmem>>
        %get3A_805 = tpu.memref_squeeze %get3A_804 : memref<1x100x64xf32, #tpu.memory_space<vmem>> -> memref<100x64xf32, #tpu.memory_space<vmem>>
        %get3A_806 = arith.index_cast %add3A_801 : i32 to index
        %get3A_807 = arith.constant 32 : index
        %get3A_808 = tpu.vector_load %get3A_805[%get3A_806, %get3A_807] {strides = array<i32>} : memref<100x64xf32, #tpu.memory_space<vmem>>, vector<1x16xf32>,
        %get3A_809 = vector.shape_cast %get3A_808 : vector<1x16xf32> to vector<16xf32>
        %add3A_810 = arith.addf %scan3A_776, %get3A_809 : vector<16xf32>
        %add3A_811 = arith.constant 0 : i32
        %add3A_812 = arith.addi %add3A_811, %scan3A_773 : i32
        %get3A_813 = arith.constant 0 : i32
        %get3A_814 = arith.constant 0 : i32
        %get3A_815 = tpu.memref_slice %arg6[%scan3A_648, %get3A_813, %get3A_814] : memref<4x100x64xf32, #tpu.memory_space<vmem>> -> memref<1x100x64xf32, #tpu.memory_space<vmem>>
        %get3A_816 = tpu.memref_squeeze %get3A_815 : memref<1x100x64xf32, #tpu.memory_space<vmem>> -> memref<100x64xf32, #tpu.memory_space<vmem>>
        %get3A_817 = arith.index_cast %add3A_812 : i32 to index
        %get3A_818 = arith.constant 48 : index
        %get3A_819 = tpu.vector_load %get3A_816[%get3A_817, %get3A_818] {strides = array<i32>} : memref<100x64xf32, #tpu.memory_space<vmem>>, vector<1x16xf32>,
        %get3A_820 = vector.shape_cast %get3A_819 : vector<1x16xf32> to vector<16xf32>
        %add3A_821 = arith.addf %scan3A_777, %get3A_820 : vector<16xf32>
        %scan3A_822 = arith.constant 1 : i32
        %scan3A_823 = arith.addi %scan3A_773, %scan3A_822 : i32
        %add3A_824 = arith.constant 0 : i32
        %add3A_825 = arith.addi %add3A_824, %scan3A_823 : i32
        %get3A_826 = arith.constant 0 : i32
        %get3A_827 = arith.constant 0 : i32
        %get3A_828 = tpu.memref_slice %arg6[%scan3A_648, %get3A_826, %get3A_827] : memref<4x100x64xf32, #tpu.memory_space<vmem>> -> memref<1x100x64xf32, #tpu.memory_space<vmem>>
        %get3A_829 = tpu.memref_squeeze %get3A_828 : memref<1x100x64xf32, #tpu.memory_space<vmem>> -> memref<100x64xf32, #tpu.memory_space<vmem>>
        %get3A_830 = arith.index_cast %add3A_825 : i32 to index
        %get3A_831 = arith.constant 0 : index
        %get3A_832 = tpu.vector_load %get3A_829[%get3A_830, %get3A_831] {strides = array<i32>} : memref<100x64xf32, #tpu.memory_space<vmem>>, vector<1x16xf32>,
        %get3A_833 = vector.shape_cast %get3A_832 : vector<1x16xf32> to vector<16xf32>
        %add3A_834 = arith.addf %add3A_788, %get3A_833 : vector<16xf32>
        %add3A_835 = arith.constant 0 : i32
        %add3A_836 = arith.addi %add3A_835, %scan3A_823 : i32
        %get3A_837 = arith.constant 0 : i32
        %get3A_838 = arith.constant 0 : i32
        %get3A_839 = tpu.memref_slice %arg6[%scan3A_648, %get3A_837, %get3A_838] : memref<4x100x64xf32, #tpu.memory_space<vmem>> -> memref<1x100x64xf32, #tpu.memory_space<vmem>>
        %get3A_840 = tpu.memref_squeeze %get3A_839 : memref<1x100x64xf32, #tpu.memory_space<vmem>> -> memref<100x64xf32, #tpu.memory_space<vmem>>
        %get3A_841 = arith.index_cast %add3A_836 : i32 to index
        %get3A_842 = arith.constant 16 : index
        %get3A_843 = tpu.vector_load %get3A_840[%get3A_841, %get3A_842] {strides = array<i32>} : memref<100x64xf32, #tpu.memory_space<vmem>>, vector<1x16xf32>,
        %get3A_844 = vector.shape_cast %get3A_843 : vector<1x16xf32> to vector<16xf32>
        %add3A_845 = arith.addf %add3A_799, %get3A_844 : vector<16xf32>
        %add3A_846 = arith.constant 0 : i32
        %add3A_847 = arith.addi %add3A_846, %scan3A_823 : i32
        %get3A_848 = arith.constant 0 : i32
        %get3A_849 = arith.constant 0 : i32
        %get3A_850 = tpu.memref_slice %arg6[%scan3A_648, %get3A_848, %get3A_849] : memref<4x100x64xf32, #tpu.memory_space<vmem>> -> memref<1x100x64xf32, #tpu.memory_space<vmem>>
        %get3A_851 = tpu.memref_squeeze %get3A_850 : memref<1x100x64xf32, #tpu.memory_space<vmem>> -> memref<100x64xf32, #tpu.memory_space<vmem>>
        %get3A_852 = arith.index_cast %add3A_847 : i32 to index
        %get3A_853 = arith.constant 32 : index
        %get3A_854 = tpu.vector_load %get3A_851[%get3A_852, %get3A_853] {strides = array<i32>} : memref<100x64xf32, #tpu.memory_space<vmem>>, vector<1x16xf32>,
        %get3A_855 = vector.shape_cast %get3A_854 : vector<1x16xf32> to vector<16xf32>
        %add3A_856 = arith.addf %add3A_810, %get3A_855 : vector<16xf32>
        %add3A_857 = arith.constant 0 : i32
        %add3A_858 = arith.addi %add3A_857, %scan3A_823 : i32
        %get3A_859 = arith.constant 0 : i32
        %get3A_860 = arith.constant 0 : i32
        %get3A_861 = tpu.memref_slice %arg6[%scan3A_648, %get3A_859, %get3A_860] : memref<4x100x64xf32, #tpu.memory_space<vmem>> -> memref<1x100x64xf32, #tpu.memory_space<vmem>>
        %get3A_862 = tpu.memref_squeeze %get3A_861 : memref<1x100x64xf32, #tpu.memory_space<vmem>> -> memref<100x64xf32, #tpu.memory_space<vmem>>
        %get3A_863 = arith.index_cast %add3A_858 : i32 to index
        %get3A_864 = arith.constant 48 : index
        %get3A_865 = tpu.vector_load %get3A_862[%get3A_863, %get3A_864] {strides = array<i32>} : memref<100x64xf32, #tpu.memory_space<vmem>>, vector<1x16xf32>,
        %get3A_866 = vector.shape_cast %get3A_865 : vector<1x16xf32> to vector<16xf32>
        %add3A_867 = arith.addf %add3A_821, %get3A_866 : vector<16xf32>
        %scan3A_868 = arith.constant 2 : i32
        %scan3A_869 = arith.addi %scan3A_773, %scan3A_868 : i32
        %add3A_870 = arith.constant 0 : i32
        %add3A_871 = arith.addi %add3A_870, %scan3A_869 : i32
        %get3A_872 = arith.constant 0 : i32
        %get3A_873 = arith.constant 0 : i32
        %get3A_874 = tpu.memref_slice %arg6[%scan3A_648, %get3A_872, %get3A_873] : memref<4x100x64xf32, #tpu.memory_space<vmem>> -> memref<1x100x64xf32, #tpu.memory_space<vmem>>
        %get3A_875 = tpu.memref_squeeze %get3A_874 : memref<1x100x64xf32, #tpu.memory_space<vmem>> -> memref<100x64xf32, #tpu.memory_space<vmem>>
        %get3A_876 = arith.index_cast %add3A_871 : i32 to index
        %get3A_877 = arith.constant 0 : index
        %get3A_878 = tpu.vector_load %get3A_875[%get3A_876, %get3A_877] {strides = array<i32>} : memref<100x64xf32, #tpu.memory_space<vmem>>, vector<1x16xf32>,
        %get3A_879 = vector.shape_cast %get3A_878 : vector<1x16xf32> to vector<16xf32>
        %add3A_880 = arith.addf %add3A_834, %get3A_879 : vector<16xf32>
        %add3A_881 = arith.constant 0 : i32
        %add3A_882 = arith.addi %add3A_881, %scan3A_869 : i32
        %get3A_883 = arith.constant 0 : i32
        %get3A_884 = arith.constant 0 : i32
        %get3A_885 = tpu.memref_slice %arg6[%scan3A_648, %get3A_883, %get3A_884] : memref<4x100x64xf32, #tpu.memory_space<vmem>> -> memref<1x100x64xf32, #tpu.memory_space<vmem>>
        %get3A_886 = tpu.memref_squeeze %get3A_885 : memref<1x100x64xf32, #tpu.memory_space<vmem>> -> memref<100x64xf32, #tpu.memory_space<vmem>>
        %get3A_887 = arith.index_cast %add3A_882 : i32 to index
        %get3A_888 = arith.constant 16 : index
        %get3A_889 = tpu.vector_load %get3A_886[%get3A_887, %get3A_888] {strides = array<i32>} : memref<100x64xf32, #tpu.memory_space<vmem>>, vector<1x16xf32>,
        %get3A_890 = vector.shape_cast %get3A_889 : vector<1x16xf32> to vector<16xf32>
        %add3A_891 = arith.addf %add3A_845, %get3A_890 : vector<16xf32>
        %add3A_892 = arith.constant 0 : i32
        %add3A_893 = arith.addi %add3A_892, %scan3A_869 : i32
        %get3A_894 = arith.constant 0 : i32
        %get3A_895 = arith.constant 0 : i32
        %get3A_896 = tpu.memref_slice %arg6[%scan3A_648, %get3A_894, %get3A_895] : memref<4x100x64xf32, #tpu.memory_space<vmem>> -> memref<1x100x64xf32, #tpu.memory_space<vmem>>
        %get3A_897 = tpu.memref_squeeze %get3A_896 : memref<1x100x64xf32, #tpu.memory_space<vmem>> -> memref<100x64xf32, #tpu.memory_space<vmem>>
        %get3A_898 = arith.index_cast %add3A_893 : i32 to index
        %get3A_899 = arith.constant 32 : index
        %get3A_900 = tpu.vector_load %get3A_897[%get3A_898, %get3A_899] {strides = array<i32>} : memref<100x64xf32, #tpu.memory_space<vmem>>, vector<1x16xf32>,
        %get3A_901 = vector.shape_cast %get3A_900 : vector<1x16xf32> to vector<16xf32>
        %add3A_902 = arith.addf %add3A_856, %get3A_901 : vector<16xf32>
        %add3A_903 = arith.constant 0 : i32
        %add3A_904 = arith.addi %add3A_903, %scan3A_869 : i32
        %get3A_905 = arith.constant 0 : i32
        %get3A_906 = arith.constant 0 : i32
        %get3A_907 = tpu.memref_slice %arg6[%scan3A_648, %get3A_905, %get3A_906] : memref<4x100x64xf32, #tpu.memory_space<vmem>> -> memref<1x100x64xf32, #tpu.memory_space<vmem>>
        %get3A_908 = tpu.memref_squeeze %get3A_907 : memref<1x100x64xf32, #tpu.memory_space<vmem>> -> memref<100x64xf32, #tpu.memory_space<vmem>>
        %get3A_909 = arith.index_cast %add3A_904 : i32 to index
        %get3A_910 = arith.constant 48 : index
        %get3A_911 = tpu.vector_load %get3A_908[%get3A_909, %get3A_910] {strides = array<i32>} : memref<100x64xf32, #tpu.memory_space<vmem>>, vector<1x16xf32>,
        %get3A_912 = vector.shape_cast %get3A_911 : vector<1x16xf32> to vector<16xf32>
        %add3A_913 = arith.addf %add3A_867, %get3A_912 : vector<16xf32>
        %scan3A_914 = arith.constant 3 : i32
        %scan3A_915 = arith.addi %scan3A_773, %scan3A_914 : i32
        %add3A_916 = arith.constant 0 : i32
        %add3A_917 = arith.addi %add3A_916, %scan3A_915 : i32
        %get3A_918 = arith.constant 0 : i32
        %get3A_919 = arith.constant 0 : i32
        %get3A_920 = tpu.memref_slice %arg6[%scan3A_648, %get3A_918, %get3A_919] : memref<4x100x64xf32, #tpu.memory_space<vmem>> -> memref<1x100x64xf32, #tpu.memory_space<vmem>>
        %get3A_921 = tpu.memref_squeeze %get3A_920 : memref<1x100x64xf32, #tpu.memory_space<vmem>> -> memref<100x64xf32, #tpu.memory_space<vmem>>
        %get3A_922 = arith.index_cast %add3A_917 : i32 to index
        %get3A_923 = arith.constant 0 : index
        %get3A_924 = tpu.vector_load %get3A_921[%get3A_922, %get3A_923] {strides = array<i32>} : memref<100x64xf32, #tpu.memory_space<vmem>>, vector<1x16xf32>,
        %get3A_925 = vector.shape_cast %get3A_924 : vector<1x16xf32> to vector<16xf32>
        %add3A_926 = arith.addf %add3A_880, %get3A_925 : vector<16xf32>
        %add3A_927 = arith.constant 0 : i32
        %add3A_928 = arith.addi %add3A_927, %scan3A_915 : i32
        %get3A_929 = arith.constant 0 : i32
        %get3A_930 = arith.constant 0 : i32
        %get3A_931 = tpu.memref_slice %arg6[%scan3A_648, %get3A_929, %get3A_930] : memref<4x100x64xf32, #tpu.memory_space<vmem>> -> memref<1x100x64xf32, #tpu.memory_space<vmem>>
        %get3A_932 = tpu.memref_squeeze %get3A_931 : memref<1x100x64xf32, #tpu.memory_space<vmem>> -> memref<100x64xf32, #tpu.memory_space<vmem>>
        %get3A_933 = arith.index_cast %add3A_928 : i32 to index
        %get3A_934 = arith.constant 16 : index
        %get3A_935 = tpu.vector_load %get3A_932[%get3A_933, %get3A_934] {strides = array<i32>} : memref<100x64xf32, #tpu.memory_space<vmem>>, vector<1x16xf32>,
        %get3A_936 = vector.shape_cast %get3A_935 : vector<1x16xf32> to vector<16xf32>
        %add3A_937 = arith.addf %add3A_891, %get3A_936 : vector<16xf32>
        %add3A_938 = arith.constant 0 : i32
        %add3A_939 = arith.addi %add3A_938, %scan3A_915 : i32
        %get3A_940 = arith.constant 0 : i32
        %get3A_941 = arith.constant 0 : i32
        %get3A_942 = tpu.memref_slice %arg6[%scan3A_648, %get3A_940, %get3A_941] : memref<4x100x64xf32, #tpu.memory_space<vmem>> -> memref<1x100x64xf32, #tpu.memory_space<vmem>>
        %get3A_943 = tpu.memref_squeeze %get3A_942 : memref<1x100x64xf32, #tpu.memory_space<vmem>> -> memref<100x64xf32, #tpu.memory_space<vmem>>
        %get3A_944 = arith.index_cast %add3A_939 : i32 to index
        %get3A_945 = arith.constant 32 : index
        %get3A_946 = tpu.vector_load %get3A_943[%get3A_944, %get3A_945] {strides = array<i32>} : memref<100x64xf32, #tpu.memory_space<vmem>>, vector<1x16xf32>,
        %get3A_947 = vector.shape_cast %get3A_946 : vector<1x16xf32> to vector<16xf32>
        %add3A_948 = arith.addf %add3A_902, %get3A_947 : vector<16xf32>
        %add3A_949 = arith.constant 0 : i32
        %add3A_950 = arith.addi %add3A_949, %scan3A_915 : i32
        %get3A_951 = arith.constant 0 : i32
        %get3A_952 = arith.constant 0 : i32
        %get3A_953 = tpu.memref_slice %arg6[%scan3A_648, %get3A_951, %get3A_952] : memref<4x100x64xf32, #tpu.memory_space<vmem>> -> memref<1x100x64xf32, #tpu.memory_space<vmem>>
        %get3A_954 = tpu.memref_squeeze %get3A_953 : memref<1x100x64xf32, #tpu.memory_space<vmem>> -> memref<100x64xf32, #tpu.memory_space<vmem>>
        %get3A_955 = arith.index_cast %add3A_950 : i32 to index
        %get3A_956 = arith.constant 48 : index
        %get3A_957 = tpu.vector_load %get3A_954[%get3A_955, %get3A_956] {strides = array<i32>} : memref<100x64xf32, #tpu.memory_space<vmem>>, vector<1x16xf32>,
        %get3A_958 = vector.shape_cast %get3A_957 : vector<1x16xf32> to vector<16xf32>
        %add3A_959 = arith.addf %add3A_913, %get3A_958 : vector<16xf32>
        %scan3A_960 = arith.constant 4 : i32
        %scan3A_961 = arith.addi %scan3A_773, %scan3A_960 : i32
        %add3A_962 = arith.constant 0 : i32
        %add3A_963 = arith.addi %add3A_962, %scan3A_961 : i32
        %get3A_964 = arith.constant 0 : i32
        %get3A_965 = arith.constant 0 : i32
        %get3A_966 = tpu.memref_slice %arg6[%scan3A_648, %get3A_964, %get3A_965] : memref<4x100x64xf32, #tpu.memory_space<vmem>> -> memref<1x100x64xf32, #tpu.memory_space<vmem>>
        %get3A_967 = tpu.memref_squeeze %get3A_966 : memref<1x100x64xf32, #tpu.memory_space<vmem>> -> memref<100x64xf32, #tpu.memory_space<vmem>>
        %get3A_968 = arith.index_cast %add3A_963 : i32 to index
        %get3A_969 = arith.constant 0 : index
        %get3A_970 = tpu.vector_load %get3A_967[%get3A_968, %get3A_969] {strides = array<i32>} : memref<100x64xf32, #tpu.memory_space<vmem>>, vector<1x16xf32>,
        %get3A_971 = vector.shape_cast %get3A_970 : vector<1x16xf32> to vector<16xf32>
        %add3A_972 = arith.addf %add3A_926, %get3A_971 : vector<16xf32>
        %add3A_973 = arith.constant 0 : i32
        %add3A_974 = arith.addi %add3A_973, %scan3A_961 : i32
        %get3A_975 = arith.constant 0 : i32
        %get3A_976 = arith.constant 0 : i32
        %get3A_977 = tpu.memref_slice %arg6[%scan3A_648, %get3A_975, %get3A_976] : memref<4x100x64xf32, #tpu.memory_space<vmem>> -> memref<1x100x64xf32, #tpu.memory_space<vmem>>
        %get3A_978 = tpu.memref_squeeze %get3A_977 : memref<1x100x64xf32, #tpu.memory_space<vmem>> -> memref<100x64xf32, #tpu.memory_space<vmem>>
        %get3A_979 = arith.index_cast %add3A_974 : i32 to index
        %get3A_980 = arith.constant 16 : index
        %get3A_981 = tpu.vector_load %get3A_978[%get3A_979, %get3A_980] {strides = array<i32>} : memref<100x64xf32, #tpu.memory_space<vmem>>, vector<1x16xf32>,
        %get3A_982 = vector.shape_cast %get3A_981 : vector<1x16xf32> to vector<16xf32>
        %add3A_983 = arith.addf %add3A_937, %get3A_982 : vector<16xf32>
        %add3A_984 = arith.constant 0 : i32
        %add3A_985 = arith.addi %add3A_984, %scan3A_961 : i32
        %get3A_986 = arith.constant 0 : i32
        %get3A_987 = arith.constant 0 : i32
        %get3A_988 = tpu.memref_slice %arg6[%scan3A_648, %get3A_986, %get3A_987] : memref<4x100x64xf32, #tpu.memory_space<vmem>> -> memref<1x100x64xf32, #tpu.memory_space<vmem>>
        %get3A_989 = tpu.memref_squeeze %get3A_988 : memref<1x100x64xf32, #tpu.memory_space<vmem>> -> memref<100x64xf32, #tpu.memory_space<vmem>>
        %get3A_990 = arith.index_cast %add3A_985 : i32 to index
        %get3A_991 = arith.constant 32 : index
        %get3A_992 = tpu.vector_load %get3A_989[%get3A_990, %get3A_991] {strides = array<i32>} : memref<100x64xf32, #tpu.memory_space<vmem>>, vector<1x16xf32>,
        %get3A_993 = vector.shape_cast %get3A_992 : vector<1x16xf32> to vector<16xf32>
        %add3A_994 = arith.addf %add3A_948, %get3A_993 : vector<16xf32>
        %add3A_995 = arith.constant 0 : i32
        %add3A_996 = arith.addi %add3A_995, %scan3A_961 : i32
        %get3A_997 = arith.constant 0 : i32
        %get3A_998 = arith.constant 0 : i32
        %get3A_999 = tpu.memref_slice %arg6[%scan3A_648, %get3A_997, %get3A_998] : memref<4x100x64xf32, #tpu.memory_space<vmem>> -> memref<1x100x64xf32, #tpu.memory_space<vmem>>
        %get3A_1000 = tpu.memref_squeeze %get3A_999 : memref<1x100x64xf32, #tpu.memory_space<vmem>> -> memref<100x64xf32, #tpu.memory_space<vmem>>
        %get3A_1001 = arith.index_cast %add3A_996 : i32 to index
        %get3A_1002 = arith.constant 48 : index
        %get3A_1003 = tpu.vector_load %get3A_1000[%get3A_1001, %get3A_1002] {strides = array<i32>} : memref<100x64xf32, #tpu.memory_space<vmem>>, vector<1x16xf32>,
        %get3A_1004 = vector.shape_cast %get3A_1003 : vector<1x16xf32> to vector<16xf32>
        %add3A_1005 = arith.addf %add3A_959, %get3A_1004 : vector<16xf32>
        %scan3A_1006 = arith.constant 5 : i32
        %scan3A_1007 = arith.addi %scan3A_773, %scan3A_1006 : i32
        %add3A_1008 = arith.constant 0 : i32
        %add3A_1009 = arith.addi %add3A_1008, %scan3A_1007 : i32
        %get3A_1010 = arith.constant 0 : i32
        %get3A_1011 = arith.constant 0 : i32
        %get3A_1012 = tpu.memref_slice %arg6[%scan3A_648, %get3A_1010, %get3A_1011] : memref<4x100x64xf32, #tpu.memory_space<vmem>> -> memref<1x100x64xf32, #tpu.memory_space<vmem>>
        %get3A_1013 = tpu.memref_squeeze %get3A_1012 : memref<1x100x64xf32, #tpu.memory_space<vmem>> -> memref<100x64xf32, #tpu.memory_space<vmem>>
        %get3A_1014 = arith.index_cast %add3A_1009 : i32 to index
        %get3A_1015 = arith.constant 0 : index
        %get3A_1016 = tpu.vector_load %get3A_1013[%get3A_1014, %get3A_1015] {strides = array<i32>} : memref<100x64xf32, #tpu.memory_space<vmem>>, vector<1x16xf32>,
        %get3A_1017 = vector.shape_cast %get3A_1016 : vector<1x16xf32> to vector<16xf32>
        %add3A_1018 = arith.addf %add3A_972, %get3A_1017 : vector<16xf32>
        %add3A_1019 = arith.constant 0 : i32
        %add3A_1020 = arith.addi %add3A_1019, %scan3A_1007 : i32
        %get3A_1021 = arith.constant 0 : i32
        %get3A_1022 = arith.constant 0 : i32
        %get3A_1023 = tpu.memref_slice %arg6[%scan3A_648, %get3A_1021, %get3A_1022] : memref<4x100x64xf32, #tpu.memory_space<vmem>> -> memref<1x100x64xf32, #tpu.memory_space<vmem>>
        %get3A_1024 = tpu.memref_squeeze %get3A_1023 : memref<1x100x64xf32, #tpu.memory_space<vmem>> -> memref<100x64xf32, #tpu.memory_space<vmem>>
        %get3A_1025 = arith.index_cast %add3A_1020 : i32 to index
        %get3A_1026 = arith.constant 16 : index
        %get3A_1027 = tpu.vector_load %get3A_1024[%get3A_1025, %get3A_1026] {strides = array<i32>} : memref<100x64xf32, #tpu.memory_space<vmem>>, vector<1x16xf32>,
        %get3A_1028 = vector.shape_cast %get3A_1027 : vector<1x16xf32> to vector<16xf32>
        %add3A_1029 = arith.addf %add3A_983, %get3A_1028 : vector<16xf32>
        %add3A_1030 = arith.constant 0 : i32
        %add3A_1031 = arith.addi %add3A_1030, %scan3A_1007 : i32
        %get3A_1032 = arith.constant 0 : i32
        %get3A_1033 = arith.constant 0 : i32
        %get3A_1034 = tpu.memref_slice %arg6[%scan3A_648, %get3A_1032, %get3A_1033] : memref<4x100x64xf32, #tpu.memory_space<vmem>> -> memref<1x100x64xf32, #tpu.memory_space<vmem>>
        %get3A_1035 = tpu.memref_squeeze %get3A_1034 : memref<1x100x64xf32, #tpu.memory_space<vmem>> -> memref<100x64xf32, #tpu.memory_space<vmem>>
        %get3A_1036 = arith.index_cast %add3A_1031 : i32 to index
        %get3A_1037 = arith.constant 32 : index
        %get3A_1038 = tpu.vector_load %get3A_1035[%get3A_1036, %get3A_1037] {strides = array<i32>} : memref<100x64xf32, #tpu.memory_space<vmem>>, vector<1x16xf32>,
        %get3A_1039 = vector.shape_cast %get3A_1038 : vector<1x16xf32> to vector<16xf32>
        %add3A_1040 = arith.addf %add3A_994, %get3A_1039 : vector<16xf32>
        %add3A_1041 = arith.constant 0 : i32
        %add3A_1042 = arith.addi %add3A_1041, %scan3A_1007 : i32
        %get3A_1043 = arith.constant 0 : i32
        %get3A_1044 = arith.constant 0 : i32
        %get3A_1045 = tpu.memref_slice %arg6[%scan3A_648, %get3A_1043, %get3A_1044] : memref<4x100x64xf32, #tpu.memory_space<vmem>> -> memref<1x100x64xf32, #tpu.memory_space<vmem>>
        %get3A_1046 = tpu.memref_squeeze %get3A_1045 : memref<1x100x64xf32, #tpu.memory_space<vmem>> -> memref<100x64xf32, #tpu.memory_space<vmem>>
        %get3A_1047 = arith.index_cast %add3A_1042 : i32 to index
        %get3A_1048 = arith.constant 48 : index
        %get3A_1049 = tpu.vector_load %get3A_1046[%get3A_1047, %get3A_1048] {strides = array<i32>} : memref<100x64xf32, #tpu.memory_space<vmem>>, vector<1x16xf32>,
        %get3A_1050 = vector.shape_cast %get3A_1049 : vector<1x16xf32> to vector<16xf32>
        %add3A_1051 = arith.addf %add3A_1005, %get3A_1050 : vector<16xf32>
        %scan3A_1052 = arith.constant 6 : i32
        %scan3A_1053 = arith.addi %scan3A_773, %scan3A_1052 : i32
        %add3A_1054 = arith.constant 0 : i32
        %add3A_1055 = arith.addi %add3A_1054, %scan3A_1053 : i32
        %get3A_1056 = arith.constant 0 : i32
        %get3A_1057 = arith.constant 0 : i32
        %get3A_1058 = tpu.memref_slice %arg6[%scan3A_648, %get3A_1056, %get3A_1057] : memref<4x100x64xf32, #tpu.memory_space<vmem>> -> memref<1x100x64xf32, #tpu.memory_space<vmem>>
        %get3A_1059 = tpu.memref_squeeze %get3A_1058 : memref<1x100x64xf32, #tpu.memory_space<vmem>> -> memref<100x64xf32, #tpu.memory_space<vmem>>
        %get3A_1060 = arith.index_cast %add3A_1055 : i32 to index
        %get3A_1061 = arith.constant 0 : index
        %get3A_1062 = tpu.vector_load %get3A_1059[%get3A_1060, %get3A_1061] {strides = array<i32>} : memref<100x64xf32, #tpu.memory_space<vmem>>, vector<1x16xf32>,
        %get3A_1063 = vector.shape_cast %get3A_1062 : vector<1x16xf32> to vector<16xf32>
        %add3A_1064 = arith.addf %add3A_1018, %get3A_1063 : vector<16xf32>
        %add3A_1065 = arith.constant 0 : i32
        %add3A_1066 = arith.addi %add3A_1065, %scan3A_1053 : i32
        %get3A_1067 = arith.constant 0 : i32
        %get3A_1068 = arith.constant 0 : i32
        %get3A_1069 = tpu.memref_slice %arg6[%scan3A_648, %get3A_1067, %get3A_1068] : memref<4x100x64xf32, #tpu.memory_space<vmem>> -> memref<1x100x64xf32, #tpu.memory_space<vmem>>
        %get3A_1070 = tpu.memref_squeeze %get3A_1069 : memref<1x100x64xf32, #tpu.memory_space<vmem>> -> memref<100x64xf32, #tpu.memory_space<vmem>>
        %get3A_1071 = arith.index_cast %add3A_1066 : i32 to index
        %get3A_1072 = arith.constant 16 : index
        %get3A_1073 = tpu.vector_load %get3A_1070[%get3A_1071, %get3A_1072] {strides = array<i32>} : memref<100x64xf32, #tpu.memory_space<vmem>>, vector<1x16xf32>,
        %get3A_1074 = vector.shape_cast %get3A_1073 : vector<1x16xf32> to vector<16xf32>
        %add3A_1075 = arith.addf %add3A_1029, %get3A_1074 : vector<16xf32>
        %add3A_1076 = arith.constant 0 : i32
        %add3A_1077 = arith.addi %add3A_1076, %scan3A_1053 : i32
        %get3A_1078 = arith.constant 0 : i32
        %get3A_1079 = arith.constant 0 : i32
        %get3A_1080 = tpu.memref_slice %arg6[%scan3A_648, %get3A_1078, %get3A_1079] : memref<4x100x64xf32, #tpu.memory_space<vmem>> -> memref<1x100x64xf32, #tpu.memory_space<vmem>>
        %get3A_1081 = tpu.memref_squeeze %get3A_1080 : memref<1x100x64xf32, #tpu.memory_space<vmem>> -> memref<100x64xf32, #tpu.memory_space<vmem>>
        %get3A_1082 = arith.index_cast %add3A_1077 : i32 to index
        %get3A_1083 = arith.constant 32 : index
        %get3A_1084 = tpu.vector_load %get3A_1081[%get3A_1082, %get3A_1083] {strides = array<i32>} : memref<100x64xf32, #tpu.memory_space<vmem>>, vector<1x16xf32>,
        %get3A_1085 = vector.shape_cast %get3A_1084 : vector<1x16xf32> to vector<16xf32>
        %add3A_1086 = arith.addf %add3A_1040, %get3A_1085 : vector<16xf32>
        %add3A_1087 = arith.constant 0 : i32
        %add3A_1088 = arith.addi %add3A_1087, %scan3A_1053 : i32
        %get3A_1089 = arith.constant 0 : i32
        %get3A_1090 = arith.constant 0 : i32
        %get3A_1091 = tpu.memref_slice %arg6[%scan3A_648, %get3A_1089, %get3A_1090] : memref<4x100x64xf32, #tpu.memory_space<vmem>> -> memref<1x100x64xf32, #tpu.memory_space<vmem>>
        %get3A_1092 = tpu.memref_squeeze %get3A_1091 : memref<1x100x64xf32, #tpu.memory_space<vmem>> -> memref<100x64xf32, #tpu.memory_space<vmem>>
        %get3A_1093 = arith.index_cast %add3A_1088 : i32 to index
        %get3A_1094 = arith.constant 48 : index
        %get3A_1095 = tpu.vector_load %get3A_1092[%get3A_1093, %get3A_1094] {strides = array<i32>} : memref<100x64xf32, #tpu.memory_space<vmem>>, vector<1x16xf32>,
        %get3A_1096 = vector.shape_cast %get3A_1095 : vector<1x16xf32> to vector<16xf32>
        %add3A_1097 = arith.addf %add3A_1051, %get3A_1096 : vector<16xf32>
        scf.yield %add3A_1064, %add3A_1075, %add3A_1086, %add3A_1097 : vector<16xf32>, vector<16xf32>, vector<16xf32>, vector<16xf32>
      }
      %scan3A_654 = arith.constant 49 : i32
      %mul3A_655 = arith.constant 2 : i32
      %mul3A_656 = arith.muli %add3A_594, %mul3A_655 : i32
      %add3A_657 = arith.constant 0 : i32
      %add3A_658 = arith.addi %mul3A_656, %add3A_657 : i32
      %mul3A_659 = vector.broadcast %scan3A : f32 to vector<16xf32>
      %mul3A_660 = arith.mulf %scan3A_653#0, %mul3A_659 : vector<16xf32>
      %swap3A_661 = arith.index_cast %add3A_658 : i32 to index
      %swap3A_662 = arith.constant 0 : index
      %swap3A_663 = tpu.vector_load %arg7[%swap3A_661, %swap3A_662] {strides = array<i32>} : memref<512x64xf32, #tpu.memory_space<vmem>>, vector<1x16xf32>,
      %swap3A_664 = vector.shape_cast %swap3A_663 : vector<1x16xf32> to vector<16xf32>
      %swap3A_665 = vector.shape_cast %mul3A_660 : vector<16xf32> to vector<1x16xf32>
      tpu.vector_store %arg7[%swap3A_661, %swap3A_662], %swap3A_665 {strides = array<i32>} : memref<512x64xf32, #tpu.memory_space<vmem>>, vector<1x16xf32>,
      %mul3A_666 = vector.broadcast %scan3A : f32 to vector<16xf32>
      %mul3A_667 = arith.mulf %scan3A_653#1, %mul3A_666 : vector<16xf32>
      %swap3A_668 = arith.index_cast %add3A_658 : i32 to index
      %swap3A_669 = arith.constant 16 : index
      %swap3A_670 = tpu.vector_load %arg7[%swap3A_668, %swap3A_669] {strides = array<i32>} : memref<512x64xf32, #tpu.memory_space<vmem>>, vector<1x16xf32>,
      %swap3A_671 = vector.shape_cast %swap3A_670 : vector<1x16xf32> to vector<16xf32>
      %swap3A_672 = vector.shape_cast %mul3A_667 : vector<16xf32> to vector<1x16xf32>
      tpu.vector_store %arg7[%swap3A_668, %swap3A_669], %swap3A_672 {strides = array<i32>} : memref<512x64xf32, #tpu.memory_space<vmem>>, vector<1x16xf32>,
      %mul3A_673 = vector.broadcast %scan3A : f32 to vector<16xf32>
      %mul3A_674 = arith.mulf %scan3A_653#2, %mul3A_673 : vector<16xf32>
      %swap3A_675 = arith.index_cast %add3A_658 : i32 to index
      %swap3A_676 = arith.constant 32 : index
      %swap3A_677 = tpu.vector_load %arg7[%swap3A_675, %swap3A_676] {strides = array<i32>} : memref<512x64xf32, #tpu.memory_space<vmem>>, vector<1x16xf32>,
      %swap3A_678 = vector.shape_cast %swap3A_677 : vector<1x16xf32> to vector<16xf32>
      %swap3A_679 = vector.shape_cast %mul3A_674 : vector<16xf32> to vector<1x16xf32>
      tpu.vector_store %arg7[%swap3A_675, %swap3A_676], %swap3A_679 {strides = array<i32>} : memref<512x64xf32, #tpu.memory_space<vmem>>, vector<1x16xf32>,
      %mul3A_680 = vector.broadcast %scan3A : f32 to vector<16xf32>
      %mul3A_681 = arith.mulf %scan3A_653#3, %mul3A_680 : vector<16xf32>
      %swap3A_682 = arith.index_cast %add3A_658 : i32 to index
      %swap3A_683 = arith.constant 48 : index
      %swap3A_684 = tpu.vector_load %arg7[%swap3A_682, %swap3A_683] {strides = array<i32>} : memref<512x64xf32, #tpu.memory_space<vmem>>, vector<1x16xf32>,
      %swap3A_685 = vector.shape_cast %swap3A_684 : vector<1x16xf32> to vector<16xf32>
      %swap3A_686 = vector.shape_cast %mul3A_681 : vector<16xf32> to vector<1x16xf32>
      tpu.vector_store %arg7[%swap3A_682, %swap3A_683], %swap3A_686 {strides = array<i32>} : memref<512x64xf32, #tpu.memory_space<vmem>>, vector<1x16xf32>,
      %get3A_687 = arith.constant 3 : i32
      %get3A_688 = arith.constant 50 : i32
      %get3A_689 = arith.constant 0 : i32
      %get3A_690 = arith.constant 0 : i32
      %get3A_691 = tpu.memref_slice %arg6[%get3A_687, %get3A_689, %get3A_690] : memref<4x100x64xf32, #tpu.memory_space<vmem>> -> memref<1x100x64xf32, #tpu.memory_space<vmem>>
      %get3A_692 = tpu.memref_squeeze %get3A_691 : memref<1x100x64xf32, #tpu.memory_space<vmem>> -> memref<100x64xf32, #tpu.memory_space<vmem>>
      %get3A_693 = arith.index_cast %get3A_688 : i32 to index
      %get3A_694 = arith.constant 0 : index
      %get3A_695 = tpu.vector_load %get3A_692[%get3A_693, %get3A_694] {strides = array<i32>} : memref<100x64xf32, #tpu.memory_space<vmem>>, vector<1x16xf32>,
      %get3A_696 = vector.shape_cast %get3A_695 : vector<1x16xf32> to vector<16xf32>
      %get3A_697 = arith.constant 3 : i32
      %get3A_698 = arith.constant 50 : i32
      %get3A_699 = arith.constant 0 : i32
      %get3A_700 = arith.constant 0 : i32
      %get3A_701 = tpu.memref_slice %arg6[%get3A_697, %get3A_699, %get3A_700] : memref<4x100x64xf32, #tpu.memory_space<vmem>> -> memref<1x100x64xf32, #tpu.memory_space<vmem>>
      %get3A_702 = tpu.memref_squeeze %get3A_701 : memref<1x100x64xf32, #tpu.memory_space<vmem>> -> memref<100x64xf32, #tpu.memory_space<vmem>>
      %get3A_703 = arith.index_cast %get3A_698 : i32 to index
      %get3A_704 = arith.constant 16 : index
      %get3A_705 = tpu.vector_load %get3A_702[%get3A_703, %get3A_704] {strides = array<i32>} : memref<100x64xf32, #tpu.memory_space<vmem>>, vector<1x16xf32>,
      %get3A_706 = vector.shape_cast %get3A_705 : vector<1x16xf32> to vector<16xf32>
      %get3A_707 = arith.constant 3 : i32
      %get3A_708 = arith.constant 50 : i32
      %get3A_709 = arith.constant 0 : i32
      %get3A_710 = arith.constant 0 : i32
      %get3A_711 = tpu.memref_slice %arg6[%get3A_707, %get3A_709, %get3A_710] : memref<4x100x64xf32, #tpu.memory_space<vmem>> -> memref<1x100x64xf32, #tpu.memory_space<vmem>>
      %get3A_712 = tpu.memref_squeeze %get3A_711 : memref<1x100x64xf32, #tpu.memory_space<vmem>> -> memref<100x64xf32, #tpu.memory_space<vmem>>
      %get3A_713 = arith.index_cast %get3A_708 : i32 to index
      %get3A_714 = arith.constant 32 : index
      %get3A_715 = tpu.vector_load %get3A_712[%get3A_713, %get3A_714] {strides = array<i32>} : memref<100x64xf32, #tpu.memory_space<vmem>>, vector<1x16xf32>,
      %get3A_716 = vector.shape_cast %get3A_715 : vector<1x16xf32> to vector<16xf32>
      %get3A_717 = arith.constant 3 : i32
      %get3A_718 = arith.constant 50 : i32
      %get3A_719 = arith.constant 0 : i32
      %get3A_720 = arith.constant 0 : i32
      %get3A_721 = tpu.memref_slice %arg6[%get3A_717, %get3A_719, %get3A_720] : memref<4x100x64xf32, #tpu.memory_space<vmem>> -> memref<1x100x64xf32, #tpu.memory_space<vmem>>
      %get3A_722 = tpu.memref_squeeze %get3A_721 : memref<1x100x64xf32, #tpu.memory_space<vmem>> -> memref<100x64xf32, #tpu.memory_space<vmem>>
      %get3A_723 = arith.index_cast %get3A_718 : i32 to index
      %get3A_724 = arith.constant 48 : index
      %get3A_725 = tpu.vector_load %get3A_722[%get3A_723, %get3A_724] {strides = array<i32>} : memref<100x64xf32, #tpu.memory_space<vmem>>, vector<1x16xf32>,
      %get3A_726 = vector.shape_cast %get3A_725 : vector<1x16xf32> to vector<16xf32>
      %scan3A_727 = arith.constant 3 : i32
      %scan3A_728 = arith.constant 1 : i32
      %scan3A_729 = arith.constant 49 : i32
      %scan3A_730 = arith.addi %scan3A_728, %scan3A_729 : i32
      %scan3A_731 = arith.constant 7 : i32
      %scan3A_732:4 = scf.for %scan3A_773 = %scan3A_728 to %scan3A_730 step %scan3A_731 iter_args(%scan3A_774 = %get3A_696, %scan3A_775 = %get3A_706, %scan3A_776 = %get3A_716, %scan3A_777 = %get3A_726) -> (vector<16xf32>, vector<16xf32>, vector<16xf32>, vector<16xf32>)  : i32 {
        %add3A_778 = arith.constant 50 : i32
        %add3A_779 = arith.addi %add3A_778, %scan3A_773 : i32
        %get3A_780 = arith.constant 0 : i32
        %get3A_781 = arith.constant 0 : i32
        %get3A_782 = tpu.memref_slice %arg6[%scan3A_727, %get3A_780, %get3A_781] : memref<4x100x64xf32, #tpu.memory_space<vmem>> -> memref<1x100x64xf32, #tpu.memory_space<vmem>>
        %get3A_783 = tpu.memref_squeeze %get3A_782 : memref<1x100x64xf32, #tpu.memory_space<vmem>> -> memref<100x64xf32, #tpu.memory_space<vmem>>
        %get3A_784 = arith.index_cast %add3A_779 : i32 to index
        %get3A_785 = arith.constant 0 : index
        %get3A_786 = tpu.vector_load %get3A_783[%get3A_784, %get3A_785] {strides = array<i32>} : memref<100x64xf32, #tpu.memory_space<vmem>>, vector<1x16xf32>,
        %get3A_787 = vector.shape_cast %get3A_786 : vector<1x16xf32> to vector<16xf32>
        %add3A_788 = arith.addf %scan3A_774, %get3A_787 : vector<16xf32>
        %add3A_789 = arith.constant 50 : i32
        %add3A_790 = arith.addi %add3A_789, %scan3A_773 : i32
        %get3A_791 = arith.constant 0 : i32
        %get3A_792 = arith.constant 0 : i32
        %get3A_793 = tpu.memref_slice %arg6[%scan3A_727, %get3A_791, %get3A_792] : memref<4x100x64xf32, #tpu.memory_space<vmem>> -> memref<1x100x64xf32, #tpu.memory_space<vmem>>
        %get3A_794 = tpu.memref_squeeze %get3A_793 : memref<1x100x64xf32, #tpu.memory_space<vmem>> -> memref<100x64xf32, #tpu.memory_space<vmem>>
        %get3A_795 = arith.index_cast %add3A_790 : i32 to index
        %get3A_796 = arith.constant 16 : index
        %get3A_797 = tpu.vector_load %get3A_794[%get3A_795, %get3A_796] {strides = array<i32>} : memref<100x64xf32, #tpu.memory_space<vmem>>, vector<1x16xf32>,
        %get3A_798 = vector.shape_cast %get3A_797 : vector<1x16xf32> to vector<16xf32>
        %add3A_799 = arith.addf %scan3A_775, %get3A_798 : vector<16xf32>
        %add3A_800 = arith.constant 50 : i32
        %add3A_801 = arith.addi %add3A_800, %scan3A_773 : i32
        %get3A_802 = arith.constant 0 : i32
        %get3A_803 = arith.constant 0 : i32
        %get3A_804 = tpu.memref_slice %arg6[%scan3A_727, %get3A_802, %get3A_803] : memref<4x100x64xf32, #tpu.memory_space<vmem>> -> memref<1x100x64xf32, #tpu.memory_space<vmem>>
        %get3A_805 = tpu.memref_squeeze %get3A_804 : memref<1x100x64xf32, #tpu.memory_space<vmem>> -> memref<100x64xf32, #tpu.memory_space<vmem>>
        %get3A_806 = arith.index_cast %add3A_801 : i32 to index
        %get3A_807 = arith.constant 32 : index
        %get3A_808 = tpu.vector_load %get3A_805[%get3A_806, %get3A_807] {strides = array<i32>} : memref<100x64xf32, #tpu.memory_space<vmem>>, vector<1x16xf32>,
        %get3A_809 = vector.shape_cast %get3A_808 : vector<1x16xf32> to vector<16xf32>
        %add3A_810 = arith.addf %scan3A_776, %get3A_809 : vector<16xf32>
        %add3A_811 = arith.constant 50 : i32
        %add3A_812 = arith.addi %add3A_811, %scan3A_773 : i32
        %get3A_813 = arith.constant 0 : i32
        %get3A_814 = arith.constant 0 : i32
        %get3A_815 = tpu.memref_slice %arg6[%scan3A_727, %get3A_813, %get3A_814] : memref<4x100x64xf32, #tpu.memory_space<vmem>> -> memref<1x100x64xf32, #tpu.memory_space<vmem>>
        %get3A_816 = tpu.memref_squeeze %get3A_815 : memref<1x100x64xf32, #tpu.memory_space<vmem>> -> memref<100x64xf32, #tpu.memory_space<vmem>>
        %get3A_817 = arith.index_cast %add3A_812 : i32 to index
        %get3A_818 = arith.constant 48 : index
        %get3A_819 = tpu.vector_load %get3A_816[%get3A_817, %get3A_818] {strides = array<i32>} : memref<100x64xf32, #tpu.memory_space<vmem>>, vector<1x16xf32>,
        %get3A_820 = vector.shape_cast %get3A_819 : vector<1x16xf32> to vector<16xf32>
        %add3A_821 = arith.addf %scan3A_777, %get3A_820 : vector<16xf32>
        %scan3A_822 = arith.constant 1 : i32
        %scan3A_823 = arith.addi %scan3A_773, %scan3A_822 : i32
        %add3A_824 = arith.constant 50 : i32
        %add3A_825 = arith.addi %add3A_824, %scan3A_823 : i32
        %get3A_826 = arith.constant 0 : i32
        %get3A_827 = arith.constant 0 : i32
        %get3A_828 = tpu.memref_slice %arg6[%scan3A_727, %get3A_826, %get3A_827] : memref<4x100x64xf32, #tpu.memory_space<vmem>> -> memref<1x100x64xf32, #tpu.memory_space<vmem>>
        %get3A_829 = tpu.memref_squeeze %get3A_828 : memref<1x100x64xf32, #tpu.memory_space<vmem>> -> memref<100x64xf32, #tpu.memory_space<vmem>>
        %get3A_830 = arith.index_cast %add3A_825 : i32 to index
        %get3A_831 = arith.constant 0 : index
        %get3A_832 = tpu.vector_load %get3A_829[%get3A_830, %get3A_831] {strides = array<i32>} : memref<100x64xf32, #tpu.memory_space<vmem>>, vector<1x16xf32>,
        %get3A_833 = vector.shape_cast %get3A_832 : vector<1x16xf32> to vector<16xf32>
        %add3A_834 = arith.addf %add3A_788, %get3A_833 : vector<16xf32>
        %add3A_835 = arith.constant 50 : i32
        %add3A_836 = arith.addi %add3A_835, %scan3A_823 : i32
        %get3A_837 = arith.constant 0 : i32
        %get3A_838 = arith.constant 0 : i32
        %get3A_839 = tpu.memref_slice %arg6[%scan3A_727, %get3A_837, %get3A_838] : memref<4x100x64xf32, #tpu.memory_space<vmem>> -> memref<1x100x64xf32, #tpu.memory_space<vmem>>
        %get3A_840 = tpu.memref_squeeze %get3A_839 : memref<1x100x64xf32, #tpu.memory_space<vmem>> -> memref<100x64xf32, #tpu.memory_space<vmem>>
        %get3A_841 = arith.index_cast %add3A_836 : i32 to index
        %get3A_842 = arith.constant 16 : index
        %get3A_843 = tpu.vector_load %get3A_840[%get3A_841, %get3A_842] {strides = array<i32>} : memref<100x64xf32, #tpu.memory_space<vmem>>, vector<1x16xf32>,
        %get3A_844 = vector.shape_cast %get3A_843 : vector<1x16xf32> to vector<16xf32>
        %add3A_845 = arith.addf %add3A_799, %get3A_844 : vector<16xf32>
        %add3A_846 = arith.constant 50 : i32
        %add3A_847 = arith.addi %add3A_846, %scan3A_823 : i32
        %get3A_848 = arith.constant 0 : i32
        %get3A_849 = arith.constant 0 : i32
        %get3A_850 = tpu.memref_slice %arg6[%scan3A_727, %get3A_848, %get3A_849] : memref<4x100x64xf32, #tpu.memory_space<vmem>> -> memref<1x100x64xf32, #tpu.memory_space<vmem>>
        %get3A_851 = tpu.memref_squeeze %get3A_850 : memref<1x100x64xf32, #tpu.memory_space<vmem>> -> memref<100x64xf32, #tpu.memory_space<vmem>>
        %get3A_852 = arith.index_cast %add3A_847 : i32 to index
        %get3A_853 = arith.constant 32 : index
        %get3A_854 = tpu.vector_load %get3A_851[%get3A_852, %get3A_853] {strides = array<i32>} : memref<100x64xf32, #tpu.memory_space<vmem>>, vector<1x16xf32>,
        %get3A_855 = vector.shape_cast %get3A_854 : vector<1x16xf32> to vector<16xf32>
        %add3A_856 = arith.addf %add3A_810, %get3A_855 : vector<16xf32>
        %add3A_857 = arith.constant 50 : i32
        %add3A_858 = arith.addi %add3A_857, %scan3A_823 : i32
        %get3A_859 = arith.constant 0 : i32
        %get3A_860 = arith.constant 0 : i32
        %get3A_861 = tpu.memref_slice %arg6[%scan3A_727, %get3A_859, %get3A_860] : memref<4x100x64xf32, #tpu.memory_space<vmem>> -> memref<1x100x64xf32, #tpu.memory_space<vmem>>
        %get3A_862 = tpu.memref_squeeze %get3A_861 : memref<1x100x64xf32, #tpu.memory_space<vmem>> -> memref<100x64xf32, #tpu.memory_space<vmem>>
        %get3A_863 = arith.index_cast %add3A_858 : i32 to index
        %get3A_864 = arith.constant 48 : index
        %get3A_865 = tpu.vector_load %get3A_862[%get3A_863, %get3A_864] {strides = array<i32>} : memref<100x64xf32, #tpu.memory_space<vmem>>, vector<1x16xf32>,
        %get3A_866 = vector.shape_cast %get3A_865 : vector<1x16xf32> to vector<16xf32>
        %add3A_867 = arith.addf %add3A_821, %get3A_866 : vector<16xf32>
        %scan3A_868 = arith.constant 2 : i32
        %scan3A_869 = arith.addi %scan3A_773, %scan3A_868 : i32
        %add3A_870 = arith.constant 50 : i32
        %add3A_871 = arith.addi %add3A_870, %scan3A_869 : i32
        %get3A_872 = arith.constant 0 : i32
        %get3A_873 = arith.constant 0 : i32
        %get3A_874 = tpu.memref_slice %arg6[%scan3A_727, %get3A_872, %get3A_873] : memref<4x100x64xf32, #tpu.memory_space<vmem>> -> memref<1x100x64xf32, #tpu.memory_space<vmem>>
        %get3A_875 = tpu.memref_squeeze %get3A_874 : memref<1x100x64xf32, #tpu.memory_space<vmem>> -> memref<100x64xf32, #tpu.memory_space<vmem>>
        %get3A_876 = arith.index_cast %add3A_871 : i32 to index
        %get3A_877 = arith.constant 0 : index
        %get3A_878 = tpu.vector_load %get3A_875[%get3A_876, %get3A_877] {strides = array<i32>} : memref<100x64xf32, #tpu.memory_space<vmem>>, vector<1x16xf32>,
        %get3A_879 = vector.shape_cast %get3A_878 : vector<1x16xf32> to vector<16xf32>
        %add3A_880 = arith.addf %add3A_834, %get3A_879 : vector<16xf32>
        %add3A_881 = arith.constant 50 : i32
        %add3A_882 = arith.addi %add3A_881, %scan3A_869 : i32
        %get3A_883 = arith.constant 0 : i32
        %get3A_884 = arith.constant 0 : i32
        %get3A_885 = tpu.memref_slice %arg6[%scan3A_727, %get3A_883, %get3A_884] : memref<4x100x64xf32, #tpu.memory_space<vmem>> -> memref<1x100x64xf32, #tpu.memory_space<vmem>>
        %get3A_886 = tpu.memref_squeeze %get3A_885 : memref<1x100x64xf32, #tpu.memory_space<vmem>> -> memref<100x64xf32, #tpu.memory_space<vmem>>
        %get3A_887 = arith.index_cast %add3A_882 : i32 to index
        %get3A_888 = arith.constant 16 : index
        %get3A_889 = tpu.vector_load %get3A_886[%get3A_887, %get3A_888] {strides = array<i32>} : memref<100x64xf32, #tpu.memory_space<vmem>>, vector<1x16xf32>,
        %get3A_890 = vector.shape_cast %get3A_889 : vector<1x16xf32> to vector<16xf32>
        %add3A_891 = arith.addf %add3A_845, %get3A_890 : vector<16xf32>
        %add3A_892 = arith.constant 50 : i32
        %add3A_893 = arith.addi %add3A_892, %scan3A_869 : i32
        %get3A_894 = arith.constant 0 : i32
        %get3A_895 = arith.constant 0 : i32
        %get3A_896 = tpu.memref_slice %arg6[%scan3A_727, %get3A_894, %get3A_895] : memref<4x100x64xf32, #tpu.memory_space<vmem>> -> memref<1x100x64xf32, #tpu.memory_space<vmem>>
        %get3A_897 = tpu.memref_squeeze %get3A_896 : memref<1x100x64xf32, #tpu.memory_space<vmem>> -> memref<100x64xf32, #tpu.memory_space<vmem>>
        %get3A_898 = arith.index_cast %add3A_893 : i32 to index
        %get3A_899 = arith.constant 32 : index
        %get3A_900 = tpu.vector_load %get3A_897[%get3A_898, %get3A_899] {strides = array<i32>} : memref<100x64xf32, #tpu.memory_space<vmem>>, vector<1x16xf32>,
        %get3A_901 = vector.shape_cast %get3A_900 : vector<1x16xf32> to vector<16xf32>
        %add3A_902 = arith.addf %add3A_856, %get3A_901 : vector<16xf32>
        %add3A_903 = arith.constant 50 : i32
        %add3A_904 = arith.addi %add3A_903, %scan3A_869 : i32
        %get3A_905 = arith.constant 0 : i32
        %get3A_906 = arith.constant 0 : i32
        %get3A_907 = tpu.memref_slice %arg6[%scan3A_727, %get3A_905, %get3A_906] : memref<4x100x64xf32, #tpu.memory_space<vmem>> -> memref<1x100x64xf32, #tpu.memory_space<vmem>>
        %get3A_908 = tpu.memref_squeeze %get3A_907 : memref<1x100x64xf32, #tpu.memory_space<vmem>> -> memref<100x64xf32, #tpu.memory_space<vmem>>
        %get3A_909 = arith.index_cast %add3A_904 : i32 to index
        %get3A_910 = arith.constant 48 : index
        %get3A_911 = tpu.vector_load %get3A_908[%get3A_909, %get3A_910] {strides = array<i32>} : memref<100x64xf32, #tpu.memory_space<vmem>>, vector<1x16xf32>,
        %get3A_912 = vector.shape_cast %get3A_911 : vector<1x16xf32> to vector<16xf32>
        %add3A_913 = arith.addf %add3A_867, %get3A_912 : vector<16xf32>
        %scan3A_914 = arith.constant 3 : i32
        %scan3A_915 = arith.addi %scan3A_773, %scan3A_914 : i32
        %add3A_916 = arith.constant 50 : i32
        %add3A_917 = arith.addi %add3A_916, %scan3A_915 : i32
        %get3A_918 = arith.constant 0 : i32
        %get3A_919 = arith.constant 0 : i32
        %get3A_920 = tpu.memref_slice %arg6[%scan3A_727, %get3A_918, %get3A_919] : memref<4x100x64xf32, #tpu.memory_space<vmem>> -> memref<1x100x64xf32, #tpu.memory_space<vmem>>
        %get3A_921 = tpu.memref_squeeze %get3A_920 : memref<1x100x64xf32, #tpu.memory_space<vmem>> -> memref<100x64xf32, #tpu.memory_space<vmem>>
        %get3A_922 = arith.index_cast %add3A_917 : i32 to index
        %get3A_923 = arith.constant 0 : index
        %get3A_924 = tpu.vector_load %get3A_921[%get3A_922, %get3A_923] {strides = array<i32>} : memref<100x64xf32, #tpu.memory_space<vmem>>, vector<1x16xf32>,
        %get3A_925 = vector.shape_cast %get3A_924 : vector<1x16xf32> to vector<16xf32>
        %add3A_926 = arith.addf %add3A_880, %get3A_925 : vector<16xf32>
        %add3A_927 = arith.constant 50 : i32
        %add3A_928 = arith.addi %add3A_927, %scan3A_915 : i32
        %get3A_929 = arith.constant 0 : i32
        %get3A_930 = arith.constant 0 : i32
        %get3A_931 = tpu.memref_slice %arg6[%scan3A_727, %get3A_929, %get3A_930] : memref<4x100x64xf32, #tpu.memory_space<vmem>> -> memref<1x100x64xf32, #tpu.memory_space<vmem>>
        %get3A_932 = tpu.memref_squeeze %get3A_931 : memref<1x100x64xf32, #tpu.memory_space<vmem>> -> memref<100x64xf32, #tpu.memory_space<vmem>>
        %get3A_933 = arith.index_cast %add3A_928 : i32 to index
        %get3A_934 = arith.constant 16 : index
        %get3A_935 = tpu.vector_load %get3A_932[%get3A_933, %get3A_934] {strides = array<i32>} : memref<100x64xf32, #tpu.memory_space<vmem>>, vector<1x16xf32>,
        %get3A_936 = vector.shape_cast %get3A_935 : vector<1x16xf32> to vector<16xf32>
        %add3A_937 = arith.addf %add3A_891, %get3A_936 : vector<16xf32>
        %add3A_938 = arith.constant 50 : i32
        %add3A_939 = arith.addi %add3A_938, %scan3A_915 : i32
        %get3A_940 = arith.constant 0 : i32
        %get3A_941 = arith.constant 0 : i32
        %get3A_942 = tpu.memref_slice %arg6[%scan3A_727, %get3A_940, %get3A_941] : memref<4x100x64xf32, #tpu.memory_space<vmem>> -> memref<1x100x64xf32, #tpu.memory_space<vmem>>
        %get3A_943 = tpu.memref_squeeze %get3A_942 : memref<1x100x64xf32, #tpu.memory_space<vmem>> -> memref<100x64xf32, #tpu.memory_space<vmem>>
        %get3A_944 = arith.index_cast %add3A_939 : i32 to index
        %get3A_945 = arith.constant 32 : index
        %get3A_946 = tpu.vector_load %get3A_943[%get3A_944, %get3A_945] {strides = array<i32>} : memref<100x64xf32, #tpu.memory_space<vmem>>, vector<1x16xf32>,
        %get3A_947 = vector.shape_cast %get3A_946 : vector<1x16xf32> to vector<16xf32>
        %add3A_948 = arith.addf %add3A_902, %get3A_947 : vector<16xf32>
        %add3A_949 = arith.constant 50 : i32
        %add3A_950 = arith.addi %add3A_949, %scan3A_915 : i32
        %get3A_951 = arith.constant 0 : i32
        %get3A_952 = arith.constant 0 : i32
        %get3A_953 = tpu.memref_slice %arg6[%scan3A_727, %get3A_951, %get3A_952] : memref<4x100x64xf32, #tpu.memory_space<vmem>> -> memref<1x100x64xf32, #tpu.memory_space<vmem>>
        %get3A_954 = tpu.memref_squeeze %get3A_953 : memref<1x100x64xf32, #tpu.memory_space<vmem>> -> memref<100x64xf32, #tpu.memory_space<vmem>>
        %get3A_955 = arith.index_cast %add3A_950 : i32 to index
        %get3A_956 = arith.constant 48 : index
        %get3A_957 = tpu.vector_load %get3A_954[%get3A_955, %get3A_956] {strides = array<i32>} : memref<100x64xf32, #tpu.memory_space<vmem>>, vector<1x16xf32>,
        %get3A_958 = vector.shape_cast %get3A_957 : vector<1x16xf32> to vector<16xf32>
        %add3A_959 = arith.addf %add3A_913, %get3A_958 : vector<16xf32>
        %scan3A_960 = arith.constant 4 : i32
        %scan3A_961 = arith.addi %scan3A_773, %scan3A_960 : i32
        %add3A_962 = arith.constant 50 : i32
        %add3A_963 = arith.addi %add3A_962, %scan3A_961 : i32
        %get3A_964 = arith.constant 0 : i32
        %get3A_965 = arith.constant 0 : i32
        %get3A_966 = tpu.memref_slice %arg6[%scan3A_727, %get3A_964, %get3A_965] : memref<4x100x64xf32, #tpu.memory_space<vmem>> -> memref<1x100x64xf32, #tpu.memory_space<vmem>>
        %get3A_967 = tpu.memref_squeeze %get3A_966 : memref<1x100x64xf32, #tpu.memory_space<vmem>> -> memref<100x64xf32, #tpu.memory_space<vmem>>
        %get3A_968 = arith.index_cast %add3A_963 : i32 to index
        %get3A_969 = arith.constant 0 : index
        %get3A_970 = tpu.vector_load %get3A_967[%get3A_968, %get3A_969] {strides = array<i32>} : memref<100x64xf32, #tpu.memory_space<vmem>>, vector<1x16xf32>,
        %get3A_971 = vector.shape_cast %get3A_970 : vector<1x16xf32> to vector<16xf32>
        %add3A_972 = arith.addf %add3A_926, %get3A_971 : vector<16xf32>
        %add3A_973 = arith.constant 50 : i32
        %add3A_974 = arith.addi %add3A_973, %scan3A_961 : i32
        %get3A_975 = arith.constant 0 : i32
        %get3A_976 = arith.constant 0 : i32
        %get3A_977 = tpu.memref_slice %arg6[%scan3A_727, %get3A_975, %get3A_976] : memref<4x100x64xf32, #tpu.memory_space<vmem>> -> memref<1x100x64xf32, #tpu.memory_space<vmem>>
        %get3A_978 = tpu.memref_squeeze %get3A_977 : memref<1x100x64xf32, #tpu.memory_space<vmem>> -> memref<100x64xf32, #tpu.memory_space<vmem>>
        %get3A_979 = arith.index_cast %add3A_974 : i32 to index
        %get3A_980 = arith.constant 16 : index
        %get3A_981 = tpu.vector_load %get3A_978[%get3A_979, %get3A_980] {strides = array<i32>} : memref<100x64xf32, #tpu.memory_space<vmem>>, vector<1x16xf32>,
        %get3A_982 = vector.shape_cast %get3A_981 : vector<1x16xf32> to vector<16xf32>
        %add3A_983 = arith.addf %add3A_937, %get3A_982 : vector<16xf32>
        %add3A_984 = arith.constant 50 : i32
        %add3A_985 = arith.addi %add3A_984, %scan3A_961 : i32
        %get3A_986 = arith.constant 0 : i32
        %get3A_987 = arith.constant 0 : i32
        %get3A_988 = tpu.memref_slice %arg6[%scan3A_727, %get3A_986, %get3A_987] : memref<4x100x64xf32, #tpu.memory_space<vmem>> -> memref<1x100x64xf32, #tpu.memory_space<vmem>>
        %get3A_989 = tpu.memref_squeeze %get3A_988 : memref<1x100x64xf32, #tpu.memory_space<vmem>> -> memref<100x64xf32, #tpu.memory_space<vmem>>
        %get3A_990 = arith.index_cast %add3A_985 : i32 to index
        %get3A_991 = arith.constant 32 : index
        %get3A_992 = tpu.vector_load %get3A_989[%get3A_990, %get3A_991] {strides = array<i32>} : memref<100x64xf32, #tpu.memory_space<vmem>>, vector<1x16xf32>,
        %get3A_993 = vector.shape_cast %get3A_992 : vector<1x16xf32> to vector<16xf32>
        %add3A_994 = arith.addf %add3A_948, %get3A_993 : vector<16xf32>
        %add3A_995 = arith.constant 50 : i32
        %add3A_996 = arith.addi %add3A_995, %scan3A_961 : i32
        %get3A_997 = arith.constant 0 : i32
        %get3A_998 = arith.constant 0 : i32
        %get3A_999 = tpu.memref_slice %arg6[%scan3A_727, %get3A_997, %get3A_998] : memref<4x100x64xf32, #tpu.memory_space<vmem>> -> memref<1x100x64xf32, #tpu.memory_space<vmem>>
        %get3A_1000 = tpu.memref_squeeze %get3A_999 : memref<1x100x64xf32, #tpu.memory_space<vmem>> -> memref<100x64xf32, #tpu.memory_space<vmem>>
        %get3A_1001 = arith.index_cast %add3A_996 : i32 to index
        %get3A_1002 = arith.constant 48 : index
        %get3A_1003 = tpu.vector_load %get3A_1000[%get3A_1001, %get3A_1002] {strides = array<i32>} : memref<100x64xf32, #tpu.memory_space<vmem>>, vector<1x16xf32>,
        %get3A_1004 = vector.shape_cast %get3A_1003 : vector<1x16xf32> to vector<16xf32>
        %add3A_1005 = arith.addf %add3A_959, %get3A_1004 : vector<16xf32>
        %scan3A_1006 = arith.constant 5 : i32
        %scan3A_1007 = arith.addi %scan3A_773, %scan3A_1006 : i32
        %add3A_1008 = arith.constant 50 : i32
        %add3A_1009 = arith.addi %add3A_1008, %scan3A_1007 : i32
        %get3A_1010 = arith.constant 0 : i32
        %get3A_1011 = arith.constant 0 : i32
        %get3A_1012 = tpu.memref_slice %arg6[%scan3A_727, %get3A_1010, %get3A_1011] : memref<4x100x64xf32, #tpu.memory_space<vmem>> -> memref<1x100x64xf32, #tpu.memory_space<vmem>>
        %get3A_1013 = tpu.memref_squeeze %get3A_1012 : memref<1x100x64xf32, #tpu.memory_space<vmem>> -> memref<100x64xf32, #tpu.memory_space<vmem>>
        %get3A_1014 = arith.index_cast %add3A_1009 : i32 to index
        %get3A_1015 = arith.constant 0 : index
        %get3A_1016 = tpu.vector_load %get3A_1013[%get3A_1014, %get3A_1015] {strides = array<i32>} : memref<100x64xf32, #tpu.memory_space<vmem>>, vector<1x16xf32>,
        %get3A_1017 = vector.shape_cast %get3A_1016 : vector<1x16xf32> to vector<16xf32>
        %add3A_1018 = arith.addf %add3A_972, %get3A_1017 : vector<16xf32>
        %add3A_1019 = arith.constant 50 : i32
        %add3A_1020 = arith.addi %add3A_1019, %scan3A_1007 : i32
        %get3A_1021 = arith.constant 0 : i32
        %get3A_1022 = arith.constant 0 : i32
        %get3A_1023 = tpu.memref_slice %arg6[%scan3A_727, %get3A_1021, %get3A_1022] : memref<4x100x64xf32, #tpu.memory_space<vmem>> -> memref<1x100x64xf32, #tpu.memory_space<vmem>>
        %get3A_1024 = tpu.memref_squeeze %get3A_1023 : memref<1x100x64xf32, #tpu.memory_space<vmem>> -> memref<100x64xf32, #tpu.memory_space<vmem>>
        %get3A_1025 = arith.index_cast %add3A_1020 : i32 to index
        %get3A_1026 = arith.constant 16 : index
        %get3A_1027 = tpu.vector_load %get3A_1024[%get3A_1025, %get3A_1026] {strides = array<i32>} : memref<100x64xf32, #tpu.memory_space<vmem>>, vector<1x16xf32>,
        %get3A_1028 = vector.shape_cast %get3A_1027 : vector<1x16xf32> to vector<16xf32>
        %add3A_1029 = arith.addf %add3A_983, %get3A_1028 : vector<16xf32>
        %add3A_1030 = arith.constant 50 : i32
        %add3A_1031 = arith.addi %add3A_1030, %scan3A_1007 : i32
        %get3A_1032 = arith.constant 0 : i32
        %get3A_1033 = arith.constant 0 : i32
        %get3A_1034 = tpu.memref_slice %arg6[%scan3A_727, %get3A_1032, %get3A_1033] : memref<4x100x64xf32, #tpu.memory_space<vmem>> -> memref<1x100x64xf32, #tpu.memory_space<vmem>>
        %get3A_1035 = tpu.memref_squeeze %get3A_1034 : memref<1x100x64xf32, #tpu.memory_space<vmem>> -> memref<100x64xf32, #tpu.memory_space<vmem>>
        %get3A_1036 = arith.index_cast %add3A_1031 : i32 to index
        %get3A_1037 = arith.constant 32 : index
        %get3A_1038 = tpu.vector_load %get3A_1035[%get3A_1036, %get3A_1037] {strides = array<i32>} : memref<100x64xf32, #tpu.memory_space<vmem>>, vector<1x16xf32>,
        %get3A_1039 = vector.shape_cast %get3A_1038 : vector<1x16xf32> to vector<16xf32>
        %add3A_1040 = arith.addf %add3A_994, %get3A_1039 : vector<16xf32>
        %add3A_1041 = arith.constant 50 : i32
        %add3A_1042 = arith.addi %add3A_1041, %scan3A_1007 : i32
        %get3A_1043 = arith.constant 0 : i32
        %get3A_1044 = arith.constant 0 : i32
        %get3A_1045 = tpu.memref_slice %arg6[%scan3A_727, %get3A_1043, %get3A_1044] : memref<4x100x64xf32, #tpu.memory_space<vmem>> -> memref<1x100x64xf32, #tpu.memory_space<vmem>>
        %get3A_1046 = tpu.memref_squeeze %get3A_1045 : memref<1x100x64xf32, #tpu.memory_space<vmem>> -> memref<100x64xf32, #tpu.memory_space<vmem>>
        %get3A_1047 = arith.index_cast %add3A_1042 : i32 to index
        %get3A_1048 = arith.constant 48 : index
        %get3A_1049 = tpu.vector_load %get3A_1046[%get3A_1047, %get3A_1048] {strides = array<i32>} : memref<100x64xf32, #tpu.memory_space<vmem>>, vector<1x16xf32>,
        %get3A_1050 = vector.shape_cast %get3A_1049 : vector<1x16xf32> to vector<16xf32>
        %add3A_1051 = arith.addf %add3A_1005, %get3A_1050 : vector<16xf32>
        %scan3A_1052 = arith.constant 6 : i32
        %scan3A_1053 = arith.addi %scan3A_773, %scan3A_1052 : i32
        %add3A_1054 = arith.constant 50 : i32
        %add3A_1055 = arith.addi %add3A_1054, %scan3A_1053 : i32
        %get3A_1056 = arith.constant 0 : i32
        %get3A_1057 = arith.constant 0 : i32
        %get3A_1058 = tpu.memref_slice %arg6[%scan3A_727, %get3A_1056, %get3A_1057] : memref<4x100x64xf32, #tpu.memory_space<vmem>> -> memref<1x100x64xf32, #tpu.memory_space<vmem>>
        %get3A_1059 = tpu.memref_squeeze %get3A_1058 : memref<1x100x64xf32, #tpu.memory_space<vmem>> -> memref<100x64xf32, #tpu.memory_space<vmem>>
        %get3A_1060 = arith.index_cast %add3A_1055 : i32 to index
        %get3A_1061 = arith.constant 0 : index
        %get3A_1062 = tpu.vector_load %get3A_1059[%get3A_1060, %get3A_1061] {strides = array<i32>} : memref<100x64xf32, #tpu.memory_space<vmem>>, vector<1x16xf32>,
        %get3A_1063 = vector.shape_cast %get3A_1062 : vector<1x16xf32> to vector<16xf32>
        %add3A_1064 = arith.addf %add3A_1018, %get3A_1063 : vector<16xf32>
        %add3A_1065 = arith.constant 50 : i32
        %add3A_1066 = arith.addi %add3A_1065, %scan3A_1053 : i32
        %get3A_1067 = arith.constant 0 : i32
        %get3A_1068 = arith.constant 0 : i32
        %get3A_1069 = tpu.memref_slice %arg6[%scan3A_727, %get3A_1067, %get3A_1068] : memref<4x100x64xf32, #tpu.memory_space<vmem>> -> memref<1x100x64xf32, #tpu.memory_space<vmem>>
        %get3A_1070 = tpu.memref_squeeze %get3A_1069 : memref<1x100x64xf32, #tpu.memory_space<vmem>> -> memref<100x64xf32, #tpu.memory_space<vmem>>
        %get3A_1071 = arith.index_cast %add3A_1066 : i32 to index
        %get3A_1072 = arith.constant 16 : index
        %get3A_1073 = tpu.vector_load %get3A_1070[%get3A_1071, %get3A_1072] {strides = array<i32>} : memref<100x64xf32, #tpu.memory_space<vmem>>, vector<1x16xf32>,
        %get3A_1074 = vector.shape_cast %get3A_1073 : vector<1x16xf32> to vector<16xf32>
        %add3A_1075 = arith.addf %add3A_1029, %get3A_1074 : vector<16xf32>
        %add3A_1076 = arith.constant 50 : i32
        %add3A_1077 = arith.addi %add3A_1076, %scan3A_1053 : i32
        %get3A_1078 = arith.constant 0 : i32
        %get3A_1079 = arith.constant 0 : i32
        %get3A_1080 = tpu.memref_slice %arg6[%scan3A_727, %get3A_1078, %get3A_1079] : memref<4x100x64xf32, #tpu.memory_space<vmem>> -> memref<1x100x64xf32, #tpu.memory_space<vmem>>
        %get3A_1081 = tpu.memref_squeeze %get3A_1080 : memref<1x100x64xf32, #tpu.memory_space<vmem>> -> memref<100x64xf32, #tpu.memory_space<vmem>>
        %get3A_1082 = arith.index_cast %add3A_1077 : i32 to index
        %get3A_1083 = arith.constant 32 : index
        %get3A_1084 = tpu.vector_load %get3A_1081[%get3A_1082, %get3A_1083] {strides = array<i32>} : memref<100x64xf32, #tpu.memory_space<vmem>>, vector<1x16xf32>,
        %get3A_1085 = vector.shape_cast %get3A_1084 : vector<1x16xf32> to vector<16xf32>
        %add3A_1086 = arith.addf %add3A_1040, %get3A_1085 : vector<16xf32>
        %add3A_1087 = arith.constant 50 : i32
        %add3A_1088 = arith.addi %add3A_1087, %scan3A_1053 : i32
        %get3A_1089 = arith.constant 0 : i32
        %get3A_1090 = arith.constant 0 : i32
        %get3A_1091 = tpu.memref_slice %arg6[%scan3A_727, %get3A_1089, %get3A_1090] : memref<4x100x64xf32, #tpu.memory_space<vmem>> -> memref<1x100x64xf32, #tpu.memory_space<vmem>>
        %get3A_1092 = tpu.memref_squeeze %get3A_1091 : memref<1x100x64xf32, #tpu.memory_space<vmem>> -> memref<100x64xf32, #tpu.memory_space<vmem>>
        %get3A_1093 = arith.index_cast %add3A_1088 : i32 to index
        %get3A_1094 = arith.constant 48 : index
        %get3A_1095 = tpu.vector_load %get3A_1092[%get3A_1093, %get3A_1094] {strides = array<i32>} : memref<100x64xf32, #tpu.memory_space<vmem>>, vector<1x16xf32>,
        %get3A_1096 = vector.shape_cast %get3A_1095 : vector<1x16xf32> to vector<16xf32>
        %add3A_1097 = arith.addf %add3A_1051, %get3A_1096 : vector<16xf32>
        scf.yield %add3A_1064, %add3A_1075, %add3A_1086, %add3A_1097 : vector<16xf32>, vector<16xf32>, vector<16xf32>, vector<16xf32>
      }
      %scan3A_733 = arith.constant 49 : i32
      %mul3A_734 = arith.constant 2 : i32
      %mul3A_735 = arith.muli %add3A_594, %mul3A_734 : i32
      %add3A_736 = arith.constant 1 : i32
      %add3A_737 = arith.addi %mul3A_735, %add3A_736 : i32
      %mul3A_738 = vector.broadcast %scan3A : f32 to vector<16xf32>
      %mul3A_739 = arith.mulf %scan3A_732#0, %mul3A_738 : vector<16xf32>
      %swap3A_740 = arith.index_cast %add3A_737 : i32 to index
      %swap3A_741 = arith.constant 0 : index
      %swap3A_742 = tpu.vector_load %arg7[%swap3A_740, %swap3A_741] {strides = array<i32>} : memref<512x64xf32, #tpu.memory_space<vmem>>, vector<1x16xf32>,
      %swap3A_743 = vector.shape_cast %swap3A_742 : vector<1x16xf32> to vector<16xf32>
      %swap3A_744 = vector.shape_cast %mul3A_739 : vector<16xf32> to vector<1x16xf32>
      tpu.vector_store %arg7[%swap3A_740, %swap3A_741], %swap3A_744 {strides = array<i32>} : memref<512x64xf32, #tpu.memory_space<vmem>>, vector<1x16xf32>,
      %mul3A_745 = vector.broadcast %scan3A : f32 to vector<16xf32>
      %mul3A_746 = arith.mulf %scan3A_732#1, %mul3A_745 : vector<16xf32>
      %swap3A_747 = arith.index_cast %add3A_737 : i32 to index
      %swap3A_748 = arith.constant 16 : index
      %swap3A_749 = tpu.vector_load %arg7[%swap3A_747, %swap3A_748] {strides = array<i32>} : memref<512x64xf32, #tpu.memory_space<vmem>>, vector<1x16xf32>,
      %swap3A_750 = vector.shape_cast %swap3A_749 : vector<1x16xf32> to vector<16xf32>
      %swap3A_751 = vector.shape_cast %mul3A_746 : vector<16xf32> to vector<1x16xf32>
      tpu.vector_store %arg7[%swap3A_747, %swap3A_748], %swap3A_751 {strides = array<i32>} : memref<512x64xf32, #tpu.memory_space<vmem>>, vector<1x16xf32>,
      %mul3A_752 = vector.broadcast %scan3A : f32 to vector<16xf32>
      %mul3A_753 = arith.mulf %scan3A_732#2, %mul3A_752 : vector<16xf32>
      %swap3A_754 = arith.index_cast %add3A_737 : i32 to index
      %swap3A_755 = arith.constant 32 : index
      %swap3A_756 = tpu.vector_load %arg7[%swap3A_754, %swap3A_755] {strides = array<i32>} : memref<512x64xf32, #tpu.memory_space<vmem>>, vector<1x16xf32>,
      %swap3A_757 = vector.shape_cast %swap3A_756 : vector<1x16xf32> to vector<16xf32>
      %swap3A_758 = vector.shape_cast %mul3A_753 : vector<16xf32> to vector<1x16xf32>
      tpu.vector_store %arg7[%swap3A_754, %swap3A_755], %swap3A_758 {strides = array<i32>} : memref<512x64xf32, #tpu.memory_space<vmem>>, vector<1x16xf32>,
      %mul3A_759 = vector.broadcast %scan3A : f32 to vector<16xf32>
      %mul3A_760 = arith.mulf %scan3A_732#3, %mul3A_759 : vector<16xf32>
      %swap3A_761 = arith.index_cast %add3A_737 : i32 to index
      %swap3A_762 = arith.constant 48 : index
      %swap3A_763 = tpu.vector_load %arg7[%swap3A_761, %swap3A_762] {strides = array<i32>} : memref<512x64xf32, #tpu.memory_space<vmem>>, vector<1x16xf32>,
      %swap3A_764 = vector.shape_cast %swap3A_763 : vector<1x16xf32> to vector<16xf32>
      %swap3A_765 = vector.shape_cast %mul3A_760 : vector<16xf32> to vector<1x16xf32>
      tpu.vector_store %arg7[%swap3A_761, %swap3A_762], %swap3A_765 {strides = array<i32>} : memref<512x64xf32, #tpu.memory_space<vmem>>, vector<1x16xf32>,
      %add3A_766 = arith.constant 4 : i32
      %add3A_767 = arith.addi %add3A_594, %add3A_766 : i32
      %lt3A_768 = arith.constant 256 : i32
      %lt3A_769 = arith.cmpi slt, %add3A_767, %lt3A_768 : i32
      %convert_element_type3A_770 = arith.extui %lt3A_769 : i1 to i32
      %cond3A_771 = arith.constant 0 : i32
      %cond3A_772 = arith.cmpi ne, %convert_element_type3A_770, %cond3A_771 : i32
      scf.if %cond3A_772 {
        %min3A_773 = arith.constant 255 : i32
        %min3A_774 = arith.minsi %add3A_767, %min3A_773 : i32
        %dma_start3A_775 = arith.constant 3 : i32
        %dma_start3A_776 = arith.constant 0 : i32
        %dma_start3A_777 = arith.constant 0 : i32
        %dma_start3A_778 = tpu.memref_slice %arg6[%dma_start3A_775, %dma_start3A_776, %dma_start3A_777] : memref<4x100x64xf32, #tpu.memory_space<vmem>> -> memref<1x100x64xf32, #tpu.memory_space<vmem>>
        %dma_start3A_779 = tpu.memref_squeeze %dma_start3A_778 : memref<1x100x64xf32, #tpu.memory_space<vmem>> -> memref<100x64xf32, #tpu.memory_space<vmem>>
        %dma_start3A_780 = arith.constant 0 : i32
        %dma_start3A_781 = tpu.memref_slice %arg5[%min3A_774, %dma_start3A_780] : memref<256x100xi32, #tpu.memory_space<vmem>> -> memref<1x100xi32, #tpu.memory_space<vmem>>
        %dma_start3A_782 = tpu.memref_squeeze %dma_start3A_781 : memref<1x100xi32, #tpu.memory_space<vmem>> -> memref<100xi32, #tpu.memory_space<vmem>>
        %dma_start3A_783 = arith.constant 0 : i32
        %dma_start3A_784 = arith.constant 0 : i32
        %dma_start3A_785 = tpu.memref_slice %arg3[%dma_start3A_783, %dma_start3A_784] : memref<1000000x64xf32, #tpu.memory_space<hbm>> -> memref<1000000x64xf32, #tpu.memory_space<hbm>>
        tpu.enqueue_indirect_dma source(%dma_start3A_785 : memref<1000000x64xf32, #tpu.memory_space<hbm>>) target(%dma_start3A_779 : memref<100x64xf32, #tpu.memory_space<vmem>>) offsets(%dma_start3A_782 : memref<100xi32, #tpu.memory_space<vmem>>) semaphore(%arg11 : memref<!tpu.dma_semaphore, #tpu.memory_space<semaphore_mem>>)
      } else {
      }
    }
    %scan3A_52 = arith.constant 64 : i32
    %mul3A_53 = arith.constant 512 : i32
    %mul3A_54 = arith.muli %add3A, %mul3A_53 : i32
    "tpu.region"() ({
      %run_scoped3A = tpu.sem_alloc : memref<!tpu.dma_semaphore, #tpu.memory_space<semaphore_mem>>
      %dma_start3A_55 = arith.constant 0 : i32
      %dma_start3A_56 = tpu.memref_slice %arg4[%mul3A_54, %dma_start3A_55] : memref<16384x64xf32, #tpu.memory_space<hbm>> -> memref<512x64xf32, #tpu.memory_space<hbm>>
      %dma_start3A_57 = arith.constant 0 : i32
      %dma_start3A_58 = tpu.memref_slice %arg4[%mul3A_54, %dma_start3A_57] : memref<16384x64xf32, #tpu.memory_space<hbm>> -> memref<512x64xf32, #tpu.memory_space<hbm>>
      tpu.enqueue_dma source(%arg7 : memref<512x64xf32, #tpu.memory_space<vmem>>) target(%dma_start3A_58 : memref<512x64xf32, #tpu.memory_space<hbm>>) target_semaphore(%run_scoped3A : memref<!tpu.dma_semaphore, #tpu.memory_space<semaphore_mem>>)
      %dma_wait3A = arith.constant 0 : i32
      %dma_wait3A_59 = tpu.memref_slice %arg4[%mul3A_54, %dma_wait3A] : memref<16384x64xf32, #tpu.memory_space<hbm>> -> memref<512x64xf32, #tpu.memory_space<hbm>>
      %dma_wait3A_60 = arith.constant 0 : i32
      %dma_wait3A_61 = tpu.memref_slice %arg4[%mul3A_54, %dma_wait3A_60] : memref<16384x64xf32, #tpu.memory_space<hbm>> -> memref<512x64xf32, #tpu.memory_space<hbm>>
      tpu.wait_dma2 semaphore(%run_scoped3A : memref<!tpu.dma_semaphore, #tpu.memory_space<semaphore_mem>>) src(%arg7 : memref<512x64xf32, #tpu.memory_space<vmem>>) dst(%dma_wait3A_61 : memref<512x64xf32, #tpu.memory_space<hbm>>)
      tpu.yield
    }) : () -> ()
    return
  }
}

</mosaic_0001>

<sc_bundles>
// kernel: kernel.3.cloned.1.call-start
scs
__scs_entry_jumppad:
0x0: {  	(pc) =	sbr.rel $0x88, $3  }
0x1: {  	(tag) =	ssettag $0x0;
	lr =	simm.s32 $0x1  }
0x2: {  	[smem:$0x3F9F] =	sst lr;
	_ =	strace $0xD0000000  }
0x3: {  	_ = 	snop  }
0x4: {  	_ = 	snop  }
0x5: {  	_ = 	snop  }
0x6: {  	_ = 	snop  }
0x7: {  	_ = 	snop  }
__scs_overlays_trampoline_lowered:
0x8: {  	[smem:$0x3FAE] =	sst s0  }
0x9: {  	[smem:$0x3FAF] =	sst s1  }
0xa: {  	[smem:$0x3FB0] =	sst s2  }
0xb: {  	[smem:$0x3FB1] =	sst s3  }
0xc: {  	[smem:$0x3FB2] =	sst s4  }
0xd: {  	[smem:$0x3FB3] =	sst s5  }
0xe: {  	[smem:$0x3FB4] =	sst s6  }
0xf: {  	[smem:$0x3FB5] =	sst s7  }
0x10: {  	[smem:$0x3FB6] =	sst s8  }
0x11: {  	[smem:$0x3FB7] =	sst s9;
	s0 =	simm.s32 @!p0 $0x0  }
0x12: {  	s1 =	sld [smem:$0x3F9D];
	s0 =	simm.s32 @p0 $0x1  }
0x13: {  	[smem:$0x3FB8] =	sst s0;
	s0 =	simm.s32 @!p1 $0x0  }
0x14: {  	s2 =	sld [smem:$0x3F9C];
	s0 =	simm.s32 @p1 $0x1  }
0x15: {  	[smem:$0x3FB9] =	sst s0;
	s0 =	simm.s32 @!p2 $0x0  }
0x16: {  	s3 =	sld [smem:$0x3FDB];
	s0 =	simm.s32 @p2 $0x1  }
0x17: {  	s4 =	simm.s32 $0x1BF5;
	[smem:$0x3FBB] =	sst s0  }
0x18: {  	s0 =	sld [smem:$0x3F9E];
	_ =	swait.ge [sflag:s4], $0x0  }
0x19: {  	s7 =	sld [smem:$0x3F9F]  }
0x1a: {  	s8 =	sadd.s32 $0xFFFFE003, lr  }
0x1b: {  	s9 =	sadd.s32 $0xFFFFFEF7, lr;
	s5 =	simm.s32 $0xFFFFFFFF;
	p2 =	slt.u32 s8, $0xFFFFF086  }
0x1c: {  	p1 =	slt.u32 s9, $0xF7A;
	s5 =	simm.s32 @!p2 $0x0  }
0x1d: {  	s5 =	simm.s32 @p1 $0x1;
	p0 =	seq.s32 s7, s2  }
0x1e: {  	s7 =	smul.u32 @!p0 $0xF7A, s2;
	p2 =	seq.s32 @!p0 s5, $0x0  }
0x1f: {  	s9 =	smul.u32 $0xF7A, s1;
	s8 =	simm.s32 @!p0 $0x1BF5;
	p2 =	por !p2, p0  }
0x20: {  	[sflag:s8] =	ssyncset.s32 @!p0 $0xFFFFF086;
	s6 =	sadd.s32 @!p0 s3, s7;
	s7 =	simm.s32 @!p0 $0x108  }
0x21: {  	s3 =	sadd.s32 s3, s9;
	s6 =	sadd.s32 @!p0 $0x88, s6;
	s7 =	simm.s32 @p2 $0x1082  }
0x22: {  	[simem:s7], [sflag:s8] =	dma.local @!p0 [hbm:s6], $0xF7A  }
0x23: {  	s9 =	sor.u32 $0xD0000000, s2;
	s6 =	simm.s32 $0x108;
	_ =	swait.ge @!p0 [sflag:s8], $0x0  }
0x24: {  	s3 =	sadd.s32 $0x88, s3;
	s6 =	simm.s32 @!p1 $0x1082;
	[sflag:s4] =	ssyncset.s32 $0xFFFFF086  }
0x25: {  	[simem:s6], [sflag:s4] =	dma.local [hbm:s3], $0xF7A  }
0x26: {  	[smem:$0x3F9F] =	sst s1;
	(tag) =	ssettag s2;
	_ =	strace s9  }
0x27: {  	s1 =	sld [smem:$0x3FAF]  }
0x28: {  	s2 =	sld [smem:$0x3FB0]  }
0x29: {  	s4 =	sld [smem:$0x3FB2]  }
0x2a: {  	p0 =	seq.s32 s5, $0x0;
	s5 =	sld [smem:$0x3FB3]  }
0x2b: {  	s6 =	sld [smem:$0x3FB4]  }
0x2c: {  	s7 =	sld [smem:$0x3FB5]  }
0x2d: {  	s3 =	simm.s32 $0x108;
	s8 =	sld [smem:$0x3FB6]  }
0x2e: {  	s3 =	simm.s32 @!p0 $0x1082;
	s9 =	sld [smem:$0x3FB7]  }
0x2f: {  	lr =	sadd.s32 s0, s3;
	s0 =	sld [smem:$0x3FAE]  }
0x30: {  	s3 =	sld [smem:$0x3FB1]  }
0x31: {  	[smem:$0x3FBA] =	sst s10  }
0x32: {  	s10 =	sld [smem:$0x3FB8];
	_ =	sdelay $0x3  }
0x33: {  	p0 =	seq.s32 s10, $0x1;
	s10 =	sld [smem:$0x3FBA];
	_ =	sdelay $0x3  }
0x34: {  	[smem:$0x3FBA] =	sst s10  }
0x35: {  	s10 =	sld [smem:$0x3FB9];
	_ =	sdelay $0x3  }
0x36: {  	p1 =	seq.s32 s10, $0x1;
	s10 =	sld [smem:$0x3FBA];
	_ =	sdelay $0x3  }
0x37: {  	[smem:$0x3FBA] =	sst s10  }
0x38: {  	s10 =	sld [smem:$0x3FBB]  }
0x39: {  	_ = 	snop;
	(pc) =	sbr.ind lr, $3  }
0x3a: {  	_ = 	snop  }
0x3b: {  	_ = 	snop  }
0x3c: {  	p2 =	seq.s32 s10, $0x1;
	s10 =	sld [smem:$0x3FBA]  }
0x3d: {  	_ =	shalt  }
0x3e: {  	_ =	shalt  }
0x3f: {  	_ =	shalt  }
0x40: {  	_ =	shalt  }
0x41: {  	_ =	shalt  }
0x42: {  	_ =	shalt  }
0x43: {  	_ =	shalt  }
0x44: {  	_ =	shalt  }
0x45: {  	_ =	shalt  }
0x46: {  	_ =	shalt  }
0x47: {  	_ =	shalt  }
0x48: {  	_ =	shalt  }
0x49: {  	_ =	shalt  }
0x4a: {  	_ =	shalt  }
0x4b: {  	_ =	shalt  }
0x4c: {  	_ =	shalt  }
0x4d: {  	_ =	shalt  }
0x4e: {  	_ =	shalt  }
0x4f: {  	_ =	shalt  }
0x50: {  	_ =	shalt  }
0x51: {  	_ =	shalt  }
0x52: {  	_ =	shalt  }
0x53: {  	_ =	shalt  }
0x54: {  	_ =	shalt  }
0x55: {  	_ =	shalt  }
0x56: {  	_ =	shalt  }
0x57: {  	_ =	shalt  }
0x58: {  	_ =	shalt  }
0x59: {  	_ =	shalt  }
0x5a: {  	_ =	shalt  }
0x5b: {  	_ =	shalt  }
0x5c: {  	_ =	shalt  }
0x5d: {  	_ =	shalt  }
0x5e: {  	_ =	shalt  }
0x5f: {  	_ =	shalt  }
0x60: {  	_ =	shalt  }
0x61: {  	_ =	shalt  }
0x62: {  	_ =	shalt  }
0x63: {  	_ =	shalt  }
0x64: {  	_ =	shalt  }
0x65: {  	_ =	shalt  }
0x66: {  	_ =	shalt  }
0x67: {  	_ =	shalt  }
0x68: {  	_ =	shalt  }
0x69: {  	_ =	shalt  }
0x6a: {  	_ =	shalt  }
0x6b: {  	_ =	shalt  }
0x6c: {  	_ =	shalt  }
0x6d: {  	_ =	shalt  }
0x6e: {  	_ =	shalt  }
0x6f: {  	_ =	shalt  }
0x70: {  	_ =	shalt  }
0x71: {  	_ =	shalt  }
0x72: {  	_ =	shalt  }
0x73: {  	_ =	shalt  }
0x74: {  	_ =	shalt  }
0x75: {  	_ =	shalt  }
0x76: {  	_ =	shalt  }
0x77: {  	_ =	shalt  }
0x78: {  	_ =	shalt  }
0x79: {  	_ =	shalt  }
0x7a: {  	_ =	shalt  }
0x7b: {  	_ =	shalt  }
0x7c: {  	_ =	shalt  }
0x7d: {  	_ =	shalt  }
0x7e: {  	_ =	shalt  }
0x7f: {  	_ =	shalt  }
0x80: {  	_ =	shalt  }
0x81: {  	_ =	shalt  }
0x82: {  	_ =	shalt  }
0x83: {  	_ =	shalt  }
0x84: {  	_ =	shalt  }
0x85: {  	_ =	shalt  }
0x86: {  	_ =	shalt  }
0x87: {  	_ =	shalt  }
.Lfunc_end0:
.L_simem_size_0:
called_computation_lowered:
.L_overlay_start_0:
0x88: {  	s2 =	sld [smem:$0x3FD9]  }
0x89: {  	s3 =	sld [smem:$0x3FFE];
	_ =	sdelay $0x1  }
0x8a: {  	s1 =	srdreg.scid  }
0x8b: {  	s0 =	sand.u32 $0x1, s1  }
0x8c: {  	s17 =	sshll.u32 s0, $0xA;
	s2 =	sadd.s32 s3, s2  }
0x8d: {  	s2 =	sadd.s32 s2, s17  }
0x8e: {  	[smem:$0x3FC6] =	sst s2  }
0x8f: {  	_ = 	snop  }
0x90: {  	s2 =	sld [smem:$0x3FD0];
	(tm) =	ssettm $0x1  }
0x91: {  	s18 =	sld [smem:$0x3FFB];
	_ =	sdelay $0x3  }
0x92: {  	_ =	strace s18  }
0x93: {  	s3 =	sld [smem:$0x3FFC];
	_ =	sdelay $0x3  }
0x94: {  	_ =	strace s3  }
0x95: {  	s3 =	sld [smem:$0x3FFD];
	_ =	sdelay $0x3  }
0x96: {  	_ =	strace s3  }
0x97: {  	_ =	strace $0x8FFFFFFF  }
0x98: {  	s19 =	sld [smem:$0x3FDB];
	_ =	sdelay $0x1  }
0x99: {  	s4 =	simm.s32 $_scs_section_size  }
0x9a: {  	s5 =	simm.s32 $_size__tile_overlayer_lowered;
	s6 =	simm.s32 $_tile_overlayer_lowered  }
0x9b: {  	s22 =	simm.s32 $0x1BFF;
	s21 =	sshll.u32 s6, $0x1;
	s3 =	sadd.s32 s4, s19  }
0x9c: {  	s7 =	simm.s32 $0x0;
	s20 =	sshll.u32 s5, $0x1;
	s5 =	sadd.s32 s21, s3  }
0x9d: {  	[timem:s7], [sflag:s22] =	dma.local [hbm:s5], s20  }
0x9e: {  	_ =	swait.ge [sflag:s22], s20  }
0x9f: {  	s4 =	ssub.s32 $0x0, s20;
	[sflag:s22] =	ssyncset.done $0x0  }
0xa0: {  	[sflag:s22] =	ssyncadd.s32 s4;
	_ =	sdelay $0x1  }
0xa1: {  	s23 =	simm.s32 $0x1B8B  }
0xa2: {  	_ =	swait.ge [sflag:s23], $0x1  }
0xa3: {  	[sflag:s23] =	ssyncset.done $0x0  }
0xa4: {  	s25 =	simm.s32 $0x1B8E;
	s24 =	sld [smem:$0x3FFE];
	[sflag:s23] =	ssyncadd.s32 $0xFFFFFFFF  }
0xa5: {  	s26 =	simm.s32 $execute0_lowered;
	[smem:$0x3FD2] =	sst s25  }
0xa6: {  	s5 =	sshll.u32 s26, $0x1;
	_ =	strace $0x80000046;
	[dreg:$0x1] =	wrdreg $0xFFFFFFFF  }
0xa7: {  	s28 =	simm.s32 $_size_execute0_lowered;
	s3 =	sadd.s32 s3, s5;
	[dreg:$0x0] =	wrdreg $0x0  }
0xa8: {  	s5 =	sshll.u32 s28, $0x1;
	[dreg:$0x2] =	wrdreg s3  }
0xa9: {  	[dreg:$0x3] =	wrdreg s5  }
0xaa: {  	[dreg:$0x4] =	wrdreg $0xC0  }
0xab: {  	_ =	task [dreg:s7], $0x5FFFF  }
0xac: {  	[dreg:$0x1] =	wrdreg $0xFFFFFFFF  }
0xad: {  	[dreg:$0x0] =	wrdreg $0x60  }
0xae: {  	[dreg:$0x2] =	wrdreg s24  }
0xaf: {  	[dreg:$0x3] =	wrdreg s2  }
0xb0: {  	[dreg:$0x4] =	wrdreg $0x9  }
0xb1: {  	_ =	task.clear_ibuf [dreg:s7], $0x5FFFF;
	_ =	strace $0x90000046  }
0xb2: {  	s29 =	simm.s32 $0x9;
	_ =	strace $0x80000048  }
0xb3: {  	_ =	swait.ge [sflag:s29], $0x1  }
0xb4: {  	[sflag:s29] =	ssyncadd.s32 $0xFFFFFFFF  }
0xb5: {  	_ =	strace $0x90000048  }
0xb6: {  	_ =	sfence  }
0xb7: {  	s30 =	sld [smem:$0x0];
	_ =	sdelay $0x2  }
0xb8: {  	s31 =	sshll.u32 s1, $0xD;
	s1 =	sshrl.u32 s1, $0x2  }
0xb9: {  	s3 =	sand.u32 $0x4000, s31;
	s1 =	sadd.s32 s1, s30  }
0xba: {  	s0 =	sor.u32 s3, s0;
	s1 =	sshll.u32 s1, $0x11  }
0xbb: {  	s0 =	sor.u32 s1, s0  }
0xbc: {  	s0 =	sadd.s32 $0x8F2B, s0  }
0xbd: {  	[sflag:s0] =	ssyncadd.remote.s32 $0x1  }
0xbe: {  	_ =	sfence.sel $0xFFFF  }
0xbf: {  	[dreg:$0x0] =	wrdreg $0xFFFFFFFF;
	(pc) =	sbr.abs _section_cstart, $3  }
0xc0: {  	[dreg:$0x1] =	wrdreg $0xFFFFFFFF  }
0xc1: {  	_ =	task.clear_ibuf [dreg:s7], $0x2FFFF;
	_ =	strace $0x9FFFFFFF  }
0xc2: {  	(tm) =	ssettm $0x7FFFFFFF  }
0xc3: {  	_ =	shalt  }
tec
execute0_lowered:
.L_overlay_start_1:
0x0: {  	(tag) =	ssettag $0x1  }
0x1: {  	s1 =	srdreg.scid;
	s3 =	rddreg [dreg:$0x0]  }
0x2: {  	s0 =	stileid.u32;
	s5 =	rddreg [dreg:$0x1]  }
0x3: {  	s2 =	simm.s32 $0x0;
	s9 =	simm.s32 $0x6800;
	s10 =	simm.s32 $0x68  }
0x4: {  	s11 =	simm.s32 $0x8100;
	s12 =	simm.s32 $0xD0;
	s13 =	simm.s32 $0x9A00  }
0x5: {  	s14 =	simm.s32 $0x138;
	s15 =	simm.s32 $0xB300;
	s16 =	simm.s32 $0x1  }
0x6: {  	s17 =	simm.s32 $0x2;
	s18 =	simm.s32 $0x3;
	s19 =	simm.s32 $0x4  }
0x7: {  	s20 =	simm.s32 $0xCC00;
	s4 =	sand.u32 $0x1, s1;
	s1 =	rddreg [dreg:$0x2]  }
0x8: {  	s21 =	simm.s32 $0x0;
	s31 =	sshll.u32 s0, $0x1;
	[smem:$0x7FF] =	sst s2  }
.Ltmp0:
0x9: {  	s6 =	sor.u32 s4, s31;
	s4 =	ssub.s32 $0x2, s4;
	(pc) =	sbr.rel .LBB2_1-.Ltmp0, $4  }
0xa: {  	s7 =	smul.u32 $0xD00, s6;
	s8 =	sshrl.u32 s4, $0x1;
	s6 =	sshll.u32 s6, $0xC  }
0xb: {  	_ =	strace $0x80000047;
	s8 =	ssub.s32 s4, s8;
	s5 =	sadd.s32 s5, s6  }
0xc: {  	s7 =	sadd.s32 s7, s3;
	s3 =	sadd.s32 $0xF42A00, s3;
	s6 =	smax.u32 s8, $0x1  }
0xd: {  	s8 =	simm.s32 $0x64;
	s4 =	sadd.s32 $0x600, s7;
	s7 =	simm.s32 $0x5  }
.LBB2_20:
0xe: {  	s21 =	sadd.s32 $0x1, s21  }
0xf: {  	p0 =	sne.s32 s21, s6  }
.Ltmp1:
0x10: {  	_ = 	snop;
	(pc) =	sbr.rel @!p0 .LBB2_21-.Ltmp1, $4  }
0x11: {  	[hbm4b:s5+s2] =	stream.linear.scatter [tilespmem:s20], [sflag:$0x5], $0x8000, $0x38;
	[tilespmem:$0x14C00] =	vst v63  }
0x12: {  	_ =	swait.ge [sflag:s7], $0x8000  }
0x13: {  	[sflag:s7] =	ssyncset.done $0x0  }
0x14: {  	[sflag:s7] =	ssyncadd.s32 $0xFFFF8000  }
.LBB2_1:
0x15: {  	[tilespmem:s2], [sflag:$0x5] =	stream.linear.gather [hbm4b:s4+s2], $0x6800, $0x38;
	[tilespmem:$0x14C00] =	vst v63  }
0x16: {  	_ =	swait.ge [sflag:s7], $0x6800  }
0x17: {  	[sflag:s7] =	ssyncset.done $0x0  }
0x18: {  	[sflag:s7] =	ssyncadd.s32 $0xFFFF9800  }
0x19: {  	[tilespmem:s9], [sflag:$0x1] =	stream.indirect.gather [hbm4b:s3+s8], $0x40, s2, s8, $0xb8;
	[tilespmem:$0x14C00] =	vst v63  }
0x1a: {  	_ = 	snop  }
0x1b: {  	[tilespmem:s11], [sflag:$0x2] =	stream.indirect.gather [hbm4b:s3+s8], $0x40, s10, s8, $0xb8;
	[tilespmem:$0x14C00] =	vst v63  }
0x1c: {  	_ = 	snop  }
0x1d: {  	[tilespmem:s13], [sflag:$0x3] =	stream.indirect.gather [hbm4b:s3+s8], $0x40, s12, s8, $0xb8;
	[tilespmem:$0x14C00] =	vst v63  }
0x1e: {  	s22 =	simm.s32 $0x0  }
0x1f: {  	[tilespmem:s15], [sflag:$0x4] =	stream.indirect.gather [hbm4b:s3+s8], $0x40, s14, s8, $0xb8;
	[tilespmem:$0x14C00] =	vst v63  }
.LBB2_2:
0x20: {  	_ =	swait.ge [sflag:s16], $0x1900  }
0x21: {  	[sflag:s16] =	ssyncset.done $0x0  }
0x22: {  	[sflag:s16] =	ssyncadd.s32 $0xFFFFE700  }
0x23: {  	v4 =	vld [tilespmem:$0x6800]  }
0x24: {  	v5 =	vld [tilespmem:$0x6810]  }
0x25: {  	v6 =	vld [tilespmem:$0x6820]  }
0x26: {  	s24 =	simm.s32 $0x6900;
	v7 =	vld [tilespmem:$0x6830]  }
0x27: {  	v0 =	vld [tilespmem:s24+$0xC0]  }
0x28: {  	v1 =	vld [tilespmem:s24+$0xD0]  }
0x29: {  	v2 =	vld [tilespmem:s24+$0x80]  }
0x2a: {  	v3 =	vld [tilespmem:s24+$0x90]  }
0x2b: {  	v9 =	vld [tilespmem:s24+$0x40]  }
0x2c: {  	v12 =	vld [tilespmem:s24+$0x50]  }
0x2d: {  	v8 =	vld [tilespmem:s24+$0x0]  }
0x2e: {  	v10 =	vld [tilespmem:s24+$0x10]  }
0x2f: {  	v11 =	vld [tilespmem:s24+$0xFFFFFFC0]  }
0x30: {  	v13 =	vld [tilespmem:s24+$0xFFFFFFD0]  }
0x31: {  	v14 =	vld [tilespmem:s24+$0xFFFFFF80]  }
0x32: {  	v15 =	vld [tilespmem:s24+$0xFFFFFF90]  }
0x33: {  	v16 =	vld [tilespmem:s24+$0xFFFFFF40]  }
0x34: {  	v17 =	vld [tilespmem:s24+$0xFFFFFF50]  }
0x35: {  	v18 =	vld [tilespmem:s24+$0xFFFFFF60]  }
0x36: {  	v19 =	vld [tilespmem:s24+$0xFFFFFF70]  }
0x37: {  	v20 =	vld [tilespmem:s24+$0xFFFFFFA0]  }
0x38: {  	v21 =	vld [tilespmem:s24+$0xFFFFFFB0]  }
0x39: {  	v22 =	vld [tilespmem:s24+$0xFFFFFFE0]  }
0x3a: {  	v60 =	vld [tilespmem:s24+$0xFFFFFFF0];
	v4 =	vadd.f32 v16, v4;
	v5 =	vadd.f32 v17, v5  }
0x3b: {  	v61 =	vld [tilespmem:s24+$0x20];
	v6 =	vadd.f32 v18, v6;
	v7 =	vadd.f32 v19, v7  }
0x3c: {  	v14 =	vadd.f32 v14, v4;
	v5 =	vadd.f32 v15, v5;
	v15 =	vld [tilespmem:s24+$0x30]  }
0x3d: {  	v18 =	vadd.f32 v20, v6;
	v7 =	vadd.f32 v21, v7;
	v4 =	vld [tilespmem:s24+$0x60]  }
0x3e: {  	v6 =	vld [tilespmem:s24+$0x70];
	v11 =	vadd.f32 v11, v14;
	v13 =	vadd.f32 v13, v5  }
0x3f: {  	v14 =	vadd.f32 v22, v18;
	v7 =	vadd.f32 v60, v7;
	v5 =	vld [tilespmem:s24+$0xA0]  }
0x40: {  	v62 =	vadd.f32 v8, v11;
	v63 =	vadd.f32 v10, v13;
	v8 =	vld [tilespmem:s24+$0xB0]  }
0x41: {  	v11 =	vadd.f32 v61, v14;
	v10 =	vadd.f32 v15, v7;
	v7 =	vld [tilespmem:s24+$0xE0]  }
0x42: {  	s23 =	simm.s32 $0x1;
	v13 =	vadd.f32 v9, v62;
	v12 =	vadd.f32 v12, v63;
	v9 =	vld [tilespmem:s24+$0xF0];
	s24 =	simm.s32 $0x6AC0  }
.LBB2_3:
0x43: {  	v14 =	vld [tilespmem:s24+$0xC0];
	v4 =	vadd.f32 v4, v11;
	v6 =	vadd.f32 v6, v10  }
0x44: {  	v10 =	vld [tilespmem:s24+$0xD0];
	v11 =	vadd.f32 v2, v13;
	v12 =	vadd.f32 v3, v12  }
0x45: {  	v2 =	vld [tilespmem:s24+$0x80];
	v4 =	vadd.f32 v5, v4;
	v5 =	vadd.f32 v8, v6  }
0x46: {  	v3 =	vld [tilespmem:s24+$0x90];
	v6 =	vadd.f32 v0, v11;
	v8 =	vadd.f32 v1, v12  }
0x47: {  	v12 =	vld [tilespmem:s24+$0x40];
	v4 =	vadd.f32 v7, v4;
	v5 =	vadd.f32 v9, v5  }
0x48: {  	v9 =	vld [tilespmem:s24+$0x50];
	v0 =	vmov v14  }
0x49: {  	v7 =	vld [tilespmem:s24+$0x0];
	v1 =	vmov v10  }
0x4a: {  	v10 =	vld [tilespmem:s24+$0x10]  }
0x4b: {  	v11 =	vld [tilespmem:s24+$0xFFFFFFC0]  }
0x4c: {  	v13 =	vld [tilespmem:s24+$0xFFFFFFD0]  }
0x4d: {  	v14 =	vld [tilespmem:s24+$0xFFFFFF80]  }
0x4e: {  	v15 =	vld [tilespmem:s24+$0xFFFFFF90]  }
0x4f: {  	v16 =	vld [tilespmem:s24+$0xFFFFFF40]  }
0x50: {  	v17 =	vld [tilespmem:s24+$0xFFFFFF50]  }
0x51: {  	v18 =	vld [tilespmem:s24+$0xFFFFFF60]  }
0x52: {  	s23 =	sadd.s32 $0x7, s23;
	v19 =	vld [tilespmem:s24+$0xFFFFFF70]  }
0x53: {  	p0 =	slt.u32 s23, $0x2B;
	v20 =	vld [tilespmem:s24+$0xFFFFFFA0]  }
0x54: {  	v21 =	vld [tilespmem:s24+$0xFFFFFFB0]  }
0x55: {  	v22 =	vld [tilespmem:s24+$0xFFFFFFE0]  }
0x56: {  	v6 =	vadd.f32 v16, v6;
	v8 =	vadd.f32 v17, v8;
	v16 =	vld [tilespmem:s24+$0xFFFFFFF0]  }
0x57: {  	v4 =	vadd.f32 v18, v4;
	v5 =	vadd.f32 v19, v5;
	v17 =	vld [tilespmem:s24+$0x20]  }
0x58: {  	v6 =	vadd.f32 v14, v6;
	v8 =	vadd.f32 v15, v8;
	v14 =	vld [tilespmem:s24+$0x30]  }
0x59: {  	v15 =	vadd.f32 v20, v4;
	v5 =	vadd.f32 v21, v5;
	v4 =	vld [tilespmem:s24+$0x60]  }
.Ltmp2:
0x5a: {  	v11 =	vadd.f32 v11, v6;
	v8 =	vadd.f32 v13, v8;
	v6 =	vld [tilespmem:s24+$0x70];
	(pc) =	sbr.rel @p0 .LBB2_3-.Ltmp2, $4  }
0x5b: {  	v13 =	vadd.f32 v22, v15;
	v15 =	vadd.f32 v16, v5;
	v5 =	vld [tilespmem:s24+$0xA0]  }
0x5c: {  	v16 =	vadd.f32 v7, v11;
	v18 =	vadd.f32 v10, v8;
	v8 =	vld [tilespmem:s24+$0xB0]  }
0x5d: {  	v11 =	vadd.f32 v17, v13;
	v10 =	vadd.f32 v14, v15;
	v7 =	vld [tilespmem:s24+$0xE0]  }
0x5e: {  	v13 =	vadd.f32 v12, v16;
	v12 =	vadd.f32 v9, v18;
	v9 =	vld [tilespmem:s24+$0xF0];
	s24 =	sadd.s32 $0x1C0, s24  }
0x5f: {  	_ = 	snop  }
0x60: {  	v4 =	vadd.f32 v4, v11;
	v2 =	vadd.f32 v2, v13  }
0x61: {  	v6 =	vadd.f32 v6, v10;
	v3 =	vadd.f32 v3, v12  }
0x62: {  	v4 =	vadd.f32 v5, v4;
	v0 =	vadd.f32 v0, v2  }
0x63: {  	v2 =	vadd.f32 v8, v6;
	v1 =	vadd.f32 v1, v3  }
0x64: {  	s23 =	sshll.u32 s22, $0xB;
	v3 =	vadd.f32 v7, v4;
	v0 =	vmul.f32 $1.999999960e-02, v0  }
0x65: {  	s23 =	sshra.s32 s23, $0x2;
	v2 =	vadd.f32 v9, v2;
	v1 =	vmul.f32 $1.999999960e-02, v1  }
0x66: {  	[tilespmem:s23+$0xCC00] =	vst v0;
	v0 =	vmul.f32 $1.999999960e-02, v3  }
0x67: {  	[tilespmem:s23+$0xCC10] =	vst v1;
	v1 =	vmul.f32 $1.999999960e-02, v2  }
0x68: {  	[tilespmem:s23+$0xCC20] =	vst v0  }
0x69: {  	[tilespmem:s23+$0xCC30] =	vst v1  }
0x6a: {  	v4 =	vld [tilespmem:$0x7480]  }
0x6b: {  	v5 =	vld [tilespmem:$0x7490]  }
0x6c: {  	v6 =	vld [tilespmem:$0x74A0]  }
0x6d: {  	s25 =	simm.s32 $0x7670;
	v7 =	vld [tilespmem:$0x74B0]  }
0x6e: {  	v0 =	vld [tilespmem:s25+$0xFFFFFFD0]  }
0x6f: {  	v1 =	vld [tilespmem:s25+$0xFFFFFFE0]  }
0x70: {  	v2 =	vld [tilespmem:s25+$0xFFFFFF90]  }
0x71: {  	v3 =	vld [tilespmem:s25+$0xFFFFFFA0]  }
0x72: {  	v9 =	vld [tilespmem:s25+$0xFFFFFF50]  }
0x73: {  	v12 =	vld [tilespmem:s25+$0xFFFFFF60]  }
0x74: {  	v8 =	vld [tilespmem:s25+$0xFFFFFF10]  }
0x75: {  	v10 =	vld [tilespmem:s25+$0xFFFFFF20]  }
0x76: {  	v11 =	vld [tilespmem:s25+$0xFFFFFED0]  }
0x77: {  	v13 =	vld [tilespmem:s25+$0xFFFFFEE0]  }
0x78: {  	v14 =	vld [tilespmem:s25+$0xFFFFFE90]  }
0x79: {  	v15 =	vld [tilespmem:s25+$0xFFFFFEA0]  }
0x7a: {  	v16 =	vld [tilespmem:s25+$0xFFFFFE50]  }
0x7b: {  	v17 =	vld [tilespmem:s25+$0xFFFFFE60]  }
0x7c: {  	v18 =	vld [tilespmem:s25+$0xFFFFFE70]  }
0x7d: {  	v19 =	vld [tilespmem:s25+$0xFFFFFE80]  }
0x7e: {  	v20 =	vld [tilespmem:s25+$0xFFFFFEB0]  }
0x7f: {  	v21 =	vld [tilespmem:s25+$0xFFFFFEC0]  }
0x80: {  	v22 =	vld [tilespmem:s25+$0xFFFFFEF0]  }
0x81: {  	v60 =	vld [tilespmem:s25+$0xFFFFFF00];
	v4 =	vadd.f32 v16, v4;
	v5 =	vadd.f32 v17, v5  }
0x82: {  	v61 =	vld [tilespmem:s25+$0xFFFFFF30];
	v6 =	vadd.f32 v18, v6;
	v7 =	vadd.f32 v19, v7  }
0x83: {  	v14 =	vadd.f32 v14, v4;
	v5 =	vadd.f32 v15, v5;
	v15 =	vld [tilespmem:s25+$0xFFFFFF40]  }
0x84: {  	v18 =	vadd.f32 v20, v6;
	v7 =	vadd.f32 v21, v7;
	v4 =	vld [tilespmem:s25+$0xFFFFFF70]  }
0x85: {  	v6 =	vld [tilespmem:s25+$0xFFFFFF80];
	v11 =	vadd.f32 v11, v14;
	v13 =	vadd.f32 v13, v5  }
0x86: {  	v14 =	vadd.f32 v22, v18;
	v7 =	vadd.f32 v60, v7;
	v5 =	vld [tilespmem:s25+$0xFFFFFFB0]  }
0x87: {  	v62 =	vadd.f32 v8, v11;
	v63 =	vadd.f32 v10, v13;
	v8 =	vld [tilespmem:s25+$0xFFFFFFC0]  }
0x88: {  	v11 =	vadd.f32 v61, v14;
	v10 =	vadd.f32 v15, v7;
	v7 =	vld [tilespmem:s25+$0xFFFFFFF0]  }
0x89: {  	s24 =	simm.s32 $0x1;
	v13 =	vadd.f32 v9, v62;
	v12 =	vadd.f32 v12, v63;
	v9 =	vld [tilespmem:s25+$0x0];
	s25 =	simm.s32 $0x7830  }
.LBB2_5:
0x8a: {  	v14 =	vld [tilespmem:s25+$0xFFFFFFD0];
	v4 =	vadd.f32 v4, v11;
	v6 =	vadd.f32 v6, v10  }
0x8b: {  	v10 =	vld [tilespmem:s25+$0xFFFFFFE0];
	v11 =	vadd.f32 v2, v13;
	v12 =	vadd.f32 v3, v12  }
0x8c: {  	v2 =	vld [tilespmem:s25+$0xFFFFFF90];
	v4 =	vadd.f32 v5, v4;
	v5 =	vadd.f32 v8, v6  }
0x8d: {  	v3 =	vld [tilespmem:s25+$0xFFFFFFA0];
	v6 =	vadd.f32 v0, v11;
	v8 =	vadd.f32 v1, v12  }
0x8e: {  	v12 =	vld [tilespmem:s25+$0xFFFFFF50];
	v4 =	vadd.f32 v7, v4;
	v5 =	vadd.f32 v9, v5  }
0x8f: {  	v9 =	vld [tilespmem:s25+$0xFFFFFF60];
	v0 =	vmov v14  }
0x90: {  	v7 =	vld [tilespmem:s25+$0xFFFFFF10];
	v1 =	vmov v10  }
0x91: {  	v10 =	vld [tilespmem:s25+$0xFFFFFF20]  }
0x92: {  	v11 =	vld [tilespmem:s25+$0xFFFFFED0]  }
0x93: {  	v13 =	vld [tilespmem:s25+$0xFFFFFEE0]  }
0x94: {  	v14 =	vld [tilespmem:s25+$0xFFFFFE90]  }
0x95: {  	v15 =	vld [tilespmem:s25+$0xFFFFFEA0]  }
0x96: {  	v16 =	vld [tilespmem:s25+$0xFFFFFE50]  }
0x97: {  	v17 =	vld [tilespmem:s25+$0xFFFFFE60]  }
0x98: {  	v18 =	vld [tilespmem:s25+$0xFFFFFE70]  }
0x99: {  	s24 =	sadd.s32 $0x7, s24;
	v19 =	vld [tilespmem:s25+$0xFFFFFE80]  }
0x9a: {  	p0 =	slt.u32 s24, $0x2B;
	v20 =	vld [tilespmem:s25+$0xFFFFFEB0]  }
0x9b: {  	v21 =	vld [tilespmem:s25+$0xFFFFFEC0]  }
0x9c: {  	v22 =	vld [tilespmem:s25+$0xFFFFFEF0]  }
0x9d: {  	v6 =	vadd.f32 v16, v6;
	v8 =	vadd.f32 v17, v8;
	v16 =	vld [tilespmem:s25+$0xFFFFFF00]  }
0x9e: {  	v4 =	vadd.f32 v18, v4;
	v5 =	vadd.f32 v19, v5;
	v17 =	vld [tilespmem:s25+$0xFFFFFF30]  }
0x9f: {  	v6 =	vadd.f32 v14, v6;
	v8 =	vadd.f32 v15, v8;
	v14 =	vld [tilespmem:s25+$0xFFFFFF40]  }
0xa0: {  	v15 =	vadd.f32 v20, v4;
	v5 =	vadd.f32 v21, v5;
	v4 =	vld [tilespmem:s25+$0xFFFFFF70]  }
.Ltmp3:
0xa1: {  	v11 =	vadd.f32 v11, v6;
	v8 =	vadd.f32 v13, v8;
	v6 =	vld [tilespmem:s25+$0xFFFFFF80];
	(pc) =	sbr.rel @p0 .LBB2_5-.Ltmp3, $4  }
0xa2: {  	v13 =	vadd.f32 v22, v15;
	v15 =	vadd.f32 v16, v5;
	v5 =	vld [tilespmem:s25+$0xFFFFFFB0]  }
0xa3: {  	v16 =	vadd.f32 v7, v11;
	v18 =	vadd.f32 v10, v8;
	v8 =	vld [tilespmem:s25+$0xFFFFFFC0]  }
0xa4: {  	v11 =	vadd.f32 v17, v13;
	v10 =	vadd.f32 v14, v15;
	v7 =	vld [tilespmem:s25+$0xFFFFFFF0]  }
0xa5: {  	v13 =	vadd.f32 v12, v16;
	v12 =	vadd.f32 v9, v18;
	v9 =	vld [tilespmem:s25+$0x0];
	s25 =	sadd.s32 $0x1C0, s25  }
0xa6: {  	_ = 	snop  }
0xa7: {  	v4 =	vadd.f32 v4, v11;
	v2 =	vadd.f32 v2, v13  }
0xa8: {  	v6 =	vadd.f32 v6, v10;
	v3 =	vadd.f32 v3, v12  }
0xa9: {  	v4 =	vadd.f32 v5, v4;
	v0 =	vadd.f32 v0, v2  }
0xaa: {  	v2 =	vadd.f32 v8, v6;
	v1 =	vadd.f32 v1, v3  }
0xab: {  	v3 =	vadd.f32 v7, v4;
	v0 =	vmul.f32 $1.999999960e-02, v0  }
0xac: {  	p0 =	seq.s32 s22, $0x3F;
	v2 =	vadd.f32 v9, v2;
	v1 =	vmul.f32 $1.999999960e-02, v1  }
0xad: {  	s24 =	smul.u32 @!p0 $0x680, s22;
	[tilespmem:s23+$0xCC40] =	vst v0;
	v0 =	vmul.f32 $1.999999960e-02, v3  }
0xae: {  	[tilespmem:s23+$0xCC50] =	vst v1;
	v1 =	vmul.f32 $1.999999960e-02, v2  }
0xaf: {  	s24 =	sshra.s32 @!p0 s24, $0x2;
	[tilespmem:s23+$0xCC60] =	vst v0  }
0xb0: {  	s26 =	simm.s32 @!p0 $0x64;
	s28 =	simm.s32 @!p0 $0x6800;
	s25 =	sadd.s32 @!p0 $0x1A0, s24;
	[tilespmem:s23+$0xCC70] =	vst v1  }
0xb1: {  	[tilespmem:s28], [sflag:$0x1] =	stream.indirect.gather @!p0 [hbm4b:s3+s26], $0x40, s25, s26, $0xb8;
	[tilespmem:$0x14C00] =	vst v63  }
0xb2: {  	_ =	swait.ge [sflag:s17], $0x1900  }
0xb3: {  	[sflag:s17] =	ssyncset.done $0x0  }
0xb4: {  	[sflag:s17] =	ssyncadd.s32 $0xFFFFE700  }
0xb5: {  	v4 =	vld [tilespmem:$0x8100]  }
0xb6: {  	v5 =	vld [tilespmem:$0x8110]  }
0xb7: {  	v6 =	vld [tilespmem:$0x8120]  }
0xb8: {  	s31 =	simm.s32 $0x82F0;
	v7 =	vld [tilespmem:$0x8130]  }
0xb9: {  	v0 =	vld [tilespmem:s31+$0xFFFFFFD0]  }
0xba: {  	v1 =	vld [tilespmem:s31+$0xFFFFFFE0]  }
0xbb: {  	v2 =	vld [tilespmem:s31+$0xFFFFFF90]  }
0xbc: {  	v3 =	vld [tilespmem:s31+$0xFFFFFFA0]  }
0xbd: {  	v9 =	vld [tilespmem:s31+$0xFFFFFF50]  }
0xbe: {  	v12 =	vld [tilespmem:s31+$0xFFFFFF60]  }
0xbf: {  	v8 =	vld [tilespmem:s31+$0xFFFFFF10]  }
0xc0: {  	v10 =	vld [tilespmem:s31+$0xFFFFFF20]  }
0xc1: {  	v11 =	vld [tilespmem:s31+$0xFFFFFED0]  }
0xc2: {  	v13 =	vld [tilespmem:s31+$0xFFFFFEE0]  }
0xc3: {  	v14 =	vld [tilespmem:s31+$0xFFFFFE90]  }
0xc4: {  	v15 =	vld [tilespmem:s31+$0xFFFFFEA0]  }
0xc5: {  	v16 =	vld [tilespmem:s31+$0xFFFFFE50]  }
0xc6: {  	v17 =	vld [tilespmem:s31+$0xFFFFFE60]  }
0xc7: {  	v18 =	vld [tilespmem:s31+$0xFFFFFE70]  }
0xc8: {  	v19 =	vld [tilespmem:s31+$0xFFFFFE80]  }
0xc9: {  	v20 =	vld [tilespmem:s31+$0xFFFFFEB0]  }
0xca: {  	v21 =	vld [tilespmem:s31+$0xFFFFFEC0]  }
0xcb: {  	v22 =	vld [tilespmem:s31+$0xFFFFFEF0]  }
0xcc: {  	v60 =	vld [tilespmem:s31+$0xFFFFFF00];
	v4 =	vadd.f32 v16, v4;
	v5 =	vadd.f32 v17, v5  }
0xcd: {  	v61 =	vld [tilespmem:s31+$0xFFFFFF30];
	v6 =	vadd.f32 v18, v6;
	v7 =	vadd.f32 v19, v7  }
0xce: {  	v14 =	vadd.f32 v14, v4;
	v5 =	vadd.f32 v15, v5;
	v15 =	vld [tilespmem:s31+$0xFFFFFF40]  }
0xcf: {  	v18 =	vadd.f32 v20, v6;
	v7 =	vadd.f32 v21, v7;
	v4 =	vld [tilespmem:s31+$0xFFFFFF70]  }
0xd0: {  	v6 =	vld [tilespmem:s31+$0xFFFFFF80];
	v11 =	vadd.f32 v11, v14;
	v13 =	vadd.f32 v13, v5  }
0xd1: {  	v14 =	vadd.f32 v22, v18;
	v7 =	vadd.f32 v60, v7;
	v5 =	vld [tilespmem:s31+$0xFFFFFFB0]  }
0xd2: {  	v62 =	vadd.f32 v8, v11;
	v63 =	vadd.f32 v10, v13;
	v8 =	vld [tilespmem:s31+$0xFFFFFFC0]  }
0xd3: {  	v11 =	vadd.f32 v61, v14;
	v10 =	vadd.f32 v15, v7;
	v7 =	vld [tilespmem:s31+$0xFFFFFFF0]  }
0xd4: {  	s25 =	simm.s32 $0x1;
	s26 =	simm.s32 $0x84B0;
	v13 =	vadd.f32 v9, v62;
	v12 =	vadd.f32 v12, v63;
	v9 =	vld [tilespmem:s31+$0x0]  }
.LBB2_7:
0xd5: {  	v14 =	vld [tilespmem:s26+$0xFFFFFFD0];
	v4 =	vadd.f32 v4, v11;
	v6 =	vadd.f32 v6, v10  }
0xd6: {  	v10 =	vld [tilespmem:s26+$0xFFFFFFE0];
	v11 =	vadd.f32 v2, v13;
	v12 =	vadd.f32 v3, v12  }
0xd7: {  	v2 =	vld [tilespmem:s26+$0xFFFFFF90];
	v4 =	vadd.f32 v5, v4;
	v5 =	vadd.f32 v8, v6  }
0xd8: {  	v3 =	vld [tilespmem:s26+$0xFFFFFFA0];
	v6 =	vadd.f32 v0, v11;
	v8 =	vadd.f32 v1, v12  }
0xd9: {  	v12 =	vld [tilespmem:s26+$0xFFFFFF50];
	v4 =	vadd.f32 v7, v4;
	v5 =	vadd.f32 v9, v5  }
0xda: {  	v9 =	vld [tilespmem:s26+$0xFFFFFF60];
	v0 =	vmov v14  }
0xdb: {  	v7 =	vld [tilespmem:s26+$0xFFFFFF10];
	v1 =	vmov v10  }
0xdc: {  	v10 =	vld [tilespmem:s26+$0xFFFFFF20]  }
0xdd: {  	v11 =	vld [tilespmem:s26+$0xFFFFFED0]  }
0xde: {  	v13 =	vld [tilespmem:s26+$0xFFFFFEE0]  }
0xdf: {  	v14 =	vld [tilespmem:s26+$0xFFFFFE90]  }
0xe0: {  	v15 =	vld [tilespmem:s26+$0xFFFFFEA0]  }
0xe1: {  	v16 =	vld [tilespmem:s26+$0xFFFFFE50]  }
0xe2: {  	v17 =	vld [tilespmem:s26+$0xFFFFFE60]  }
0xe3: {  	v18 =	vld [tilespmem:s26+$0xFFFFFE70]  }
0xe4: {  	s25 =	sadd.s32 $0x7, s25;
	v19 =	vld [tilespmem:s26+$0xFFFFFE80]  }
0xe5: {  	p1 =	slt.u32 s25, $0x2B;
	v20 =	vld [tilespmem:s26+$0xFFFFFEB0]  }
0xe6: {  	v21 =	vld [tilespmem:s26+$0xFFFFFEC0]  }
0xe7: {  	v22 =	vld [tilespmem:s26+$0xFFFFFEF0]  }
0xe8: {  	v6 =	vadd.f32 v16, v6;
	v8 =	vadd.f32 v17, v8;
	v16 =	vld [tilespmem:s26+$0xFFFFFF00]  }
0xe9: {  	v4 =	vadd.f32 v18, v4;
	v5 =	vadd.f32 v19, v5;
	v17 =	vld [tilespmem:s26+$0xFFFFFF30]  }
0xea: {  	v6 =	vadd.f32 v14, v6;
	v8 =	vadd.f32 v15, v8;
	v14 =	vld [tilespmem:s26+$0xFFFFFF40]  }
0xeb: {  	v15 =	vadd.f32 v20, v4;
	v5 =	vadd.f32 v21, v5;
	v4 =	vld [tilespmem:s26+$0xFFFFFF70]  }
.Ltmp4:
0xec: {  	v11 =	vadd.f32 v11, v6;
	v8 =	vadd.f32 v13, v8;
	v6 =	vld [tilespmem:s26+$0xFFFFFF80];
	(pc) =	sbr.rel @p1 .LBB2_7-.Ltmp4, $4  }
0xed: {  	v13 =	vadd.f32 v22, v15;
	v15 =	vadd.f32 v16, v5;
	v5 =	vld [tilespmem:s26+$0xFFFFFFB0]  }
0xee: {  	v16 =	vadd.f32 v7, v11;
	v18 =	vadd.f32 v10, v8;
	v8 =	vld [tilespmem:s26+$0xFFFFFFC0]  }
0xef: {  	v11 =	vadd.f32 v17, v13;
	v10 =	vadd.f32 v14, v15;
	v7 =	vld [tilespmem:s26+$0xFFFFFFF0]  }
0xf0: {  	v13 =	vadd.f32 v12, v16;
	v12 =	vadd.f32 v9, v18;
	v9 =	vld [tilespmem:s26+$0x0];
	s26 =	sadd.s32 $0x1C0, s26  }
0xf1: {  	_ = 	snop  }
0xf2: {  	v4 =	vadd.f32 v4, v11;
	v2 =	vadd.f32 v2, v13  }
0xf3: {  	v6 =	vadd.f32 v6, v10;
	v3 =	vadd.f32 v3, v12  }
0xf4: {  	v4 =	vadd.f32 v5, v4;
	v0 =	vadd.f32 v0, v2  }
0xf5: {  	v2 =	vadd.f32 v8, v6;
	v1 =	vadd.f32 v1, v3  }
0xf6: {  	v3 =	vadd.f32 v7, v4;
	v0 =	vmul.f32 $1.999999960e-02, v0  }
0xf7: {  	v2 =	vadd.f32 v9, v2;
	v1 =	vmul.f32 $1.999999960e-02, v1  }
0xf8: {  	[tilespmem:s23+$0xCC80] =	vst v0;
	v0 =	vmul.f32 $1.999999960e-02, v3  }
0xf9: {  	[tilespmem:s23+$0xCC90] =	vst v1;
	v1 =	vmul.f32 $1.999999960e-02, v2  }
0xfa: {  	[tilespmem:s23+$0xCCA0] =	vst v0  }
0xfb: {  	[tilespmem:s23+$0xCCB0] =	vst v1  }
0xfc: {  	v4 =	vld [tilespmem:$0x8D80]  }
0xfd: {  	v5 =	vld [tilespmem:$0x8D90]  }
0xfe: {  	v6 =	vld [tilespmem:$0x8DA0]  }
0xff: {  	s26 =	simm.s32 $0x8F70;
	v7 =	vld [tilespmem:$0x8DB0]  }
0x100: {  	v0 =	vld [tilespmem:s26+$0xFFFFFFD0]  }
0x101: {  	v1 =	vld [tilespmem:s26+$0xFFFFFFE0]  }
0x102: {  	v2 =	vld [tilespmem:s26+$0xFFFFFF90]  }
0x103: {  	v3 =	vld [tilespmem:s26+$0xFFFFFFA0]  }
0x104: {  	v9 =	vld [tilespmem:s26+$0xFFFFFF50]  }
0x105: {  	v12 =	vld [tilespmem:s26+$0xFFFFFF60]  }
0x106: {  	v8 =	vld [tilespmem:s26+$0xFFFFFF10]  }
0x107: {  	v10 =	vld [tilespmem:s26+$0xFFFFFF20]  }
0x108: {  	v11 =	vld [tilespmem:s26+$0xFFFFFED0]  }
0x109: {  	v13 =	vld [tilespmem:s26+$0xFFFFFEE0]  }
0x10a: {  	v14 =	vld [tilespmem:s26+$0xFFFFFE90]  }
0x10b: {  	v15 =	vld [tilespmem:s26+$0xFFFFFEA0]  }
0x10c: {  	v16 =	vld [tilespmem:s26+$0xFFFFFE50]  }
0x10d: {  	v17 =	vld [tilespmem:s26+$0xFFFFFE60]  }
0x10e: {  	v18 =	vld [tilespmem:s26+$0xFFFFFE70]  }
0x10f: {  	v19 =	vld [tilespmem:s26+$0xFFFFFE80]  }
0x110: {  	v20 =	vld [tilespmem:s26+$0xFFFFFEB0]  }
0x111: {  	v21 =	vld [tilespmem:s26+$0xFFFFFEC0]  }
0x112: {  	v22 =	vld [tilespmem:s26+$0xFFFFFEF0]  }
0x113: {  	v60 =	vld [tilespmem:s26+$0xFFFFFF00];
	v4 =	vadd.f32 v16, v4;
	v5 =	vadd.f32 v17, v5  }
0x114: {  	v61 =	vld [tilespmem:s26+$0xFFFFFF30];
	v6 =	vadd.f32 v18, v6;
	v7 =	vadd.f32 v19, v7  }
0x115: {  	v14 =	vadd.f32 v14, v4;
	v5 =	vadd.f32 v15, v5;
	v15 =	vld [tilespmem:s26+$0xFFFFFF40]  }
0x116: {  	v18 =	vadd.f32 v20, v6;
	v7 =	vadd.f32 v21, v7;
	v4 =	vld [tilespmem:s26+$0xFFFFFF70]  }
0x117: {  	v6 =	vld [tilespmem:s26+$0xFFFFFF80];
	v11 =	vadd.f32 v11, v14;
	v13 =	vadd.f32 v13, v5  }
0x118: {  	v14 =	vadd.f32 v22, v18;
	v7 =	vadd.f32 v60, v7;
	v5 =	vld [tilespmem:s26+$0xFFFFFFB0]  }
0x119: {  	v62 =	vadd.f32 v8, v11;
	v63 =	vadd.f32 v10, v13;
	v8 =	vld [tilespmem:s26+$0xFFFFFFC0]  }
0x11a: {  	v11 =	vadd.f32 v61, v14;
	v10 =	vadd.f32 v15, v7;
	v7 =	vld [tilespmem:s26+$0xFFFFFFF0]  }
0x11b: {  	s25 =	simm.s32 $0x1;
	v13 =	vadd.f32 v9, v62;
	v12 =	vadd.f32 v12, v63;
	v9 =	vld [tilespmem:s26+$0x0];
	s26 =	simm.s32 $0x9130  }
.LBB2_9:
0x11c: {  	v14 =	vld [tilespmem:s26+$0xFFFFFFD0];
	v4 =	vadd.f32 v4, v11;
	v6 =	vadd.f32 v6, v10  }
0x11d: {  	v10 =	vld [tilespmem:s26+$0xFFFFFFE0];
	v11 =	vadd.f32 v2, v13;
	v12 =	vadd.f32 v3, v12  }
0x11e: {  	v2 =	vld [tilespmem:s26+$0xFFFFFF90];
	v4 =	vadd.f32 v5, v4;
	v5 =	vadd.f32 v8, v6  }
0x11f: {  	v3 =	vld [tilespmem:s26+$0xFFFFFFA0];
	v6 =	vadd.f32 v0, v11;
	v8 =	vadd.f32 v1, v12  }
0x120: {  	v12 =	vld [tilespmem:s26+$0xFFFFFF50];
	v4 =	vadd.f32 v7, v4;
	v5 =	vadd.f32 v9, v5  }
0x121: {  	v9 =	vld [tilespmem:s26+$0xFFFFFF60];
	v0 =	vmov v14  }
0x122: {  	v7 =	vld [tilespmem:s26+$0xFFFFFF10];
	v1 =	vmov v10  }
0x123: {  	v10 =	vld [tilespmem:s26+$0xFFFFFF20]  }
0x124: {  	v11 =	vld [tilespmem:s26+$0xFFFFFED0]  }
0x125: {  	v13 =	vld [tilespmem:s26+$0xFFFFFEE0]  }
0x126: {  	v14 =	vld [tilespmem:s26+$0xFFFFFE90]  }
0x127: {  	v15 =	vld [tilespmem:s26+$0xFFFFFEA0]  }
0x128: {  	v16 =	vld [tilespmem:s26+$0xFFFFFE50]  }
0x129: {  	v17 =	vld [tilespmem:s26+$0xFFFFFE60]  }
0x12a: {  	v18 =	vld [tilespmem:s26+$0xFFFFFE70]  }
0x12b: {  	s25 =	sadd.s32 $0x7, s25;
	v19 =	vld [tilespmem:s26+$0xFFFFFE80]  }
0x12c: {  	p1 =	slt.u32 s25, $0x2B;
	v20 =	vld [tilespmem:s26+$0xFFFFFEB0]  }
0x12d: {  	v21 =	vld [tilespmem:s26+$0xFFFFFEC0]  }
0x12e: {  	v22 =	vld [tilespmem:s26+$0xFFFFFEF0]  }
0x12f: {  	v6 =	vadd.f32 v16, v6;
	v8 =	vadd.f32 v17, v8;
	v16 =	vld [tilespmem:s26+$0xFFFFFF00]  }
0x130: {  	v4 =	vadd.f32 v18, v4;
	v5 =	vadd.f32 v19, v5;
	v17 =	vld [tilespmem:s26+$0xFFFFFF30]  }
0x131: {  	v6 =	vadd.f32 v14, v6;
	v8 =	vadd.f32 v15, v8;
	v14 =	vld [tilespmem:s26+$0xFFFFFF40]  }
0x132: {  	v15 =	vadd.f32 v20, v4;
	v5 =	vadd.f32 v21, v5;
	v4 =	vld [tilespmem:s26+$0xFFFFFF70]  }
.Ltmp5:
0x133: {  	v11 =	vadd.f32 v11, v6;
	v8 =	vadd.f32 v13, v8;
	v6 =	vld [tilespmem:s26+$0xFFFFFF80];
	(pc) =	sbr.rel @p1 .LBB2_9-.Ltmp5, $4  }
0x134: {  	v13 =	vadd.f32 v22, v15;
	v15 =	vadd.f32 v16, v5;
	v5 =	vld [tilespmem:s26+$0xFFFFFFB0]  }
0x135: {  	v16 =	vadd.f32 v7, v11;
	v18 =	vadd.f32 v10, v8;
	v8 =	vld [tilespmem:s26+$0xFFFFFFC0]  }
0x136: {  	v11 =	vadd.f32 v17, v13;
	v10 =	vadd.f32 v14, v15;
	v7 =	vld [tilespmem:s26+$0xFFFFFFF0]  }
0x137: {  	v13 =	vadd.f32 v12, v16;
	v12 =	vadd.f32 v9, v18;
	v9 =	vld [tilespmem:s26+$0x0];
	s26 =	sadd.s32 $0x1C0, s26  }
0x138: {  	_ = 	snop  }
0x139: {  	v4 =	vadd.f32 v4, v11;
	v2 =	vadd.f32 v2, v13  }
0x13a: {  	v6 =	vadd.f32 v6, v10;
	v3 =	vadd.f32 v3, v12  }
0x13b: {  	v4 =	vadd.f32 v5, v4;
	v0 =	vadd.f32 v0, v2  }
0x13c: {  	v2 =	vadd.f32 v8, v6;
	v1 =	vadd.f32 v1, v3  }
0x13d: {  	v3 =	vadd.f32 v7, v4;
	v0 =	vmul.f32 $1.999999960e-02, v0  }
0x13e: {  	v2 =	vadd.f32 v9, v2;
	v1 =	vmul.f32 $1.999999960e-02, v1  }
0x13f: {  	[tilespmem:s23+$0xCCC0] =	vst v0;
	v0 =	vmul.f32 $1.999999960e-02, v3  }
0x140: {  	[tilespmem:s23+$0xCCD0] =	vst v1;
	v1 =	vmul.f32 $1.999999960e-02, v2  }
0x141: {  	[tilespmem:s23+$0xCCE0] =	vst v0  }
0x142: {  	s25 =	sadd.s32 @!p0 $0x208, s24;
	s26 =	simm.s32 @!p0 $0x64;
	s28 =	simm.s32 @!p0 $0x8100;
	[tilespmem:s23+$0xCCF0] =	vst v1  }
0x143: {  	[tilespmem:s28], [sflag:$0x2] =	stream.indirect.gather @!p0 [hbm4b:s3+s26], $0x40, s25, s26, $0xb8;
	[tilespmem:$0x14C00] =	vst v63  }
0x144: {  	_ =	swait.ge [sflag:s18], $0x1900  }
0x145: {  	[sflag:s18] =	ssyncset.done $0x0  }
0x146: {  	[sflag:s18] =	ssyncadd.s32 $0xFFFFE700  }
0x147: {  	v4 =	vld [tilespmem:$0x9A00]  }
0x148: {  	v5 =	vld [tilespmem:$0x9A10]  }
0x149: {  	v6 =	vld [tilespmem:$0x9A20]  }
0x14a: {  	s31 =	simm.s32 $0x9BF0;
	v7 =	vld [tilespmem:$0x9A30]  }
0x14b: {  	v0 =	vld [tilespmem:s31+$0xFFFFFFD0]  }
0x14c: {  	v1 =	vld [tilespmem:s31+$0xFFFFFFE0]  }
0x14d: {  	v2 =	vld [tilespmem:s31+$0xFFFFFF90]  }
0x14e: {  	v3 =	vld [tilespmem:s31+$0xFFFFFFA0]  }
0x14f: {  	v9 =	vld [tilespmem:s31+$0xFFFFFF50]  }
0x150: {  	v12 =	vld [tilespmem:s31+$0xFFFFFF60]  }
0x151: {  	v8 =	vld [tilespmem:s31+$0xFFFFFF10]  }
0x152: {  	v10 =	vld [tilespmem:s31+$0xFFFFFF20]  }
0x153: {  	v11 =	vld [tilespmem:s31+$0xFFFFFED0]  }
0x154: {  	v13 =	vld [tilespmem:s31+$0xFFFFFEE0]  }
0x155: {  	v14 =	vld [tilespmem:s31+$0xFFFFFE90]  }
0x156: {  	v15 =	vld [tilespmem:s31+$0xFFFFFEA0]  }
0x157: {  	v16 =	vld [tilespmem:s31+$0xFFFFFE50]  }
0x158: {  	v17 =	vld [tilespmem:s31+$0xFFFFFE60]  }
0x159: {  	v18 =	vld [tilespmem:s31+$0xFFFFFE70]  }
0x15a: {  	v19 =	vld [tilespmem:s31+$0xFFFFFE80]  }
0x15b: {  	v20 =	vld [tilespmem:s31+$0xFFFFFEB0]  }
0x15c: {  	v21 =	vld [tilespmem:s31+$0xFFFFFEC0]  }
0x15d: {  	v22 =	vld [tilespmem:s31+$0xFFFFFEF0]  }
0x15e: {  	v60 =	vld [tilespmem:s31+$0xFFFFFF00];
	v4 =	vadd.f32 v16, v4;
	v5 =	vadd.f32 v17, v5  }
0x15f: {  	v61 =	vld [tilespmem:s31+$0xFFFFFF30];
	v6 =	vadd.f32 v18, v6;
	v7 =	vadd.f32 v19, v7  }
0x160: {  	v14 =	vadd.f32 v14, v4;
	v5 =	vadd.f32 v15, v5;
	v15 =	vld [tilespmem:s31+$0xFFFFFF40]  }
0x161: {  	v18 =	vadd.f32 v20, v6;
	v7 =	vadd.f32 v21, v7;
	v4 =	vld [tilespmem:s31+$0xFFFFFF70]  }
0x162: {  	v6 =	vld [tilespmem:s31+$0xFFFFFF80];
	v11 =	vadd.f32 v11, v14;
	v13 =	vadd.f32 v13, v5  }
0x163: {  	v14 =	vadd.f32 v22, v18;
	v7 =	vadd.f32 v60, v7;
	v5 =	vld [tilespmem:s31+$0xFFFFFFB0]  }
0x164: {  	v62 =	vadd.f32 v8, v11;
	v63 =	vadd.f32 v10, v13;
	v8 =	vld [tilespmem:s31+$0xFFFFFFC0]  }
0x165: {  	v11 =	vadd.f32 v61, v14;
	v10 =	vadd.f32 v15, v7;
	v7 =	vld [tilespmem:s31+$0xFFFFFFF0]  }
0x166: {  	s25 =	simm.s32 $0x1;
	s26 =	simm.s32 $0x9DB0;
	v13 =	vadd.f32 v9, v62;
	v12 =	vadd.f32 v12, v63;
	v9 =	vld [tilespmem:s31+$0x0]  }
.LBB2_11:
0x167: {  	v14 =	vld [tilespmem:s26+$0xFFFFFFD0];
	v4 =	vadd.f32 v4, v11;
	v6 =	vadd.f32 v6, v10  }
0x168: {  	v10 =	vld [tilespmem:s26+$0xFFFFFFE0];
	v11 =	vadd.f32 v2, v13;
	v12 =	vadd.f32 v3, v12  }
0x169: {  	v2 =	vld [tilespmem:s26+$0xFFFFFF90];
	v4 =	vadd.f32 v5, v4;
	v5 =	vadd.f32 v8, v6  }
0x16a: {  	v3 =	vld [tilespmem:s26+$0xFFFFFFA0];
	v6 =	vadd.f32 v0, v11;
	v8 =	vadd.f32 v1, v12  }
0x16b: {  	v12 =	vld [tilespmem:s26+$0xFFFFFF50];
	v4 =	vadd.f32 v7, v4;
	v5 =	vadd.f32 v9, v5  }
0x16c: {  	v9 =	vld [tilespmem:s26+$0xFFFFFF60];
	v0 =	vmov v14  }
0x16d: {  	v7 =	vld [tilespmem:s26+$0xFFFFFF10];
	v1 =	vmov v10  }
0x16e: {  	v10 =	vld [tilespmem:s26+$0xFFFFFF20]  }
0x16f: {  	v11 =	vld [tilespmem:s26+$0xFFFFFED0]  }
0x170: {  	v13 =	vld [tilespmem:s26+$0xFFFFFEE0]  }
0x171: {  	v14 =	vld [tilespmem:s26+$0xFFFFFE90]  }
0x172: {  	v15 =	vld [tilespmem:s26+$0xFFFFFEA0]  }
0x173: {  	v16 =	vld [tilespmem:s26+$0xFFFFFE50]  }
0x174: {  	v17 =	vld [tilespmem:s26+$0xFFFFFE60]  }
0x175: {  	v18 =	vld [tilespmem:s26+$0xFFFFFE70]  }
0x176: {  	s25 =	sadd.s32 $0x7, s25;
	v19 =	vld [tilespmem:s26+$0xFFFFFE80]  }
0x177: {  	p1 =	slt.u32 s25, $0x2B;
	v20 =	vld [tilespmem:s26+$0xFFFFFEB0]  }
0x178: {  	v21 =	vld [tilespmem:s26+$0xFFFFFEC0]  }
0x179: {  	v22 =	vld [tilespmem:s26+$0xFFFFFEF0]  }
0x17a: {  	v6 =	vadd.f32 v16, v6;
	v8 =	vadd.f32 v17, v8;
	v16 =	vld [tilespmem:s26+$0xFFFFFF00]  }
0x17b: {  	v4 =	vadd.f32 v18, v4;
	v5 =	vadd.f32 v19, v5;
	v17 =	vld [tilespmem:s26+$0xFFFFFF30]  }
0x17c: {  	v6 =	vadd.f32 v14, v6;
	v8 =	vadd.f32 v15, v8;
	v14 =	vld [tilespmem:s26+$0xFFFFFF40]  }
0x17d: {  	v15 =	vadd.f32 v20, v4;
	v5 =	vadd.f32 v21, v5;
	v4 =	vld [tilespmem:s26+$0xFFFFFF70]  }
.Ltmp6:
0x17e: {  	v11 =	vadd.f32 v11, v6;
	v8 =	vadd.f32 v13, v8;
	v6 =	vld [tilespmem:s26+$0xFFFFFF80];
	(pc) =	sbr.rel @p1 .LBB2_11-.Ltmp6, $4  }
0x17f: {  	v13 =	vadd.f32 v22, v15;
	v15 =	vadd.f32 v16, v5;
	v5 =	vld [tilespmem:s26+$0xFFFFFFB0]  }
0x180: {  	v16 =	vadd.f32 v7, v11;
	v18 =	vadd.f32 v10, v8;
	v8 =	vld [tilespmem:s26+$0xFFFFFFC0]  }
0x181: {  	v11 =	vadd.f32 v17, v13;
	v10 =	vadd.f32 v14, v15;
	v7 =	vld [tilespmem:s26+$0xFFFFFFF0]  }
0x182: {  	v13 =	vadd.f32 v12, v16;
	v12 =	vadd.f32 v9, v18;
	v9 =	vld [tilespmem:s26+$0x0];
	s26 =	sadd.s32 $0x1C0, s26  }
0x183: {  	_ = 	snop  }
0x184: {  	v4 =	vadd.f32 v4, v11;
	v2 =	vadd.f32 v2, v13  }
0x185: {  	v6 =	vadd.f32 v6, v10;
	v3 =	vadd.f32 v3, v12  }
0x186: {  	v4 =	vadd.f32 v5, v4;
	v0 =	vadd.f32 v0, v2  }
0x187: {  	v2 =	vadd.f32 v8, v6;
	v1 =	vadd.f32 v1, v3  }
0x188: {  	v3 =	vadd.f32 v7, v4;
	v0 =	vmul.f32 $1.999999960e-02, v0  }
0x189: {  	v2 =	vadd.f32 v9, v2;
	v1 =	vmul.f32 $1.999999960e-02, v1  }
0x18a: {  	[tilespmem:s23+$0xCD00] =	vst v0;
	v0 =	vmul.f32 $1.999999960e-02, v3  }
0x18b: {  	[tilespmem:s23+$0xCD10] =	vst v1;
	v1 =	vmul.f32 $1.999999960e-02, v2  }
0x18c: {  	[tilespmem:s23+$0xCD20] =	vst v0  }
0x18d: {  	[tilespmem:s23+$0xCD30] =	vst v1  }
0x18e: {  	v4 =	vld [tilespmem:$0xA680]  }
0x18f: {  	v5 =	vld [tilespmem:$0xA690]  }
0x190: {  	v6 =	vld [tilespmem:$0xA6A0]  }
0x191: {  	s26 =	simm.s32 $0xA870;
	v7 =	vld [tilespmem:$0xA6B0]  }
0x192: {  	v0 =	vld [tilespmem:s26+$0xFFFFFFD0]  }
0x193: {  	v1 =	vld [tilespmem:s26+$0xFFFFFFE0]  }
0x194: {  	v2 =	vld [tilespmem:s26+$0xFFFFFF90]  }
0x195: {  	v3 =	vld [tilespmem:s26+$0xFFFFFFA0]  }
0x196: {  	v9 =	vld [tilespmem:s26+$0xFFFFFF50]  }
0x197: {  	v12 =	vld [tilespmem:s26+$0xFFFFFF60]  }
0x198: {  	v8 =	vld [tilespmem:s26+$0xFFFFFF10]  }
0x199: {  	v10 =	vld [tilespmem:s26+$0xFFFFFF20]  }
0x19a: {  	v11 =	vld [tilespmem:s26+$0xFFFFFED0]  }
0x19b: {  	v13 =	vld [tilespmem:s26+$0xFFFFFEE0]  }
0x19c: {  	v14 =	vld [tilespmem:s26+$0xFFFFFE90]  }
0x19d: {  	v15 =	vld [tilespmem:s26+$0xFFFFFEA0]  }
0x19e: {  	v16 =	vld [tilespmem:s26+$0xFFFFFE50]  }
0x19f: {  	v17 =	vld [tilespmem:s26+$0xFFFFFE60]  }
0x1a0: {  	v18 =	vld [tilespmem:s26+$0xFFFFFE70]  }
0x1a1: {  	v19 =	vld [tilespmem:s26+$0xFFFFFE80]  }
0x1a2: {  	v20 =	vld [tilespmem:s26+$0xFFFFFEB0]  }
0x1a3: {  	v21 =	vld [tilespmem:s26+$0xFFFFFEC0]  }
0x1a4: {  	v22 =	vld [tilespmem:s26+$0xFFFFFEF0]  }
0x1a5: {  	v60 =	vld [tilespmem:s26+$0xFFFFFF00];
	v4 =	vadd.f32 v16, v4;
	v5 =	vadd.f32 v17, v5  }
0x1a6: {  	v61 =	vld [tilespmem:s26+$0xFFFFFF30];
	v6 =	vadd.f32 v18, v6;
	v7 =	vadd.f32 v19, v7  }
0x1a7: {  	v14 =	vadd.f32 v14, v4;
	v5 =	vadd.f32 v15, v5;
	v15 =	vld [tilespmem:s26+$0xFFFFFF40]  }
0x1a8: {  	v18 =	vadd.f32 v20, v6;
	v7 =	vadd.f32 v21, v7;
	v4 =	vld [tilespmem:s26+$0xFFFFFF70]  }
0x1a9: {  	v6 =	vld [tilespmem:s26+$0xFFFFFF80];
	v11 =	vadd.f32 v11, v14;
	v13 =	vadd.f32 v13, v5  }
0x1aa: {  	v14 =	vadd.f32 v22, v18;
	v7 =	vadd.f32 v60, v7;
	v5 =	vld [tilespmem:s26+$0xFFFFFFB0]  }
0x1ab: {  	v62 =	vadd.f32 v8, v11;
	v63 =	vadd.f32 v10, v13;
	v8 =	vld [tilespmem:s26+$0xFFFFFFC0]  }
0x1ac: {  	v11 =	vadd.f32 v61, v14;
	v10 =	vadd.f32 v15, v7;
	v7 =	vld [tilespmem:s26+$0xFFFFFFF0]  }
0x1ad: {  	s25 =	simm.s32 $0x1;
	v13 =	vadd.f32 v9, v62;
	v12 =	vadd.f32 v12, v63;
	v9 =	vld [tilespmem:s26+$0x0];
	s26 =	simm.s32 $0xAA30  }
.LBB2_13:
0x1ae: {  	v14 =	vld [tilespmem:s26+$0xFFFFFFD0];
	v4 =	vadd.f32 v4, v11;
	v6 =	vadd.f32 v6, v10  }
0x1af: {  	v10 =	vld [tilespmem:s26+$0xFFFFFFE0];
	v11 =	vadd.f32 v2, v13;
	v12 =	vadd.f32 v3, v12  }
0x1b0: {  	v2 =	vld [tilespmem:s26+$0xFFFFFF90];
	v4 =	vadd.f32 v5, v4;
	v5 =	vadd.f32 v8, v6  }
0x1b1: {  	v3 =	vld [tilespmem:s26+$0xFFFFFFA0];
	v6 =	vadd.f32 v0, v11;
	v8 =	vadd.f32 v1, v12  }
0x1b2: {  	v12 =	vld [tilespmem:s26+$0xFFFFFF50];
	v4 =	vadd.f32 v7, v4;
	v5 =	vadd.f32 v9, v5  }
0x1b3: {  	v9 =	vld [tilespmem:s26+$0xFFFFFF60];
	v0 =	vmov v14  }
0x1b4: {  	v7 =	vld [tilespmem:s26+$0xFFFFFF10];
	v1 =	vmov v10  }
0x1b5: {  	v10 =	vld [tilespmem:s26+$0xFFFFFF20]  }
0x1b6: {  	v11 =	vld [tilespmem:s26+$0xFFFFFED0]  }
0x1b7: {  	v13 =	vld [tilespmem:s26+$0xFFFFFEE0]  }
0x1b8: {  	v14 =	vld [tilespmem:s26+$0xFFFFFE90]  }
0x1b9: {  	v15 =	vld [tilespmem:s26+$0xFFFFFEA0]  }
0x1ba: {  	v16 =	vld [tilespmem:s26+$0xFFFFFE50]  }
0x1bb: {  	v17 =	vld [tilespmem:s26+$0xFFFFFE60]  }
0x1bc: {  	v18 =	vld [tilespmem:s26+$0xFFFFFE70]  }
0x1bd: {  	s25 =	sadd.s32 $0x7, s25;
	v19 =	vld [tilespmem:s26+$0xFFFFFE80]  }
0x1be: {  	p1 =	slt.u32 s25, $0x2B;
	v20 =	vld [tilespmem:s26+$0xFFFFFEB0]  }
0x1bf: {  	v21 =	vld [tilespmem:s26+$0xFFFFFEC0]  }
0x1c0: {  	v22 =	vld [tilespmem:s26+$0xFFFFFEF0]  }
0x1c1: {  	v6 =	vadd.f32 v16, v6;
	v8 =	vadd.f32 v17, v8;
	v16 =	vld [tilespmem:s26+$0xFFFFFF00]  }
0x1c2: {  	v4 =	vadd.f32 v18, v4;
	v5 =	vadd.f32 v19, v5;
	v17 =	vld [tilespmem:s26+$0xFFFFFF30]  }
0x1c3: {  	v6 =	vadd.f32 v14, v6;
	v8 =	vadd.f32 v15, v8;
	v14 =	vld [tilespmem:s26+$0xFFFFFF40]  }
0x1c4: {  	v15 =	vadd.f32 v20, v4;
	v5 =	vadd.f32 v21, v5;
	v4 =	vld [tilespmem:s26+$0xFFFFFF70]  }
.Ltmp7:
0x1c5: {  	v11 =	vadd.f32 v11, v6;
	v8 =	vadd.f32 v13, v8;
	v6 =	vld [tilespmem:s26+$0xFFFFFF80];
	(pc) =	sbr.rel @p1 .LBB2_13-.Ltmp7, $4  }
0x1c6: {  	v13 =	vadd.f32 v22, v15;
	v15 =	vadd.f32 v16, v5;
	v5 =	vld [tilespmem:s26+$0xFFFFFFB0]  }
0x1c7: {  	v16 =	vadd.f32 v7, v11;
	v18 =	vadd.f32 v10, v8;
	v8 =	vld [tilespmem:s26+$0xFFFFFFC0]  }
0x1c8: {  	v11 =	vadd.f32 v17, v13;
	v10 =	vadd.f32 v14, v15;
	v7 =	vld [tilespmem:s26+$0xFFFFFFF0]  }
0x1c9: {  	v13 =	vadd.f32 v12, v16;
	v12 =	vadd.f32 v9, v18;
	v9 =	vld [tilespmem:s26+$0x0];
	s26 =	sadd.s32 $0x1C0, s26  }
0x1ca: {  	_ = 	snop  }
0x1cb: {  	v4 =	vadd.f32 v4, v11;
	v2 =	vadd.f32 v2, v13  }
0x1cc: {  	v6 =	vadd.f32 v6, v10;
	v3 =	vadd.f32 v3, v12  }
0x1cd: {  	v4 =	vadd.f32 v5, v4;
	v0 =	vadd.f32 v0, v2  }
0x1ce: {  	v2 =	vadd.f32 v8, v6;
	v1 =	vadd.f32 v1, v3  }
0x1cf: {  	v3 =	vadd.f32 v7, v4;
	v0 =	vmul.f32 $1.999999960e-02, v0  }
0x1d0: {  	v2 =	vadd.f32 v9, v2;
	v1 =	vmul.f32 $1.999999960e-02, v1  }
0x1d1: {  	[tilespmem:s23+$0xCD40] =	vst v0;
	v0 =	vmul.f32 $1.999999960e-02, v3  }
0x1d2: {  	[tilespmem:s23+$0xCD50] =	vst v1;
	v1 =	vmul.f32 $1.999999960e-02, v2  }
0x1d3: {  	[tilespmem:s23+$0xCD60] =	vst v0  }
0x1d4: {  	s24 =	sadd.s32 @!p0 $0x270, s24;
	s25 =	simm.s32 @!p0 $0x64;
	s26 =	simm.s32 @!p0 $0x9A00;
	[tilespmem:s23+$0xCD70] =	vst v1  }
0x1d5: {  	[tilespmem:s26], [sflag:$0x3] =	stream.indirect.gather @!p0 [hbm4b:s3+s25], $0x40, s24, s25, $0xb8;
	[tilespmem:$0x14C00] =	vst v63  }
0x1d6: {  	_ =	swait.ge [sflag:s19], $0x1900  }
0x1d7: {  	[sflag:s19] =	ssyncset.done $0x0  }
0x1d8: {  	[sflag:s19] =	ssyncadd.s32 $0xFFFFE700  }
0x1d9: {  	v4 =	vld [tilespmem:$0xB300]  }
0x1da: {  	v5 =	vld [tilespmem:$0xB310]  }
0x1db: {  	v6 =	vld [tilespmem:$0xB320]  }
0x1dc: {  	s31 =	simm.s32 $0xB340;
	v7 =	vld [tilespmem:$0xB330]  }
0x1dd: {  	v0 =	vld [tilespmem:s31+$0x180]  }
0x1de: {  	v1 =	vld [tilespmem:s31+$0x190]  }
0x1df: {  	v2 =	vld [tilespmem:s31+$0x140]  }
0x1e0: {  	v3 =	vld [tilespmem:s31+$0x150]  }
0x1e1: {  	v9 =	vld [tilespmem:s31+$0x100]  }
0x1e2: {  	v12 =	vld [tilespmem:s31+$0x110]  }
0x1e3: {  	v8 =	vld [tilespmem:s31+$0xC0]  }
0x1e4: {  	v10 =	vld [tilespmem:s31+$0xD0]  }
0x1e5: {  	v11 =	vld [tilespmem:s31+$0x80]  }
0x1e6: {  	v13 =	vld [tilespmem:s31+$0x90]  }
0x1e7: {  	v14 =	vld [tilespmem:s31+$0x40]  }
0x1e8: {  	v15 =	vld [tilespmem:s31+$0x50]  }
0x1e9: {  	v16 =	vld [tilespmem:s31+$0x0]  }
0x1ea: {  	v17 =	vld [tilespmem:s31+$0x10]  }
0x1eb: {  	v18 =	vld [tilespmem:s31+$0x20]  }
0x1ec: {  	v19 =	vld [tilespmem:s31+$0x30]  }
0x1ed: {  	v20 =	vld [tilespmem:s31+$0x60]  }
0x1ee: {  	v21 =	vld [tilespmem:s31+$0x70]  }
0x1ef: {  	v22 =	vld [tilespmem:s31+$0xA0]  }
0x1f0: {  	v60 =	vld [tilespmem:s31+$0xB0];
	v4 =	vadd.f32 v16, v4;
	v5 =	vadd.f32 v17, v5  }
0x1f1: {  	v61 =	vld [tilespmem:s31+$0xE0];
	v6 =	vadd.f32 v18, v6;
	v7 =	vadd.f32 v19, v7  }
0x1f2: {  	v14 =	vadd.f32 v14, v4;
	v5 =	vadd.f32 v15, v5;
	v15 =	vld [tilespmem:s31+$0xF0]  }
0x1f3: {  	v18 =	vadd.f32 v20, v6;
	v7 =	vadd.f32 v21, v7;
	v4 =	vld [tilespmem:s31+$0x120]  }
0x1f4: {  	v6 =	vld [tilespmem:s31+$0x130];
	v11 =	vadd.f32 v11, v14;
	v13 =	vadd.f32 v13, v5  }
0x1f5: {  	v14 =	vadd.f32 v22, v18;
	v7 =	vadd.f32 v60, v7;
	v5 =	vld [tilespmem:s31+$0x160]  }
0x1f6: {  	v62 =	vadd.f32 v8, v11;
	v63 =	vadd.f32 v10, v13;
	v8 =	vld [tilespmem:s31+$0x170]  }
0x1f7: {  	v11 =	vadd.f32 v61, v14;
	v10 =	vadd.f32 v15, v7;
	v7 =	vld [tilespmem:s31+$0x1A0]  }
0x1f8: {  	s24 =	simm.s32 $0x1;
	s25 =	simm.s32 $0xB500;
	v13 =	vadd.f32 v9, v62;
	v12 =	vadd.f32 v12, v63;
	v9 =	vld [tilespmem:s31+$0x1B0]  }
.LBB2_15:
0x1f9: {  	v14 =	vld [tilespmem:s25+$0x180];
	v4 =	vadd.f32 v4, v11;
	v6 =	vadd.f32 v6, v10  }
0x1fa: {  	v10 =	vld [tilespmem:s25+$0x190];
	v11 =	vadd.f32 v2, v13;
	v12 =	vadd.f32 v3, v12  }
0x1fb: {  	v2 =	vld [tilespmem:s25+$0x140];
	v4 =	vadd.f32 v5, v4;
	v5 =	vadd.f32 v8, v6  }
0x1fc: {  	v3 =	vld [tilespmem:s25+$0x150];
	v6 =	vadd.f32 v0, v11;
	v8 =	vadd.f32 v1, v12  }
0x1fd: {  	v12 =	vld [tilespmem:s25+$0x100];
	v4 =	vadd.f32 v7, v4;
	v5 =	vadd.f32 v9, v5  }
0x1fe: {  	v9 =	vld [tilespmem:s25+$0x110];
	v0 =	vmov v14  }
0x1ff: {  	v7 =	vld [tilespmem:s25+$0xC0];
	v1 =	vmov v10  }
0x200: {  	v10 =	vld [tilespmem:s25+$0xD0]  }
0x201: {  	v11 =	vld [tilespmem:s25+$0x80]  }
0x202: {  	v13 =	vld [tilespmem:s25+$0x90]  }
0x203: {  	v14 =	vld [tilespmem:s25+$0x40]  }
0x204: {  	v15 =	vld [tilespmem:s25+$0x50]  }
0x205: {  	v16 =	vld [tilespmem:s25+$0x0]  }
0x206: {  	v17 =	vld [tilespmem:s25+$0x10]  }
0x207: {  	v18 =	vld [tilespmem:s25+$0x20]  }
0x208: {  	s24 =	sadd.s32 $0x7, s24;
	v19 =	vld [tilespmem:s25+$0x30]  }
0x209: {  	p1 =	slt.u32 s24, $0x2B;
	v20 =	vld [tilespmem:s25+$0x60]  }
0x20a: {  	v21 =	vld [tilespmem:s25+$0x70]  }
0x20b: {  	v22 =	vld [tilespmem:s25+$0xA0]  }
0x20c: {  	v6 =	vadd.f32 v16, v6;
	v8 =	vadd.f32 v17, v8;
	v16 =	vld [tilespmem:s25+$0xB0]  }
0x20d: {  	v4 =	vadd.f32 v18, v4;
	v5 =	vadd.f32 v19, v5;
	v17 =	vld [tilespmem:s25+$0xE0]  }
0x20e: {  	v6 =	vadd.f32 v14, v6;
	v8 =	vadd.f32 v15, v8;
	v14 =	vld [tilespmem:s25+$0xF0]  }
0x20f: {  	v15 =	vadd.f32 v20, v4;
	v5 =	vadd.f32 v21, v5;
	v4 =	vld [tilespmem:s25+$0x120]  }
.Ltmp8:
0x210: {  	v11 =	vadd.f32 v11, v6;
	v8 =	vadd.f32 v13, v8;
	v6 =	vld [tilespmem:s25+$0x130];
	(pc) =	sbr.rel @p1 .LBB2_15-.Ltmp8, $4  }
0x211: {  	v13 =	vadd.f32 v22, v15;
	v15 =	vadd.f32 v16, v5;
	v5 =	vld [tilespmem:s25+$0x160]  }
0x212: {  	v16 =	vadd.f32 v7, v11;
	v18 =	vadd.f32 v10, v8;
	v8 =	vld [tilespmem:s25+$0x170]  }
0x213: {  	v11 =	vadd.f32 v17, v13;
	v10 =	vadd.f32 v14, v15;
	v7 =	vld [tilespmem:s25+$0x1A0]  }
0x214: {  	v13 =	vadd.f32 v12, v16;
	v12 =	vadd.f32 v9, v18;
	v9 =	vld [tilespmem:s25+$0x1B0];
	s25 =	sadd.s32 $0x1C0, s25  }
0x215: {  	_ = 	snop  }
0x216: {  	v4 =	vadd.f32 v4, v11;
	v2 =	vadd.f32 v2, v13  }
0x217: {  	v6 =	vadd.f32 v6, v10;
	v3 =	vadd.f32 v3, v12  }
0x218: {  	v4 =	vadd.f32 v5, v4;
	v0 =	vadd.f32 v0, v2  }
0x219: {  	v2 =	vadd.f32 v8, v6;
	v1 =	vadd.f32 v1, v3  }
0x21a: {  	v3 =	vadd.f32 v7, v4;
	v0 =	vmul.f32 $1.999999960e-02, v0  }
0x21b: {  	v2 =	vadd.f32 v9, v2;
	v1 =	vmul.f32 $1.999999960e-02, v1  }
0x21c: {  	[tilespmem:s23+$0xCD80] =	vst v0;
	v0 =	vmul.f32 $1.999999960e-02, v3  }
0x21d: {  	[tilespmem:s23+$0xCD90] =	vst v1;
	v1 =	vmul.f32 $1.999999960e-02, v2  }
0x21e: {  	[tilespmem:s23+$0xCDA0] =	vst v0  }
0x21f: {  	[tilespmem:s23+$0xCDB0] =	vst v1  }
0x220: {  	v4 =	vld [tilespmem:$0xBF80]  }
0x221: {  	v5 =	vld [tilespmem:$0xBF90]  }
0x222: {  	v6 =	vld [tilespmem:$0xBFA0]  }
0x223: {  	s25 =	simm.s32 $0xBFC0;
	v7 =	vld [tilespmem:$0xBFB0]  }
0x224: {  	v0 =	vld [tilespmem:s25+$0x180]  }
0x225: {  	v1 =	vld [tilespmem:s25+$0x190]  }
0x226: {  	v2 =	vld [tilespmem:s25+$0x140]  }
0x227: {  	v3 =	vld [tilespmem:s25+$0x150]  }
0x228: {  	v9 =	vld [tilespmem:s25+$0x100]  }
0x229: {  	v12 =	vld [tilespmem:s25+$0x110]  }
0x22a: {  	v8 =	vld [tilespmem:s25+$0xC0]  }
0x22b: {  	v10 =	vld [tilespmem:s25+$0xD0]  }
0x22c: {  	v11 =	vld [tilespmem:s25+$0x80]  }
0x22d: {  	v13 =	vld [tilespmem:s25+$0x90]  }
0x22e: {  	v14 =	vld [tilespmem:s25+$0x40]  }
0x22f: {  	v15 =	vld [tilespmem:s25+$0x50]  }
0x230: {  	v16 =	vld [tilespmem:s25+$0x0]  }
0x231: {  	v17 =	vld [tilespmem:s25+$0x10]  }
0x232: {  	v18 =	vld [tilespmem:s25+$0x20]  }
0x233: {  	v19 =	vld [tilespmem:s25+$0x30]  }
0x234: {  	v20 =	vld [tilespmem:s25+$0x60]  }
0x235: {  	v21 =	vld [tilespmem:s25+$0x70]  }
0x236: {  	v22 =	vld [tilespmem:s25+$0xA0]  }
0x237: {  	v60 =	vld [tilespmem:s25+$0xB0];
	v4 =	vadd.f32 v16, v4;
	v5 =	vadd.f32 v17, v5  }
0x238: {  	v61 =	vld [tilespmem:s25+$0xE0];
	v6 =	vadd.f32 v18, v6;
	v7 =	vadd.f32 v19, v7  }
0x239: {  	v14 =	vadd.f32 v14, v4;
	v5 =	vadd.f32 v15, v5;
	v15 =	vld [tilespmem:s25+$0xF0]  }
0x23a: {  	v18 =	vadd.f32 v20, v6;
	v7 =	vadd.f32 v21, v7;
	v4 =	vld [tilespmem:s25+$0x120]  }
0x23b: {  	v6 =	vld [tilespmem:s25+$0x130];
	v11 =	vadd.f32 v11, v14;
	v13 =	vadd.f32 v13, v5  }
0x23c: {  	v14 =	vadd.f32 v22, v18;
	v7 =	vadd.f32 v60, v7;
	v5 =	vld [tilespmem:s25+$0x160]  }
0x23d: {  	v62 =	vadd.f32 v8, v11;
	v63 =	vadd.f32 v10, v13;
	v8 =	vld [tilespmem:s25+$0x170]  }
0x23e: {  	v11 =	vadd.f32 v61, v14;
	v10 =	vadd.f32 v15, v7;
	v7 =	vld [tilespmem:s25+$0x1A0]  }
0x23f: {  	s24 =	simm.s32 $0x1;
	v13 =	vadd.f32 v9, v62;
	v12 =	vadd.f32 v12, v63;
	v9 =	vld [tilespmem:s25+$0x1B0];
	s25 =	simm.s32 $0xC180  }
.LBB2_17:
0x240: {  	v14 =	vld [tilespmem:s25+$0x180];
	v4 =	vadd.f32 v4, v11;
	v6 =	vadd.f32 v6, v10  }
0x241: {  	v10 =	vld [tilespmem:s25+$0x190];
	v11 =	vadd.f32 v2, v13;
	v12 =	vadd.f32 v3, v12  }
0x242: {  	v2 =	vld [tilespmem:s25+$0x140];
	v4 =	vadd.f32 v5, v4;
	v5 =	vadd.f32 v8, v6  }
0x243: {  	v3 =	vld [tilespmem:s25+$0x150];
	v6 =	vadd.f32 v0, v11;
	v8 =	vadd.f32 v1, v12  }
0x244: {  	v12 =	vld [tilespmem:s25+$0x100];
	v4 =	vadd.f32 v7, v4;
	v5 =	vadd.f32 v9, v5  }
0x245: {  	v9 =	vld [tilespmem:s25+$0x110];
	v0 =	vmov v14  }
0x246: {  	v7 =	vld [tilespmem:s25+$0xC0];
	v1 =	vmov v10  }
0x247: {  	v10 =	vld [tilespmem:s25+$0xD0]  }
0x248: {  	v11 =	vld [tilespmem:s25+$0x80]  }
0x249: {  	v13 =	vld [tilespmem:s25+$0x90]  }
0x24a: {  	v14 =	vld [tilespmem:s25+$0x40]  }
0x24b: {  	v15 =	vld [tilespmem:s25+$0x50]  }
0x24c: {  	v16 =	vld [tilespmem:s25+$0x0]  }
0x24d: {  	v17 =	vld [tilespmem:s25+$0x10]  }
0x24e: {  	v18 =	vld [tilespmem:s25+$0x20]  }
0x24f: {  	s24 =	sadd.s32 $0x7, s24;
	v19 =	vld [tilespmem:s25+$0x30]  }
0x250: {  	p1 =	slt.u32 s24, $0x2B;
	v20 =	vld [tilespmem:s25+$0x60]  }
0x251: {  	v21 =	vld [tilespmem:s25+$0x70]  }
0x252: {  	v22 =	vld [tilespmem:s25+$0xA0]  }
0x253: {  	v6 =	vadd.f32 v16, v6;
	v8 =	vadd.f32 v17, v8;
	v16 =	vld [tilespmem:s25+$0xB0]  }
0x254: {  	v4 =	vadd.f32 v18, v4;
	v5 =	vadd.f32 v19, v5;
	v17 =	vld [tilespmem:s25+$0xE0]  }
0x255: {  	v6 =	vadd.f32 v14, v6;
	v8 =	vadd.f32 v15, v8;
	v14 =	vld [tilespmem:s25+$0xF0]  }
0x256: {  	v15 =	vadd.f32 v20, v4;
	v5 =	vadd.f32 v21, v5;
	v4 =	vld [tilespmem:s25+$0x120]  }
.Ltmp9:
0x257: {  	v11 =	vadd.f32 v11, v6;
	v8 =	vadd.f32 v13, v8;
	v6 =	vld [tilespmem:s25+$0x130];
	(pc) =	sbr.rel @p1 .LBB2_17-.Ltmp9, $4  }
0x258: {  	v13 =	vadd.f32 v22, v15;
	v15 =	vadd.f32 v16, v5;
	v5 =	vld [tilespmem:s25+$0x160]  }
0x259: {  	v16 =	vadd.f32 v7, v11;
	v18 =	vadd.f32 v10, v8;
	v8 =	vld [tilespmem:s25+$0x170]  }
0x25a: {  	v11 =	vadd.f32 v17, v13;
	v10 =	vadd.f32 v14, v15;
	v7 =	vld [tilespmem:s25+$0x1A0]  }
0x25b: {  	v13 =	vadd.f32 v12, v16;
	v12 =	vadd.f32 v9, v18;
	v9 =	vld [tilespmem:s25+$0x1B0];
	s25 =	sadd.s32 $0x1C0, s25  }
0x25c: {  	_ = 	snop  }
0x25d: {  	v4 =	vadd.f32 v4, v11;
	v2 =	vadd.f32 v2, v13  }
0x25e: {  	v6 =	vadd.f32 v6, v10;
	v3 =	vadd.f32 v3, v12  }
0x25f: {  	v4 =	vadd.f32 v5, v4;
	v0 =	vadd.f32 v0, v2  }
0x260: {  	v60 =	vadd.f32 v8, v6;
	v1 =	vadd.f32 v1, v3  }
0x261: {  	v61 =	vadd.f32 v7, v4;
	v0 =	vmul.f32 $1.999999960e-02, v0  }
.Ltmp10:
0x262: {  	v2 =	vadd.f32 v9, v60;
	v1 =	vmul.f32 $1.999999960e-02, v1;
	(pc) =	sbr.rel @p0 .LBB2_20-.Ltmp10, $4  }
0x263: {  	v62 =	vmul.f32 $1.999999960e-02, v61;
	[tilespmem:s23+$0xCDC0] =	vst v0  }
0x264: {  	v63 =	vmul.f32 $1.999999960e-02, v2;
	[tilespmem:s23+$0xCDD0] =	vst v1  }
0x265: {  	[tilespmem:s23+$0xCDE0] =	vst v62  }
0x266: {  	[tilespmem:s23+$0xCDF0] =	vst v63  }
0x267: {  	s23 =	smul.u32 $0x680, s22  }
.Ltmp11:
0x268: {  	_ = 	snop;
	(pc) =	sbr.rel .LBB2_2-.Ltmp11, $4  }
0x269: {  	_ = 	snop  }
0x26a: {  	s23 =	sshra.s32 s23, $0x2  }
0x26b: {  	s22 =	sadd.s32 $0x1, s22;
	s23 =	sadd.s32 $0x2D8, s23  }
0x26c: {  	[tilespmem:s15], [sflag:$0x4] =	stream.indirect.gather [hbm4b:s3+s8], $0x40, s23, s8, $0xb8;
	[tilespmem:$0x14C00] =	vst v63  }
.LBB2_21:
0x26d: {  	_ =	sfence.sel $0x180000  }
0x26e: {  	[bflag:$0x0] =	sbarrier.arrive $0xFFFF  }
0x26f: {  	p0 =	sne.s32 s0, $0x0;
	_ =	strace $0x90000047  }
0x270: {  	s0 =	sadd.s32 @!p0 $0x100000, s1;
	[bflag:$0x2] =	sbarrier.arrive $0xFFFF  }
0x271: {  	[sflag:s0] =	ssyncadd.tile.s32 @!p0 $0x1;
	_ =	shalt  }
.Lfunc_end2:
_tile_overlayer_lowered:
.L_overlay_start_2:
0x272: {  	(tag) =	ssettag $0x2  }
0x273: {  	s0 =	rddreg [dreg:$0x0];
	s2 =	stileid.u32  }
0x274: {  	s1 =	rddreg [dreg:$0x1];
	p0 =	sne.s32 s2, $0x0  }
0x275: {  	s3 =	rddreg [dreg:$0x2];
	[bflag:$0x3] =	sbarrier.arrive $0xFFFF;
	s2 =	simm.s32 @!p0 $0x1C05  }
0x276: {  	[timem:s3], [sflag:s2] =	dma.local @!p0 [hbm:s0], s1  }
0x277: {  	s0 =	simm.s32 @!p0 $0x5  }
0x278: {  	_ =	swait.ge @!p0 [sflag:s0], s1  }
0x279: {  	s1 =	ssub.s32 @!p0 $0x0, s1;
	[sflag:s0] =	ssyncset.done @!p0 $0x0  }
0x27a: {  	[sflag:s0] =	ssyncadd.s32 @!p0 s1  }
0x27b: {  	[bflag:$0x3] =	sbarrier.arrive $0xFFFF  }
0x27c: {  	_ =	shalt  }

</sc_bundles>
